<compile_context>
chip_gen: v7x
topology: tpu7x:2x2x1
jax: 0.10.2.dev20260603
libtpu: 0.0.44.dev20260713+nightly
codegen_flags: <defaults>
</compile_context>

<pallas_src>
import functools

import jax
import jax.numpy as jnp
from jax import lax
from jax.experimental import pallas as pl
from jax.experimental.pallas import tpu as pltpu
from jax.experimental.pallas import tpu_sc as plsc

N = 100000
E = 1600000
D = 128
C = 16
NCH = D // C
NC = 2
NS = 16
BEA = 800
BEC = 800
RPT = N // NS

TN = 2000
IDXB = 3200


def _sc_mesh():
    return plsc.VectorSubcoreMesh(core_axis_name="c", subcore_axis_name="s")


def _zero_acc_slice(rows, acc, tbase, nrows):
    def zf(i, _):
        rows[i, :] = jnp.zeros((C,), jnp.float32)
        return 0

    lax.fori_loop(0, nrows, zf, 0)
    nfull = RPT // nrows
    rem = RPT % nrows
    for k in range(nfull):
        pltpu.sync_copy(rows, acc.at[pl.ds(tbase + k * nrows, nrows)])
    if rem:
        pltpu.sync_copy(rows.at[pl.ds(0, rem)],
                        acc.at[pl.ds(tbase + nfull * nrows, rem)])


def _stage_a_body(x16, ei, out, gidx0, gidx1, didx0, didx1, didx2, didx3,
                  rows0, rows1, acc, isem, gsem, ssem0, ssem1):
    sc = lax.axis_index("c")
    tid = lax.axis_index("s")
    tbase = tid * RPT
    gidx = (gidx0, gidx1)
    didx = (didx0, didx1, didx2, didx3)
    rows = (rows0, rows1)
    ssem = (ssem0, ssem1)
    nbu = 63 - sc
    sc_base = sc * (63 * NS * BEA)
    stride = NS * BEA
    _zero_acc_slice(rows0, acc, tbase, BEA)
    plsc.subcore_barrier()

    def run_batch(bi, k):
        b, c = k % 2, k % 4
        gx, dx, rw = gidx[b], didx[c], rows[b]
        off = sc_base + bi * stride + tid * BEA
        pltpu.make_async_copy(ei.at[pl.ds(off, BEA)], gx, isem).wait()
        pltpu.make_async_copy(ei.at[pl.ds(E + off, BEA)], dx, isem).wait()

        @pl.when(bi >= 2)
        def _():
            pltpu.make_async_copy(rw, acc.at[dx], ssem[b]).wait()

        gd = pltpu.async_copy(x16.at[gx], rw, gsem)

        @pl.when(bi < nbu - 1)
        def _():
            off2 = off + stride
            pltpu.async_copy(ei.at[pl.ds(off2, BEA)], gidx[(b + 1) % 2],
                             isem)
            pltpu.async_copy(ei.at[pl.ds(E + off2, BEA)],
                             didx[(c + 1) % 4], isem)

        gd.wait()
        pltpu.async_copy(rw, acc.at[dx], ssem[b], add=True)

    off0 = sc_base + tid * BEA
    pltpu.async_copy(ei.at[pl.ds(off0, BEA)], gidx0, isem)
    pltpu.async_copy(ei.at[pl.ds(E + off0, BEA)], didx0, isem)

    def outer(j, _):
        for k in range(4):
            run_batch(4 * j + k, k)
        return 0

    lax.fori_loop(0, 15, outer, 0)
    run_batch(60, 0)
    run_batch(61, 1)

    @pl.when(sc == 0)
    def _():
        run_batch(62, 2)

    pltpu.make_async_copy(rows0, acc.at[didx0], ssem0).wait()
    pltpu.make_async_copy(rows1, acc.at[didx1], ssem1).wait()
    plsc.subcore_barrier()
    pltpu.sync_copy(acc.at[pl.ds(tbase, RPT)], out.at[sc, pl.ds(tbase, RPT)])


def _stage_c_body(h1f, ei, out, gidx0, gidx1, didx0, didx1, didx2, didx3,
                  rows0, rows1, acc, isem, gsem, ssem0, ssem1):
    sc = lax.axis_index("c")
    tid = lax.axis_index("s")
    tbase = tid * RPT
    ept = E // NS
    ebase = tid * ept
    nb = ept // BEC
    gidx = (gidx0, gidx1)
    didx = (didx0, didx1, didx2, didx3)
    rows = (rows0, rows1)
    ssem = (ssem0, ssem1)

    for cl in range(NCH // NC):
        chunk = sc * (NCH // NC) + cl
        _zero_acc_slice(rows0, acc, tbase, BEC)
        plsc.subcore_barrier()

        def scale(gx):
            def gf(t, _):
                v = gx[pl.ds(t * 16, 16)]
                gx[pl.ds(t * 16, 16)] = v * NCH + chunk
                return 0

            lax.fori_loop(0, BEC // 16, gf, 0)

        def run_batch(bi, k):
            b, c = k % 2, k % 4
            gx, dx, rw = gidx[b], didx[c], rows[b]
            b2, c2 = (b + 1) % 2, (c + 1) % 4
            off = ebase + bi * BEC

            @pl.when(bi >= 2)
            def _():
                pltpu.make_async_copy(rw, acc.at[dx], ssem[b]).wait()

            gd = pltpu.async_copy(h1f.at[gx], rw, gsem)

            @pl.when(bi < nb - 1)
            def _():
                off2 = off + BEC
                pltpu.async_copy(ei.at[pl.ds(off2, BEC)], gidx[b2], isem)
                pltpu.async_copy(ei.at[pl.ds(E + off2, BEC)], didx[c2],
                                 isem)
                pltpu.make_async_copy(ei.at[pl.ds(off2, BEC)], gidx[b2],
                                      isem).wait()
                pltpu.make_async_copy(ei.at[pl.ds(E + off2, BEC)],
                                      didx[c2], isem).wait()
                scale(gidx[b2])

            gd.wait()
            pltpu.async_copy(rw, acc.at[dx], ssem[b], add=True)

        pltpu.async_copy(ei.at[pl.ds(ebase, BEC)], gidx0, isem)
        pltpu.async_copy(ei.at[pl.ds(E + ebase, BEC)], didx0, isem)
        pltpu.make_async_copy(ei.at[pl.ds(ebase, BEC)], gidx0, isem).wait()
        pltpu.make_async_copy(ei.at[pl.ds(E + ebase, BEC)], didx0,
                              isem).wait()
        scale(gidx0)

        def outer(j, _):
            for k in range(4):
                run_batch(4 * j + k, k)
            return 0

        lax.fori_loop(0, (nb - 1) // 4, outer, 0)
        run_batch(nb - 1, 0)
        pltpu.make_async_copy(rows1, acc.at[didx3], ssem1).wait()
        pltpu.make_async_copy(rows0, acc.at[didx0], ssem0).wait()

        plsc.subcore_barrier()
        pltpu.sync_copy(acc.at[pl.ds(tbase, RPT)],
                        out.at[pl.ds(tbase, RPT), pl.ds(chunk * C, C)])
        plsc.subcore_barrier()


def _run_stage_a(x16, ei):
    f = pl.kernel(
        _stage_a_body,
        out_type=jax.ShapeDtypeStruct((NC, N, C), jnp.float32),
        mesh=_sc_mesh(),
        compiler_params=pltpu.CompilerParams(use_tc_tiling_on_sc=False),
        scratch_types=[
            pltpu.VMEM((BEA,), jnp.int32),
            pltpu.VMEM((BEA,), jnp.int32),
            pltpu.VMEM((BEA,), jnp.int32),
            pltpu.VMEM((BEA,), jnp.int32),
            pltpu.VMEM((BEA,), jnp.int32),
            pltpu.VMEM((BEA,), jnp.int32),
            pltpu.VMEM((BEA, C), jnp.float32),
            pltpu.VMEM((BEA, C), jnp.float32),
            pltpu.VMEM_SHARED((N, C), jnp.float32),
            pltpu.SemaphoreType.DMA,
            pltpu.SemaphoreType.DMA,
            pltpu.SemaphoreType.DMA,
            pltpu.SemaphoreType.DMA,
        ],
    )
    return f(x16, ei)


def _run_stage_c(h1f, ei):
    f = pl.kernel(
        _stage_c_body,
        out_type=jax.ShapeDtypeStruct((N, D), jnp.float32),
        mesh=_sc_mesh(),
        compiler_params=pltpu.CompilerParams(use_tc_tiling_on_sc=False),
        scratch_types=[
            pltpu.VMEM((BEC,), jnp.int32),
            pltpu.VMEM((BEC,), jnp.int32),
            pltpu.VMEM((BEC,), jnp.int32),
            pltpu.VMEM((BEC,), jnp.int32),
            pltpu.VMEM((BEC,), jnp.int32),
            pltpu.VMEM((BEC,), jnp.int32),
            pltpu.VMEM((BEC, C), jnp.float32),
            pltpu.VMEM((BEC, C), jnp.float32),
            pltpu.VMEM_SHARED((N, C), jnp.float32),
            pltpu.SemaphoreType.DMA,
            pltpu.SemaphoreType.DMA,
            pltpu.SemaphoreType.DMA,
            pltpu.SemaphoreType.DMA,
        ],
    )
    return f(h1f, ei)


TNX = 4000


def _x16_body(x_ref, out_ref):
    blk = jnp.concatenate(
        [x_ref[...],
         jnp.ones((TNX, 1), jnp.float32),
         jnp.zeros((TNX, C - 3), jnp.float32)], axis=1)
    out_ref[...] = blk


def _build_x16(x):
    return pl.pallas_call(
        _x16_body,
        grid=(N // TNX,),
        in_specs=[pl.BlockSpec((TNX, 2), lambda i: (i, 0))],
        out_specs=pl.BlockSpec((TNX, C), lambda i: (i, 0)),
        out_shape=jax.ShapeDtypeStruct((N, C), jnp.float32),
    )(x)


def _h1_body(x_ref, agg_ref, w1l_ref, w1r_ref, b1_ref, out_ref):
    s = agg_ref[0] + agg_ref[1]
    cnt = jnp.maximum(s[:, 2:3], 1.0)
    mean1 = s[:, 0:2] / cnt
    h = jnp.dot(x_ref[...], w1l_ref[...], preferred_element_type=jnp.float32)
    h = h + jnp.dot(mean1, w1r_ref[...], preferred_element_type=jnp.float32)
    out_ref[...] = jnp.maximum(h + b1_ref[...], 0.0)


def _run_h1(x, agg1p, W1l, W1r, b1):
    return pl.pallas_call(
        _h1_body,
        grid=(N // TN,),
        in_specs=[
            pl.BlockSpec((TN, 2), lambda i: (i, 0)),
            pl.BlockSpec((NC, TN, C), lambda i: (0, i, 0)),
            pl.BlockSpec((2, D), lambda i: (0, 0)),
            pl.BlockSpec((2, D), lambda i: (0, 0)),
            pl.BlockSpec((1, D), lambda i: (0, 0)),
        ],
        out_specs=pl.BlockSpec((TN, D), lambda i: (i, 0)),
        out_shape=jax.ShapeDtypeStruct((N, D), jnp.float32),
    )(x, agg1p, W1l, W1r, b1.reshape(1, D))


def _dec_body(h1_ref, agg2_ref, agg1_ref, w2l, w2r, b2, wd1, bdd1, wd2, bdd2,
              wd3, bdd3, out_ref):
    s = agg1_ref[0] + agg1_ref[1]
    cnt = jnp.maximum(s[:, 2:3], 1.0)
    mean2 = agg2_ref[...] / cnt
    h1 = h1_ref[...]
    h2 = jnp.dot(h1, w2l[...], preferred_element_type=jnp.float32)
    h2 = h2 + jnp.dot(mean2, w2r[...], preferred_element_type=jnp.float32)
    h2 = h2 + b2[...]
    z = jnp.maximum(
        jnp.dot(h2, wd1[...], preferred_element_type=jnp.float32) + bdd1[...],
        0.0)
    z = jnp.maximum(
        jnp.dot(z, wd2[...], preferred_element_type=jnp.float32) + bdd2[...],
        0.0)
    out_ref[...] = jnp.dot(z, wd3[...],
                           preferred_element_type=jnp.float32) + bdd3[...]


def _run_decoder(h1, agg2, agg1p, W2l, W2r, b2, Wd1, bd1, Wd2, bd2, Wd3, bd3):
    full = lambda shape: pl.BlockSpec(shape, lambda i: tuple(0 for _ in shape))
    return pl.pallas_call(
        _dec_body,
        grid=(N // TN,),
        in_specs=[
            pl.BlockSpec((TN, D), lambda i: (i, 0)),
            pl.BlockSpec((TN, D), lambda i: (i, 0)),
            pl.BlockSpec((NC, TN, C), lambda i: (0, i, 0)),
            full((D, D)),
            full((D, D)),
            full((1, D)),
            full((D, 128)),
            full((1, 128)),
            full((128, 64)),
            full((1, 64)),
            full((64, 1)),
            full((1, 1)),
        ],
        out_specs=pl.BlockSpec((TN, 1), lambda i: (i, 0)),
        out_shape=jax.ShapeDtypeStruct((N, 1), jnp.float32),
    )(h1, agg2, agg1p, W2l, W2r, b2.reshape(1, D), Wd1, bd1.reshape(1, 128),
      Wd2, bd2.reshape(1, 64), Wd3, bd3.reshape(1, 1))


def kernel(x, edge_index, W1l, W1r, b1, W2l, W2r, b2, Wd1, bd1, Wd2, bd2, Wd3,
           bd3):
    ei = edge_index.astype(jnp.int32).reshape(2 * E)
    x16 = _build_x16(x)

    agg1p = _run_stage_a(x16, ei)
    h1 = _run_h1(x, agg1p, W1l, W1r, b1)
    agg2 = _run_stage_c(h1.reshape(N * NCH, C), ei)
    q = _run_decoder(h1, agg2, agg1p, W2l, W2r, b2, Wd1, bd1,
                     Wd2, bd2, Wd3, bd3)
    return q.reshape(N)

# --- scband reference (transcript-rebuilt; emitter-appended) ---
"""Pipeline reference for scband-semantic-finder-29858612642205 (READ-ONLY COPY).

The authoritative reference and input builder live on the scoring server;
editing this copy changes nothing except your own understanding.
"""

import jax, jax.numpy as jnp
import numpy as np

N = 100000
E = 1600000
IN_DIM = 2
HID = 128
OUT = 128

def setup_inputs(seed: int = 0) -> dict:
    key = jax.random.key(seed)
    ks = jax.random.split(key, 16)
    x = jax.random.normal(ks[0], (N, IN_DIM), dtype=jnp.float32)
    edge_index = jax.random.randint(ks[1], (2, E), 0, N, dtype=jnp.int64)
    def glorot(k, shape):
        fan_in, fan_out = shape[0], shape[1]
        lim = jnp.sqrt(6.0 / (fan_in + fan_out))
        return jax.random.uniform(k, shape, dtype=jnp.float32, minval=-lim, maxval=lim)
    # GraphSAGE layer 1: in=2 -> hid=128
    W1l = glorot(ks[2], (IN_DIM, HID)); W1r = glorot(ks[3], (IN_DIM, HID)); b1 = jnp.zeros((HID,), jnp.float32)
    # GraphSAGE layer 2: hid=128 -> out=128
    W2l = glorot(ks[4], (HID, OUT)); W2r = glorot(ks[5], (HID, OUT)); b2 = jnp.zeros((OUT,), jnp.float32)
    # DQN decoder MLP: 128 -> 128 -> 64 -> 1
    Wd1 = glorot(ks[6], (OUT, 128)); bd1 = jnp.zeros((128,), jnp.float32)
    Wd2 = glorot(ks[7], (128, 64)); bd2 = jnp.zeros((64,), jnp.float32)
    Wd3 = glorot(ks[8], (64, 1)); bd3 = jnp.zeros((1,), jnp.float32)
    return {"x": x, "edge_index": edge_index,
            "W1l": W1l, "W1r": W1r, "b1": b1,
            "W2l": W2l, "W2r": W2r, "b2": b2,
            "Wd1": Wd1, "bd1": bd1, "Wd2": Wd2, "bd2": bd2, "Wd3": Wd3, "bd3": bd3}

def _sage_conv(h, edge_index, Wl, Wr, b):
    src = edge_index[0]
    dst = edge_index[1]
    msgs = jnp.take(h, src, axis=0)                      # gather [E, d]
    agg = jax.ops.segment_sum(msgs, dst, num_segments=N) # scatter-add [N, d]
    cnt = jax.ops.segment_sum(jnp.ones((msgs.shape[0],), jnp.float32), dst, num_segments=N)
    mean = agg / jnp.maximum(cnt, 1.0)[:, None]          # mean aggregation
    return h @ Wl + mean @ Wr + b

def reference(x, edge_index, W1l, W1r, b1, W2l, W2r, b2, Wd1, bd1, Wd2, bd2, Wd3, bd3):
    # Encoder: 2-layer GraphSAGE (mean aggregator), ReLU between layers
    h = jax.nn.relu(_sage_conv(x, edge_index, W1l, W1r, b1))
    h = _sage_conv(h, edge_index, W2l, W2r, b2)
    # Decoder: MLP [128, 64] -> 1 (dropout disabled in eval/no_grad)
    z = jax.nn.relu(h @ Wd1 + bd1)
    z = jax.nn.relu(z @ Wd2 + bd2)
    q = z @ Wd3 + bd3
    return q.squeeze(-1)  # q_values [N]

if __name__ == "__main__":
    import jax
    _d = setup_inputs()
    print(jax.jit(kernel)(*tuple(_d.values())))

</pallas_src>

<mosaic_0001>
#map = affine_map<(d0, d1) -> (0, 0)>
#map1 = affine_map<(d0, d1) -> (0)>
module attributes {stable_mosaic.version = 14 : i64} {
  func.func @_stage_c_body(%arg0: i32, %arg1: i32, %arg2: memref<800000x16xf32, #tpu.memory_space<hbm>>, %arg3: memref<3200000xi32, #tpu.memory_space<hbm>>, %arg4: memref<100000x128xf32, #tpu.memory_space<hbm>>, %arg5: memref<800xi32, #tpu.memory_space<vmem>>, %arg6: memref<800xi32, #tpu.memory_space<vmem>>, %arg7: memref<800xi32, #tpu.memory_space<vmem>>, %arg8: memref<800xi32, #tpu.memory_space<vmem>>, %arg9: memref<800xi32, #tpu.memory_space<vmem>>, %arg10: memref<800xi32, #tpu.memory_space<vmem>>, %arg11: memref<800x16xf32, #tpu.memory_space<vmem>>, %arg12: memref<800x16xf32, #tpu.memory_space<vmem>>, %arg13: memref<100000x16xf32, #tpu.memory_space<vmem_shared>>, %arg14: memref<!tpu.dma_semaphore, #tpu.memory_space<semaphore_mem>>, %arg15: memref<!tpu.dma_semaphore, #tpu.memory_space<semaphore_mem>>, %arg16: memref<!tpu.dma_semaphore, #tpu.memory_space<semaphore_mem>>, %arg17: memref<!tpu.dma_semaphore, #tpu.memory_space<semaphore_mem>>) attributes {dimension_semantics = [#tpu.dimension_semantics<core_parallel>, #tpu.dimension_semantics<subcore_parallel>], iteration_bounds = array<i64: 2, 16>, scalar_prefetch = 0 : i64, scratch_operands = 13 : i64, tpu.core_type = #tpu.core_type<sc_vector_subcore>, window_params = [{transform_indices = #map}, {transform_indices = #map1}, {transform_indices = #map}]} {
    %mul3A = arith.constant 6250 : i32
    %mul3A_0 = arith.muli %arg1, %mul3A : i32
    %mul3A_1 = arith.constant 100000 : i32
    %mul3A_2 = arith.muli %arg1, %mul3A_1 : i32
    %mul3A_3 = arith.constant 4 : i32
    %mul3A_4 = arith.muli %arg0, %mul3A_3 : i32
    %add3A = arith.constant 0 : i32
    %add3A_5 = arith.addi %mul3A_4, %add3A : i32
    %scan3A = arith.constant 0 : i32
    %scan3A_6 = arith.constant 0 : i32
    %scan3A_7 = arith.constant 800 : i32
    %scan3A_8 = arith.addi %scan3A_6, %scan3A_7 : i32
    %scan3A_9 = arith.constant 1 : i32
    %scan3A_10 = scf.for %scan3A_310 = %scan3A_6 to %scan3A_8 step %scan3A_9 iter_args(%scan3A_311 = %scan3A) -> (i32)  : i32 {
      %broadcast_in_dim3A = arith.constant 0.000000e+00 : f32
      %broadcast_in_dim3A_312 = vector.broadcast %broadcast_in_dim3A : f32 to vector<16xf32>
      %swap3A = arith.index_cast %scan3A_310 : i32 to index
      %swap3A_313 = arith.constant 0 : index
      %swap3A_314 = tpu.vector_load %arg11[%swap3A, %swap3A_313] {strides = array<i32>} : memref<800x16xf32, #tpu.memory_space<vmem>>, vector<1x16xf32>,
      %swap3A_315 = vector.shape_cast %swap3A_314 : vector<1x16xf32> to vector<16xf32>
      %swap3A_316 = vector.shape_cast %broadcast_in_dim3A_312 : vector<16xf32> to vector<1x16xf32>
      tpu.vector_store %arg11[%swap3A, %swap3A_313], %swap3A_316 {strides = array<i32>} : memref<800x16xf32, #tpu.memory_space<vmem>>, vector<1x16xf32>,
      %scan3A_317 = arith.constant 0 : i32
      scf.yield %scan3A_317 : i32
    }
    %scan3A_11 = arith.constant 800 : i32
    %add3A_12 = arith.constant 0 : i32
    %add3A_13 = arith.addi %mul3A_0, %add3A_12 : i32
    "tpu.region"() ({
      %run_scoped3A = tpu.sem_alloc : memref<!tpu.dma_semaphore, #tpu.memory_space<semaphore_mem>>
      %dma_start3A_310 = arith.constant 0 : i32
      %dma_start3A_311 = tpu.memref_slice %arg13[%add3A_13, %dma_start3A_310] : memref<100000x16xf32, #tpu.memory_space<vmem_shared>> -> memref<800x16xf32, #tpu.memory_space<vmem_shared>>
      %dma_start3A_312 = arith.constant 0 : i32
      %dma_start3A_313 = tpu.memref_slice %arg13[%add3A_13, %dma_start3A_312] : memref<100000x16xf32, #tpu.memory_space<vmem_shared>> -> memref<800x16xf32, #tpu.memory_space<vmem_shared>>
      tpu.enqueue_dma source(%arg11 : memref<800x16xf32, #tpu.memory_space<vmem>>) target(%dma_start3A_313 : memref<800x16xf32, #tpu.memory_space<vmem_shared>>) target_semaphore(%run_scoped3A : memref<!tpu.dma_semaphore, #tpu.memory_space<semaphore_mem>>)
      %dma_wait3A_314 = arith.constant 0 : i32
      %dma_wait3A_315 = tpu.memref_slice %arg13[%add3A_13, %dma_wait3A_314] : memref<100000x16xf32, #tpu.memory_space<vmem_shared>> -> memref<800x16xf32, #tpu.memory_space<vmem_shared>>
      %dma_wait3A_316 = arith.constant 0 : i32
      %dma_wait3A_317 = tpu.memref_slice %arg13[%add3A_13, %dma_wait3A_316] : memref<100000x16xf32, #tpu.memory_space<vmem_shared>> -> memref<800x16xf32, #tpu.memory_space<vmem_shared>>
      tpu.wait_dma2 semaphore(%run_scoped3A : memref<!tpu.dma_semaphore, #tpu.memory_space<semaphore_mem>>) src(%arg11 : memref<800x16xf32, #tpu.memory_space<vmem>>) dst(%dma_wait3A_317 : memref<800x16xf32, #tpu.memory_space<vmem_shared>>)
      tpu.yield
    }) : () -> ()
    %add3A_14 = arith.constant 800 : i32
    %add3A_15 = arith.addi %mul3A_0, %add3A_14 : i32
    "tpu.region"() ({
      %run_scoped3A = tpu.sem_alloc : memref<!tpu.dma_semaphore, #tpu.memory_space<semaphore_mem>>
      %dma_start3A_310 = arith.constant 0 : i32
      %dma_start3A_311 = tpu.memref_slice %arg13[%add3A_15, %dma_start3A_310] : memref<100000x16xf32, #tpu.memory_space<vmem_shared>> -> memref<800x16xf32, #tpu.memory_space<vmem_shared>>
      %dma_start3A_312 = arith.constant 0 : i32
      %dma_start3A_313 = tpu.memref_slice %arg13[%add3A_15, %dma_start3A_312] : memref<100000x16xf32, #tpu.memory_space<vmem_shared>> -> memref<800x16xf32, #tpu.memory_space<vmem_shared>>
      tpu.enqueue_dma source(%arg11 : memref<800x16xf32, #tpu.memory_space<vmem>>) target(%dma_start3A_313 : memref<800x16xf32, #tpu.memory_space<vmem_shared>>) target_semaphore(%run_scoped3A : memref<!tpu.dma_semaphore, #tpu.memory_space<semaphore_mem>>)
      %dma_wait3A_314 = arith.constant 0 : i32
      %dma_wait3A_315 = tpu.memref_slice %arg13[%add3A_15, %dma_wait3A_314] : memref<100000x16xf32, #tpu.memory_space<vmem_shared>> -> memref<800x16xf32, #tpu.memory_space<vmem_shared>>
      %dma_wait3A_316 = arith.constant 0 : i32
      %dma_wait3A_317 = tpu.memref_slice %arg13[%add3A_15, %dma_wait3A_316] : memref<100000x16xf32, #tpu.memory_space<vmem_shared>> -> memref<800x16xf32, #tpu.memory_space<vmem_shared>>
      tpu.wait_dma2 semaphore(%run_scoped3A : memref<!tpu.dma_semaphore, #tpu.memory_space<semaphore_mem>>) src(%arg11 : memref<800x16xf32, #tpu.memory_space<vmem>>) dst(%dma_wait3A_317 : memref<800x16xf32, #tpu.memory_space<vmem_shared>>)
      tpu.yield
    }) : () -> ()
    %add3A_16 = arith.constant 1600 : i32
    %add3A_17 = arith.addi %mul3A_0, %add3A_16 : i32
    "tpu.region"() ({
      %run_scoped3A = tpu.sem_alloc : memref<!tpu.dma_semaphore, #tpu.memory_space<semaphore_mem>>
      %dma_start3A_310 = arith.constant 0 : i32
      %dma_start3A_311 = tpu.memref_slice %arg13[%add3A_17, %dma_start3A_310] : memref<100000x16xf32, #tpu.memory_space<vmem_shared>> -> memref<800x16xf32, #tpu.memory_space<vmem_shared>>
      %dma_start3A_312 = arith.constant 0 : i32
      %dma_start3A_313 = tpu.memref_slice %arg13[%add3A_17, %dma_start3A_312] : memref<100000x16xf32, #tpu.memory_space<vmem_shared>> -> memref<800x16xf32, #tpu.memory_space<vmem_shared>>
      tpu.enqueue_dma source(%arg11 : memref<800x16xf32, #tpu.memory_space<vmem>>) target(%dma_start3A_313 : memref<800x16xf32, #tpu.memory_space<vmem_shared>>) target_semaphore(%run_scoped3A : memref<!tpu.dma_semaphore, #tpu.memory_space<semaphore_mem>>)
      %dma_wait3A_314 = arith.constant 0 : i32
      %dma_wait3A_315 = tpu.memref_slice %arg13[%add3A_17, %dma_wait3A_314] : memref<100000x16xf32, #tpu.memory_space<vmem_shared>> -> memref<800x16xf32, #tpu.memory_space<vmem_shared>>
      %dma_wait3A_316 = arith.constant 0 : i32
      %dma_wait3A_317 = tpu.memref_slice %arg13[%add3A_17, %dma_wait3A_316] : memref<100000x16xf32, #tpu.memory_space<vmem_shared>> -> memref<800x16xf32, #tpu.memory_space<vmem_shared>>
      tpu.wait_dma2 semaphore(%run_scoped3A : memref<!tpu.dma_semaphore, #tpu.memory_space<semaphore_mem>>) src(%arg11 : memref<800x16xf32, #tpu.memory_space<vmem>>) dst(%dma_wait3A_317 : memref<800x16xf32, #tpu.memory_space<vmem_shared>>)
      tpu.yield
    }) : () -> ()
    %add3A_18 = arith.constant 2400 : i32
    %add3A_19 = arith.addi %mul3A_0, %add3A_18 : i32
    "tpu.region"() ({
      %run_scoped3A = tpu.sem_alloc : memref<!tpu.dma_semaphore, #tpu.memory_space<semaphore_mem>>
      %dma_start3A_310 = arith.constant 0 : i32
      %dma_start3A_311 = tpu.memref_slice %arg13[%add3A_19, %dma_start3A_310] : memref<100000x16xf32, #tpu.memory_space<vmem_shared>> -> memref<800x16xf32, #tpu.memory_space<vmem_shared>>
      %dma_start3A_312 = arith.constant 0 : i32
      %dma_start3A_313 = tpu.memref_slice %arg13[%add3A_19, %dma_start3A_312] : memref<100000x16xf32, #tpu.memory_space<vmem_shared>> -> memref<800x16xf32, #tpu.memory_space<vmem_shared>>
      tpu.enqueue_dma source(%arg11 : memref<800x16xf32, #tpu.memory_space<vmem>>) target(%dma_start3A_313 : memref<800x16xf32, #tpu.memory_space<vmem_shared>>) target_semaphore(%run_scoped3A : memref<!tpu.dma_semaphore, #tpu.memory_space<semaphore_mem>>)
      %dma_wait3A_314 = arith.constant 0 : i32
      %dma_wait3A_315 = tpu.memref_slice %arg13[%add3A_19, %dma_wait3A_314] : memref<100000x16xf32, #tpu.memory_space<vmem_shared>> -> memref<800x16xf32, #tpu.memory_space<vmem_shared>>
      %dma_wait3A_316 = arith.constant 0 : i32
      %dma_wait3A_317 = tpu.memref_slice %arg13[%add3A_19, %dma_wait3A_316] : memref<100000x16xf32, #tpu.memory_space<vmem_shared>> -> memref<800x16xf32, #tpu.memory_space<vmem_shared>>
      tpu.wait_dma2 semaphore(%run_scoped3A : memref<!tpu.dma_semaphore, #tpu.memory_space<semaphore_mem>>) src(%arg11 : memref<800x16xf32, #tpu.memory_space<vmem>>) dst(%dma_wait3A_317 : memref<800x16xf32, #tpu.memory_space<vmem_shared>>)
      tpu.yield
    }) : () -> ()
    %add3A_20 = arith.constant 3200 : i32
    %add3A_21 = arith.addi %mul3A_0, %add3A_20 : i32
    "tpu.region"() ({
      %run_scoped3A = tpu.sem_alloc : memref<!tpu.dma_semaphore, #tpu.memory_space<semaphore_mem>>
      %dma_start3A_310 = arith.constant 0 : i32
      %dma_start3A_311 = tpu.memref_slice %arg13[%add3A_21, %dma_start3A_310] : memref<100000x16xf32, #tpu.memory_space<vmem_shared>> -> memref<800x16xf32, #tpu.memory_space<vmem_shared>>
      %dma_start3A_312 = arith.constant 0 : i32
      %dma_start3A_313 = tpu.memref_slice %arg13[%add3A_21, %dma_start3A_312] : memref<100000x16xf32, #tpu.memory_space<vmem_shared>> -> memref<800x16xf32, #tpu.memory_space<vmem_shared>>
      tpu.enqueue_dma source(%arg11 : memref<800x16xf32, #tpu.memory_space<vmem>>) target(%dma_start3A_313 : memref<800x16xf32, #tpu.memory_space<vmem_shared>>) target_semaphore(%run_scoped3A : memref<!tpu.dma_semaphore, #tpu.memory_space<semaphore_mem>>)
      %dma_wait3A_314 = arith.constant 0 : i32
      %dma_wait3A_315 = tpu.memref_slice %arg13[%add3A_21, %dma_wait3A_314] : memref<100000x16xf32, #tpu.memory_space<vmem_shared>> -> memref<800x16xf32, #tpu.memory_space<vmem_shared>>
      %dma_wait3A_316 = arith.constant 0 : i32
      %dma_wait3A_317 = tpu.memref_slice %arg13[%add3A_21, %dma_wait3A_316] : memref<100000x16xf32, #tpu.memory_space<vmem_shared>> -> memref<800x16xf32, #tpu.memory_space<vmem_shared>>
      tpu.wait_dma2 semaphore(%run_scoped3A : memref<!tpu.dma_semaphore, #tpu.memory_space<semaphore_mem>>) src(%arg11 : memref<800x16xf32, #tpu.memory_space<vmem>>) dst(%dma_wait3A_317 : memref<800x16xf32, #tpu.memory_space<vmem_shared>>)
      tpu.yield
    }) : () -> ()
    %add3A_22 = arith.constant 4000 : i32
    %add3A_23 = arith.addi %mul3A_0, %add3A_22 : i32
    "tpu.region"() ({
      %run_scoped3A = tpu.sem_alloc : memref<!tpu.dma_semaphore, #tpu.memory_space<semaphore_mem>>
      %dma_start3A_310 = arith.constant 0 : i32
      %dma_start3A_311 = tpu.memref_slice %arg13[%add3A_23, %dma_start3A_310] : memref<100000x16xf32, #tpu.memory_space<vmem_shared>> -> memref<800x16xf32, #tpu.memory_space<vmem_shared>>
      %dma_start3A_312 = arith.constant 0 : i32
      %dma_start3A_313 = tpu.memref_slice %arg13[%add3A_23, %dma_start3A_312] : memref<100000x16xf32, #tpu.memory_space<vmem_shared>> -> memref<800x16xf32, #tpu.memory_space<vmem_shared>>
      tpu.enqueue_dma source(%arg11 : memref<800x16xf32, #tpu.memory_space<vmem>>) target(%dma_start3A_313 : memref<800x16xf32, #tpu.memory_space<vmem_shared>>) target_semaphore(%run_scoped3A : memref<!tpu.dma_semaphore, #tpu.memory_space<semaphore_mem>>)
      %dma_wait3A_314 = arith.constant 0 : i32
      %dma_wait3A_315 = tpu.memref_slice %arg13[%add3A_23, %dma_wait3A_314] : memref<100000x16xf32, #tpu.memory_space<vmem_shared>> -> memref<800x16xf32, #tpu.memory_space<vmem_shared>>
      %dma_wait3A_316 = arith.constant 0 : i32
      %dma_wait3A_317 = tpu.memref_slice %arg13[%add3A_23, %dma_wait3A_316] : memref<100000x16xf32, #tpu.memory_space<vmem_shared>> -> memref<800x16xf32, #tpu.memory_space<vmem_shared>>
      tpu.wait_dma2 semaphore(%run_scoped3A : memref<!tpu.dma_semaphore, #tpu.memory_space<semaphore_mem>>) src(%arg11 : memref<800x16xf32, #tpu.memory_space<vmem>>) dst(%dma_wait3A_317 : memref<800x16xf32, #tpu.memory_space<vmem_shared>>)
      tpu.yield
    }) : () -> ()
    %add3A_24 = arith.constant 4800 : i32
    %add3A_25 = arith.addi %mul3A_0, %add3A_24 : i32
    "tpu.region"() ({
      %run_scoped3A = tpu.sem_alloc : memref<!tpu.dma_semaphore, #tpu.memory_space<semaphore_mem>>
      %dma_start3A_310 = arith.constant 0 : i32
      %dma_start3A_311 = tpu.memref_slice %arg13[%add3A_25, %dma_start3A_310] : memref<100000x16xf32, #tpu.memory_space<vmem_shared>> -> memref<800x16xf32, #tpu.memory_space<vmem_shared>>
      %dma_start3A_312 = arith.constant 0 : i32
      %dma_start3A_313 = tpu.memref_slice %arg13[%add3A_25, %dma_start3A_312] : memref<100000x16xf32, #tpu.memory_space<vmem_shared>> -> memref<800x16xf32, #tpu.memory_space<vmem_shared>>
      tpu.enqueue_dma source(%arg11 : memref<800x16xf32, #tpu.memory_space<vmem>>) target(%dma_start3A_313 : memref<800x16xf32, #tpu.memory_space<vmem_shared>>) target_semaphore(%run_scoped3A : memref<!tpu.dma_semaphore, #tpu.memory_space<semaphore_mem>>)
      %dma_wait3A_314 = arith.constant 0 : i32
      %dma_wait3A_315 = tpu.memref_slice %arg13[%add3A_25, %dma_wait3A_314] : memref<100000x16xf32, #tpu.memory_space<vmem_shared>> -> memref<800x16xf32, #tpu.memory_space<vmem_shared>>
      %dma_wait3A_316 = arith.constant 0 : i32
      %dma_wait3A_317 = tpu.memref_slice %arg13[%add3A_25, %dma_wait3A_316] : memref<100000x16xf32, #tpu.memory_space<vmem_shared>> -> memref<800x16xf32, #tpu.memory_space<vmem_shared>>
      tpu.wait_dma2 semaphore(%run_scoped3A : memref<!tpu.dma_semaphore, #tpu.memory_space<semaphore_mem>>) src(%arg11 : memref<800x16xf32, #tpu.memory_space<vmem>>) dst(%dma_wait3A_317 : memref<800x16xf32, #tpu.memory_space<vmem_shared>>)
      tpu.yield
    }) : () -> ()
    %add3A_26 = arith.constant 5600 : i32
    %add3A_27 = arith.addi %mul3A_0, %add3A_26 : i32
    "tpu.region"() ({
      %run_scoped3A = tpu.sem_alloc : memref<!tpu.dma_semaphore, #tpu.memory_space<semaphore_mem>>
      %dma_start3A_310 = arith.constant 0 : i32
      %dma_start3A_311 = arith.constant 0 : i32
      %dma_start3A_312 = tpu.memref_slice %arg11[%dma_start3A_310, %dma_start3A_311] : memref<800x16xf32, #tpu.memory_space<vmem>> -> memref<650x16xf32, #tpu.memory_space<vmem>>
      %dma_start3A_313 = arith.constant 0 : i32
      %dma_start3A_314 = tpu.memref_slice %arg13[%add3A_27, %dma_start3A_313] : memref<100000x16xf32, #tpu.memory_space<vmem_shared>> -> memref<650x16xf32, #tpu.memory_space<vmem_shared>>
      %dma_start3A_315 = arith.constant 0 : i32
      %dma_start3A_316 = tpu.memref_slice %arg13[%add3A_27, %dma_start3A_315] : memref<100000x16xf32, #tpu.memory_space<vmem_shared>> -> memref<650x16xf32, #tpu.memory_space<vmem_shared>>
      %dma_start3A_317 = arith.constant 0 : i32
      %dma_start3A_318 = arith.constant 0 : i32
      %dma_start3A_319 = tpu.memref_slice %arg11[%dma_start3A_317, %dma_start3A_318] : memref<800x16xf32, #tpu.memory_space<vmem>> -> memref<650x16xf32, #tpu.memory_space<vmem>>
      tpu.enqueue_dma source(%dma_start3A_319 : memref<650x16xf32, #tpu.memory_space<vmem>>) target(%dma_start3A_316 : memref<650x16xf32, #tpu.memory_space<vmem_shared>>) target_semaphore(%run_scoped3A : memref<!tpu.dma_semaphore, #tpu.memory_space<semaphore_mem>>)
      %dma_wait3A_320 = arith.constant 0 : i32
      %dma_wait3A_321 = arith.constant 0 : i32
      %dma_wait3A_322 = tpu.memref_slice %arg11[%dma_wait3A_320, %dma_wait3A_321] : memref<800x16xf32, #tpu.memory_space<vmem>> -> memref<650x16xf32, #tpu.memory_space<vmem>>
      %dma_wait3A_323 = arith.constant 0 : i32
      %dma_wait3A_324 = tpu.memref_slice %arg13[%add3A_27, %dma_wait3A_323] : memref<100000x16xf32, #tpu.memory_space<vmem_shared>> -> memref<650x16xf32, #tpu.memory_space<vmem_shared>>
      %dma_wait3A_325 = arith.constant 0 : i32
      %dma_wait3A_326 = tpu.memref_slice %arg13[%add3A_27, %dma_wait3A_325] : memref<100000x16xf32, #tpu.memory_space<vmem_shared>> -> memref<650x16xf32, #tpu.memory_space<vmem_shared>>
      %dma_wait3A_327 = arith.constant 0 : i32
      %dma_wait3A_328 = arith.constant 0 : i32
      %dma_wait3A_329 = tpu.memref_slice %arg11[%dma_wait3A_327, %dma_wait3A_328] : memref<800x16xf32, #tpu.memory_space<vmem>> -> memref<650x16xf32, #tpu.memory_space<vmem>>
      tpu.wait_dma2 semaphore(%run_scoped3A : memref<!tpu.dma_semaphore, #tpu.memory_space<semaphore_mem>>) src(%dma_wait3A_329 : memref<650x16xf32, #tpu.memory_space<vmem>>) dst(%dma_wait3A_326 : memref<650x16xf32, #tpu.memory_space<vmem_shared>>)
      tpu.yield
    }) : () -> ()
    %barrier3A = arith.constant 0 : index
    tpu.barrier barrier_id(%barrier3A)
    %dma_start3A = tpu.memref_slice %arg3[%mul3A_2] : memref<3200000xi32, #tpu.memory_space<hbm>> -> memref<800xi32, #tpu.memory_space<hbm>>
    %dma_start3A_28 = tpu.memref_slice %arg3[%mul3A_2] : memref<3200000xi32, #tpu.memory_space<hbm>> -> memref<800xi32, #tpu.memory_space<hbm>>
    tpu.enqueue_dma source(%dma_start3A_28 : memref<800xi32, #tpu.memory_space<hbm>>) target(%arg5 : memref<800xi32, #tpu.memory_space<vmem>>) target_semaphore(%arg14 : memref<!tpu.dma_semaphore, #tpu.memory_space<semaphore_mem>>)
    %add3A_29 = arith.constant 1600000 : i32
    %add3A_30 = arith.addi %add3A_29, %mul3A_2 : i32
    %dma_start3A_31 = tpu.memref_slice %arg3[%add3A_30] : memref<3200000xi32, #tpu.memory_space<hbm>> -> memref<800xi32, #tpu.memory_space<hbm>>
    %dma_start3A_32 = tpu.memref_slice %arg3[%add3A_30] : memref<3200000xi32, #tpu.memory_space<hbm>> -> memref<800xi32, #tpu.memory_space<hbm>>
    tpu.enqueue_dma source(%dma_start3A_32 : memref<800xi32, #tpu.memory_space<hbm>>) target(%arg7 : memref<800xi32, #tpu.memory_space<vmem>>) target_semaphore(%arg14 : memref<!tpu.dma_semaphore, #tpu.memory_space<semaphore_mem>>)
    %dma_wait3A = tpu.memref_slice %arg3[%mul3A_2] : memref<3200000xi32, #tpu.memory_space<hbm>> -> memref<800xi32, #tpu.memory_space<hbm>>
    %dma_wait3A_33 = tpu.memref_slice %arg3[%mul3A_2] : memref<3200000xi32, #tpu.memory_space<hbm>> -> memref<800xi32, #tpu.memory_space<hbm>>
    tpu.wait_dma2 semaphore(%arg14 : memref<!tpu.dma_semaphore, #tpu.memory_space<semaphore_mem>>) src(%dma_wait3A_33 : memref<800xi32, #tpu.memory_space<hbm>>) dst(%arg5 : memref<800xi32, #tpu.memory_space<vmem>>)
    %add3A_34 = arith.constant 1600000 : i32
    %add3A_35 = arith.addi %add3A_34, %mul3A_2 : i32
    %dma_wait3A_36 = tpu.memref_slice %arg3[%add3A_35] : memref<3200000xi32, #tpu.memory_space<hbm>> -> memref<800xi32, #tpu.memory_space<hbm>>
    %dma_wait3A_37 = tpu.memref_slice %arg3[%add3A_35] : memref<3200000xi32, #tpu.memory_space<hbm>> -> memref<800xi32, #tpu.memory_space<hbm>>
    tpu.wait_dma2 semaphore(%arg14 : memref<!tpu.dma_semaphore, #tpu.memory_space<semaphore_mem>>) src(%dma_wait3A_37 : memref<800xi32, #tpu.memory_space<hbm>>) dst(%arg7 : memref<800xi32, #tpu.memory_space<vmem>>)
    %scan3A_38 = arith.constant 0 : i32
    %scan3A_39 = arith.constant 0 : i32
    %scan3A_40 = arith.constant 50 : i32
    %scan3A_41 = arith.addi %scan3A_39, %scan3A_40 : i32
    %scan3A_42 = arith.constant 1 : i32
    %scan3A_43 = scf.for %scan3A_310 = %scan3A_39 to %scan3A_41 step %scan3A_42 iter_args(%scan3A_311 = %scan3A_38) -> (i32)  : i32 {
      %mul3A_312 = arith.constant 16 : i32
      %mul3A_313 = arith.muli %scan3A_310, %mul3A_312 : i32
      %get3A = arith.index_cast %mul3A_313 : i32 to index
      %get3A_314 = tpu.vector_load %arg5[%get3A] {strides = array<i32>} : memref<800xi32, #tpu.memory_space<vmem>>, vector<16xi32>,
      %get3A_315 = vector.shape_cast %get3A_314 : vector<16xi32> to vector<16xi32>
      %mul3A_316 = arith.constant 8 : i32
      %mul3A_317 = vector.broadcast %mul3A_316 : i32 to vector<16xi32>
      %mul3A_318 = arith.muli %get3A_315, %mul3A_317 : vector<16xi32>
      %add3A_319 = vector.broadcast %add3A_5 : i32 to vector<16xi32>
      %add3A_320 = arith.addi %mul3A_318, %add3A_319 : vector<16xi32>
      %mul3A_321 = arith.constant 16 : i32
      %mul3A_322 = arith.muli %scan3A_310, %mul3A_321 : i32
      %swap3A = arith.index_cast %mul3A_322 : i32 to index
      %swap3A_323 = tpu.vector_load %arg5[%swap3A] {strides = array<i32>} : memref<800xi32, #tpu.memory_space<vmem>>, vector<16xi32>,
      %swap3A_324 = vector.shape_cast %swap3A_323 : vector<16xi32> to vector<16xi32>
      %swap3A_325 = vector.shape_cast %add3A_320 : vector<16xi32> to vector<16xi32>
      tpu.vector_store %arg5[%swap3A], %swap3A_325 {strides = array<i32>} : memref<800xi32, #tpu.memory_space<vmem>>, vector<16xi32>,
      %scan3A_326 = arith.constant 0 : i32
      scf.yield %scan3A_326 : i32
    }
    %scan3A_44 = arith.constant 50 : i32
    %scan3A_45 = arith.constant 0 : i32
    %scan3A_46 = arith.constant 0 : i32
    %scan3A_47 = arith.constant 31 : i32
    %scan3A_48 = arith.addi %scan3A_46, %scan3A_47 : i32
    %scan3A_49 = arith.constant 1 : i32
    %scan3A_50 = scf.for %scan3A_310 = %scan3A_46 to %scan3A_48 step %scan3A_49 iter_args(%scan3A_311 = %scan3A_45) -> (i32)  : i32 {
      %mul3A_312 = arith.constant 4 : i32
      %mul3A_313 = arith.muli %mul3A_312, %scan3A_310 : i32
      %add3A_314 = arith.constant 0 : i32
      %add3A_315 = arith.addi %mul3A_313, %add3A_314 : i32
      %mul3A_316 = arith.constant 800 : i32
      %mul3A_317 = arith.muli %add3A_315, %mul3A_316 : i32
      %add3A_318 = arith.addi %mul3A_2, %mul3A_317 : i32
      %ge3A = arith.constant 2 : i32
      %ge3A_319 = arith.cmpi sge, %add3A_315, %ge3A : i32
      %convert_element_type3A = arith.extui %ge3A_319 : i1 to i32
      %cond3A = arith.constant 0 : i32
      %cond3A_320 = arith.cmpi ne, %convert_element_type3A, %cond3A : i32
      scf.if %cond3A_320 {
        %dma_wait3A_413 = arith.constant 0 : i32
        %dma_wait3A_414 = arith.constant 0 : i32
        %dma_wait3A_415 = tpu.memref_slice %arg13[%dma_wait3A_413, %dma_wait3A_414] : memref<100000x16xf32, #tpu.memory_space<vmem_shared>> -> memref<100000x16xf32, #tpu.memory_space<vmem_shared>>
        tpu.wait_indirect_dma semaphore(%arg16 : memref<!tpu.dma_semaphore, #tpu.memory_space<semaphore_mem>>) src(%arg11 : memref<800x16xf32, #tpu.memory_space<vmem>>) dst(%dma_wait3A_415 : memref<100000x16xf32, #tpu.memory_space<vmem_shared>>)
      } else {
      }
      %dma_start3A_321 = arith.constant 0 : i32
      %dma_start3A_322 = arith.constant 0 : i32
      %dma_start3A_323 = tpu.memref_slice %arg2[%dma_start3A_321, %dma_start3A_322] : memref<800000x16xf32, #tpu.memory_space<hbm>> -> memref<800000x16xf32, #tpu.memory_space<hbm>>
      tpu.enqueue_indirect_dma source(%dma_start3A_323 : memref<800000x16xf32, #tpu.memory_space<hbm>>) target(%arg11 : memref<800x16xf32, #tpu.memory_space<vmem>>) offsets(%arg5 : memref<800xi32, #tpu.memory_space<vmem>>) semaphore(%arg15 : memref<!tpu.dma_semaphore, #tpu.memory_space<semaphore_mem>>)
      %lt3A = arith.constant 124 : i32
      %lt3A_324 = arith.cmpi slt, %add3A_315, %lt3A : i32
      %convert_element_type3A_325 = arith.extui %lt3A_324 : i1 to i32
      %cond3A_326 = arith.constant 0 : i32
      %cond3A_327 = arith.cmpi ne, %convert_element_type3A_325, %cond3A_326 : i32
      scf.if %cond3A_327 {
        %add3A_413 = arith.constant 800 : i32
        %add3A_414 = arith.addi %add3A_318, %add3A_413 : i32
        %dma_start3A_415 = tpu.memref_slice %arg3[%add3A_414] : memref<3200000xi32, #tpu.memory_space<hbm>> -> memref<800xi32, #tpu.memory_space<hbm>>
        %dma_start3A_416 = tpu.memref_slice %arg3[%add3A_414] : memref<3200000xi32, #tpu.memory_space<hbm>> -> memref<800xi32, #tpu.memory_space<hbm>>
        tpu.enqueue_dma source(%dma_start3A_416 : memref<800xi32, #tpu.memory_space<hbm>>) target(%arg6 : memref<800xi32, #tpu.memory_space<vmem>>) target_semaphore(%arg14 : memref<!tpu.dma_semaphore, #tpu.memory_space<semaphore_mem>>)
        %add3A_417 = arith.constant 1600000 : i32
        %add3A_418 = arith.addi %add3A_417, %add3A_414 : i32
        %dma_start3A_419 = tpu.memref_slice %arg3[%add3A_418] : memref<3200000xi32, #tpu.memory_space<hbm>> -> memref<800xi32, #tpu.memory_space<hbm>>
        %dma_start3A_420 = tpu.memref_slice %arg3[%add3A_418] : memref<3200000xi32, #tpu.memory_space<hbm>> -> memref<800xi32, #tpu.memory_space<hbm>>
        tpu.enqueue_dma source(%dma_start3A_420 : memref<800xi32, #tpu.memory_space<hbm>>) target(%arg8 : memref<800xi32, #tpu.memory_space<vmem>>) target_semaphore(%arg14 : memref<!tpu.dma_semaphore, #tpu.memory_space<semaphore_mem>>)
        %dma_wait3A_421 = tpu.memref_slice %arg3[%add3A_414] : memref<3200000xi32, #tpu.memory_space<hbm>> -> memref<800xi32, #tpu.memory_space<hbm>>
        %dma_wait3A_422 = tpu.memref_slice %arg3[%add3A_414] : memref<3200000xi32, #tpu.memory_space<hbm>> -> memref<800xi32, #tpu.memory_space<hbm>>
        tpu.wait_dma2 semaphore(%arg14 : memref<!tpu.dma_semaphore, #tpu.memory_space<semaphore_mem>>) src(%dma_wait3A_422 : memref<800xi32, #tpu.memory_space<hbm>>) dst(%arg6 : memref<800xi32, #tpu.memory_space<vmem>>)
        %add3A_423 = arith.constant 1600000 : i32
        %add3A_424 = arith.addi %add3A_423, %add3A_414 : i32
        %dma_wait3A_425 = tpu.memref_slice %arg3[%add3A_424] : memref<3200000xi32, #tpu.memory_space<hbm>> -> memref<800xi32, #tpu.memory_space<hbm>>
        %dma_wait3A_426 = tpu.memref_slice %arg3[%add3A_424] : memref<3200000xi32, #tpu.memory_space<hbm>> -> memref<800xi32, #tpu.memory_space<hbm>>
        tpu.wait_dma2 semaphore(%arg14 : memref<!tpu.dma_semaphore, #tpu.memory_space<semaphore_mem>>) src(%dma_wait3A_426 : memref<800xi32, #tpu.memory_space<hbm>>) dst(%arg8 : memref<800xi32, #tpu.memory_space<vmem>>)
        %scan3A_427 = arith.constant 0 : i32
        %scan3A_428 = arith.constant 0 : i32
        %scan3A_429 = arith.constant 50 : i32
        %scan3A_430 = arith.addi %scan3A_428, %scan3A_429 : i32
        %scan3A_431 = arith.constant 1 : i32
        %scan3A_432 = scf.for %scan3A_434 = %scan3A_428 to %scan3A_430 step %scan3A_431 iter_args(%scan3A_435 = %scan3A_427) -> (i32)  : i32 {
          %mul3A_436 = arith.constant 16 : i32
          %mul3A_437 = arith.muli %scan3A_434, %mul3A_436 : i32
          %get3A = arith.index_cast %mul3A_437 : i32 to index
          %get3A_438 = tpu.vector_load %arg6[%get3A] {strides = array<i32>} : memref<800xi32, #tpu.memory_space<vmem>>, vector<16xi32>,
          %get3A_439 = vector.shape_cast %get3A_438 : vector<16xi32> to vector<16xi32>
          %mul3A_440 = arith.constant 8 : i32
          %mul3A_441 = vector.broadcast %mul3A_440 : i32 to vector<16xi32>
          %mul3A_442 = arith.muli %get3A_439, %mul3A_441 : vector<16xi32>
          %add3A_443 = vector.broadcast %add3A_5 : i32 to vector<16xi32>
          %add3A_444 = arith.addi %mul3A_442, %add3A_443 : vector<16xi32>
          %mul3A_445 = arith.constant 16 : i32
          %mul3A_446 = arith.muli %scan3A_434, %mul3A_445 : i32
          %swap3A = arith.index_cast %mul3A_446 : i32 to index
          %swap3A_447 = tpu.vector_load %arg6[%swap3A] {strides = array<i32>} : memref<800xi32, #tpu.memory_space<vmem>>, vector<16xi32>,
          %swap3A_448 = vector.shape_cast %swap3A_447 : vector<16xi32> to vector<16xi32>
          %swap3A_449 = vector.shape_cast %add3A_444 : vector<16xi32> to vector<16xi32>
          tpu.vector_store %arg6[%swap3A], %swap3A_449 {strides = array<i32>} : memref<800xi32, #tpu.memory_space<vmem>>, vector<16xi32>,
          %scan3A_450 = arith.constant 0 : i32
          scf.yield %scan3A_450 : i32
        }
        %scan3A_433 = arith.constant 50 : i32
      } else {
      }
      %dma_wait3A_328 = arith.constant 0 : i32
      %dma_wait3A_329 = arith.constant 0 : i32
      %dma_wait3A_330 = tpu.memref_slice %arg2[%dma_wait3A_328, %dma_wait3A_329] : memref<800000x16xf32, #tpu.memory_space<hbm>> -> memref<800000x16xf32, #tpu.memory_space<hbm>>
      tpu.wait_indirect_dma semaphore(%arg15 : memref<!tpu.dma_semaphore, #tpu.memory_space<semaphore_mem>>) src(%dma_wait3A_330 : memref<800000x16xf32, #tpu.memory_space<hbm>>) dst(%arg11 : memref<800x16xf32, #tpu.memory_space<vmem>>)
      %dma_start3A_331 = arith.constant 0 : i32
      %dma_start3A_332 = arith.constant 0 : i32
      %dma_start3A_333 = tpu.memref_slice %arg13[%dma_start3A_331, %dma_start3A_332] : memref<100000x16xf32, #tpu.memory_space<vmem_shared>> -> memref<100000x16xf32, #tpu.memory_space<vmem_shared>>
      tpu.enqueue_indirect_dma source(%arg11 : memref<800x16xf32, #tpu.memory_space<vmem>>) target(%dma_start3A_333 : memref<100000x16xf32, #tpu.memory_space<vmem_shared>>) offsets(%arg7 : memref<800xi32, #tpu.memory_space<vmem>>) semaphore(%arg16 : memref<!tpu.dma_semaphore, #tpu.memory_space<semaphore_mem>>) {add = true}
      %mul3A_334 = arith.constant 4 : i32
      %mul3A_335 = arith.muli %mul3A_334, %scan3A_310 : i32
      %add3A_336 = arith.constant 1 : i32
      %add3A_337 = arith.addi %mul3A_335, %add3A_336 : i32
      %mul3A_338 = arith.constant 800 : i32
      %mul3A_339 = arith.muli %add3A_337, %mul3A_338 : i32
      %add3A_340 = arith.addi %mul3A_2, %mul3A_339 : i32
      %ge3A_341 = arith.constant 2 : i32
      %ge3A_342 = arith.cmpi sge, %add3A_337, %ge3A_341 : i32
      %convert_element_type3A_343 = arith.extui %ge3A_342 : i1 to i32
      %cond3A_344 = arith.constant 0 : i32
      %cond3A_345 = arith.cmpi ne, %convert_element_type3A_343, %cond3A_344 : i32
      scf.if %cond3A_345 {
        %dma_wait3A_413 = arith.constant 0 : i32
        %dma_wait3A_414 = arith.constant 0 : i32
        %dma_wait3A_415 = tpu.memref_slice %arg13[%dma_wait3A_413, %dma_wait3A_414] : memref<100000x16xf32, #tpu.memory_space<vmem_shared>> -> memref<100000x16xf32, #tpu.memory_space<vmem_shared>>
        tpu.wait_indirect_dma semaphore(%arg17 : memref<!tpu.dma_semaphore, #tpu.memory_space<semaphore_mem>>) src(%arg12 : memref<800x16xf32, #tpu.memory_space<vmem>>) dst(%dma_wait3A_415 : memref<100000x16xf32, #tpu.memory_space<vmem_shared>>)
      } else {
      }
      %dma_start3A_346 = arith.constant 0 : i32
      %dma_start3A_347 = arith.constant 0 : i32
      %dma_start3A_348 = tpu.memref_slice %arg2[%dma_start3A_346, %dma_start3A_347] : memref<800000x16xf32, #tpu.memory_space<hbm>> -> memref<800000x16xf32, #tpu.memory_space<hbm>>
      tpu.enqueue_indirect_dma source(%dma_start3A_348 : memref<800000x16xf32, #tpu.memory_space<hbm>>) target(%arg12 : memref<800x16xf32, #tpu.memory_space<vmem>>) offsets(%arg6 : memref<800xi32, #tpu.memory_space<vmem>>) semaphore(%arg15 : memref<!tpu.dma_semaphore, #tpu.memory_space<semaphore_mem>>)
      %lt3A_349 = arith.constant 124 : i32
      %lt3A_350 = arith.cmpi slt, %add3A_337, %lt3A_349 : i32
      %convert_element_type3A_351 = arith.extui %lt3A_350 : i1 to i32
      %cond3A_352 = arith.constant 0 : i32
      %cond3A_353 = arith.cmpi ne, %convert_element_type3A_351, %cond3A_352 : i32
      scf.if %cond3A_353 {
        %add3A_413 = arith.constant 800 : i32
        %add3A_414 = arith.addi %add3A_340, %add3A_413 : i32
        %dma_start3A_415 = tpu.memref_slice %arg3[%add3A_414] : memref<3200000xi32, #tpu.memory_space<hbm>> -> memref<800xi32, #tpu.memory_space<hbm>>
        %dma_start3A_416 = tpu.memref_slice %arg3[%add3A_414] : memref<3200000xi32, #tpu.memory_space<hbm>> -> memref<800xi32, #tpu.memory_space<hbm>>
        tpu.enqueue_dma source(%dma_start3A_416 : memref<800xi32, #tpu.memory_space<hbm>>) target(%arg5 : memref<800xi32, #tpu.memory_space<vmem>>) target_semaphore(%arg14 : memref<!tpu.dma_semaphore, #tpu.memory_space<semaphore_mem>>)
        %add3A_417 = arith.constant 1600000 : i32
        %add3A_418 = arith.addi %add3A_417, %add3A_414 : i32
        %dma_start3A_419 = tpu.memref_slice %arg3[%add3A_418] : memref<3200000xi32, #tpu.memory_space<hbm>> -> memref<800xi32, #tpu.memory_space<hbm>>
        %dma_start3A_420 = tpu.memref_slice %arg3[%add3A_418] : memref<3200000xi32, #tpu.memory_space<hbm>> -> memref<800xi32, #tpu.memory_space<hbm>>
        tpu.enqueue_dma source(%dma_start3A_420 : memref<800xi32, #tpu.memory_space<hbm>>) target(%arg9 : memref<800xi32, #tpu.memory_space<vmem>>) target_semaphore(%arg14 : memref<!tpu.dma_semaphore, #tpu.memory_space<semaphore_mem>>)
        %dma_wait3A_421 = tpu.memref_slice %arg3[%add3A_414] : memref<3200000xi32, #tpu.memory_space<hbm>> -> memref<800xi32, #tpu.memory_space<hbm>>
        %dma_wait3A_422 = tpu.memref_slice %arg3[%add3A_414] : memref<3200000xi32, #tpu.memory_space<hbm>> -> memref<800xi32, #tpu.memory_space<hbm>>
        tpu.wait_dma2 semaphore(%arg14 : memref<!tpu.dma_semaphore, #tpu.memory_space<semaphore_mem>>) src(%dma_wait3A_422 : memref<800xi32, #tpu.memory_space<hbm>>) dst(%arg5 : memref<800xi32, #tpu.memory_space<vmem>>)
        %add3A_423 = arith.constant 1600000 : i32
        %add3A_424 = arith.addi %add3A_423, %add3A_414 : i32
        %dma_wait3A_425 = tpu.memref_slice %arg3[%add3A_424] : memref<3200000xi32, #tpu.memory_space<hbm>> -> memref<800xi32, #tpu.memory_space<hbm>>
        %dma_wait3A_426 = tpu.memref_slice %arg3[%add3A_424] : memref<3200000xi32, #tpu.memory_space<hbm>> -> memref<800xi32, #tpu.memory_space<hbm>>
        tpu.wait_dma2 semaphore(%arg14 : memref<!tpu.dma_semaphore, #tpu.memory_space<semaphore_mem>>) src(%dma_wait3A_426 : memref<800xi32, #tpu.memory_space<hbm>>) dst(%arg9 : memref<800xi32, #tpu.memory_space<vmem>>)
        %scan3A_427 = arith.constant 0 : i32
        %scan3A_428 = arith.constant 0 : i32
        %scan3A_429 = arith.constant 50 : i32
        %scan3A_430 = arith.addi %scan3A_428, %scan3A_429 : i32
        %scan3A_431 = arith.constant 1 : i32
        %scan3A_432 = scf.for %scan3A_434 = %scan3A_428 to %scan3A_430 step %scan3A_431 iter_args(%scan3A_435 = %scan3A_427) -> (i32)  : i32 {
          %mul3A_436 = arith.constant 16 : i32
          %mul3A_437 = arith.muli %scan3A_434, %mul3A_436 : i32
          %get3A = arith.index_cast %mul3A_437 : i32 to index
          %get3A_438 = tpu.vector_load %arg5[%get3A] {strides = array<i32>} : memref<800xi32, #tpu.memory_space<vmem>>, vector<16xi32>,
          %get3A_439 = vector.shape_cast %get3A_438 : vector<16xi32> to vector<16xi32>
          %mul3A_440 = arith.constant 8 : i32
          %mul3A_441 = vector.broadcast %mul3A_440 : i32 to vector<16xi32>
          %mul3A_442 = arith.muli %get3A_439, %mul3A_441 : vector<16xi32>
          %add3A_443 = vector.broadcast %add3A_5 : i32 to vector<16xi32>
          %add3A_444 = arith.addi %mul3A_442, %add3A_443 : vector<16xi32>
          %mul3A_445 = arith.constant 16 : i32
          %mul3A_446 = arith.muli %scan3A_434, %mul3A_445 : i32
          %swap3A = arith.index_cast %mul3A_446 : i32 to index
          %swap3A_447 = tpu.vector_load %arg5[%swap3A] {strides = array<i32>} : memref<800xi32, #tpu.memory_space<vmem>>, vector<16xi32>,
          %swap3A_448 = vector.shape_cast %swap3A_447 : vector<16xi32> to vector<16xi32>
          %swap3A_449 = vector.shape_cast %add3A_444 : vector<16xi32> to vector<16xi32>
          tpu.vector_store %arg5[%swap3A], %swap3A_449 {strides = array<i32>} : memref<800xi32, #tpu.memory_space<vmem>>, vector<16xi32>,
          %scan3A_450 = arith.constant 0 : i32
          scf.yield %scan3A_450 : i32
        }
        %scan3A_433 = arith.constant 50 : i32
      } else {
      }
      %dma_wait3A_354 = arith.constant 0 : i32
      %dma_wait3A_355 = arith.constant 0 : i32
      %dma_wait3A_356 = tpu.memref_slice %arg2[%dma_wait3A_354, %dma_wait3A_355] : memref<800000x16xf32, #tpu.memory_space<hbm>> -> memref<800000x16xf32, #tpu.memory_space<hbm>>
      tpu.wait_indirect_dma semaphore(%arg15 : memref<!tpu.dma_semaphore, #tpu.memory_space<semaphore_mem>>) src(%dma_wait3A_356 : memref<800000x16xf32, #tpu.memory_space<hbm>>) dst(%arg12 : memref<800x16xf32, #tpu.memory_space<vmem>>)
      %dma_start3A_357 = arith.constant 0 : i32
      %dma_start3A_358 = arith.constant 0 : i32
      %dma_start3A_359 = tpu.memref_slice %arg13[%dma_start3A_357, %dma_start3A_358] : memref<100000x16xf32, #tpu.memory_space<vmem_shared>> -> memref<100000x16xf32, #tpu.memory_space<vmem_shared>>
      tpu.enqueue_indirect_dma source(%arg12 : memref<800x16xf32, #tpu.memory_space<vmem>>) target(%dma_start3A_359 : memref<100000x16xf32, #tpu.memory_space<vmem_shared>>) offsets(%arg8 : memref<800xi32, #tpu.memory_space<vmem>>) semaphore(%arg17 : memref<!tpu.dma_semaphore, #tpu.memory_space<semaphore_mem>>) {add = true}
      %mul3A_360 = arith.constant 4 : i32
      %mul3A_361 = arith.muli %mul3A_360, %scan3A_310 : i32
      %add3A_362 = arith.constant 2 : i32
      %add3A_363 = arith.addi %mul3A_361, %add3A_362 : i32
      %mul3A_364 = arith.constant 800 : i32
      %mul3A_365 = arith.muli %add3A_363, %mul3A_364 : i32
      %add3A_366 = arith.addi %mul3A_2, %mul3A_365 : i32
      %ge3A_367 = arith.constant 2 : i32
      %ge3A_368 = arith.cmpi sge, %add3A_363, %ge3A_367 : i32
      %convert_element_type3A_369 = arith.extui %ge3A_368 : i1 to i32
      %cond3A_370 = arith.constant 0 : i32
      %cond3A_371 = arith.cmpi ne, %convert_element_type3A_369, %cond3A_370 : i32
      scf.if %cond3A_371 {
        %dma_wait3A_413 = arith.constant 0 : i32
        %dma_wait3A_414 = arith.constant 0 : i32
        %dma_wait3A_415 = tpu.memref_slice %arg13[%dma_wait3A_413, %dma_wait3A_414] : memref<100000x16xf32, #tpu.memory_space<vmem_shared>> -> memref<100000x16xf32, #tpu.memory_space<vmem_shared>>
        tpu.wait_indirect_dma semaphore(%arg16 : memref<!tpu.dma_semaphore, #tpu.memory_space<semaphore_mem>>) src(%arg11 : memref<800x16xf32, #tpu.memory_space<vmem>>) dst(%dma_wait3A_415 : memref<100000x16xf32, #tpu.memory_space<vmem_shared>>)
      } else {
      }
      %dma_start3A_372 = arith.constant 0 : i32
      %dma_start3A_373 = arith.constant 0 : i32
      %dma_start3A_374 = tpu.memref_slice %arg2[%dma_start3A_372, %dma_start3A_373] : memref<800000x16xf32, #tpu.memory_space<hbm>> -> memref<800000x16xf32, #tpu.memory_space<hbm>>
      tpu.enqueue_indirect_dma source(%dma_start3A_374 : memref<800000x16xf32, #tpu.memory_space<hbm>>) target(%arg11 : memref<800x16xf32, #tpu.memory_space<vmem>>) offsets(%arg5 : memref<800xi32, #tpu.memory_space<vmem>>) semaphore(%arg15 : memref<!tpu.dma_semaphore, #tpu.memory_space<semaphore_mem>>)
      %lt3A_375 = arith.constant 124 : i32
      %lt3A_376 = arith.cmpi slt, %add3A_363, %lt3A_375 : i32
      %convert_element_type3A_377 = arith.extui %lt3A_376 : i1 to i32
      %cond3A_378 = arith.constant 0 : i32
      %cond3A_379 = arith.cmpi ne, %convert_element_type3A_377, %cond3A_378 : i32
      scf.if %cond3A_379 {
        %add3A_413 = arith.constant 800 : i32
        %add3A_414 = arith.addi %add3A_366, %add3A_413 : i32
        %dma_start3A_415 = tpu.memref_slice %arg3[%add3A_414] : memref<3200000xi32, #tpu.memory_space<hbm>> -> memref<800xi32, #tpu.memory_space<hbm>>
        %dma_start3A_416 = tpu.memref_slice %arg3[%add3A_414] : memref<3200000xi32, #tpu.memory_space<hbm>> -> memref<800xi32, #tpu.memory_space<hbm>>
        tpu.enqueue_dma source(%dma_start3A_416 : memref<800xi32, #tpu.memory_space<hbm>>) target(%arg6 : memref<800xi32, #tpu.memory_space<vmem>>) target_semaphore(%arg14 : memref<!tpu.dma_semaphore, #tpu.memory_space<semaphore_mem>>)
        %add3A_417 = arith.constant 1600000 : i32
        %add3A_418 = arith.addi %add3A_417, %add3A_414 : i32
        %dma_start3A_419 = tpu.memref_slice %arg3[%add3A_418] : memref<3200000xi32, #tpu.memory_space<hbm>> -> memref<800xi32, #tpu.memory_space<hbm>>
        %dma_start3A_420 = tpu.memref_slice %arg3[%add3A_418] : memref<3200000xi32, #tpu.memory_space<hbm>> -> memref<800xi32, #tpu.memory_space<hbm>>
        tpu.enqueue_dma source(%dma_start3A_420 : memref<800xi32, #tpu.memory_space<hbm>>) target(%arg10 : memref<800xi32, #tpu.memory_space<vmem>>) target_semaphore(%arg14 : memref<!tpu.dma_semaphore, #tpu.memory_space<semaphore_mem>>)
        %dma_wait3A_421 = tpu.memref_slice %arg3[%add3A_414] : memref<3200000xi32, #tpu.memory_space<hbm>> -> memref<800xi32, #tpu.memory_space<hbm>>
        %dma_wait3A_422 = tpu.memref_slice %arg3[%add3A_414] : memref<3200000xi32, #tpu.memory_space<hbm>> -> memref<800xi32, #tpu.memory_space<hbm>>
        tpu.wait_dma2 semaphore(%arg14 : memref<!tpu.dma_semaphore, #tpu.memory_space<semaphore_mem>>) src(%dma_wait3A_422 : memref<800xi32, #tpu.memory_space<hbm>>) dst(%arg6 : memref<800xi32, #tpu.memory_space<vmem>>)
        %add3A_423 = arith.constant 1600000 : i32
        %add3A_424 = arith.addi %add3A_423, %add3A_414 : i32
        %dma_wait3A_425 = tpu.memref_slice %arg3[%add3A_424] : memref<3200000xi32, #tpu.memory_space<hbm>> -> memref<800xi32, #tpu.memory_space<hbm>>
        %dma_wait3A_426 = tpu.memref_slice %arg3[%add3A_424] : memref<3200000xi32, #tpu.memory_space<hbm>> -> memref<800xi32, #tpu.memory_space<hbm>>
        tpu.wait_dma2 semaphore(%arg14 : memref<!tpu.dma_semaphore, #tpu.memory_space<semaphore_mem>>) src(%dma_wait3A_426 : memref<800xi32, #tpu.memory_space<hbm>>) dst(%arg10 : memref<800xi32, #tpu.memory_space<vmem>>)
        %scan3A_427 = arith.constant 0 : i32
        %scan3A_428 = arith.constant 0 : i32
        %scan3A_429 = arith.constant 50 : i32
        %scan3A_430 = arith.addi %scan3A_428, %scan3A_429 : i32
        %scan3A_431 = arith.constant 1 : i32
        %scan3A_432 = scf.for %scan3A_434 = %scan3A_428 to %scan3A_430 step %scan3A_431 iter_args(%scan3A_435 = %scan3A_427) -> (i32)  : i32 {
          %mul3A_436 = arith.constant 16 : i32
          %mul3A_437 = arith.muli %scan3A_434, %mul3A_436 : i32
          %get3A = arith.index_cast %mul3A_437 : i32 to index
          %get3A_438 = tpu.vector_load %arg6[%get3A] {strides = array<i32>} : memref<800xi32, #tpu.memory_space<vmem>>, vector<16xi32>,
          %get3A_439 = vector.shape_cast %get3A_438 : vector<16xi32> to vector<16xi32>
          %mul3A_440 = arith.constant 8 : i32
          %mul3A_441 = vector.broadcast %mul3A_440 : i32 to vector<16xi32>
          %mul3A_442 = arith.muli %get3A_439, %mul3A_441 : vector<16xi32>
          %add3A_443 = vector.broadcast %add3A_5 : i32 to vector<16xi32>
          %add3A_444 = arith.addi %mul3A_442, %add3A_443 : vector<16xi32>
          %mul3A_445 = arith.constant 16 : i32
          %mul3A_446 = arith.muli %scan3A_434, %mul3A_445 : i32
          %swap3A = arith.index_cast %mul3A_446 : i32 to index
          %swap3A_447 = tpu.vector_load %arg6[%swap3A] {strides = array<i32>} : memref<800xi32, #tpu.memory_space<vmem>>, vector<16xi32>,
          %swap3A_448 = vector.shape_cast %swap3A_447 : vector<16xi32> to vector<16xi32>
          %swap3A_449 = vector.shape_cast %add3A_444 : vector<16xi32> to vector<16xi32>
          tpu.vector_store %arg6[%swap3A], %swap3A_449 {strides = array<i32>} : memref<800xi32, #tpu.memory_space<vmem>>, vector<16xi32>,
          %scan3A_450 = arith.constant 0 : i32
          scf.yield %scan3A_450 : i32
        }
        %scan3A_433 = arith.constant 50 : i32
      } else {
      }
      %dma_wait3A_380 = arith.constant 0 : i32
      %dma_wait3A_381 = arith.constant 0 : i32
      %dma_wait3A_382 = tpu.memref_slice %arg2[%dma_wait3A_380, %dma_wait3A_381] : memref<800000x16xf32, #tpu.memory_space<hbm>> -> memref<800000x16xf32, #tpu.memory_space<hbm>>
      tpu.wait_indirect_dma semaphore(%arg15 : memref<!tpu.dma_semaphore, #tpu.memory_space<semaphore_mem>>) src(%dma_wait3A_382 : memref<800000x16xf32, #tpu.memory_space<hbm>>) dst(%arg11 : memref<800x16xf32, #tpu.memory_space<vmem>>)
      %dma_start3A_383 = arith.constant 0 : i32
      %dma_start3A_384 = arith.constant 0 : i32
      %dma_start3A_385 = tpu.memref_slice %arg13[%dma_start3A_383, %dma_start3A_384] : memref<100000x16xf32, #tpu.memory_space<vmem_shared>> -> memref<100000x16xf32, #tpu.memory_space<vmem_shared>>
      tpu.enqueue_indirect_dma source(%arg11 : memref<800x16xf32, #tpu.memory_space<vmem>>) target(%dma_start3A_385 : memref<100000x16xf32, #tpu.memory_space<vmem_shared>>) offsets(%arg9 : memref<800xi32, #tpu.memory_space<vmem>>) semaphore(%arg16 : memref<!tpu.dma_semaphore, #tpu.memory_space<semaphore_mem>>) {add = true}
      %mul3A_386 = arith.constant 4 : i32
      %mul3A_387 = arith.muli %mul3A_386, %scan3A_310 : i32
      %add3A_388 = arith.constant 3 : i32
      %add3A_389 = arith.addi %mul3A_387, %add3A_388 : i32
      %mul3A_390 = arith.constant 800 : i32
      %mul3A_391 = arith.muli %add3A_389, %mul3A_390 : i32
      %add3A_392 = arith.addi %mul3A_2, %mul3A_391 : i32
      %ge3A_393 = arith.constant 2 : i32
      %ge3A_394 = arith.cmpi sge, %add3A_389, %ge3A_393 : i32
      %convert_element_type3A_395 = arith.extui %ge3A_394 : i1 to i32
      %cond3A_396 = arith.constant 0 : i32
      %cond3A_397 = arith.cmpi ne, %convert_element_type3A_395, %cond3A_396 : i32
      scf.if %cond3A_397 {
        %dma_wait3A_413 = arith.constant 0 : i32
        %dma_wait3A_414 = arith.constant 0 : i32
        %dma_wait3A_415 = tpu.memref_slice %arg13[%dma_wait3A_413, %dma_wait3A_414] : memref<100000x16xf32, #tpu.memory_space<vmem_shared>> -> memref<100000x16xf32, #tpu.memory_space<vmem_shared>>
        tpu.wait_indirect_dma semaphore(%arg17 : memref<!tpu.dma_semaphore, #tpu.memory_space<semaphore_mem>>) src(%arg12 : memref<800x16xf32, #tpu.memory_space<vmem>>) dst(%dma_wait3A_415 : memref<100000x16xf32, #tpu.memory_space<vmem_shared>>)
      } else {
      }
      %dma_start3A_398 = arith.constant 0 : i32
      %dma_start3A_399 = arith.constant 0 : i32
      %dma_start3A_400 = tpu.memref_slice %arg2[%dma_start3A_398, %dma_start3A_399] : memref<800000x16xf32, #tpu.memory_space<hbm>> -> memref<800000x16xf32, #tpu.memory_space<hbm>>
      tpu.enqueue_indirect_dma source(%dma_start3A_400 : memref<800000x16xf32, #tpu.memory_space<hbm>>) target(%arg12 : memref<800x16xf32, #tpu.memory_space<vmem>>) offsets(%arg6 : memref<800xi32, #tpu.memory_space<vmem>>) semaphore(%arg15 : memref<!tpu.dma_semaphore, #tpu.memory_space<semaphore_mem>>)
      %lt3A_401 = arith.constant 124 : i32
      %lt3A_402 = arith.cmpi slt, %add3A_389, %lt3A_401 : i32
      %convert_element_type3A_403 = arith.extui %lt3A_402 : i1 to i32
      %cond3A_404 = arith.constant 0 : i32
      %cond3A_405 = arith.cmpi ne, %convert_element_type3A_403, %cond3A_404 : i32
      scf.if %cond3A_405 {
        %add3A_413 = arith.constant 800 : i32
        %add3A_414 = arith.addi %add3A_392, %add3A_413 : i32
        %dma_start3A_415 = tpu.memref_slice %arg3[%add3A_414] : memref<3200000xi32, #tpu.memory_space<hbm>> -> memref<800xi32, #tpu.memory_space<hbm>>
        %dma_start3A_416 = tpu.memref_slice %arg3[%add3A_414] : memref<3200000xi32, #tpu.memory_space<hbm>> -> memref<800xi32, #tpu.memory_space<hbm>>
        tpu.enqueue_dma source(%dma_start3A_416 : memref<800xi32, #tpu.memory_space<hbm>>) target(%arg5 : memref<800xi32, #tpu.memory_space<vmem>>) target_semaphore(%arg14 : memref<!tpu.dma_semaphore, #tpu.memory_space<semaphore_mem>>)
        %add3A_417 = arith.constant 1600000 : i32
        %add3A_418 = arith.addi %add3A_417, %add3A_414 : i32
        %dma_start3A_419 = tpu.memref_slice %arg3[%add3A_418] : memref<3200000xi32, #tpu.memory_space<hbm>> -> memref<800xi32, #tpu.memory_space<hbm>>
        %dma_start3A_420 = tpu.memref_slice %arg3[%add3A_418] : memref<3200000xi32, #tpu.memory_space<hbm>> -> memref<800xi32, #tpu.memory_space<hbm>>
        tpu.enqueue_dma source(%dma_start3A_420 : memref<800xi32, #tpu.memory_space<hbm>>) target(%arg7 : memref<800xi32, #tpu.memory_space<vmem>>) target_semaphore(%arg14 : memref<!tpu.dma_semaphore, #tpu.memory_space<semaphore_mem>>)
        %dma_wait3A_421 = tpu.memref_slice %arg3[%add3A_414] : memref<3200000xi32, #tpu.memory_space<hbm>> -> memref<800xi32, #tpu.memory_space<hbm>>
        %dma_wait3A_422 = tpu.memref_slice %arg3[%add3A_414] : memref<3200000xi32, #tpu.memory_space<hbm>> -> memref<800xi32, #tpu.memory_space<hbm>>
        tpu.wait_dma2 semaphore(%arg14 : memref<!tpu.dma_semaphore, #tpu.memory_space<semaphore_mem>>) src(%dma_wait3A_422 : memref<800xi32, #tpu.memory_space<hbm>>) dst(%arg5 : memref<800xi32, #tpu.memory_space<vmem>>)
        %add3A_423 = arith.constant 1600000 : i32
        %add3A_424 = arith.addi %add3A_423, %add3A_414 : i32
        %dma_wait3A_425 = tpu.memref_slice %arg3[%add3A_424] : memref<3200000xi32, #tpu.memory_space<hbm>> -> memref<800xi32, #tpu.memory_space<hbm>>
        %dma_wait3A_426 = tpu.memref_slice %arg3[%add3A_424] : memref<3200000xi32, #tpu.memory_space<hbm>> -> memref<800xi32, #tpu.memory_space<hbm>>
        tpu.wait_dma2 semaphore(%arg14 : memref<!tpu.dma_semaphore, #tpu.memory_space<semaphore_mem>>) src(%dma_wait3A_426 : memref<800xi32, #tpu.memory_space<hbm>>) dst(%arg7 : memref<800xi32, #tpu.memory_space<vmem>>)
        %scan3A_427 = arith.constant 0 : i32
        %scan3A_428 = arith.constant 0 : i32
        %scan3A_429 = arith.constant 50 : i32
        %scan3A_430 = arith.addi %scan3A_428, %scan3A_429 : i32
        %scan3A_431 = arith.constant 1 : i32
        %scan3A_432 = scf.for %scan3A_434 = %scan3A_428 to %scan3A_430 step %scan3A_431 iter_args(%scan3A_435 = %scan3A_427) -> (i32)  : i32 {
          %mul3A_436 = arith.constant 16 : i32
          %mul3A_437 = arith.muli %scan3A_434, %mul3A_436 : i32
          %get3A = arith.index_cast %mul3A_437 : i32 to index
          %get3A_438 = tpu.vector_load %arg5[%get3A] {strides = array<i32>} : memref<800xi32, #tpu.memory_space<vmem>>, vector<16xi32>,
          %get3A_439 = vector.shape_cast %get3A_438 : vector<16xi32> to vector<16xi32>
          %mul3A_440 = arith.constant 8 : i32
          %mul3A_441 = vector.broadcast %mul3A_440 : i32 to vector<16xi32>
          %mul3A_442 = arith.muli %get3A_439, %mul3A_441 : vector<16xi32>
          %add3A_443 = vector.broadcast %add3A_5 : i32 to vector<16xi32>
          %add3A_444 = arith.addi %mul3A_442, %add3A_443 : vector<16xi32>
          %mul3A_445 = arith.constant 16 : i32
          %mul3A_446 = arith.muli %scan3A_434, %mul3A_445 : i32
          %swap3A = arith.index_cast %mul3A_446 : i32 to index
          %swap3A_447 = tpu.vector_load %arg5[%swap3A] {strides = array<i32>} : memref<800xi32, #tpu.memory_space<vmem>>, vector<16xi32>,
          %swap3A_448 = vector.shape_cast %swap3A_447 : vector<16xi32> to vector<16xi32>
          %swap3A_449 = vector.shape_cast %add3A_444 : vector<16xi32> to vector<16xi32>
          tpu.vector_store %arg5[%swap3A], %swap3A_449 {strides = array<i32>} : memref<800xi32, #tpu.memory_space<vmem>>, vector<16xi32>,
          %scan3A_450 = arith.constant 0 : i32
          scf.yield %scan3A_450 : i32
        }
        %scan3A_433 = arith.constant 50 : i32
      } else {
      }
      %dma_wait3A_406 = arith.constant 0 : i32
      %dma_wait3A_407 = arith.constant 0 : i32
      %dma_wait3A_408 = tpu.memref_slice %arg2[%dma_wait3A_406, %dma_wait3A_407] : memref<800000x16xf32, #tpu.memory_space<hbm>> -> memref<800000x16xf32, #tpu.memory_space<hbm>>
      tpu.wait_indirect_dma semaphore(%arg15 : memref<!tpu.dma_semaphore, #tpu.memory_space<semaphore_mem>>) src(%dma_wait3A_408 : memref<800000x16xf32, #tpu.memory_space<hbm>>) dst(%arg12 : memref<800x16xf32, #tpu.memory_space<vmem>>)
      %dma_start3A_409 = arith.constant 0 : i32
      %dma_start3A_410 = arith.constant 0 : i32
      %dma_start3A_411 = tpu.memref_slice %arg13[%dma_start3A_409, %dma_start3A_410] : memref<100000x16xf32, #tpu.memory_space<vmem_shared>> -> memref<100000x16xf32, #tpu.memory_space<vmem_shared>>
      tpu.enqueue_indirect_dma source(%arg12 : memref<800x16xf32, #tpu.memory_space<vmem>>) target(%dma_start3A_411 : memref<100000x16xf32, #tpu.memory_space<vmem_shared>>) offsets(%arg10 : memref<800xi32, #tpu.memory_space<vmem>>) semaphore(%arg17 : memref<!tpu.dma_semaphore, #tpu.memory_space<semaphore_mem>>) {add = true}
      %scan3A_412 = arith.constant 0 : i32
      scf.yield %scan3A_412 : i32
    }
    %scan3A_51 = arith.constant 31 : i32
    %add3A_52 = arith.constant 99200 : i32
    %add3A_53 = arith.addi %mul3A_2, %add3A_52 : i32
    %dma_wait3A_54 = arith.constant 0 : i32
    %dma_wait3A_55 = arith.constant 0 : i32
    %dma_wait3A_56 = tpu.memref_slice %arg13[%dma_wait3A_54, %dma_wait3A_55] : memref<100000x16xf32, #tpu.memory_space<vmem_shared>> -> memref<100000x16xf32, #tpu.memory_space<vmem_shared>>
    tpu.wait_indirect_dma semaphore(%arg16 : memref<!tpu.dma_semaphore, #tpu.memory_space<semaphore_mem>>) src(%arg11 : memref<800x16xf32, #tpu.memory_space<vmem>>) dst(%dma_wait3A_56 : memref<100000x16xf32, #tpu.memory_space<vmem_shared>>)
    %dma_start3A_57 = arith.constant 0 : i32
    %dma_start3A_58 = arith.constant 0 : i32
    %dma_start3A_59 = tpu.memref_slice %arg2[%dma_start3A_57, %dma_start3A_58] : memref<800000x16xf32, #tpu.memory_space<hbm>> -> memref<800000x16xf32, #tpu.memory_space<hbm>>
    tpu.enqueue_indirect_dma source(%dma_start3A_59 : memref<800000x16xf32, #tpu.memory_space<hbm>>) target(%arg11 : memref<800x16xf32, #tpu.memory_space<vmem>>) offsets(%arg5 : memref<800xi32, #tpu.memory_space<vmem>>) semaphore(%arg15 : memref<!tpu.dma_semaphore, #tpu.memory_space<semaphore_mem>>)
    %dma_wait3A_60 = arith.constant 0 : i32
    %dma_wait3A_61 = arith.constant 0 : i32
    %dma_wait3A_62 = tpu.memref_slice %arg2[%dma_wait3A_60, %dma_wait3A_61] : memref<800000x16xf32, #tpu.memory_space<hbm>> -> memref<800000x16xf32, #tpu.memory_space<hbm>>
    tpu.wait_indirect_dma semaphore(%arg15 : memref<!tpu.dma_semaphore, #tpu.memory_space<semaphore_mem>>) src(%dma_wait3A_62 : memref<800000x16xf32, #tpu.memory_space<hbm>>) dst(%arg11 : memref<800x16xf32, #tpu.memory_space<vmem>>)
    %dma_start3A_63 = arith.constant 0 : i32
    %dma_start3A_64 = arith.constant 0 : i32
    %dma_start3A_65 = tpu.memref_slice %arg13[%dma_start3A_63, %dma_start3A_64] : memref<100000x16xf32, #tpu.memory_space<vmem_shared>> -> memref<100000x16xf32, #tpu.memory_space<vmem_shared>>
    tpu.enqueue_indirect_dma source(%arg11 : memref<800x16xf32, #tpu.memory_space<vmem>>) target(%dma_start3A_65 : memref<100000x16xf32, #tpu.memory_space<vmem_shared>>) offsets(%arg7 : memref<800xi32, #tpu.memory_space<vmem>>) semaphore(%arg16 : memref<!tpu.dma_semaphore, #tpu.memory_space<semaphore_mem>>) {add = true}
    %dma_wait3A_66 = arith.constant 0 : i32
    %dma_wait3A_67 = arith.constant 0 : i32
    %dma_wait3A_68 = tpu.memref_slice %arg13[%dma_wait3A_66, %dma_wait3A_67] : memref<100000x16xf32, #tpu.memory_space<vmem_shared>> -> memref<100000x16xf32, #tpu.memory_space<vmem_shared>>
    tpu.wait_indirect_dma semaphore(%arg17 : memref<!tpu.dma_semaphore, #tpu.memory_space<semaphore_mem>>) src(%arg12 : memref<800x16xf32, #tpu.memory_space<vmem>>) dst(%dma_wait3A_68 : memref<100000x16xf32, #tpu.memory_space<vmem_shared>>)
    %dma_wait3A_69 = arith.constant 0 : i32
    %dma_wait3A_70 = arith.constant 0 : i32
    %dma_wait3A_71 = tpu.memref_slice %arg13[%dma_wait3A_69, %dma_wait3A_70] : memref<100000x16xf32, #tpu.memory_space<vmem_shared>> -> memref<100000x16xf32, #tpu.memory_space<vmem_shared>>
    tpu.wait_indirect_dma semaphore(%arg16 : memref<!tpu.dma_semaphore, #tpu.memory_space<semaphore_mem>>) src(%arg11 : memref<800x16xf32, #tpu.memory_space<vmem>>) dst(%dma_wait3A_71 : memref<100000x16xf32, #tpu.memory_space<vmem_shared>>)
    %barrier3A_72 = arith.constant 0 : index
    tpu.barrier barrier_id(%barrier3A_72)
    %mul3A_73 = arith.constant 16 : i32
    %mul3A_74 = arith.muli %add3A_5, %mul3A_73 : i32
    "tpu.region"() ({
      %run_scoped3A = tpu.sem_alloc : memref<!tpu.dma_semaphore, #tpu.memory_space<semaphore_mem>>
      %dma_start3A_310 = tpu.memref_slice %arg4[%mul3A_0, %mul3A_74] : memref<100000x128xf32, #tpu.memory_space<hbm>> -> memref<6250x16xf32, #tpu.memory_space<hbm>>
      %dma_start3A_311 = arith.constant 0 : i32
      %dma_start3A_312 = tpu.memref_slice %arg13[%mul3A_0, %dma_start3A_311] : memref<100000x16xf32, #tpu.memory_space<vmem_shared>> -> memref<6250x16xf32, #tpu.memory_space<vmem_shared>>
      tpu.enqueue_dma source(%dma_start3A_312 : memref<6250x16xf32, #tpu.memory_space<vmem_shared>>) target(%dma_start3A_310 : memref<6250x16xf32, #tpu.memory_space<hbm>>) target_semaphore(%run_scoped3A : memref<!tpu.dma_semaphore, #tpu.memory_space<semaphore_mem>>)
      %dma_wait3A_313 = tpu.memref_slice %arg4[%mul3A_0, %mul3A_74] : memref<100000x128xf32, #tpu.memory_space<hbm>> -> memref<6250x16xf32, #tpu.memory_space<hbm>>
      %dma_wait3A_314 = arith.constant 0 : i32
      %dma_wait3A_315 = tpu.memref_slice %arg13[%mul3A_0, %dma_wait3A_314] : memref<100000x16xf32, #tpu.memory_space<vmem_shared>> -> memref<6250x16xf32, #tpu.memory_space<vmem_shared>>
      tpu.wait_dma2 semaphore(%run_scoped3A : memref<!tpu.dma_semaphore, #tpu.memory_space<semaphore_mem>>) src(%dma_wait3A_315 : memref<6250x16xf32, #tpu.memory_space<vmem_shared>>) dst(%dma_wait3A_313 : memref<6250x16xf32, #tpu.memory_space<hbm>>)
      tpu.yield
    }) : () -> ()
    %barrier3A_75 = arith.constant 0 : index
    tpu.barrier barrier_id(%barrier3A_75)
    %mul3A_76 = arith.constant 4 : i32
    %mul3A_77 = arith.muli %arg0, %mul3A_76 : i32
    %add3A_78 = arith.constant 1 : i32
    %add3A_79 = arith.addi %mul3A_77, %add3A_78 : i32
    %scan3A_80 = arith.constant 0 : i32
    %scan3A_81 = arith.constant 0 : i32
    %scan3A_82 = arith.constant 800 : i32
    %scan3A_83 = arith.addi %scan3A_81, %scan3A_82 : i32
    %scan3A_84 = arith.constant 1 : i32
    %scan3A_85 = scf.for %scan3A_310 = %scan3A_81 to %scan3A_83 step %scan3A_84 iter_args(%scan3A_311 = %scan3A_80) -> (i32)  : i32 {
      %broadcast_in_dim3A = arith.constant 0.000000e+00 : f32
      %broadcast_in_dim3A_312 = vector.broadcast %broadcast_in_dim3A : f32 to vector<16xf32>
      %swap3A = arith.index_cast %scan3A_310 : i32 to index
      %swap3A_313 = arith.constant 0 : index
      %swap3A_314 = tpu.vector_load %arg11[%swap3A, %swap3A_313] {strides = array<i32>} : memref<800x16xf32, #tpu.memory_space<vmem>>, vector<1x16xf32>,
      %swap3A_315 = vector.shape_cast %swap3A_314 : vector<1x16xf32> to vector<16xf32>
      %swap3A_316 = vector.shape_cast %broadcast_in_dim3A_312 : vector<16xf32> to vector<1x16xf32>
      tpu.vector_store %arg11[%swap3A, %swap3A_313], %swap3A_316 {strides = array<i32>} : memref<800x16xf32, #tpu.memory_space<vmem>>, vector<1x16xf32>,
      %scan3A_317 = arith.constant 0 : i32
      scf.yield %scan3A_317 : i32
    }
    %scan3A_86 = arith.constant 800 : i32
    %add3A_87 = arith.constant 0 : i32
    %add3A_88 = arith.addi %mul3A_0, %add3A_87 : i32
    "tpu.region"() ({
      %run_scoped3A = tpu.sem_alloc : memref<!tpu.dma_semaphore, #tpu.memory_space<semaphore_mem>>
      %dma_start3A_310 = arith.constant 0 : i32
      %dma_start3A_311 = tpu.memref_slice %arg13[%add3A_88, %dma_start3A_310] : memref<100000x16xf32, #tpu.memory_space<vmem_shared>> -> memref<800x16xf32, #tpu.memory_space<vmem_shared>>
      %dma_start3A_312 = arith.constant 0 : i32
      %dma_start3A_313 = tpu.memref_slice %arg13[%add3A_88, %dma_start3A_312] : memref<100000x16xf32, #tpu.memory_space<vmem_shared>> -> memref<800x16xf32, #tpu.memory_space<vmem_shared>>
      tpu.enqueue_dma source(%arg11 : memref<800x16xf32, #tpu.memory_space<vmem>>) target(%dma_start3A_313 : memref<800x16xf32, #tpu.memory_space<vmem_shared>>) target_semaphore(%run_scoped3A : memref<!tpu.dma_semaphore, #tpu.memory_space<semaphore_mem>>)
      %dma_wait3A_314 = arith.constant 0 : i32
      %dma_wait3A_315 = tpu.memref_slice %arg13[%add3A_88, %dma_wait3A_314] : memref<100000x16xf32, #tpu.memory_space<vmem_shared>> -> memref<800x16xf32, #tpu.memory_space<vmem_shared>>
      %dma_wait3A_316 = arith.constant 0 : i32
      %dma_wait3A_317 = tpu.memref_slice %arg13[%add3A_88, %dma_wait3A_316] : memref<100000x16xf32, #tpu.memory_space<vmem_shared>> -> memref<800x16xf32, #tpu.memory_space<vmem_shared>>
      tpu.wait_dma2 semaphore(%run_scoped3A : memref<!tpu.dma_semaphore, #tpu.memory_space<semaphore_mem>>) src(%arg11 : memref<800x16xf32, #tpu.memory_space<vmem>>) dst(%dma_wait3A_317 : memref<800x16xf32, #tpu.memory_space<vmem_shared>>)
      tpu.yield
    }) : () -> ()
    %add3A_89 = arith.constant 800 : i32
    %add3A_90 = arith.addi %mul3A_0, %add3A_89 : i32
    "tpu.region"() ({
      %run_scoped3A = tpu.sem_alloc : memref<!tpu.dma_semaphore, #tpu.memory_space<semaphore_mem>>
      %dma_start3A_310 = arith.constant 0 : i32
      %dma_start3A_311 = tpu.memref_slice %arg13[%add3A_90, %dma_start3A_310] : memref<100000x16xf32, #tpu.memory_space<vmem_shared>> -> memref<800x16xf32, #tpu.memory_space<vmem_shared>>
      %dma_start3A_312 = arith.constant 0 : i32
      %dma_start3A_313 = tpu.memref_slice %arg13[%add3A_90, %dma_start3A_312] : memref<100000x16xf32, #tpu.memory_space<vmem_shared>> -> memref<800x16xf32, #tpu.memory_space<vmem_shared>>
      tpu.enqueue_dma source(%arg11 : memref<800x16xf32, #tpu.memory_space<vmem>>) target(%dma_start3A_313 : memref<800x16xf32, #tpu.memory_space<vmem_shared>>) target_semaphore(%run_scoped3A : memref<!tpu.dma_semaphore, #tpu.memory_space<semaphore_mem>>)
      %dma_wait3A_314 = arith.constant 0 : i32
      %dma_wait3A_315 = tpu.memref_slice %arg13[%add3A_90, %dma_wait3A_314] : memref<100000x16xf32, #tpu.memory_space<vmem_shared>> -> memref<800x16xf32, #tpu.memory_space<vmem_shared>>
      %dma_wait3A_316 = arith.constant 0 : i32
      %dma_wait3A_317 = tpu.memref_slice %arg13[%add3A_90, %dma_wait3A_316] : memref<100000x16xf32, #tpu.memory_space<vmem_shared>> -> memref<800x16xf32, #tpu.memory_space<vmem_shared>>
      tpu.wait_dma2 semaphore(%run_scoped3A : memref<!tpu.dma_semaphore, #tpu.memory_space<semaphore_mem>>) src(%arg11 : memref<800x16xf32, #tpu.memory_space<vmem>>) dst(%dma_wait3A_317 : memref<800x16xf32, #tpu.memory_space<vmem_shared>>)
      tpu.yield
    }) : () -> ()
    %add3A_91 = arith.constant 1600 : i32
    %add3A_92 = arith.addi %mul3A_0, %add3A_91 : i32
    "tpu.region"() ({
      %run_scoped3A = tpu.sem_alloc : memref<!tpu.dma_semaphore, #tpu.memory_space<semaphore_mem>>
      %dma_start3A_310 = arith.constant 0 : i32
      %dma_start3A_311 = tpu.memref_slice %arg13[%add3A_92, %dma_start3A_310] : memref<100000x16xf32, #tpu.memory_space<vmem_shared>> -> memref<800x16xf32, #tpu.memory_space<vmem_shared>>
      %dma_start3A_312 = arith.constant 0 : i32
      %dma_start3A_313 = tpu.memref_slice %arg13[%add3A_92, %dma_start3A_312] : memref<100000x16xf32, #tpu.memory_space<vmem_shared>> -> memref<800x16xf32, #tpu.memory_space<vmem_shared>>
      tpu.enqueue_dma source(%arg11 : memref<800x16xf32, #tpu.memory_space<vmem>>) target(%dma_start3A_313 : memref<800x16xf32, #tpu.memory_space<vmem_shared>>) target_semaphore(%run_scoped3A : memref<!tpu.dma_semaphore, #tpu.memory_space<semaphore_mem>>)
      %dma_wait3A_314 = arith.constant 0 : i32
      %dma_wait3A_315 = tpu.memref_slice %arg13[%add3A_92, %dma_wait3A_314] : memref<100000x16xf32, #tpu.memory_space<vmem_shared>> -> memref<800x16xf32, #tpu.memory_space<vmem_shared>>
      %dma_wait3A_316 = arith.constant 0 : i32
      %dma_wait3A_317 = tpu.memref_slice %arg13[%add3A_92, %dma_wait3A_316] : memref<100000x16xf32, #tpu.memory_space<vmem_shared>> -> memref<800x16xf32, #tpu.memory_space<vmem_shared>>
      tpu.wait_dma2 semaphore(%run_scoped3A : memref<!tpu.dma_semaphore, #tpu.memory_space<semaphore_mem>>) src(%arg11 : memref<800x16xf32, #tpu.memory_space<vmem>>) dst(%dma_wait3A_317 : memref<800x16xf32, #tpu.memory_space<vmem_shared>>)
      tpu.yield
    }) : () -> ()
    %add3A_93 = arith.constant 2400 : i32
    %add3A_94 = arith.addi %mul3A_0, %add3A_93 : i32
    "tpu.region"() ({
      %run_scoped3A = tpu.sem_alloc : memref<!tpu.dma_semaphore, #tpu.memory_space<semaphore_mem>>
      %dma_start3A_310 = arith.constant 0 : i32
      %dma_start3A_311 = tpu.memref_slice %arg13[%add3A_94, %dma_start3A_310] : memref<100000x16xf32, #tpu.memory_space<vmem_shared>> -> memref<800x16xf32, #tpu.memory_space<vmem_shared>>
      %dma_start3A_312 = arith.constant 0 : i32
      %dma_start3A_313 = tpu.memref_slice %arg13[%add3A_94, %dma_start3A_312] : memref<100000x16xf32, #tpu.memory_space<vmem_shared>> -> memref<800x16xf32, #tpu.memory_space<vmem_shared>>
      tpu.enqueue_dma source(%arg11 : memref<800x16xf32, #tpu.memory_space<vmem>>) target(%dma_start3A_313 : memref<800x16xf32, #tpu.memory_space<vmem_shared>>) target_semaphore(%run_scoped3A : memref<!tpu.dma_semaphore, #tpu.memory_space<semaphore_mem>>)
      %dma_wait3A_314 = arith.constant 0 : i32
      %dma_wait3A_315 = tpu.memref_slice %arg13[%add3A_94, %dma_wait3A_314] : memref<100000x16xf32, #tpu.memory_space<vmem_shared>> -> memref<800x16xf32, #tpu.memory_space<vmem_shared>>
      %dma_wait3A_316 = arith.constant 0 : i32
      %dma_wait3A_317 = tpu.memref_slice %arg13[%add3A_94, %dma_wait3A_316] : memref<100000x16xf32, #tpu.memory_space<vmem_shared>> -> memref<800x16xf32, #tpu.memory_space<vmem_shared>>
      tpu.wait_dma2 semaphore(%run_scoped3A : memref<!tpu.dma_semaphore, #tpu.memory_space<semaphore_mem>>) src(%arg11 : memref<800x16xf32, #tpu.memory_space<vmem>>) dst(%dma_wait3A_317 : memref<800x16xf32, #tpu.memory_space<vmem_shared>>)
      tpu.yield
    }) : () -> ()
    %add3A_95 = arith.constant 3200 : i32
    %add3A_96 = arith.addi %mul3A_0, %add3A_95 : i32
    "tpu.region"() ({
      %run_scoped3A = tpu.sem_alloc : memref<!tpu.dma_semaphore, #tpu.memory_space<semaphore_mem>>
      %dma_start3A_310 = arith.constant 0 : i32
      %dma_start3A_311 = tpu.memref_slice %arg13[%add3A_96, %dma_start3A_310] : memref<100000x16xf32, #tpu.memory_space<vmem_shared>> -> memref<800x16xf32, #tpu.memory_space<vmem_shared>>
      %dma_start3A_312 = arith.constant 0 : i32
      %dma_start3A_313 = tpu.memref_slice %arg13[%add3A_96, %dma_start3A_312] : memref<100000x16xf32, #tpu.memory_space<vmem_shared>> -> memref<800x16xf32, #tpu.memory_space<vmem_shared>>
      tpu.enqueue_dma source(%arg11 : memref<800x16xf32, #tpu.memory_space<vmem>>) target(%dma_start3A_313 : memref<800x16xf32, #tpu.memory_space<vmem_shared>>) target_semaphore(%run_scoped3A : memref<!tpu.dma_semaphore, #tpu.memory_space<semaphore_mem>>)
      %dma_wait3A_314 = arith.constant 0 : i32
      %dma_wait3A_315 = tpu.memref_slice %arg13[%add3A_96, %dma_wait3A_314] : memref<100000x16xf32, #tpu.memory_space<vmem_shared>> -> memref<800x16xf32, #tpu.memory_space<vmem_shared>>
      %dma_wait3A_316 = arith.constant 0 : i32
      %dma_wait3A_317 = tpu.memref_slice %arg13[%add3A_96, %dma_wait3A_316] : memref<100000x16xf32, #tpu.memory_space<vmem_shared>> -> memref<800x16xf32, #tpu.memory_space<vmem_shared>>
      tpu.wait_dma2 semaphore(%run_scoped3A : memref<!tpu.dma_semaphore, #tpu.memory_space<semaphore_mem>>) src(%arg11 : memref<800x16xf32, #tpu.memory_space<vmem>>) dst(%dma_wait3A_317 : memref<800x16xf32, #tpu.memory_space<vmem_shared>>)
      tpu.yield
    }) : () -> ()
    %add3A_97 = arith.constant 4000 : i32
    %add3A_98 = arith.addi %mul3A_0, %add3A_97 : i32
    "tpu.region"() ({
      %run_scoped3A = tpu.sem_alloc : memref<!tpu.dma_semaphore, #tpu.memory_space<semaphore_mem>>
      %dma_start3A_310 = arith.constant 0 : i32
      %dma_start3A_311 = tpu.memref_slice %arg13[%add3A_98, %dma_start3A_310] : memref<100000x16xf32, #tpu.memory_space<vmem_shared>> -> memref<800x16xf32, #tpu.memory_space<vmem_shared>>
      %dma_start3A_312 = arith.constant 0 : i32
      %dma_start3A_313 = tpu.memref_slice %arg13[%add3A_98, %dma_start3A_312] : memref<100000x16xf32, #tpu.memory_space<vmem_shared>> -> memref<800x16xf32, #tpu.memory_space<vmem_shared>>
      tpu.enqueue_dma source(%arg11 : memref<800x16xf32, #tpu.memory_space<vmem>>) target(%dma_start3A_313 : memref<800x16xf32, #tpu.memory_space<vmem_shared>>) target_semaphore(%run_scoped3A : memref<!tpu.dma_semaphore, #tpu.memory_space<semaphore_mem>>)
      %dma_wait3A_314 = arith.constant 0 : i32
      %dma_wait3A_315 = tpu.memref_slice %arg13[%add3A_98, %dma_wait3A_314] : memref<100000x16xf32, #tpu.memory_space<vmem_shared>> -> memref<800x16xf32, #tpu.memory_space<vmem_shared>>
      %dma_wait3A_316 = arith.constant 0 : i32
      %dma_wait3A_317 = tpu.memref_slice %arg13[%add3A_98, %dma_wait3A_316] : memref<100000x16xf32, #tpu.memory_space<vmem_shared>> -> memref<800x16xf32, #tpu.memory_space<vmem_shared>>
      tpu.wait_dma2 semaphore(%run_scoped3A : memref<!tpu.dma_semaphore, #tpu.memory_space<semaphore_mem>>) src(%arg11 : memref<800x16xf32, #tpu.memory_space<vmem>>) dst(%dma_wait3A_317 : memref<800x16xf32, #tpu.memory_space<vmem_shared>>)
      tpu.yield
    }) : () -> ()
    %add3A_99 = arith.constant 4800 : i32
    %add3A_100 = arith.addi %mul3A_0, %add3A_99 : i32
    "tpu.region"() ({
      %run_scoped3A = tpu.sem_alloc : memref<!tpu.dma_semaphore, #tpu.memory_space<semaphore_mem>>
      %dma_start3A_310 = arith.constant 0 : i32
      %dma_start3A_311 = tpu.memref_slice %arg13[%add3A_100, %dma_start3A_310] : memref<100000x16xf32, #tpu.memory_space<vmem_shared>> -> memref<800x16xf32, #tpu.memory_space<vmem_shared>>
      %dma_start3A_312 = arith.constant 0 : i32
      %dma_start3A_313 = tpu.memref_slice %arg13[%add3A_100, %dma_start3A_312] : memref<100000x16xf32, #tpu.memory_space<vmem_shared>> -> memref<800x16xf32, #tpu.memory_space<vmem_shared>>
      tpu.enqueue_dma source(%arg11 : memref<800x16xf32, #tpu.memory_space<vmem>>) target(%dma_start3A_313 : memref<800x16xf32, #tpu.memory_space<vmem_shared>>) target_semaphore(%run_scoped3A : memref<!tpu.dma_semaphore, #tpu.memory_space<semaphore_mem>>)
      %dma_wait3A_314 = arith.constant 0 : i32
      %dma_wait3A_315 = tpu.memref_slice %arg13[%add3A_100, %dma_wait3A_314] : memref<100000x16xf32, #tpu.memory_space<vmem_shared>> -> memref<800x16xf32, #tpu.memory_space<vmem_shared>>
      %dma_wait3A_316 = arith.constant 0 : i32
      %dma_wait3A_317 = tpu.memref_slice %arg13[%add3A_100, %dma_wait3A_316] : memref<100000x16xf32, #tpu.memory_space<vmem_shared>> -> memref<800x16xf32, #tpu.memory_space<vmem_shared>>
      tpu.wait_dma2 semaphore(%run_scoped3A : memref<!tpu.dma_semaphore, #tpu.memory_space<semaphore_mem>>) src(%arg11 : memref<800x16xf32, #tpu.memory_space<vmem>>) dst(%dma_wait3A_317 : memref<800x16xf32, #tpu.memory_space<vmem_shared>>)
      tpu.yield
    }) : () -> ()
    %add3A_101 = arith.constant 5600 : i32
    %add3A_102 = arith.addi %mul3A_0, %add3A_101 : i32
    "tpu.region"() ({
      %run_scoped3A = tpu.sem_alloc : memref<!tpu.dma_semaphore, #tpu.memory_space<semaphore_mem>>
      %dma_start3A_310 = arith.constant 0 : i32
      %dma_start3A_311 = arith.constant 0 : i32
      %dma_start3A_312 = tpu.memref_slice %arg11[%dma_start3A_310, %dma_start3A_311] : memref<800x16xf32, #tpu.memory_space<vmem>> -> memref<650x16xf32, #tpu.memory_space<vmem>>
      %dma_start3A_313 = arith.constant 0 : i32
      %dma_start3A_314 = tpu.memref_slice %arg13[%add3A_102, %dma_start3A_313] : memref<100000x16xf32, #tpu.memory_space<vmem_shared>> -> memref<650x16xf32, #tpu.memory_space<vmem_shared>>
      %dma_start3A_315 = arith.constant 0 : i32
      %dma_start3A_316 = tpu.memref_slice %arg13[%add3A_102, %dma_start3A_315] : memref<100000x16xf32, #tpu.memory_space<vmem_shared>> -> memref<650x16xf32, #tpu.memory_space<vmem_shared>>
      %dma_start3A_317 = arith.constant 0 : i32
      %dma_start3A_318 = arith.constant 0 : i32
      %dma_start3A_319 = tpu.memref_slice %arg11[%dma_start3A_317, %dma_start3A_318] : memref<800x16xf32, #tpu.memory_space<vmem>> -> memref<650x16xf32, #tpu.memory_space<vmem>>
      tpu.enqueue_dma source(%dma_start3A_319 : memref<650x16xf32, #tpu.memory_space<vmem>>) target(%dma_start3A_316 : memref<650x16xf32, #tpu.memory_space<vmem_shared>>) target_semaphore(%run_scoped3A : memref<!tpu.dma_semaphore, #tpu.memory_space<semaphore_mem>>)
      %dma_wait3A_320 = arith.constant 0 : i32
      %dma_wait3A_321 = arith.constant 0 : i32
      %dma_wait3A_322 = tpu.memref_slice %arg11[%dma_wait3A_320, %dma_wait3A_321] : memref<800x16xf32, #tpu.memory_space<vmem>> -> memref<650x16xf32, #tpu.memory_space<vmem>>
      %dma_wait3A_323 = arith.constant 0 : i32
      %dma_wait3A_324 = tpu.memref_slice %arg13[%add3A_102, %dma_wait3A_323] : memref<100000x16xf32, #tpu.memory_space<vmem_shared>> -> memref<650x16xf32, #tpu.memory_space<vmem_shared>>
      %dma_wait3A_325 = arith.constant 0 : i32
      %dma_wait3A_326 = tpu.memref_slice %arg13[%add3A_102, %dma_wait3A_325] : memref<100000x16xf32, #tpu.memory_space<vmem_shared>> -> memref<650x16xf32, #tpu.memory_space<vmem_shared>>
      %dma_wait3A_327 = arith.constant 0 : i32
      %dma_wait3A_328 = arith.constant 0 : i32
      %dma_wait3A_329 = tpu.memref_slice %arg11[%dma_wait3A_327, %dma_wait3A_328] : memref<800x16xf32, #tpu.memory_space<vmem>> -> memref<650x16xf32, #tpu.memory_space<vmem>>
      tpu.wait_dma2 semaphore(%run_scoped3A : memref<!tpu.dma_semaphore, #tpu.memory_space<semaphore_mem>>) src(%dma_wait3A_329 : memref<650x16xf32, #tpu.memory_space<vmem>>) dst(%dma_wait3A_326 : memref<650x16xf32, #tpu.memory_space<vmem_shared>>)
      tpu.yield
    }) : () -> ()
    %barrier3A_103 = arith.constant 0 : index
    tpu.barrier barrier_id(%barrier3A_103)
    %dma_start3A_104 = tpu.memref_slice %arg3[%mul3A_2] : memref<3200000xi32, #tpu.memory_space<hbm>> -> memref<800xi32, #tpu.memory_space<hbm>>
    %dma_start3A_105 = tpu.memref_slice %arg3[%mul3A_2] : memref<3200000xi32, #tpu.memory_space<hbm>> -> memref<800xi32, #tpu.memory_space<hbm>>
    tpu.enqueue_dma source(%dma_start3A_105 : memref<800xi32, #tpu.memory_space<hbm>>) target(%arg5 : memref<800xi32, #tpu.memory_space<vmem>>) target_semaphore(%arg14 : memref<!tpu.dma_semaphore, #tpu.memory_space<semaphore_mem>>)
    %add3A_106 = arith.constant 1600000 : i32
    %add3A_107 = arith.addi %add3A_106, %mul3A_2 : i32
    %dma_start3A_108 = tpu.memref_slice %arg3[%add3A_107] : memref<3200000xi32, #tpu.memory_space<hbm>> -> memref<800xi32, #tpu.memory_space<hbm>>
    %dma_start3A_109 = tpu.memref_slice %arg3[%add3A_107] : memref<3200000xi32, #tpu.memory_space<hbm>> -> memref<800xi32, #tpu.memory_space<hbm>>
    tpu.enqueue_dma source(%dma_start3A_109 : memref<800xi32, #tpu.memory_space<hbm>>) target(%arg7 : memref<800xi32, #tpu.memory_space<vmem>>) target_semaphore(%arg14 : memref<!tpu.dma_semaphore, #tpu.memory_space<semaphore_mem>>)
    %dma_wait3A_110 = tpu.memref_slice %arg3[%mul3A_2] : memref<3200000xi32, #tpu.memory_space<hbm>> -> memref<800xi32, #tpu.memory_space<hbm>>
    %dma_wait3A_111 = tpu.memref_slice %arg3[%mul3A_2] : memref<3200000xi32, #tpu.memory_space<hbm>> -> memref<800xi32, #tpu.memory_space<hbm>>
    tpu.wait_dma2 semaphore(%arg14 : memref<!tpu.dma_semaphore, #tpu.memory_space<semaphore_mem>>) src(%dma_wait3A_111 : memref<800xi32, #tpu.memory_space<hbm>>) dst(%arg5 : memref<800xi32, #tpu.memory_space<vmem>>)
    %add3A_112 = arith.constant 1600000 : i32
    %add3A_113 = arith.addi %add3A_112, %mul3A_2 : i32
    %dma_wait3A_114 = tpu.memref_slice %arg3[%add3A_113] : memref<3200000xi32, #tpu.memory_space<hbm>> -> memref<800xi32, #tpu.memory_space<hbm>>
    %dma_wait3A_115 = tpu.memref_slice %arg3[%add3A_113] : memref<3200000xi32, #tpu.memory_space<hbm>> -> memref<800xi32, #tpu.memory_space<hbm>>
    tpu.wait_dma2 semaphore(%arg14 : memref<!tpu.dma_semaphore, #tpu.memory_space<semaphore_mem>>) src(%dma_wait3A_115 : memref<800xi32, #tpu.memory_space<hbm>>) dst(%arg7 : memref<800xi32, #tpu.memory_space<vmem>>)
    %scan3A_116 = arith.constant 0 : i32
    %scan3A_117 = arith.constant 0 : i32
    %scan3A_118 = arith.constant 50 : i32
    %scan3A_119 = arith.addi %scan3A_117, %scan3A_118 : i32
    %scan3A_120 = arith.constant 1 : i32
    %scan3A_121 = scf.for %scan3A_310 = %scan3A_117 to %scan3A_119 step %scan3A_120 iter_args(%scan3A_311 = %scan3A_116) -> (i32)  : i32 {
      %mul3A_312 = arith.constant 16 : i32
      %mul3A_313 = arith.muli %scan3A_310, %mul3A_312 : i32
      %get3A = arith.index_cast %mul3A_313 : i32 to index
      %get3A_314 = tpu.vector_load %arg5[%get3A] {strides = array<i32>} : memref<800xi32, #tpu.memory_space<vmem>>, vector<16xi32>,
      %get3A_315 = vector.shape_cast %get3A_314 : vector<16xi32> to vector<16xi32>
      %mul3A_316 = arith.constant 8 : i32
      %mul3A_317 = vector.broadcast %mul3A_316 : i32 to vector<16xi32>
      %mul3A_318 = arith.muli %get3A_315, %mul3A_317 : vector<16xi32>
      %add3A_319 = vector.broadcast %add3A_79 : i32 to vector<16xi32>
      %add3A_320 = arith.addi %mul3A_318, %add3A_319 : vector<16xi32>
      %mul3A_321 = arith.constant 16 : i32
      %mul3A_322 = arith.muli %scan3A_310, %mul3A_321 : i32
      %swap3A = arith.index_cast %mul3A_322 : i32 to index
      %swap3A_323 = tpu.vector_load %arg5[%swap3A] {strides = array<i32>} : memref<800xi32, #tpu.memory_space<vmem>>, vector<16xi32>,
      %swap3A_324 = vector.shape_cast %swap3A_323 : vector<16xi32> to vector<16xi32>
      %swap3A_325 = vector.shape_cast %add3A_320 : vector<16xi32> to vector<16xi32>
      tpu.vector_store %arg5[%swap3A], %swap3A_325 {strides = array<i32>} : memref<800xi32, #tpu.memory_space<vmem>>, vector<16xi32>,
      %scan3A_326 = arith.constant 0 : i32
      scf.yield %scan3A_326 : i32
    }
    %scan3A_122 = arith.constant 50 : i32
    %scan3A_123 = arith.constant 0 : i32
    %scan3A_124 = arith.constant 0 : i32
    %scan3A_125 = arith.constant 31 : i32
    %scan3A_126 = arith.addi %scan3A_124, %scan3A_125 : i32
    %scan3A_127 = arith.constant 1 : i32
    %scan3A_128 = scf.for %scan3A_310 = %scan3A_124 to %scan3A_126 step %scan3A_127 iter_args(%scan3A_311 = %scan3A_123) -> (i32)  : i32 {
      %mul3A_312 = arith.constant 4 : i32
      %mul3A_313 = arith.muli %mul3A_312, %scan3A_310 : i32
      %add3A_314 = arith.constant 0 : i32
      %add3A_315 = arith.addi %mul3A_313, %add3A_314 : i32
      %mul3A_316 = arith.constant 800 : i32
      %mul3A_317 = arith.muli %add3A_315, %mul3A_316 : i32
      %add3A_318 = arith.addi %mul3A_2, %mul3A_317 : i32
      %ge3A = arith.constant 2 : i32
      %ge3A_319 = arith.cmpi sge, %add3A_315, %ge3A : i32
      %convert_element_type3A = arith.extui %ge3A_319 : i1 to i32
      %cond3A = arith.constant 0 : i32
      %cond3A_320 = arith.cmpi ne, %convert_element_type3A, %cond3A : i32
      scf.if %cond3A_320 {
        %dma_wait3A_413 = arith.constant 0 : i32
        %dma_wait3A_414 = arith.constant 0 : i32
        %dma_wait3A_415 = tpu.memref_slice %arg13[%dma_wait3A_413, %dma_wait3A_414] : memref<100000x16xf32, #tpu.memory_space<vmem_shared>> -> memref<100000x16xf32, #tpu.memory_space<vmem_shared>>
        tpu.wait_indirect_dma semaphore(%arg16 : memref<!tpu.dma_semaphore, #tpu.memory_space<semaphore_mem>>) src(%arg11 : memref<800x16xf32, #tpu.memory_space<vmem>>) dst(%dma_wait3A_415 : memref<100000x16xf32, #tpu.memory_space<vmem_shared>>)
      } else {
      }
      %dma_start3A_321 = arith.constant 0 : i32
      %dma_start3A_322 = arith.constant 0 : i32
      %dma_start3A_323 = tpu.memref_slice %arg2[%dma_start3A_321, %dma_start3A_322] : memref<800000x16xf32, #tpu.memory_space<hbm>> -> memref<800000x16xf32, #tpu.memory_space<hbm>>
      tpu.enqueue_indirect_dma source(%dma_start3A_323 : memref<800000x16xf32, #tpu.memory_space<hbm>>) target(%arg11 : memref<800x16xf32, #tpu.memory_space<vmem>>) offsets(%arg5 : memref<800xi32, #tpu.memory_space<vmem>>) semaphore(%arg15 : memref<!tpu.dma_semaphore, #tpu.memory_space<semaphore_mem>>)
      %lt3A = arith.constant 124 : i32
      %lt3A_324 = arith.cmpi slt, %add3A_315, %lt3A : i32
      %convert_element_type3A_325 = arith.extui %lt3A_324 : i1 to i32
      %cond3A_326 = arith.constant 0 : i32
      %cond3A_327 = arith.cmpi ne, %convert_element_type3A_325, %cond3A_326 : i32
      scf.if %cond3A_327 {
        %add3A_413 = arith.constant 800 : i32
        %add3A_414 = arith.addi %add3A_318, %add3A_413 : i32
        %dma_start3A_415 = tpu.memref_slice %arg3[%add3A_414] : memref<3200000xi32, #tpu.memory_space<hbm>> -> memref<800xi32, #tpu.memory_space<hbm>>
        %dma_start3A_416 = tpu.memref_slice %arg3[%add3A_414] : memref<3200000xi32, #tpu.memory_space<hbm>> -> memref<800xi32, #tpu.memory_space<hbm>>
        tpu.enqueue_dma source(%dma_start3A_416 : memref<800xi32, #tpu.memory_space<hbm>>) target(%arg6 : memref<800xi32, #tpu.memory_space<vmem>>) target_semaphore(%arg14 : memref<!tpu.dma_semaphore, #tpu.memory_space<semaphore_mem>>)
        %add3A_417 = arith.constant 1600000 : i32
        %add3A_418 = arith.addi %add3A_417, %add3A_414 : i32
        %dma_start3A_419 = tpu.memref_slice %arg3[%add3A_418] : memref<3200000xi32, #tpu.memory_space<hbm>> -> memref<800xi32, #tpu.memory_space<hbm>>
        %dma_start3A_420 = tpu.memref_slice %arg3[%add3A_418] : memref<3200000xi32, #tpu.memory_space<hbm>> -> memref<800xi32, #tpu.memory_space<hbm>>
        tpu.enqueue_dma source(%dma_start3A_420 : memref<800xi32, #tpu.memory_space<hbm>>) target(%arg8 : memref<800xi32, #tpu.memory_space<vmem>>) target_semaphore(%arg14 : memref<!tpu.dma_semaphore, #tpu.memory_space<semaphore_mem>>)
        %dma_wait3A_421 = tpu.memref_slice %arg3[%add3A_414] : memref<3200000xi32, #tpu.memory_space<hbm>> -> memref<800xi32, #tpu.memory_space<hbm>>
        %dma_wait3A_422 = tpu.memref_slice %arg3[%add3A_414] : memref<3200000xi32, #tpu.memory_space<hbm>> -> memref<800xi32, #tpu.memory_space<hbm>>
        tpu.wait_dma2 semaphore(%arg14 : memref<!tpu.dma_semaphore, #tpu.memory_space<semaphore_mem>>) src(%dma_wait3A_422 : memref<800xi32, #tpu.memory_space<hbm>>) dst(%arg6 : memref<800xi32, #tpu.memory_space<vmem>>)
        %add3A_423 = arith.constant 1600000 : i32
        %add3A_424 = arith.addi %add3A_423, %add3A_414 : i32
        %dma_wait3A_425 = tpu.memref_slice %arg3[%add3A_424] : memref<3200000xi32, #tpu.memory_space<hbm>> -> memref<800xi32, #tpu.memory_space<hbm>>
        %dma_wait3A_426 = tpu.memref_slice %arg3[%add3A_424] : memref<3200000xi32, #tpu.memory_space<hbm>> -> memref<800xi32, #tpu.memory_space<hbm>>
        tpu.wait_dma2 semaphore(%arg14 : memref<!tpu.dma_semaphore, #tpu.memory_space<semaphore_mem>>) src(%dma_wait3A_426 : memref<800xi32, #tpu.memory_space<hbm>>) dst(%arg8 : memref<800xi32, #tpu.memory_space<vmem>>)
        %scan3A_427 = arith.constant 0 : i32
        %scan3A_428 = arith.constant 0 : i32
        %scan3A_429 = arith.constant 50 : i32
        %scan3A_430 = arith.addi %scan3A_428, %scan3A_429 : i32
        %scan3A_431 = arith.constant 1 : i32
        %scan3A_432 = scf.for %scan3A_434 = %scan3A_428 to %scan3A_430 step %scan3A_431 iter_args(%scan3A_435 = %scan3A_427) -> (i32)  : i32 {
          %mul3A_436 = arith.constant 16 : i32
          %mul3A_437 = arith.muli %scan3A_434, %mul3A_436 : i32
          %get3A = arith.index_cast %mul3A_437 : i32 to index
          %get3A_438 = tpu.vector_load %arg6[%get3A] {strides = array<i32>} : memref<800xi32, #tpu.memory_space<vmem>>, vector<16xi32>,
          %get3A_439 = vector.shape_cast %get3A_438 : vector<16xi32> to vector<16xi32>
          %mul3A_440 = arith.constant 8 : i32
          %mul3A_441 = vector.broadcast %mul3A_440 : i32 to vector<16xi32>
          %mul3A_442 = arith.muli %get3A_439, %mul3A_441 : vector<16xi32>
          %add3A_443 = vector.broadcast %add3A_79 : i32 to vector<16xi32>
          %add3A_444 = arith.addi %mul3A_442, %add3A_443 : vector<16xi32>
          %mul3A_445 = arith.constant 16 : i32
          %mul3A_446 = arith.muli %scan3A_434, %mul3A_445 : i32
          %swap3A = arith.index_cast %mul3A_446 : i32 to index
          %swap3A_447 = tpu.vector_load %arg6[%swap3A] {strides = array<i32>} : memref<800xi32, #tpu.memory_space<vmem>>, vector<16xi32>,
          %swap3A_448 = vector.shape_cast %swap3A_447 : vector<16xi32> to vector<16xi32>
          %swap3A_449 = vector.shape_cast %add3A_444 : vector<16xi32> to vector<16xi32>
          tpu.vector_store %arg6[%swap3A], %swap3A_449 {strides = array<i32>} : memref<800xi32, #tpu.memory_space<vmem>>, vector<16xi32>,
          %scan3A_450 = arith.constant 0 : i32
          scf.yield %scan3A_450 : i32
        }
        %scan3A_433 = arith.constant 50 : i32
      } else {
      }
      %dma_wait3A_328 = arith.constant 0 : i32
      %dma_wait3A_329 = arith.constant 0 : i32
      %dma_wait3A_330 = tpu.memref_slice %arg2[%dma_wait3A_328, %dma_wait3A_329] : memref<800000x16xf32, #tpu.memory_space<hbm>> -> memref<800000x16xf32, #tpu.memory_space<hbm>>
      tpu.wait_indirect_dma semaphore(%arg15 : memref<!tpu.dma_semaphore, #tpu.memory_space<semaphore_mem>>) src(%dma_wait3A_330 : memref<800000x16xf32, #tpu.memory_space<hbm>>) dst(%arg11 : memref<800x16xf32, #tpu.memory_space<vmem>>)
      %dma_start3A_331 = arith.constant 0 : i32
      %dma_start3A_332 = arith.constant 0 : i32
      %dma_start3A_333 = tpu.memref_slice %arg13[%dma_start3A_331, %dma_start3A_332] : memref<100000x16xf32, #tpu.memory_space<vmem_shared>> -> memref<100000x16xf32, #tpu.memory_space<vmem_shared>>
      tpu.enqueue_indirect_dma source(%arg11 : memref<800x16xf32, #tpu.memory_space<vmem>>) target(%dma_start3A_333 : memref<100000x16xf32, #tpu.memory_space<vmem_shared>>) offsets(%arg7 : memref<800xi32, #tpu.memory_space<vmem>>) semaphore(%arg16 : memref<!tpu.dma_semaphore, #tpu.memory_space<semaphore_mem>>) {add = true}
      %mul3A_334 = arith.constant 4 : i32
      %mul3A_335 = arith.muli %mul3A_334, %scan3A_310 : i32
      %add3A_336 = arith.constant 1 : i32
      %add3A_337 = arith.addi %mul3A_335, %add3A_336 : i32
      %mul3A_338 = arith.constant 800 : i32
      %mul3A_339 = arith.muli %add3A_337, %mul3A_338 : i32
      %add3A_340 = arith.addi %mul3A_2, %mul3A_339 : i32
      %ge3A_341 = arith.constant 2 : i32
      %ge3A_342 = arith.cmpi sge, %add3A_337, %ge3A_341 : i32
      %convert_element_type3A_343 = arith.extui %ge3A_342 : i1 to i32
      %cond3A_344 = arith.constant 0 : i32
      %cond3A_345 = arith.cmpi ne, %convert_element_type3A_343, %cond3A_344 : i32
      scf.if %cond3A_345 {
        %dma_wait3A_413 = arith.constant 0 : i32
        %dma_wait3A_414 = arith.constant 0 : i32
        %dma_wait3A_415 = tpu.memref_slice %arg13[%dma_wait3A_413, %dma_wait3A_414] : memref<100000x16xf32, #tpu.memory_space<vmem_shared>> -> memref<100000x16xf32, #tpu.memory_space<vmem_shared>>
        tpu.wait_indirect_dma semaphore(%arg17 : memref<!tpu.dma_semaphore, #tpu.memory_space<semaphore_mem>>) src(%arg12 : memref<800x16xf32, #tpu.memory_space<vmem>>) dst(%dma_wait3A_415 : memref<100000x16xf32, #tpu.memory_space<vmem_shared>>)
      } else {
      }
      %dma_start3A_346 = arith.constant 0 : i32
      %dma_start3A_347 = arith.constant 0 : i32
      %dma_start3A_348 = tpu.memref_slice %arg2[%dma_start3A_346, %dma_start3A_347] : memref<800000x16xf32, #tpu.memory_space<hbm>> -> memref<800000x16xf32, #tpu.memory_space<hbm>>
      tpu.enqueue_indirect_dma source(%dma_start3A_348 : memref<800000x16xf32, #tpu.memory_space<hbm>>) target(%arg12 : memref<800x16xf32, #tpu.memory_space<vmem>>) offsets(%arg6 : memref<800xi32, #tpu.memory_space<vmem>>) semaphore(%arg15 : memref<!tpu.dma_semaphore, #tpu.memory_space<semaphore_mem>>)
      %lt3A_349 = arith.constant 124 : i32
      %lt3A_350 = arith.cmpi slt, %add3A_337, %lt3A_349 : i32
      %convert_element_type3A_351 = arith.extui %lt3A_350 : i1 to i32
      %cond3A_352 = arith.constant 0 : i32
      %cond3A_353 = arith.cmpi ne, %convert_element_type3A_351, %cond3A_352 : i32
      scf.if %cond3A_353 {
        %add3A_413 = arith.constant 800 : i32
        %add3A_414 = arith.addi %add3A_340, %add3A_413 : i32
        %dma_start3A_415 = tpu.memref_slice %arg3[%add3A_414] : memref<3200000xi32, #tpu.memory_space<hbm>> -> memref<800xi32, #tpu.memory_space<hbm>>
        %dma_start3A_416 = tpu.memref_slice %arg3[%add3A_414] : memref<3200000xi32, #tpu.memory_space<hbm>> -> memref<800xi32, #tpu.memory_space<hbm>>
        tpu.enqueue_dma source(%dma_start3A_416 : memref<800xi32, #tpu.memory_space<hbm>>) target(%arg5 : memref<800xi32, #tpu.memory_space<vmem>>) target_semaphore(%arg14 : memref<!tpu.dma_semaphore, #tpu.memory_space<semaphore_mem>>)
        %add3A_417 = arith.constant 1600000 : i32
        %add3A_418 = arith.addi %add3A_417, %add3A_414 : i32
        %dma_start3A_419 = tpu.memref_slice %arg3[%add3A_418] : memref<3200000xi32, #tpu.memory_space<hbm>> -> memref<800xi32, #tpu.memory_space<hbm>>
        %dma_start3A_420 = tpu.memref_slice %arg3[%add3A_418] : memref<3200000xi32, #tpu.memory_space<hbm>> -> memref<800xi32, #tpu.memory_space<hbm>>
        tpu.enqueue_dma source(%dma_start3A_420 : memref<800xi32, #tpu.memory_space<hbm>>) target(%arg9 : memref<800xi32, #tpu.memory_space<vmem>>) target_semaphore(%arg14 : memref<!tpu.dma_semaphore, #tpu.memory_space<semaphore_mem>>)
        %dma_wait3A_421 = tpu.memref_slice %arg3[%add3A_414] : memref<3200000xi32, #tpu.memory_space<hbm>> -> memref<800xi32, #tpu.memory_space<hbm>>
        %dma_wait3A_422 = tpu.memref_slice %arg3[%add3A_414] : memref<3200000xi32, #tpu.memory_space<hbm>> -> memref<800xi32, #tpu.memory_space<hbm>>
        tpu.wait_dma2 semaphore(%arg14 : memref<!tpu.dma_semaphore, #tpu.memory_space<semaphore_mem>>) src(%dma_wait3A_422 : memref<800xi32, #tpu.memory_space<hbm>>) dst(%arg5 : memref<800xi32, #tpu.memory_space<vmem>>)
        %add3A_423 = arith.constant 1600000 : i32
        %add3A_424 = arith.addi %add3A_423, %add3A_414 : i32
        %dma_wait3A_425 = tpu.memref_slice %arg3[%add3A_424] : memref<3200000xi32, #tpu.memory_space<hbm>> -> memref<800xi32, #tpu.memory_space<hbm>>
        %dma_wait3A_426 = tpu.memref_slice %arg3[%add3A_424] : memref<3200000xi32, #tpu.memory_space<hbm>> -> memref<800xi32, #tpu.memory_space<hbm>>
        tpu.wait_dma2 semaphore(%arg14 : memref<!tpu.dma_semaphore, #tpu.memory_space<semaphore_mem>>) src(%dma_wait3A_426 : memref<800xi32, #tpu.memory_space<hbm>>) dst(%arg9 : memref<800xi32, #tpu.memory_space<vmem>>)
        %scan3A_427 = arith.constant 0 : i32
        %scan3A_428 = arith.constant 0 : i32
        %scan3A_429 = arith.constant 50 : i32
        %scan3A_430 = arith.addi %scan3A_428, %scan3A_429 : i32
        %scan3A_431 = arith.constant 1 : i32
        %scan3A_432 = scf.for %scan3A_434 = %scan3A_428 to %scan3A_430 step %scan3A_431 iter_args(%scan3A_435 = %scan3A_427) -> (i32)  : i32 {
          %mul3A_436 = arith.constant 16 : i32
          %mul3A_437 = arith.muli %scan3A_434, %mul3A_436 : i32
          %get3A = arith.index_cast %mul3A_437 : i32 to index
          %get3A_438 = tpu.vector_load %arg5[%get3A] {strides = array<i32>} : memref<800xi32, #tpu.memory_space<vmem>>, vector<16xi32>,
          %get3A_439 = vector.shape_cast %get3A_438 : vector<16xi32> to vector<16xi32>
          %mul3A_440 = arith.constant 8 : i32
          %mul3A_441 = vector.broadcast %mul3A_440 : i32 to vector<16xi32>
          %mul3A_442 = arith.muli %get3A_439, %mul3A_441 : vector<16xi32>
          %add3A_443 = vector.broadcast %add3A_79 : i32 to vector<16xi32>
          %add3A_444 = arith.addi %mul3A_442, %add3A_443 : vector<16xi32>
          %mul3A_445 = arith.constant 16 : i32
          %mul3A_446 = arith.muli %scan3A_434, %mul3A_445 : i32
          %swap3A = arith.index_cast %mul3A_446 : i32 to index
          %swap3A_447 = tpu.vector_load %arg5[%swap3A] {strides = array<i32>} : memref<800xi32, #tpu.memory_space<vmem>>, vector<16xi32>,
          %swap3A_448 = vector.shape_cast %swap3A_447 : vector<16xi32> to vector<16xi32>
          %swap3A_449 = vector.shape_cast %add3A_444 : vector<16xi32> to vector<16xi32>
          tpu.vector_store %arg5[%swap3A], %swap3A_449 {strides = array<i32>} : memref<800xi32, #tpu.memory_space<vmem>>, vector<16xi32>,
          %scan3A_450 = arith.constant 0 : i32
          scf.yield %scan3A_450 : i32
        }
        %scan3A_433 = arith.constant 50 : i32
      } else {
      }
      %dma_wait3A_354 = arith.constant 0 : i32
      %dma_wait3A_355 = arith.constant 0 : i32
      %dma_wait3A_356 = tpu.memref_slice %arg2[%dma_wait3A_354, %dma_wait3A_355] : memref<800000x16xf32, #tpu.memory_space<hbm>> -> memref<800000x16xf32, #tpu.memory_space<hbm>>
      tpu.wait_indirect_dma semaphore(%arg15 : memref<!tpu.dma_semaphore, #tpu.memory_space<semaphore_mem>>) src(%dma_wait3A_356 : memref<800000x16xf32, #tpu.memory_space<hbm>>) dst(%arg12 : memref<800x16xf32, #tpu.memory_space<vmem>>)
      %dma_start3A_357 = arith.constant 0 : i32
      %dma_start3A_358 = arith.constant 0 : i32
      %dma_start3A_359 = tpu.memref_slice %arg13[%dma_start3A_357, %dma_start3A_358] : memref<100000x16xf32, #tpu.memory_space<vmem_shared>> -> memref<100000x16xf32, #tpu.memory_space<vmem_shared>>
      tpu.enqueue_indirect_dma source(%arg12 : memref<800x16xf32, #tpu.memory_space<vmem>>) target(%dma_start3A_359 : memref<100000x16xf32, #tpu.memory_space<vmem_shared>>) offsets(%arg8 : memref<800xi32, #tpu.memory_space<vmem>>) semaphore(%arg17 : memref<!tpu.dma_semaphore, #tpu.memory_space<semaphore_mem>>) {add = true}
      %mul3A_360 = arith.constant 4 : i32
      %mul3A_361 = arith.muli %mul3A_360, %scan3A_310 : i32
      %add3A_362 = arith.constant 2 : i32
      %add3A_363 = arith.addi %mul3A_361, %add3A_362 : i32
      %mul3A_364 = arith.constant 800 : i32
      %mul3A_365 = arith.muli %add3A_363, %mul3A_364 : i32
      %add3A_366 = arith.addi %mul3A_2, %mul3A_365 : i32
      %ge3A_367 = arith.constant 2 : i32
      %ge3A_368 = arith.cmpi sge, %add3A_363, %ge3A_367 : i32
      %convert_element_type3A_369 = arith.extui %ge3A_368 : i1 to i32
      %cond3A_370 = arith.constant 0 : i32
      %cond3A_371 = arith.cmpi ne, %convert_element_type3A_369, %cond3A_370 : i32
      scf.if %cond3A_371 {
        %dma_wait3A_413 = arith.constant 0 : i32
        %dma_wait3A_414 = arith.constant 0 : i32
        %dma_wait3A_415 = tpu.memref_slice %arg13[%dma_wait3A_413, %dma_wait3A_414] : memref<100000x16xf32, #tpu.memory_space<vmem_shared>> -> memref<100000x16xf32, #tpu.memory_space<vmem_shared>>
        tpu.wait_indirect_dma semaphore(%arg16 : memref<!tpu.dma_semaphore, #tpu.memory_space<semaphore_mem>>) src(%arg11 : memref<800x16xf32, #tpu.memory_space<vmem>>) dst(%dma_wait3A_415 : memref<100000x16xf32, #tpu.memory_space<vmem_shared>>)
      } else {
      }
      %dma_start3A_372 = arith.constant 0 : i32
      %dma_start3A_373 = arith.constant 0 : i32
      %dma_start3A_374 = tpu.memref_slice %arg2[%dma_start3A_372, %dma_start3A_373] : memref<800000x16xf32, #tpu.memory_space<hbm>> -> memref<800000x16xf32, #tpu.memory_space<hbm>>
      tpu.enqueue_indirect_dma source(%dma_start3A_374 : memref<800000x16xf32, #tpu.memory_space<hbm>>) target(%arg11 : memref<800x16xf32, #tpu.memory_space<vmem>>) offsets(%arg5 : memref<800xi32, #tpu.memory_space<vmem>>) semaphore(%arg15 : memref<!tpu.dma_semaphore, #tpu.memory_space<semaphore_mem>>)
      %lt3A_375 = arith.constant 124 : i32
      %lt3A_376 = arith.cmpi slt, %add3A_363, %lt3A_375 : i32
      %convert_element_type3A_377 = arith.extui %lt3A_376 : i1 to i32
      %cond3A_378 = arith.constant 0 : i32
      %cond3A_379 = arith.cmpi ne, %convert_element_type3A_377, %cond3A_378 : i32
      scf.if %cond3A_379 {
        %add3A_413 = arith.constant 800 : i32
        %add3A_414 = arith.addi %add3A_366, %add3A_413 : i32
        %dma_start3A_415 = tpu.memref_slice %arg3[%add3A_414] : memref<3200000xi32, #tpu.memory_space<hbm>> -> memref<800xi32, #tpu.memory_space<hbm>>
        %dma_start3A_416 = tpu.memref_slice %arg3[%add3A_414] : memref<3200000xi32, #tpu.memory_space<hbm>> -> memref<800xi32, #tpu.memory_space<hbm>>
        tpu.enqueue_dma source(%dma_start3A_416 : memref<800xi32, #tpu.memory_space<hbm>>) target(%arg6 : memref<800xi32, #tpu.memory_space<vmem>>) target_semaphore(%arg14 : memref<!tpu.dma_semaphore, #tpu.memory_space<semaphore_mem>>)
        %add3A_417 = arith.constant 1600000 : i32
        %add3A_418 = arith.addi %add3A_417, %add3A_414 : i32
        %dma_start3A_419 = tpu.memref_slice %arg3[%add3A_418] : memref<3200000xi32, #tpu.memory_space<hbm>> -> memref<800xi32, #tpu.memory_space<hbm>>
        %dma_start3A_420 = tpu.memref_slice %arg3[%add3A_418] : memref<3200000xi32, #tpu.memory_space<hbm>> -> memref<800xi32, #tpu.memory_space<hbm>>
        tpu.enqueue_dma source(%dma_start3A_420 : memref<800xi32, #tpu.memory_space<hbm>>) target(%arg10 : memref<800xi32, #tpu.memory_space<vmem>>) target_semaphore(%arg14 : memref<!tpu.dma_semaphore, #tpu.memory_space<semaphore_mem>>)
        %dma_wait3A_421 = tpu.memref_slice %arg3[%add3A_414] : memref<3200000xi32, #tpu.memory_space<hbm>> -> memref<800xi32, #tpu.memory_space<hbm>>
        %dma_wait3A_422 = tpu.memref_slice %arg3[%add3A_414] : memref<3200000xi32, #tpu.memory_space<hbm>> -> memref<800xi32, #tpu.memory_space<hbm>>
        tpu.wait_dma2 semaphore(%arg14 : memref<!tpu.dma_semaphore, #tpu.memory_space<semaphore_mem>>) src(%dma_wait3A_422 : memref<800xi32, #tpu.memory_space<hbm>>) dst(%arg6 : memref<800xi32, #tpu.memory_space<vmem>>)
        %add3A_423 = arith.constant 1600000 : i32
        %add3A_424 = arith.addi %add3A_423, %add3A_414 : i32
        %dma_wait3A_425 = tpu.memref_slice %arg3[%add3A_424] : memref<3200000xi32, #tpu.memory_space<hbm>> -> memref<800xi32, #tpu.memory_space<hbm>>
        %dma_wait3A_426 = tpu.memref_slice %arg3[%add3A_424] : memref<3200000xi32, #tpu.memory_space<hbm>> -> memref<800xi32, #tpu.memory_space<hbm>>
        tpu.wait_dma2 semaphore(%arg14 : memref<!tpu.dma_semaphore, #tpu.memory_space<semaphore_mem>>) src(%dma_wait3A_426 : memref<800xi32, #tpu.memory_space<hbm>>) dst(%arg10 : memref<800xi32, #tpu.memory_space<vmem>>)
        %scan3A_427 = arith.constant 0 : i32
        %scan3A_428 = arith.constant 0 : i32
        %scan3A_429 = arith.constant 50 : i32
        %scan3A_430 = arith.addi %scan3A_428, %scan3A_429 : i32
        %scan3A_431 = arith.constant 1 : i32
        %scan3A_432 = scf.for %scan3A_434 = %scan3A_428 to %scan3A_430 step %scan3A_431 iter_args(%scan3A_435 = %scan3A_427) -> (i32)  : i32 {
          %mul3A_436 = arith.constant 16 : i32
          %mul3A_437 = arith.muli %scan3A_434, %mul3A_436 : i32
          %get3A = arith.index_cast %mul3A_437 : i32 to index
          %get3A_438 = tpu.vector_load %arg6[%get3A] {strides = array<i32>} : memref<800xi32, #tpu.memory_space<vmem>>, vector<16xi32>,
          %get3A_439 = vector.shape_cast %get3A_438 : vector<16xi32> to vector<16xi32>
          %mul3A_440 = arith.constant 8 : i32
          %mul3A_441 = vector.broadcast %mul3A_440 : i32 to vector<16xi32>
          %mul3A_442 = arith.muli %get3A_439, %mul3A_441 : vector<16xi32>
          %add3A_443 = vector.broadcast %add3A_79 : i32 to vector<16xi32>
          %add3A_444 = arith.addi %mul3A_442, %add3A_443 : vector<16xi32>
          %mul3A_445 = arith.constant 16 : i32
          %mul3A_446 = arith.muli %scan3A_434, %mul3A_445 : i32
          %swap3A = arith.index_cast %mul3A_446 : i32 to index
          %swap3A_447 = tpu.vector_load %arg6[%swap3A] {strides = array<i32>} : memref<800xi32, #tpu.memory_space<vmem>>, vector<16xi32>,
          %swap3A_448 = vector.shape_cast %swap3A_447 : vector<16xi32> to vector<16xi32>
          %swap3A_449 = vector.shape_cast %add3A_444 : vector<16xi32> to vector<16xi32>
          tpu.vector_store %arg6[%swap3A], %swap3A_449 {strides = array<i32>} : memref<800xi32, #tpu.memory_space<vmem>>, vector<16xi32>,
          %scan3A_450 = arith.constant 0 : i32
          scf.yield %scan3A_450 : i32
        }
        %scan3A_433 = arith.constant 50 : i32
      } else {
      }
      %dma_wait3A_380 = arith.constant 0 : i32
      %dma_wait3A_381 = arith.constant 0 : i32
      %dma_wait3A_382 = tpu.memref_slice %arg2[%dma_wait3A_380, %dma_wait3A_381] : memref<800000x16xf32, #tpu.memory_space<hbm>> -> memref<800000x16xf32, #tpu.memory_space<hbm>>
      tpu.wait_indirect_dma semaphore(%arg15 : memref<!tpu.dma_semaphore, #tpu.memory_space<semaphore_mem>>) src(%dma_wait3A_382 : memref<800000x16xf32, #tpu.memory_space<hbm>>) dst(%arg11 : memref<800x16xf32, #tpu.memory_space<vmem>>)
      %dma_start3A_383 = arith.constant 0 : i32
      %dma_start3A_384 = arith.constant 0 : i32
      %dma_start3A_385 = tpu.memref_slice %arg13[%dma_start3A_383, %dma_start3A_384] : memref<100000x16xf32, #tpu.memory_space<vmem_shared>> -> memref<100000x16xf32, #tpu.memory_space<vmem_shared>>
      tpu.enqueue_indirect_dma source(%arg11 : memref<800x16xf32, #tpu.memory_space<vmem>>) target(%dma_start3A_385 : memref<100000x16xf32, #tpu.memory_space<vmem_shared>>) offsets(%arg9 : memref<800xi32, #tpu.memory_space<vmem>>) semaphore(%arg16 : memref<!tpu.dma_semaphore, #tpu.memory_space<semaphore_mem>>) {add = true}
      %mul3A_386 = arith.constant 4 : i32
      %mul3A_387 = arith.muli %mul3A_386, %scan3A_310 : i32
      %add3A_388 = arith.constant 3 : i32
      %add3A_389 = arith.addi %mul3A_387, %add3A_388 : i32
      %mul3A_390 = arith.constant 800 : i32
      %mul3A_391 = arith.muli %add3A_389, %mul3A_390 : i32
      %add3A_392 = arith.addi %mul3A_2, %mul3A_391 : i32
      %ge3A_393 = arith.constant 2 : i32
      %ge3A_394 = arith.cmpi sge, %add3A_389, %ge3A_393 : i32
      %convert_element_type3A_395 = arith.extui %ge3A_394 : i1 to i32
      %cond3A_396 = arith.constant 0 : i32
      %cond3A_397 = arith.cmpi ne, %convert_element_type3A_395, %cond3A_396 : i32
      scf.if %cond3A_397 {
        %dma_wait3A_413 = arith.constant 0 : i32
        %dma_wait3A_414 = arith.constant 0 : i32
        %dma_wait3A_415 = tpu.memref_slice %arg13[%dma_wait3A_413, %dma_wait3A_414] : memref<100000x16xf32, #tpu.memory_space<vmem_shared>> -> memref<100000x16xf32, #tpu.memory_space<vmem_shared>>
        tpu.wait_indirect_dma semaphore(%arg17 : memref<!tpu.dma_semaphore, #tpu.memory_space<semaphore_mem>>) src(%arg12 : memref<800x16xf32, #tpu.memory_space<vmem>>) dst(%dma_wait3A_415 : memref<100000x16xf32, #tpu.memory_space<vmem_shared>>)
      } else {
      }
      %dma_start3A_398 = arith.constant 0 : i32
      %dma_start3A_399 = arith.constant 0 : i32
      %dma_start3A_400 = tpu.memref_slice %arg2[%dma_start3A_398, %dma_start3A_399] : memref<800000x16xf32, #tpu.memory_space<hbm>> -> memref<800000x16xf32, #tpu.memory_space<hbm>>
      tpu.enqueue_indirect_dma source(%dma_start3A_400 : memref<800000x16xf32, #tpu.memory_space<hbm>>) target(%arg12 : memref<800x16xf32, #tpu.memory_space<vmem>>) offsets(%arg6 : memref<800xi32, #tpu.memory_space<vmem>>) semaphore(%arg15 : memref<!tpu.dma_semaphore, #tpu.memory_space<semaphore_mem>>)
      %lt3A_401 = arith.constant 124 : i32
      %lt3A_402 = arith.cmpi slt, %add3A_389, %lt3A_401 : i32
      %convert_element_type3A_403 = arith.extui %lt3A_402 : i1 to i32
      %cond3A_404 = arith.constant 0 : i32
      %cond3A_405 = arith.cmpi ne, %convert_element_type3A_403, %cond3A_404 : i32
      scf.if %cond3A_405 {
        %add3A_413 = arith.constant 800 : i32
        %add3A_414 = arith.addi %add3A_392, %add3A_413 : i32
        %dma_start3A_415 = tpu.memref_slice %arg3[%add3A_414] : memref<3200000xi32, #tpu.memory_space<hbm>> -> memref<800xi32, #tpu.memory_space<hbm>>
        %dma_start3A_416 = tpu.memref_slice %arg3[%add3A_414] : memref<3200000xi32, #tpu.memory_space<hbm>> -> memref<800xi32, #tpu.memory_space<hbm>>
        tpu.enqueue_dma source(%dma_start3A_416 : memref<800xi32, #tpu.memory_space<hbm>>) target(%arg5 : memref<800xi32, #tpu.memory_space<vmem>>) target_semaphore(%arg14 : memref<!tpu.dma_semaphore, #tpu.memory_space<semaphore_mem>>)
        %add3A_417 = arith.constant 1600000 : i32
        %add3A_418 = arith.addi %add3A_417, %add3A_414 : i32
        %dma_start3A_419 = tpu.memref_slice %arg3[%add3A_418] : memref<3200000xi32, #tpu.memory_space<hbm>> -> memref<800xi32, #tpu.memory_space<hbm>>
        %dma_start3A_420 = tpu.memref_slice %arg3[%add3A_418] : memref<3200000xi32, #tpu.memory_space<hbm>> -> memref<800xi32, #tpu.memory_space<hbm>>
        tpu.enqueue_dma source(%dma_start3A_420 : memref<800xi32, #tpu.memory_space<hbm>>) target(%arg7 : memref<800xi32, #tpu.memory_space<vmem>>) target_semaphore(%arg14 : memref<!tpu.dma_semaphore, #tpu.memory_space<semaphore_mem>>)
        %dma_wait3A_421 = tpu.memref_slice %arg3[%add3A_414] : memref<3200000xi32, #tpu.memory_space<hbm>> -> memref<800xi32, #tpu.memory_space<hbm>>
        %dma_wait3A_422 = tpu.memref_slice %arg3[%add3A_414] : memref<3200000xi32, #tpu.memory_space<hbm>> -> memref<800xi32, #tpu.memory_space<hbm>>
        tpu.wait_dma2 semaphore(%arg14 : memref<!tpu.dma_semaphore, #tpu.memory_space<semaphore_mem>>) src(%dma_wait3A_422 : memref<800xi32, #tpu.memory_space<hbm>>) dst(%arg5 : memref<800xi32, #tpu.memory_space<vmem>>)
        %add3A_423 = arith.constant 1600000 : i32
        %add3A_424 = arith.addi %add3A_423, %add3A_414 : i32
        %dma_wait3A_425 = tpu.memref_slice %arg3[%add3A_424] : memref<3200000xi32, #tpu.memory_space<hbm>> -> memref<800xi32, #tpu.memory_space<hbm>>
        %dma_wait3A_426 = tpu.memref_slice %arg3[%add3A_424] : memref<3200000xi32, #tpu.memory_space<hbm>> -> memref<800xi32, #tpu.memory_space<hbm>>
        tpu.wait_dma2 semaphore(%arg14 : memref<!tpu.dma_semaphore, #tpu.memory_space<semaphore_mem>>) src(%dma_wait3A_426 : memref<800xi32, #tpu.memory_space<hbm>>) dst(%arg7 : memref<800xi32, #tpu.memory_space<vmem>>)
        %scan3A_427 = arith.constant 0 : i32
        %scan3A_428 = arith.constant 0 : i32
        %scan3A_429 = arith.constant 50 : i32
        %scan3A_430 = arith.addi %scan3A_428, %scan3A_429 : i32
        %scan3A_431 = arith.constant 1 : i32
        %scan3A_432 = scf.for %scan3A_434 = %scan3A_428 to %scan3A_430 step %scan3A_431 iter_args(%scan3A_435 = %scan3A_427) -> (i32)  : i32 {
          %mul3A_436 = arith.constant 16 : i32
          %mul3A_437 = arith.muli %scan3A_434, %mul3A_436 : i32
          %get3A = arith.index_cast %mul3A_437 : i32 to index
          %get3A_438 = tpu.vector_load %arg5[%get3A] {strides = array<i32>} : memref<800xi32, #tpu.memory_space<vmem>>, vector<16xi32>,
          %get3A_439 = vector.shape_cast %get3A_438 : vector<16xi32> to vector<16xi32>
          %mul3A_440 = arith.constant 8 : i32
          %mul3A_441 = vector.broadcast %mul3A_440 : i32 to vector<16xi32>
          %mul3A_442 = arith.muli %get3A_439, %mul3A_441 : vector<16xi32>
          %add3A_443 = vector.broadcast %add3A_79 : i32 to vector<16xi32>
          %add3A_444 = arith.addi %mul3A_442, %add3A_443 : vector<16xi32>
          %mul3A_445 = arith.constant 16 : i32
          %mul3A_446 = arith.muli %scan3A_434, %mul3A_445 : i32
          %swap3A = arith.index_cast %mul3A_446 : i32 to index
          %swap3A_447 = tpu.vector_load %arg5[%swap3A] {strides = array<i32>} : memref<800xi32, #tpu.memory_space<vmem>>, vector<16xi32>,
          %swap3A_448 = vector.shape_cast %swap3A_447 : vector<16xi32> to vector<16xi32>
          %swap3A_449 = vector.shape_cast %add3A_444 : vector<16xi32> to vector<16xi32>
          tpu.vector_store %arg5[%swap3A], %swap3A_449 {strides = array<i32>} : memref<800xi32, #tpu.memory_space<vmem>>, vector<16xi32>,
          %scan3A_450 = arith.constant 0 : i32
          scf.yield %scan3A_450 : i32
        }
        %scan3A_433 = arith.constant 50 : i32
      } else {
      }
      %dma_wait3A_406 = arith.constant 0 : i32
      %dma_wait3A_407 = arith.constant 0 : i32
      %dma_wait3A_408 = tpu.memref_slice %arg2[%dma_wait3A_406, %dma_wait3A_407] : memref<800000x16xf32, #tpu.memory_space<hbm>> -> memref<800000x16xf32, #tpu.memory_space<hbm>>
      tpu.wait_indirect_dma semaphore(%arg15 : memref<!tpu.dma_semaphore, #tpu.memory_space<semaphore_mem>>) src(%dma_wait3A_408 : memref<800000x16xf32, #tpu.memory_space<hbm>>) dst(%arg12 : memref<800x16xf32, #tpu.memory_space<vmem>>)
      %dma_start3A_409 = arith.constant 0 : i32
      %dma_start3A_410 = arith.constant 0 : i32
      %dma_start3A_411 = tpu.memref_slice %arg13[%dma_start3A_409, %dma_start3A_410] : memref<100000x16xf32, #tpu.memory_space<vmem_shared>> -> memref<100000x16xf32, #tpu.memory_space<vmem_shared>>
      tpu.enqueue_indirect_dma source(%arg12 : memref<800x16xf32, #tpu.memory_space<vmem>>) target(%dma_start3A_411 : memref<100000x16xf32, #tpu.memory_space<vmem_shared>>) offsets(%arg10 : memref<800xi32, #tpu.memory_space<vmem>>) semaphore(%arg17 : memref<!tpu.dma_semaphore, #tpu.memory_space<semaphore_mem>>) {add = true}
      %scan3A_412 = arith.constant 0 : i32
      scf.yield %scan3A_412 : i32
    }
    %scan3A_129 = arith.constant 31 : i32
    %add3A_130 = arith.constant 99200 : i32
    %add3A_131 = arith.addi %mul3A_2, %add3A_130 : i32
    %dma_wait3A_132 = arith.constant 0 : i32
    %dma_wait3A_133 = arith.constant 0 : i32
    %dma_wait3A_134 = tpu.memref_slice %arg13[%dma_wait3A_132, %dma_wait3A_133] : memref<100000x16xf32, #tpu.memory_space<vmem_shared>> -> memref<100000x16xf32, #tpu.memory_space<vmem_shared>>
    tpu.wait_indirect_dma semaphore(%arg16 : memref<!tpu.dma_semaphore, #tpu.memory_space<semaphore_mem>>) src(%arg11 : memref<800x16xf32, #tpu.memory_space<vmem>>) dst(%dma_wait3A_134 : memref<100000x16xf32, #tpu.memory_space<vmem_shared>>)
    %dma_start3A_135 = arith.constant 0 : i32
    %dma_start3A_136 = arith.constant 0 : i32
    %dma_start3A_137 = tpu.memref_slice %arg2[%dma_start3A_135, %dma_start3A_136] : memref<800000x16xf32, #tpu.memory_space<hbm>> -> memref<800000x16xf32, #tpu.memory_space<hbm>>
    tpu.enqueue_indirect_dma source(%dma_start3A_137 : memref<800000x16xf32, #tpu.memory_space<hbm>>) target(%arg11 : memref<800x16xf32, #tpu.memory_space<vmem>>) offsets(%arg5 : memref<800xi32, #tpu.memory_space<vmem>>) semaphore(%arg15 : memref<!tpu.dma_semaphore, #tpu.memory_space<semaphore_mem>>)
    %dma_wait3A_138 = arith.constant 0 : i32
    %dma_wait3A_139 = arith.constant 0 : i32
    %dma_wait3A_140 = tpu.memref_slice %arg2[%dma_wait3A_138, %dma_wait3A_139] : memref<800000x16xf32, #tpu.memory_space<hbm>> -> memref<800000x16xf32, #tpu.memory_space<hbm>>
    tpu.wait_indirect_dma semaphore(%arg15 : memref<!tpu.dma_semaphore, #tpu.memory_space<semaphore_mem>>) src(%dma_wait3A_140 : memref<800000x16xf32, #tpu.memory_space<hbm>>) dst(%arg11 : memref<800x16xf32, #tpu.memory_space<vmem>>)
    %dma_start3A_141 = arith.constant 0 : i32
    %dma_start3A_142 = arith.constant 0 : i32
    %dma_start3A_143 = tpu.memref_slice %arg13[%dma_start3A_141, %dma_start3A_142] : memref<100000x16xf32, #tpu.memory_space<vmem_shared>> -> memref<100000x16xf32, #tpu.memory_space<vmem_shared>>
    tpu.enqueue_indirect_dma source(%arg11 : memref<800x16xf32, #tpu.memory_space<vmem>>) target(%dma_start3A_143 : memref<100000x16xf32, #tpu.memory_space<vmem_shared>>) offsets(%arg7 : memref<800xi32, #tpu.memory_space<vmem>>) semaphore(%arg16 : memref<!tpu.dma_semaphore, #tpu.memory_space<semaphore_mem>>) {add = true}
    %dma_wait3A_144 = arith.constant 0 : i32
    %dma_wait3A_145 = arith.constant 0 : i32
    %dma_wait3A_146 = tpu.memref_slice %arg13[%dma_wait3A_144, %dma_wait3A_145] : memref<100000x16xf32, #tpu.memory_space<vmem_shared>> -> memref<100000x16xf32, #tpu.memory_space<vmem_shared>>
    tpu.wait_indirect_dma semaphore(%arg17 : memref<!tpu.dma_semaphore, #tpu.memory_space<semaphore_mem>>) src(%arg12 : memref<800x16xf32, #tpu.memory_space<vmem>>) dst(%dma_wait3A_146 : memref<100000x16xf32, #tpu.memory_space<vmem_shared>>)
    %dma_wait3A_147 = arith.constant 0 : i32
    %dma_wait3A_148 = arith.constant 0 : i32
    %dma_wait3A_149 = tpu.memref_slice %arg13[%dma_wait3A_147, %dma_wait3A_148] : memref<100000x16xf32, #tpu.memory_space<vmem_shared>> -> memref<100000x16xf32, #tpu.memory_space<vmem_shared>>
    tpu.wait_indirect_dma semaphore(%arg16 : memref<!tpu.dma_semaphore, #tpu.memory_space<semaphore_mem>>) src(%arg11 : memref<800x16xf32, #tpu.memory_space<vmem>>) dst(%dma_wait3A_149 : memref<100000x16xf32, #tpu.memory_space<vmem_shared>>)
    %barrier3A_150 = arith.constant 0 : index
    tpu.barrier barrier_id(%barrier3A_150)
    %mul3A_151 = arith.constant 16 : i32
    %mul3A_152 = arith.muli %add3A_79, %mul3A_151 : i32
    "tpu.region"() ({
      %run_scoped3A = tpu.sem_alloc : memref<!tpu.dma_semaphore, #tpu.memory_space<semaphore_mem>>
      %dma_start3A_310 = tpu.memref_slice %arg4[%mul3A_0, %mul3A_152] : memref<100000x128xf32, #tpu.memory_space<hbm>> -> memref<6250x16xf32, #tpu.memory_space<hbm>>
      %dma_start3A_311 = arith.constant 0 : i32
      %dma_start3A_312 = tpu.memref_slice %arg13[%mul3A_0, %dma_start3A_311] : memref<100000x16xf32, #tpu.memory_space<vmem_shared>> -> memref<6250x16xf32, #tpu.memory_space<vmem_shared>>
      tpu.enqueue_dma source(%dma_start3A_312 : memref<6250x16xf32, #tpu.memory_space<vmem_shared>>) target(%dma_start3A_310 : memref<6250x16xf32, #tpu.memory_space<hbm>>) target_semaphore(%run_scoped3A : memref<!tpu.dma_semaphore, #tpu.memory_space<semaphore_mem>>)
      %dma_wait3A_313 = tpu.memref_slice %arg4[%mul3A_0, %mul3A_152] : memref<100000x128xf32, #tpu.memory_space<hbm>> -> memref<6250x16xf32, #tpu.memory_space<hbm>>
      %dma_wait3A_314 = arith.constant 0 : i32
      %dma_wait3A_315 = tpu.memref_slice %arg13[%mul3A_0, %dma_wait3A_314] : memref<100000x16xf32, #tpu.memory_space<vmem_shared>> -> memref<6250x16xf32, #tpu.memory_space<vmem_shared>>
      tpu.wait_dma2 semaphore(%run_scoped3A : memref<!tpu.dma_semaphore, #tpu.memory_space<semaphore_mem>>) src(%dma_wait3A_315 : memref<6250x16xf32, #tpu.memory_space<vmem_shared>>) dst(%dma_wait3A_313 : memref<6250x16xf32, #tpu.memory_space<hbm>>)
      tpu.yield
    }) : () -> ()
    %barrier3A_153 = arith.constant 0 : index
    tpu.barrier barrier_id(%barrier3A_153)
    %mul3A_154 = arith.constant 4 : i32
    %mul3A_155 = arith.muli %arg0, %mul3A_154 : i32
    %add3A_156 = arith.constant 2 : i32
    %add3A_157 = arith.addi %mul3A_155, %add3A_156 : i32
    %scan3A_158 = arith.constant 0 : i32
    %scan3A_159 = arith.constant 0 : i32
    %scan3A_160 = arith.constant 800 : i32
    %scan3A_161 = arith.addi %scan3A_159, %scan3A_160 : i32
    %scan3A_162 = arith.constant 1 : i32
    %scan3A_163 = scf.for %scan3A_310 = %scan3A_159 to %scan3A_161 step %scan3A_162 iter_args(%scan3A_311 = %scan3A_158) -> (i32)  : i32 {
      %broadcast_in_dim3A = arith.constant 0.000000e+00 : f32
      %broadcast_in_dim3A_312 = vector.broadcast %broadcast_in_dim3A : f32 to vector<16xf32>
      %swap3A = arith.index_cast %scan3A_310 : i32 to index
      %swap3A_313 = arith.constant 0 : index
      %swap3A_314 = tpu.vector_load %arg11[%swap3A, %swap3A_313] {strides = array<i32>} : memref<800x16xf32, #tpu.memory_space<vmem>>, vector<1x16xf32>,
      %swap3A_315 = vector.shape_cast %swap3A_314 : vector<1x16xf32> to vector<16xf32>
      %swap3A_316 = vector.shape_cast %broadcast_in_dim3A_312 : vector<16xf32> to vector<1x16xf32>
      tpu.vector_store %arg11[%swap3A, %swap3A_313], %swap3A_316 {strides = array<i32>} : memref<800x16xf32, #tpu.memory_space<vmem>>, vector<1x16xf32>,
      %scan3A_317 = arith.constant 0 : i32
      scf.yield %scan3A_317 : i32
    }
    %scan3A_164 = arith.constant 800 : i32
    %add3A_165 = arith.constant 0 : i32
    %add3A_166 = arith.addi %mul3A_0, %add3A_165 : i32
    "tpu.region"() ({
      %run_scoped3A = tpu.sem_alloc : memref<!tpu.dma_semaphore, #tpu.memory_space<semaphore_mem>>
      %dma_start3A_310 = arith.constant 0 : i32
      %dma_start3A_311 = tpu.memref_slice %arg13[%add3A_166, %dma_start3A_310] : memref<100000x16xf32, #tpu.memory_space<vmem_shared>> -> memref<800x16xf32, #tpu.memory_space<vmem_shared>>
      %dma_start3A_312 = arith.constant 0 : i32
      %dma_start3A_313 = tpu.memref_slice %arg13[%add3A_166, %dma_start3A_312] : memref<100000x16xf32, #tpu.memory_space<vmem_shared>> -> memref<800x16xf32, #tpu.memory_space<vmem_shared>>
      tpu.enqueue_dma source(%arg11 : memref<800x16xf32, #tpu.memory_space<vmem>>) target(%dma_start3A_313 : memref<800x16xf32, #tpu.memory_space<vmem_shared>>) target_semaphore(%run_scoped3A : memref<!tpu.dma_semaphore, #tpu.memory_space<semaphore_mem>>)
      %dma_wait3A_314 = arith.constant 0 : i32
      %dma_wait3A_315 = tpu.memref_slice %arg13[%add3A_166, %dma_wait3A_314] : memref<100000x16xf32, #tpu.memory_space<vmem_shared>> -> memref<800x16xf32, #tpu.memory_space<vmem_shared>>
      %dma_wait3A_316 = arith.constant 0 : i32
      %dma_wait3A_317 = tpu.memref_slice %arg13[%add3A_166, %dma_wait3A_316] : memref<100000x16xf32, #tpu.memory_space<vmem_shared>> -> memref<800x16xf32, #tpu.memory_space<vmem_shared>>
      tpu.wait_dma2 semaphore(%run_scoped3A : memref<!tpu.dma_semaphore, #tpu.memory_space<semaphore_mem>>) src(%arg11 : memref<800x16xf32, #tpu.memory_space<vmem>>) dst(%dma_wait3A_317 : memref<800x16xf32, #tpu.memory_space<vmem_shared>>)
      tpu.yield
    }) : () -> ()
    %add3A_167 = arith.constant 800 : i32
    %add3A_168 = arith.addi %mul3A_0, %add3A_167 : i32
    "tpu.region"() ({
      %run_scoped3A = tpu.sem_alloc : memref<!tpu.dma_semaphore, #tpu.memory_space<semaphore_mem>>
      %dma_start3A_310 = arith.constant 0 : i32
      %dma_start3A_311 = tpu.memref_slice %arg13[%add3A_168, %dma_start3A_310] : memref<100000x16xf32, #tpu.memory_space<vmem_shared>> -> memref<800x16xf32, #tpu.memory_space<vmem_shared>>
      %dma_start3A_312 = arith.constant 0 : i32
      %dma_start3A_313 = tpu.memref_slice %arg13[%add3A_168, %dma_start3A_312] : memref<100000x16xf32, #tpu.memory_space<vmem_shared>> -> memref<800x16xf32, #tpu.memory_space<vmem_shared>>
      tpu.enqueue_dma source(%arg11 : memref<800x16xf32, #tpu.memory_space<vmem>>) target(%dma_start3A_313 : memref<800x16xf32, #tpu.memory_space<vmem_shared>>) target_semaphore(%run_scoped3A : memref<!tpu.dma_semaphore, #tpu.memory_space<semaphore_mem>>)
      %dma_wait3A_314 = arith.constant 0 : i32
      %dma_wait3A_315 = tpu.memref_slice %arg13[%add3A_168, %dma_wait3A_314] : memref<100000x16xf32, #tpu.memory_space<vmem_shared>> -> memref<800x16xf32, #tpu.memory_space<vmem_shared>>
      %dma_wait3A_316 = arith.constant 0 : i32
      %dma_wait3A_317 = tpu.memref_slice %arg13[%add3A_168, %dma_wait3A_316] : memref<100000x16xf32, #tpu.memory_space<vmem_shared>> -> memref<800x16xf32, #tpu.memory_space<vmem_shared>>
      tpu.wait_dma2 semaphore(%run_scoped3A : memref<!tpu.dma_semaphore, #tpu.memory_space<semaphore_mem>>) src(%arg11 : memref<800x16xf32, #tpu.memory_space<vmem>>) dst(%dma_wait3A_317 : memref<800x16xf32, #tpu.memory_space<vmem_shared>>)
      tpu.yield
    }) : () -> ()
    %add3A_169 = arith.constant 1600 : i32
    %add3A_170 = arith.addi %mul3A_0, %add3A_169 : i32
    "tpu.region"() ({
      %run_scoped3A = tpu.sem_alloc : memref<!tpu.dma_semaphore, #tpu.memory_space<semaphore_mem>>
      %dma_start3A_310 = arith.constant 0 : i32
      %dma_start3A_311 = tpu.memref_slice %arg13[%add3A_170, %dma_start3A_310] : memref<100000x16xf32, #tpu.memory_space<vmem_shared>> -> memref<800x16xf32, #tpu.memory_space<vmem_shared>>
      %dma_start3A_312 = arith.constant 0 : i32
      %dma_start3A_313 = tpu.memref_slice %arg13[%add3A_170, %dma_start3A_312] : memref<100000x16xf32, #tpu.memory_space<vmem_shared>> -> memref<800x16xf32, #tpu.memory_space<vmem_shared>>
      tpu.enqueue_dma source(%arg11 : memref<800x16xf32, #tpu.memory_space<vmem>>) target(%dma_start3A_313 : memref<800x16xf32, #tpu.memory_space<vmem_shared>>) target_semaphore(%run_scoped3A : memref<!tpu.dma_semaphore, #tpu.memory_space<semaphore_mem>>)
      %dma_wait3A_314 = arith.constant 0 : i32
      %dma_wait3A_315 = tpu.memref_slice %arg13[%add3A_170, %dma_wait3A_314] : memref<100000x16xf32, #tpu.memory_space<vmem_shared>> -> memref<800x16xf32, #tpu.memory_space<vmem_shared>>
      %dma_wait3A_316 = arith.constant 0 : i32
      %dma_wait3A_317 = tpu.memref_slice %arg13[%add3A_170, %dma_wait3A_316] : memref<100000x16xf32, #tpu.memory_space<vmem_shared>> -> memref<800x16xf32, #tpu.memory_space<vmem_shared>>
      tpu.wait_dma2 semaphore(%run_scoped3A : memref<!tpu.dma_semaphore, #tpu.memory_space<semaphore_mem>>) src(%arg11 : memref<800x16xf32, #tpu.memory_space<vmem>>) dst(%dma_wait3A_317 : memref<800x16xf32, #tpu.memory_space<vmem_shared>>)
      tpu.yield
    }) : () -> ()
    %add3A_171 = arith.constant 2400 : i32
    %add3A_172 = arith.addi %mul3A_0, %add3A_171 : i32
    "tpu.region"() ({
      %run_scoped3A = tpu.sem_alloc : memref<!tpu.dma_semaphore, #tpu.memory_space<semaphore_mem>>
      %dma_start3A_310 = arith.constant 0 : i32
      %dma_start3A_311 = tpu.memref_slice %arg13[%add3A_172, %dma_start3A_310] : memref<100000x16xf32, #tpu.memory_space<vmem_shared>> -> memref<800x16xf32, #tpu.memory_space<vmem_shared>>
      %dma_start3A_312 = arith.constant 0 : i32
      %dma_start3A_313 = tpu.memref_slice %arg13[%add3A_172, %dma_start3A_312] : memref<100000x16xf32, #tpu.memory_space<vmem_shared>> -> memref<800x16xf32, #tpu.memory_space<vmem_shared>>
      tpu.enqueue_dma source(%arg11 : memref<800x16xf32, #tpu.memory_space<vmem>>) target(%dma_start3A_313 : memref<800x16xf32, #tpu.memory_space<vmem_shared>>) target_semaphore(%run_scoped3A : memref<!tpu.dma_semaphore, #tpu.memory_space<semaphore_mem>>)
      %dma_wait3A_314 = arith.constant 0 : i32
      %dma_wait3A_315 = tpu.memref_slice %arg13[%add3A_172, %dma_wait3A_314] : memref<100000x16xf32, #tpu.memory_space<vmem_shared>> -> memref<800x16xf32, #tpu.memory_space<vmem_shared>>
      %dma_wait3A_316 = arith.constant 0 : i32
      %dma_wait3A_317 = tpu.memref_slice %arg13[%add3A_172, %dma_wait3A_316] : memref<100000x16xf32, #tpu.memory_space<vmem_shared>> -> memref<800x16xf32, #tpu.memory_space<vmem_shared>>
      tpu.wait_dma2 semaphore(%run_scoped3A : memref<!tpu.dma_semaphore, #tpu.memory_space<semaphore_mem>>) src(%arg11 : memref<800x16xf32, #tpu.memory_space<vmem>>) dst(%dma_wait3A_317 : memref<800x16xf32, #tpu.memory_space<vmem_shared>>)
      tpu.yield
    }) : () -> ()
    %add3A_173 = arith.constant 3200 : i32
    %add3A_174 = arith.addi %mul3A_0, %add3A_173 : i32
    "tpu.region"() ({
      %run_scoped3A = tpu.sem_alloc : memref<!tpu.dma_semaphore, #tpu.memory_space<semaphore_mem>>
      %dma_start3A_310 = arith.constant 0 : i32
      %dma_start3A_311 = tpu.memref_slice %arg13[%add3A_174, %dma_start3A_310] : memref<100000x16xf32, #tpu.memory_space<vmem_shared>> -> memref<800x16xf32, #tpu.memory_space<vmem_shared>>
      %dma_start3A_312 = arith.constant 0 : i32
      %dma_start3A_313 = tpu.memref_slice %arg13[%add3A_174, %dma_start3A_312] : memref<100000x16xf32, #tpu.memory_space<vmem_shared>> -> memref<800x16xf32, #tpu.memory_space<vmem_shared>>
      tpu.enqueue_dma source(%arg11 : memref<800x16xf32, #tpu.memory_space<vmem>>) target(%dma_start3A_313 : memref<800x16xf32, #tpu.memory_space<vmem_shared>>) target_semaphore(%run_scoped3A : memref<!tpu.dma_semaphore, #tpu.memory_space<semaphore_mem>>)
      %dma_wait3A_314 = arith.constant 0 : i32
      %dma_wait3A_315 = tpu.memref_slice %arg13[%add3A_174, %dma_wait3A_314] : memref<100000x16xf32, #tpu.memory_space<vmem_shared>> -> memref<800x16xf32, #tpu.memory_space<vmem_shared>>
      %dma_wait3A_316 = arith.constant 0 : i32
      %dma_wait3A_317 = tpu.memref_slice %arg13[%add3A_174, %dma_wait3A_316] : memref<100000x16xf32, #tpu.memory_space<vmem_shared>> -> memref<800x16xf32, #tpu.memory_space<vmem_shared>>
      tpu.wait_dma2 semaphore(%run_scoped3A : memref<!tpu.dma_semaphore, #tpu.memory_space<semaphore_mem>>) src(%arg11 : memref<800x16xf32, #tpu.memory_space<vmem>>) dst(%dma_wait3A_317 : memref<800x16xf32, #tpu.memory_space<vmem_shared>>)
      tpu.yield
    }) : () -> ()
    %add3A_175 = arith.constant 4000 : i32
    %add3A_176 = arith.addi %mul3A_0, %add3A_175 : i32
    "tpu.region"() ({
      %run_scoped3A = tpu.sem_alloc : memref<!tpu.dma_semaphore, #tpu.memory_space<semaphore_mem>>
      %dma_start3A_310 = arith.constant 0 : i32
      %dma_start3A_311 = tpu.memref_slice %arg13[%add3A_176, %dma_start3A_310] : memref<100000x16xf32, #tpu.memory_space<vmem_shared>> -> memref<800x16xf32, #tpu.memory_space<vmem_shared>>
      %dma_start3A_312 = arith.constant 0 : i32
      %dma_start3A_313 = tpu.memref_slice %arg13[%add3A_176, %dma_start3A_312] : memref<100000x16xf32, #tpu.memory_space<vmem_shared>> -> memref<800x16xf32, #tpu.memory_space<vmem_shared>>
      tpu.enqueue_dma source(%arg11 : memref<800x16xf32, #tpu.memory_space<vmem>>) target(%dma_start3A_313 : memref<800x16xf32, #tpu.memory_space<vmem_shared>>) target_semaphore(%run_scoped3A : memref<!tpu.dma_semaphore, #tpu.memory_space<semaphore_mem>>)
      %dma_wait3A_314 = arith.constant 0 : i32
      %dma_wait3A_315 = tpu.memref_slice %arg13[%add3A_176, %dma_wait3A_314] : memref<100000x16xf32, #tpu.memory_space<vmem_shared>> -> memref<800x16xf32, #tpu.memory_space<vmem_shared>>
      %dma_wait3A_316 = arith.constant 0 : i32
      %dma_wait3A_317 = tpu.memref_slice %arg13[%add3A_176, %dma_wait3A_316] : memref<100000x16xf32, #tpu.memory_space<vmem_shared>> -> memref<800x16xf32, #tpu.memory_space<vmem_shared>>
      tpu.wait_dma2 semaphore(%run_scoped3A : memref<!tpu.dma_semaphore, #tpu.memory_space<semaphore_mem>>) src(%arg11 : memref<800x16xf32, #tpu.memory_space<vmem>>) dst(%dma_wait3A_317 : memref<800x16xf32, #tpu.memory_space<vmem_shared>>)
      tpu.yield
    }) : () -> ()
    %add3A_177 = arith.constant 4800 : i32
    %add3A_178 = arith.addi %mul3A_0, %add3A_177 : i32
    "tpu.region"() ({
      %run_scoped3A = tpu.sem_alloc : memref<!tpu.dma_semaphore, #tpu.memory_space<semaphore_mem>>
      %dma_start3A_310 = arith.constant 0 : i32
      %dma_start3A_311 = tpu.memref_slice %arg13[%add3A_178, %dma_start3A_310] : memref<100000x16xf32, #tpu.memory_space<vmem_shared>> -> memref<800x16xf32, #tpu.memory_space<vmem_shared>>
      %dma_start3A_312 = arith.constant 0 : i32
      %dma_start3A_313 = tpu.memref_slice %arg13[%add3A_178, %dma_start3A_312] : memref<100000x16xf32, #tpu.memory_space<vmem_shared>> -> memref<800x16xf32, #tpu.memory_space<vmem_shared>>
      tpu.enqueue_dma source(%arg11 : memref<800x16xf32, #tpu.memory_space<vmem>>) target(%dma_start3A_313 : memref<800x16xf32, #tpu.memory_space<vmem_shared>>) target_semaphore(%run_scoped3A : memref<!tpu.dma_semaphore, #tpu.memory_space<semaphore_mem>>)
      %dma_wait3A_314 = arith.constant 0 : i32
      %dma_wait3A_315 = tpu.memref_slice %arg13[%add3A_178, %dma_wait3A_314] : memref<100000x16xf32, #tpu.memory_space<vmem_shared>> -> memref<800x16xf32, #tpu.memory_space<vmem_shared>>
      %dma_wait3A_316 = arith.constant 0 : i32
      %dma_wait3A_317 = tpu.memref_slice %arg13[%add3A_178, %dma_wait3A_316] : memref<100000x16xf32, #tpu.memory_space<vmem_shared>> -> memref<800x16xf32, #tpu.memory_space<vmem_shared>>
      tpu.wait_dma2 semaphore(%run_scoped3A : memref<!tpu.dma_semaphore, #tpu.memory_space<semaphore_mem>>) src(%arg11 : memref<800x16xf32, #tpu.memory_space<vmem>>) dst(%dma_wait3A_317 : memref<800x16xf32, #tpu.memory_space<vmem_shared>>)
      tpu.yield
    }) : () -> ()
    %add3A_179 = arith.constant 5600 : i32
    %add3A_180 = arith.addi %mul3A_0, %add3A_179 : i32
    "tpu.region"() ({
      %run_scoped3A = tpu.sem_alloc : memref<!tpu.dma_semaphore, #tpu.memory_space<semaphore_mem>>
      %dma_start3A_310 = arith.constant 0 : i32
      %dma_start3A_311 = arith.constant 0 : i32
      %dma_start3A_312 = tpu.memref_slice %arg11[%dma_start3A_310, %dma_start3A_311] : memref<800x16xf32, #tpu.memory_space<vmem>> -> memref<650x16xf32, #tpu.memory_space<vmem>>
      %dma_start3A_313 = arith.constant 0 : i32
      %dma_start3A_314 = tpu.memref_slice %arg13[%add3A_180, %dma_start3A_313] : memref<100000x16xf32, #tpu.memory_space<vmem_shared>> -> memref<650x16xf32, #tpu.memory_space<vmem_shared>>
      %dma_start3A_315 = arith.constant 0 : i32
      %dma_start3A_316 = tpu.memref_slice %arg13[%add3A_180, %dma_start3A_315] : memref<100000x16xf32, #tpu.memory_space<vmem_shared>> -> memref<650x16xf32, #tpu.memory_space<vmem_shared>>
      %dma_start3A_317 = arith.constant 0 : i32
      %dma_start3A_318 = arith.constant 0 : i32
      %dma_start3A_319 = tpu.memref_slice %arg11[%dma_start3A_317, %dma_start3A_318] : memref<800x16xf32, #tpu.memory_space<vmem>> -> memref<650x16xf32, #tpu.memory_space<vmem>>
      tpu.enqueue_dma source(%dma_start3A_319 : memref<650x16xf32, #tpu.memory_space<vmem>>) target(%dma_start3A_316 : memref<650x16xf32, #tpu.memory_space<vmem_shared>>) target_semaphore(%run_scoped3A : memref<!tpu.dma_semaphore, #tpu.memory_space<semaphore_mem>>)
      %dma_wait3A_320 = arith.constant 0 : i32
      %dma_wait3A_321 = arith.constant 0 : i32
      %dma_wait3A_322 = tpu.memref_slice %arg11[%dma_wait3A_320, %dma_wait3A_321] : memref<800x16xf32, #tpu.memory_space<vmem>> -> memref<650x16xf32, #tpu.memory_space<vmem>>
      %dma_wait3A_323 = arith.constant 0 : i32
      %dma_wait3A_324 = tpu.memref_slice %arg13[%add3A_180, %dma_wait3A_323] : memref<100000x16xf32, #tpu.memory_space<vmem_shared>> -> memref<650x16xf32, #tpu.memory_space<vmem_shared>>
      %dma_wait3A_325 = arith.constant 0 : i32
      %dma_wait3A_326 = tpu.memref_slice %arg13[%add3A_180, %dma_wait3A_325] : memref<100000x16xf32, #tpu.memory_space<vmem_shared>> -> memref<650x16xf32, #tpu.memory_space<vmem_shared>>
      %dma_wait3A_327 = arith.constant 0 : i32
      %dma_wait3A_328 = arith.constant 0 : i32
      %dma_wait3A_329 = tpu.memref_slice %arg11[%dma_wait3A_327, %dma_wait3A_328] : memref<800x16xf32, #tpu.memory_space<vmem>> -> memref<650x16xf32, #tpu.memory_space<vmem>>
      tpu.wait_dma2 semaphore(%run_scoped3A : memref<!tpu.dma_semaphore, #tpu.memory_space<semaphore_mem>>) src(%dma_wait3A_329 : memref<650x16xf32, #tpu.memory_space<vmem>>) dst(%dma_wait3A_326 : memref<650x16xf32, #tpu.memory_space<vmem_shared>>)
      tpu.yield
    }) : () -> ()
    %barrier3A_181 = arith.constant 0 : index
    tpu.barrier barrier_id(%barrier3A_181)
    %dma_start3A_182 = tpu.memref_slice %arg3[%mul3A_2] : memref<3200000xi32, #tpu.memory_space<hbm>> -> memref<800xi32, #tpu.memory_space<hbm>>
    %dma_start3A_183 = tpu.memref_slice %arg3[%mul3A_2] : memref<3200000xi32, #tpu.memory_space<hbm>> -> memref<800xi32, #tpu.memory_space<hbm>>
    tpu.enqueue_dma source(%dma_start3A_183 : memref<800xi32, #tpu.memory_space<hbm>>) target(%arg5 : memref<800xi32, #tpu.memory_space<vmem>>) target_semaphore(%arg14 : memref<!tpu.dma_semaphore, #tpu.memory_space<semaphore_mem>>)
    %add3A_184 = arith.constant 1600000 : i32
    %add3A_185 = arith.addi %add3A_184, %mul3A_2 : i32
    %dma_start3A_186 = tpu.memref_slice %arg3[%add3A_185] : memref<3200000xi32, #tpu.memory_space<hbm>> -> memref<800xi32, #tpu.memory_space<hbm>>
    %dma_start3A_187 = tpu.memref_slice %arg3[%add3A_185] : memref<3200000xi32, #tpu.memory_space<hbm>> -> memref<800xi32, #tpu.memory_space<hbm>>
    tpu.enqueue_dma source(%dma_start3A_187 : memref<800xi32, #tpu.memory_space<hbm>>) target(%arg7 : memref<800xi32, #tpu.memory_space<vmem>>) target_semaphore(%arg14 : memref<!tpu.dma_semaphore, #tpu.memory_space<semaphore_mem>>)
    %dma_wait3A_188 = tpu.memref_slice %arg3[%mul3A_2] : memref<3200000xi32, #tpu.memory_space<hbm>> -> memref<800xi32, #tpu.memory_space<hbm>>
    %dma_wait3A_189 = tpu.memref_slice %arg3[%mul3A_2] : memref<3200000xi32, #tpu.memory_space<hbm>> -> memref<800xi32, #tpu.memory_space<hbm>>
    tpu.wait_dma2 semaphore(%arg14 : memref<!tpu.dma_semaphore, #tpu.memory_space<semaphore_mem>>) src(%dma_wait3A_189 : memref<800xi32, #tpu.memory_space<hbm>>) dst(%arg5 : memref<800xi32, #tpu.memory_space<vmem>>)
    %add3A_190 = arith.constant 1600000 : i32
    %add3A_191 = arith.addi %add3A_190, %mul3A_2 : i32
    %dma_wait3A_192 = tpu.memref_slice %arg3[%add3A_191] : memref<3200000xi32, #tpu.memory_space<hbm>> -> memref<800xi32, #tpu.memory_space<hbm>>
    %dma_wait3A_193 = tpu.memref_slice %arg3[%add3A_191] : memref<3200000xi32, #tpu.memory_space<hbm>> -> memref<800xi32, #tpu.memory_space<hbm>>
    tpu.wait_dma2 semaphore(%arg14 : memref<!tpu.dma_semaphore, #tpu.memory_space<semaphore_mem>>) src(%dma_wait3A_193 : memref<800xi32, #tpu.memory_space<hbm>>) dst(%arg7 : memref<800xi32, #tpu.memory_space<vmem>>)
    %scan3A_194 = arith.constant 0 : i32
    %scan3A_195 = arith.constant 0 : i32
    %scan3A_196 = arith.constant 50 : i32
    %scan3A_197 = arith.addi %scan3A_195, %scan3A_196 : i32
    %scan3A_198 = arith.constant 1 : i32
    %scan3A_199 = scf.for %scan3A_310 = %scan3A_195 to %scan3A_197 step %scan3A_198 iter_args(%scan3A_311 = %scan3A_194) -> (i32)  : i32 {
      %mul3A_312 = arith.constant 16 : i32
      %mul3A_313 = arith.muli %scan3A_310, %mul3A_312 : i32
      %get3A = arith.index_cast %mul3A_313 : i32 to index
      %get3A_314 = tpu.vector_load %arg5[%get3A] {strides = array<i32>} : memref<800xi32, #tpu.memory_space<vmem>>, vector<16xi32>,
      %get3A_315 = vector.shape_cast %get3A_314 : vector<16xi32> to vector<16xi32>
      %mul3A_316 = arith.constant 8 : i32
      %mul3A_317 = vector.broadcast %mul3A_316 : i32 to vector<16xi32>
      %mul3A_318 = arith.muli %get3A_315, %mul3A_317 : vector<16xi32>
      %add3A_319 = vector.broadcast %add3A_157 : i32 to vector<16xi32>
      %add3A_320 = arith.addi %mul3A_318, %add3A_319 : vector<16xi32>
      %mul3A_321 = arith.constant 16 : i32
      %mul3A_322 = arith.muli %scan3A_310, %mul3A_321 : i32
      %swap3A = arith.index_cast %mul3A_322 : i32 to index
      %swap3A_323 = tpu.vector_load %arg5[%swap3A] {strides = array<i32>} : memref<800xi32, #tpu.memory_space<vmem>>, vector<16xi32>,
      %swap3A_324 = vector.shape_cast %swap3A_323 : vector<16xi32> to vector<16xi32>
      %swap3A_325 = vector.shape_cast %add3A_320 : vector<16xi32> to vector<16xi32>
      tpu.vector_store %arg5[%swap3A], %swap3A_325 {strides = array<i32>} : memref<800xi32, #tpu.memory_space<vmem>>, vector<16xi32>,
      %scan3A_326 = arith.constant 0 : i32
      scf.yield %scan3A_326 : i32
    }
    %scan3A_200 = arith.constant 50 : i32
    %scan3A_201 = arith.constant 0 : i32
    %scan3A_202 = arith.constant 0 : i32
    %scan3A_203 = arith.constant 31 : i32
    %scan3A_204 = arith.addi %scan3A_202, %scan3A_203 : i32
    %scan3A_205 = arith.constant 1 : i32
    %scan3A_206 = scf.for %scan3A_310 = %scan3A_202 to %scan3A_204 step %scan3A_205 iter_args(%scan3A_311 = %scan3A_201) -> (i32)  : i32 {
      %mul3A_312 = arith.constant 4 : i32
      %mul3A_313 = arith.muli %mul3A_312, %scan3A_310 : i32
      %add3A_314 = arith.constant 0 : i32
      %add3A_315 = arith.addi %mul3A_313, %add3A_314 : i32
      %mul3A_316 = arith.constant 800 : i32
      %mul3A_317 = arith.muli %add3A_315, %mul3A_316 : i32
      %add3A_318 = arith.addi %mul3A_2, %mul3A_317 : i32
      %ge3A = arith.constant 2 : i32
      %ge3A_319 = arith.cmpi sge, %add3A_315, %ge3A : i32
      %convert_element_type3A = arith.extui %ge3A_319 : i1 to i32
      %cond3A = arith.constant 0 : i32
      %cond3A_320 = arith.cmpi ne, %convert_element_type3A, %cond3A : i32
      scf.if %cond3A_320 {
        %dma_wait3A_413 = arith.constant 0 : i32
        %dma_wait3A_414 = arith.constant 0 : i32
        %dma_wait3A_415 = tpu.memref_slice %arg13[%dma_wait3A_413, %dma_wait3A_414] : memref<100000x16xf32, #tpu.memory_space<vmem_shared>> -> memref<100000x16xf32, #tpu.memory_space<vmem_shared>>
        tpu.wait_indirect_dma semaphore(%arg16 : memref<!tpu.dma_semaphore, #tpu.memory_space<semaphore_mem>>) src(%arg11 : memref<800x16xf32, #tpu.memory_space<vmem>>) dst(%dma_wait3A_415 : memref<100000x16xf32, #tpu.memory_space<vmem_shared>>)
      } else {
      }
      %dma_start3A_321 = arith.constant 0 : i32
      %dma_start3A_322 = arith.constant 0 : i32
      %dma_start3A_323 = tpu.memref_slice %arg2[%dma_start3A_321, %dma_start3A_322] : memref<800000x16xf32, #tpu.memory_space<hbm>> -> memref<800000x16xf32, #tpu.memory_space<hbm>>
      tpu.enqueue_indirect_dma source(%dma_start3A_323 : memref<800000x16xf32, #tpu.memory_space<hbm>>) target(%arg11 : memref<800x16xf32, #tpu.memory_space<vmem>>) offsets(%arg5 : memref<800xi32, #tpu.memory_space<vmem>>) semaphore(%arg15 : memref<!tpu.dma_semaphore, #tpu.memory_space<semaphore_mem>>)
      %lt3A = arith.constant 124 : i32
      %lt3A_324 = arith.cmpi slt, %add3A_315, %lt3A : i32
      %convert_element_type3A_325 = arith.extui %lt3A_324 : i1 to i32
      %cond3A_326 = arith.constant 0 : i32
      %cond3A_327 = arith.cmpi ne, %convert_element_type3A_325, %cond3A_326 : i32
      scf.if %cond3A_327 {
        %add3A_413 = arith.constant 800 : i32
        %add3A_414 = arith.addi %add3A_318, %add3A_413 : i32
        %dma_start3A_415 = tpu.memref_slice %arg3[%add3A_414] : memref<3200000xi32, #tpu.memory_space<hbm>> -> memref<800xi32, #tpu.memory_space<hbm>>
        %dma_start3A_416 = tpu.memref_slice %arg3[%add3A_414] : memref<3200000xi32, #tpu.memory_space<hbm>> -> memref<800xi32, #tpu.memory_space<hbm>>
        tpu.enqueue_dma source(%dma_start3A_416 : memref<800xi32, #tpu.memory_space<hbm>>) target(%arg6 : memref<800xi32, #tpu.memory_space<vmem>>) target_semaphore(%arg14 : memref<!tpu.dma_semaphore, #tpu.memory_space<semaphore_mem>>)
        %add3A_417 = arith.constant 1600000 : i32
        %add3A_418 = arith.addi %add3A_417, %add3A_414 : i32
        %dma_start3A_419 = tpu.memref_slice %arg3[%add3A_418] : memref<3200000xi32, #tpu.memory_space<hbm>> -> memref<800xi32, #tpu.memory_space<hbm>>
        %dma_start3A_420 = tpu.memref_slice %arg3[%add3A_418] : memref<3200000xi32, #tpu.memory_space<hbm>> -> memref<800xi32, #tpu.memory_space<hbm>>
        tpu.enqueue_dma source(%dma_start3A_420 : memref<800xi32, #tpu.memory_space<hbm>>) target(%arg8 : memref<800xi32, #tpu.memory_space<vmem>>) target_semaphore(%arg14 : memref<!tpu.dma_semaphore, #tpu.memory_space<semaphore_mem>>)
        %dma_wait3A_421 = tpu.memref_slice %arg3[%add3A_414] : memref<3200000xi32, #tpu.memory_space<hbm>> -> memref<800xi32, #tpu.memory_space<hbm>>
        %dma_wait3A_422 = tpu.memref_slice %arg3[%add3A_414] : memref<3200000xi32, #tpu.memory_space<hbm>> -> memref<800xi32, #tpu.memory_space<hbm>>
        tpu.wait_dma2 semaphore(%arg14 : memref<!tpu.dma_semaphore, #tpu.memory_space<semaphore_mem>>) src(%dma_wait3A_422 : memref<800xi32, #tpu.memory_space<hbm>>) dst(%arg6 : memref<800xi32, #tpu.memory_space<vmem>>)
        %add3A_423 = arith.constant 1600000 : i32
        %add3A_424 = arith.addi %add3A_423, %add3A_414 : i32
        %dma_wait3A_425 = tpu.memref_slice %arg3[%add3A_424] : memref<3200000xi32, #tpu.memory_space<hbm>> -> memref<800xi32, #tpu.memory_space<hbm>>
        %dma_wait3A_426 = tpu.memref_slice %arg3[%add3A_424] : memref<3200000xi32, #tpu.memory_space<hbm>> -> memref<800xi32, #tpu.memory_space<hbm>>
        tpu.wait_dma2 semaphore(%arg14 : memref<!tpu.dma_semaphore, #tpu.memory_space<semaphore_mem>>) src(%dma_wait3A_426 : memref<800xi32, #tpu.memory_space<hbm>>) dst(%arg8 : memref<800xi32, #tpu.memory_space<vmem>>)
        %scan3A_427 = arith.constant 0 : i32
        %scan3A_428 = arith.constant 0 : i32
        %scan3A_429 = arith.constant 50 : i32
        %scan3A_430 = arith.addi %scan3A_428, %scan3A_429 : i32
        %scan3A_431 = arith.constant 1 : i32
        %scan3A_432 = scf.for %scan3A_434 = %scan3A_428 to %scan3A_430 step %scan3A_431 iter_args(%scan3A_435 = %scan3A_427) -> (i32)  : i32 {
          %mul3A_436 = arith.constant 16 : i32
          %mul3A_437 = arith.muli %scan3A_434, %mul3A_436 : i32
          %get3A = arith.index_cast %mul3A_437 : i32 to index
          %get3A_438 = tpu.vector_load %arg6[%get3A] {strides = array<i32>} : memref<800xi32, #tpu.memory_space<vmem>>, vector<16xi32>,
          %get3A_439 = vector.shape_cast %get3A_438 : vector<16xi32> to vector<16xi32>
          %mul3A_440 = arith.constant 8 : i32
          %mul3A_441 = vector.broadcast %mul3A_440 : i32 to vector<16xi32>
          %mul3A_442 = arith.muli %get3A_439, %mul3A_441 : vector<16xi32>
          %add3A_443 = vector.broadcast %add3A_157 : i32 to vector<16xi32>
          %add3A_444 = arith.addi %mul3A_442, %add3A_443 : vector<16xi32>
          %mul3A_445 = arith.constant 16 : i32
          %mul3A_446 = arith.muli %scan3A_434, %mul3A_445 : i32
          %swap3A = arith.index_cast %mul3A_446 : i32 to index
          %swap3A_447 = tpu.vector_load %arg6[%swap3A] {strides = array<i32>} : memref<800xi32, #tpu.memory_space<vmem>>, vector<16xi32>,
          %swap3A_448 = vector.shape_cast %swap3A_447 : vector<16xi32> to vector<16xi32>
          %swap3A_449 = vector.shape_cast %add3A_444 : vector<16xi32> to vector<16xi32>
          tpu.vector_store %arg6[%swap3A], %swap3A_449 {strides = array<i32>} : memref<800xi32, #tpu.memory_space<vmem>>, vector<16xi32>,
          %scan3A_450 = arith.constant 0 : i32
          scf.yield %scan3A_450 : i32
        }
        %scan3A_433 = arith.constant 50 : i32
      } else {
      }
      %dma_wait3A_328 = arith.constant 0 : i32
      %dma_wait3A_329 = arith.constant 0 : i32
      %dma_wait3A_330 = tpu.memref_slice %arg2[%dma_wait3A_328, %dma_wait3A_329] : memref<800000x16xf32, #tpu.memory_space<hbm>> -> memref<800000x16xf32, #tpu.memory_space<hbm>>
      tpu.wait_indirect_dma semaphore(%arg15 : memref<!tpu.dma_semaphore, #tpu.memory_space<semaphore_mem>>) src(%dma_wait3A_330 : memref<800000x16xf32, #tpu.memory_space<hbm>>) dst(%arg11 : memref<800x16xf32, #tpu.memory_space<vmem>>)
      %dma_start3A_331 = arith.constant 0 : i32
      %dma_start3A_332 = arith.constant 0 : i32
      %dma_start3A_333 = tpu.memref_slice %arg13[%dma_start3A_331, %dma_start3A_332] : memref<100000x16xf32, #tpu.memory_space<vmem_shared>> -> memref<100000x16xf32, #tpu.memory_space<vmem_shared>>
      tpu.enqueue_indirect_dma source(%arg11 : memref<800x16xf32, #tpu.memory_space<vmem>>) target(%dma_start3A_333 : memref<100000x16xf32, #tpu.memory_space<vmem_shared>>) offsets(%arg7 : memref<800xi32, #tpu.memory_space<vmem>>) semaphore(%arg16 : memref<!tpu.dma_semaphore, #tpu.memory_space<semaphore_mem>>) {add = true}
      %mul3A_334 = arith.constant 4 : i32
      %mul3A_335 = arith.muli %mul3A_334, %scan3A_310 : i32
      %add3A_336 = arith.constant 1 : i32
      %add3A_337 = arith.addi %mul3A_335, %add3A_336 : i32
      %mul3A_338 = arith.constant 800 : i32
      %mul3A_339 = arith.muli %add3A_337, %mul3A_338 : i32
      %add3A_340 = arith.addi %mul3A_2, %mul3A_339 : i32
      %ge3A_341 = arith.constant 2 : i32
      %ge3A_342 = arith.cmpi sge, %add3A_337, %ge3A_341 : i32
      %convert_element_type3A_343 = arith.extui %ge3A_342 : i1 to i32
      %cond3A_344 = arith.constant 0 : i32
      %cond3A_345 = arith.cmpi ne, %convert_element_type3A_343, %cond3A_344 : i32
      scf.if %cond3A_345 {
        %dma_wait3A_413 = arith.constant 0 : i32
        %dma_wait3A_414 = arith.constant 0 : i32
        %dma_wait3A_415 = tpu.memref_slice %arg13[%dma_wait3A_413, %dma_wait3A_414] : memref<100000x16xf32, #tpu.memory_space<vmem_shared>> -> memref<100000x16xf32, #tpu.memory_space<vmem_shared>>
        tpu.wait_indirect_dma semaphore(%arg17 : memref<!tpu.dma_semaphore, #tpu.memory_space<semaphore_mem>>) src(%arg12 : memref<800x16xf32, #tpu.memory_space<vmem>>) dst(%dma_wait3A_415 : memref<100000x16xf32, #tpu.memory_space<vmem_shared>>)
      } else {
      }
      %dma_start3A_346 = arith.constant 0 : i32
      %dma_start3A_347 = arith.constant 0 : i32
      %dma_start3A_348 = tpu.memref_slice %arg2[%dma_start3A_346, %dma_start3A_347] : memref<800000x16xf32, #tpu.memory_space<hbm>> -> memref<800000x16xf32, #tpu.memory_space<hbm>>
      tpu.enqueue_indirect_dma source(%dma_start3A_348 : memref<800000x16xf32, #tpu.memory_space<hbm>>) target(%arg12 : memref<800x16xf32, #tpu.memory_space<vmem>>) offsets(%arg6 : memref<800xi32, #tpu.memory_space<vmem>>) semaphore(%arg15 : memref<!tpu.dma_semaphore, #tpu.memory_space<semaphore_mem>>)
      %lt3A_349 = arith.constant 124 : i32
      %lt3A_350 = arith.cmpi slt, %add3A_337, %lt3A_349 : i32
      %convert_element_type3A_351 = arith.extui %lt3A_350 : i1 to i32
      %cond3A_352 = arith.constant 0 : i32
      %cond3A_353 = arith.cmpi ne, %convert_element_type3A_351, %cond3A_352 : i32
      scf.if %cond3A_353 {
        %add3A_413 = arith.constant 800 : i32
        %add3A_414 = arith.addi %add3A_340, %add3A_413 : i32
        %dma_start3A_415 = tpu.memref_slice %arg3[%add3A_414] : memref<3200000xi32, #tpu.memory_space<hbm>> -> memref<800xi32, #tpu.memory_space<hbm>>
        %dma_start3A_416 = tpu.memref_slice %arg3[%add3A_414] : memref<3200000xi32, #tpu.memory_space<hbm>> -> memref<800xi32, #tpu.memory_space<hbm>>
        tpu.enqueue_dma source(%dma_start3A_416 : memref<800xi32, #tpu.memory_space<hbm>>) target(%arg5 : memref<800xi32, #tpu.memory_space<vmem>>) target_semaphore(%arg14 : memref<!tpu.dma_semaphore, #tpu.memory_space<semaphore_mem>>)
        %add3A_417 = arith.constant 1600000 : i32
        %add3A_418 = arith.addi %add3A_417, %add3A_414 : i32
        %dma_start3A_419 = tpu.memref_slice %arg3[%add3A_418] : memref<3200000xi32, #tpu.memory_space<hbm>> -> memref<800xi32, #tpu.memory_space<hbm>>
        %dma_start3A_420 = tpu.memref_slice %arg3[%add3A_418] : memref<3200000xi32, #tpu.memory_space<hbm>> -> memref<800xi32, #tpu.memory_space<hbm>>
        tpu.enqueue_dma source(%dma_start3A_420 : memref<800xi32, #tpu.memory_space<hbm>>) target(%arg9 : memref<800xi32, #tpu.memory_space<vmem>>) target_semaphore(%arg14 : memref<!tpu.dma_semaphore, #tpu.memory_space<semaphore_mem>>)
        %dma_wait3A_421 = tpu.memref_slice %arg3[%add3A_414] : memref<3200000xi32, #tpu.memory_space<hbm>> -> memref<800xi32, #tpu.memory_space<hbm>>
        %dma_wait3A_422 = tpu.memref_slice %arg3[%add3A_414] : memref<3200000xi32, #tpu.memory_space<hbm>> -> memref<800xi32, #tpu.memory_space<hbm>>
        tpu.wait_dma2 semaphore(%arg14 : memref<!tpu.dma_semaphore, #tpu.memory_space<semaphore_mem>>) src(%dma_wait3A_422 : memref<800xi32, #tpu.memory_space<hbm>>) dst(%arg5 : memref<800xi32, #tpu.memory_space<vmem>>)
        %add3A_423 = arith.constant 1600000 : i32
        %add3A_424 = arith.addi %add3A_423, %add3A_414 : i32
        %dma_wait3A_425 = tpu.memref_slice %arg3[%add3A_424] : memref<3200000xi32, #tpu.memory_space<hbm>> -> memref<800xi32, #tpu.memory_space<hbm>>
        %dma_wait3A_426 = tpu.memref_slice %arg3[%add3A_424] : memref<3200000xi32, #tpu.memory_space<hbm>> -> memref<800xi32, #tpu.memory_space<hbm>>
        tpu.wait_dma2 semaphore(%arg14 : memref<!tpu.dma_semaphore, #tpu.memory_space<semaphore_mem>>) src(%dma_wait3A_426 : memref<800xi32, #tpu.memory_space<hbm>>) dst(%arg9 : memref<800xi32, #tpu.memory_space<vmem>>)
        %scan3A_427 = arith.constant 0 : i32
        %scan3A_428 = arith.constant 0 : i32
        %scan3A_429 = arith.constant 50 : i32
        %scan3A_430 = arith.addi %scan3A_428, %scan3A_429 : i32
        %scan3A_431 = arith.constant 1 : i32
        %scan3A_432 = scf.for %scan3A_434 = %scan3A_428 to %scan3A_430 step %scan3A_431 iter_args(%scan3A_435 = %scan3A_427) -> (i32)  : i32 {
          %mul3A_436 = arith.constant 16 : i32
          %mul3A_437 = arith.muli %scan3A_434, %mul3A_436 : i32
          %get3A = arith.index_cast %mul3A_437 : i32 to index
          %get3A_438 = tpu.vector_load %arg5[%get3A] {strides = array<i32>} : memref<800xi32, #tpu.memory_space<vmem>>, vector<16xi32>,
          %get3A_439 = vector.shape_cast %get3A_438 : vector<16xi32> to vector<16xi32>
          %mul3A_440 = arith.constant 8 : i32
          %mul3A_441 = vector.broadcast %mul3A_440 : i32 to vector<16xi32>
          %mul3A_442 = arith.muli %get3A_439, %mul3A_441 : vector<16xi32>
          %add3A_443 = vector.broadcast %add3A_157 : i32 to vector<16xi32>
          %add3A_444 = arith.addi %mul3A_442, %add3A_443 : vector<16xi32>
          %mul3A_445 = arith.constant 16 : i32
          %mul3A_446 = arith.muli %scan3A_434, %mul3A_445 : i32
          %swap3A = arith.index_cast %mul3A_446 : i32 to index
          %swap3A_447 = tpu.vector_load %arg5[%swap3A] {strides = array<i32>} : memref<800xi32, #tpu.memory_space<vmem>>, vector<16xi32>,
          %swap3A_448 = vector.shape_cast %swap3A_447 : vector<16xi32> to vector<16xi32>
          %swap3A_449 = vector.shape_cast %add3A_444 : vector<16xi32> to vector<16xi32>
          tpu.vector_store %arg5[%swap3A], %swap3A_449 {strides = array<i32>} : memref<800xi32, #tpu.memory_space<vmem>>, vector<16xi32>,
          %scan3A_450 = arith.constant 0 : i32
          scf.yield %scan3A_450 : i32
        }
        %scan3A_433 = arith.constant 50 : i32
      } else {
      }
      %dma_wait3A_354 = arith.constant 0 : i32
      %dma_wait3A_355 = arith.constant 0 : i32
      %dma_wait3A_356 = tpu.memref_slice %arg2[%dma_wait3A_354, %dma_wait3A_355] : memref<800000x16xf32, #tpu.memory_space<hbm>> -> memref<800000x16xf32, #tpu.memory_space<hbm>>
      tpu.wait_indirect_dma semaphore(%arg15 : memref<!tpu.dma_semaphore, #tpu.memory_space<semaphore_mem>>) src(%dma_wait3A_356 : memref<800000x16xf32, #tpu.memory_space<hbm>>) dst(%arg12 : memref<800x16xf32, #tpu.memory_space<vmem>>)
      %dma_start3A_357 = arith.constant 0 : i32
      %dma_start3A_358 = arith.constant 0 : i32
      %dma_start3A_359 = tpu.memref_slice %arg13[%dma_start3A_357, %dma_start3A_358] : memref<100000x16xf32, #tpu.memory_space<vmem_shared>> -> memref<100000x16xf32, #tpu.memory_space<vmem_shared>>
      tpu.enqueue_indirect_dma source(%arg12 : memref<800x16xf32, #tpu.memory_space<vmem>>) target(%dma_start3A_359 : memref<100000x16xf32, #tpu.memory_space<vmem_shared>>) offsets(%arg8 : memref<800xi32, #tpu.memory_space<vmem>>) semaphore(%arg17 : memref<!tpu.dma_semaphore, #tpu.memory_space<semaphore_mem>>) {add = true}
      %mul3A_360 = arith.constant 4 : i32
      %mul3A_361 = arith.muli %mul3A_360, %scan3A_310 : i32
      %add3A_362 = arith.constant 2 : i32
      %add3A_363 = arith.addi %mul3A_361, %add3A_362 : i32
      %mul3A_364 = arith.constant 800 : i32
      %mul3A_365 = arith.muli %add3A_363, %mul3A_364 : i32
      %add3A_366 = arith.addi %mul3A_2, %mul3A_365 : i32
      %ge3A_367 = arith.constant 2 : i32
      %ge3A_368 = arith.cmpi sge, %add3A_363, %ge3A_367 : i32
      %convert_element_type3A_369 = arith.extui %ge3A_368 : i1 to i32
      %cond3A_370 = arith.constant 0 : i32
      %cond3A_371 = arith.cmpi ne, %convert_element_type3A_369, %cond3A_370 : i32
      scf.if %cond3A_371 {
        %dma_wait3A_413 = arith.constant 0 : i32
        %dma_wait3A_414 = arith.constant 0 : i32
        %dma_wait3A_415 = tpu.memref_slice %arg13[%dma_wait3A_413, %dma_wait3A_414] : memref<100000x16xf32, #tpu.memory_space<vmem_shared>> -> memref<100000x16xf32, #tpu.memory_space<vmem_shared>>
        tpu.wait_indirect_dma semaphore(%arg16 : memref<!tpu.dma_semaphore, #tpu.memory_space<semaphore_mem>>) src(%arg11 : memref<800x16xf32, #tpu.memory_space<vmem>>) dst(%dma_wait3A_415 : memref<100000x16xf32, #tpu.memory_space<vmem_shared>>)
      } else {
      }
      %dma_start3A_372 = arith.constant 0 : i32
      %dma_start3A_373 = arith.constant 0 : i32
      %dma_start3A_374 = tpu.memref_slice %arg2[%dma_start3A_372, %dma_start3A_373] : memref<800000x16xf32, #tpu.memory_space<hbm>> -> memref<800000x16xf32, #tpu.memory_space<hbm>>
      tpu.enqueue_indirect_dma source(%dma_start3A_374 : memref<800000x16xf32, #tpu.memory_space<hbm>>) target(%arg11 : memref<800x16xf32, #tpu.memory_space<vmem>>) offsets(%arg5 : memref<800xi32, #tpu.memory_space<vmem>>) semaphore(%arg15 : memref<!tpu.dma_semaphore, #tpu.memory_space<semaphore_mem>>)
      %lt3A_375 = arith.constant 124 : i32
      %lt3A_376 = arith.cmpi slt, %add3A_363, %lt3A_375 : i32
      %convert_element_type3A_377 = arith.extui %lt3A_376 : i1 to i32
      %cond3A_378 = arith.constant 0 : i32
      %cond3A_379 = arith.cmpi ne, %convert_element_type3A_377, %cond3A_378 : i32
      scf.if %cond3A_379 {
        %add3A_413 = arith.constant 800 : i32
        %add3A_414 = arith.addi %add3A_366, %add3A_413 : i32
        %dma_start3A_415 = tpu.memref_slice %arg3[%add3A_414] : memref<3200000xi32, #tpu.memory_space<hbm>> -> memref<800xi32, #tpu.memory_space<hbm>>
        %dma_start3A_416 = tpu.memref_slice %arg3[%add3A_414] : memref<3200000xi32, #tpu.memory_space<hbm>> -> memref<800xi32, #tpu.memory_space<hbm>>
        tpu.enqueue_dma source(%dma_start3A_416 : memref<800xi32, #tpu.memory_space<hbm>>) target(%arg6 : memref<800xi32, #tpu.memory_space<vmem>>) target_semaphore(%arg14 : memref<!tpu.dma_semaphore, #tpu.memory_space<semaphore_mem>>)
        %add3A_417 = arith.constant 1600000 : i32
        %add3A_418 = arith.addi %add3A_417, %add3A_414 : i32
        %dma_start3A_419 = tpu.memref_slice %arg3[%add3A_418] : memref<3200000xi32, #tpu.memory_space<hbm>> -> memref<800xi32, #tpu.memory_space<hbm>>
        %dma_start3A_420 = tpu.memref_slice %arg3[%add3A_418] : memref<3200000xi32, #tpu.memory_space<hbm>> -> memref<800xi32, #tpu.memory_space<hbm>>
        tpu.enqueue_dma source(%dma_start3A_420 : memref<800xi32, #tpu.memory_space<hbm>>) target(%arg10 : memref<800xi32, #tpu.memory_space<vmem>>) target_semaphore(%arg14 : memref<!tpu.dma_semaphore, #tpu.memory_space<semaphore_mem>>)
        %dma_wait3A_421 = tpu.memref_slice %arg3[%add3A_414] : memref<3200000xi32, #tpu.memory_space<hbm>> -> memref<800xi32, #tpu.memory_space<hbm>>
        %dma_wait3A_422 = tpu.memref_slice %arg3[%add3A_414] : memref<3200000xi32, #tpu.memory_space<hbm>> -> memref<800xi32, #tpu.memory_space<hbm>>
        tpu.wait_dma2 semaphore(%arg14 : memref<!tpu.dma_semaphore, #tpu.memory_space<semaphore_mem>>) src(%dma_wait3A_422 : memref<800xi32, #tpu.memory_space<hbm>>) dst(%arg6 : memref<800xi32, #tpu.memory_space<vmem>>)
        %add3A_423 = arith.constant 1600000 : i32
        %add3A_424 = arith.addi %add3A_423, %add3A_414 : i32
        %dma_wait3A_425 = tpu.memref_slice %arg3[%add3A_424] : memref<3200000xi32, #tpu.memory_space<hbm>> -> memref<800xi32, #tpu.memory_space<hbm>>
        %dma_wait3A_426 = tpu.memref_slice %arg3[%add3A_424] : memref<3200000xi32, #tpu.memory_space<hbm>> -> memref<800xi32, #tpu.memory_space<hbm>>
        tpu.wait_dma2 semaphore(%arg14 : memref<!tpu.dma_semaphore, #tpu.memory_space<semaphore_mem>>) src(%dma_wait3A_426 : memref<800xi32, #tpu.memory_space<hbm>>) dst(%arg10 : memref<800xi32, #tpu.memory_space<vmem>>)
        %scan3A_427 = arith.constant 0 : i32
        %scan3A_428 = arith.constant 0 : i32
        %scan3A_429 = arith.constant 50 : i32
        %scan3A_430 = arith.addi %scan3A_428, %scan3A_429 : i32
        %scan3A_431 = arith.constant 1 : i32
        %scan3A_432 = scf.for %scan3A_434 = %scan3A_428 to %scan3A_430 step %scan3A_431 iter_args(%scan3A_435 = %scan3A_427) -> (i32)  : i32 {
          %mul3A_436 = arith.constant 16 : i32
          %mul3A_437 = arith.muli %scan3A_434, %mul3A_436 : i32
          %get3A = arith.index_cast %mul3A_437 : i32 to index
          %get3A_438 = tpu.vector_load %arg6[%get3A] {strides = array<i32>} : memref<800xi32, #tpu.memory_space<vmem>>, vector<16xi32>,
          %get3A_439 = vector.shape_cast %get3A_438 : vector<16xi32> to vector<16xi32>
          %mul3A_440 = arith.constant 8 : i32
          %mul3A_441 = vector.broadcast %mul3A_440 : i32 to vector<16xi32>
          %mul3A_442 = arith.muli %get3A_439, %mul3A_441 : vector<16xi32>
          %add3A_443 = vector.broadcast %add3A_157 : i32 to vector<16xi32>
          %add3A_444 = arith.addi %mul3A_442, %add3A_443 : vector<16xi32>
          %mul3A_445 = arith.constant 16 : i32
          %mul3A_446 = arith.muli %scan3A_434, %mul3A_445 : i32
          %swap3A = arith.index_cast %mul3A_446 : i32 to index
          %swap3A_447 = tpu.vector_load %arg6[%swap3A] {strides = array<i32>} : memref<800xi32, #tpu.memory_space<vmem>>, vector<16xi32>,
          %swap3A_448 = vector.shape_cast %swap3A_447 : vector<16xi32> to vector<16xi32>
          %swap3A_449 = vector.shape_cast %add3A_444 : vector<16xi32> to vector<16xi32>
          tpu.vector_store %arg6[%swap3A], %swap3A_449 {strides = array<i32>} : memref<800xi32, #tpu.memory_space<vmem>>, vector<16xi32>,
          %scan3A_450 = arith.constant 0 : i32
          scf.yield %scan3A_450 : i32
        }
        %scan3A_433 = arith.constant 50 : i32
      } else {
      }
      %dma_wait3A_380 = arith.constant 0 : i32
      %dma_wait3A_381 = arith.constant 0 : i32
      %dma_wait3A_382 = tpu.memref_slice %arg2[%dma_wait3A_380, %dma_wait3A_381] : memref<800000x16xf32, #tpu.memory_space<hbm>> -> memref<800000x16xf32, #tpu.memory_space<hbm>>
      tpu.wait_indirect_dma semaphore(%arg15 : memref<!tpu.dma_semaphore, #tpu.memory_space<semaphore_mem>>) src(%dma_wait3A_382 : memref<800000x16xf32, #tpu.memory_space<hbm>>) dst(%arg11 : memref<800x16xf32, #tpu.memory_space<vmem>>)
      %dma_start3A_383 = arith.constant 0 : i32
      %dma_start3A_384 = arith.constant 0 : i32
      %dma_start3A_385 = tpu.memref_slice %arg13[%dma_start3A_383, %dma_start3A_384] : memref<100000x16xf32, #tpu.memory_space<vmem_shared>> -> memref<100000x16xf32, #tpu.memory_space<vmem_shared>>
      tpu.enqueue_indirect_dma source(%arg11 : memref<800x16xf32, #tpu.memory_space<vmem>>) target(%dma_start3A_385 : memref<100000x16xf32, #tpu.memory_space<vmem_shared>>) offsets(%arg9 : memref<800xi32, #tpu.memory_space<vmem>>) semaphore(%arg16 : memref<!tpu.dma_semaphore, #tpu.memory_space<semaphore_mem>>) {add = true}
      %mul3A_386 = arith.constant 4 : i32
      %mul3A_387 = arith.muli %mul3A_386, %scan3A_310 : i32
      %add3A_388 = arith.constant 3 : i32
      %add3A_389 = arith.addi %mul3A_387, %add3A_388 : i32
      %mul3A_390 = arith.constant 800 : i32
      %mul3A_391 = arith.muli %add3A_389, %mul3A_390 : i32
      %add3A_392 = arith.addi %mul3A_2, %mul3A_391 : i32
      %ge3A_393 = arith.constant 2 : i32
      %ge3A_394 = arith.cmpi sge, %add3A_389, %ge3A_393 : i32
      %convert_element_type3A_395 = arith.extui %ge3A_394 : i1 to i32
      %cond3A_396 = arith.constant 0 : i32
      %cond3A_397 = arith.cmpi ne, %convert_element_type3A_395, %cond3A_396 : i32
      scf.if %cond3A_397 {
        %dma_wait3A_413 = arith.constant 0 : i32
        %dma_wait3A_414 = arith.constant 0 : i32
        %dma_wait3A_415 = tpu.memref_slice %arg13[%dma_wait3A_413, %dma_wait3A_414] : memref<100000x16xf32, #tpu.memory_space<vmem_shared>> -> memref<100000x16xf32, #tpu.memory_space<vmem_shared>>
        tpu.wait_indirect_dma semaphore(%arg17 : memref<!tpu.dma_semaphore, #tpu.memory_space<semaphore_mem>>) src(%arg12 : memref<800x16xf32, #tpu.memory_space<vmem>>) dst(%dma_wait3A_415 : memref<100000x16xf32, #tpu.memory_space<vmem_shared>>)
      } else {
      }
      %dma_start3A_398 = arith.constant 0 : i32
      %dma_start3A_399 = arith.constant 0 : i32
      %dma_start3A_400 = tpu.memref_slice %arg2[%dma_start3A_398, %dma_start3A_399] : memref<800000x16xf32, #tpu.memory_space<hbm>> -> memref<800000x16xf32, #tpu.memory_space<hbm>>
      tpu.enqueue_indirect_dma source(%dma_start3A_400 : memref<800000x16xf32, #tpu.memory_space<hbm>>) target(%arg12 : memref<800x16xf32, #tpu.memory_space<vmem>>) offsets(%arg6 : memref<800xi32, #tpu.memory_space<vmem>>) semaphore(%arg15 : memref<!tpu.dma_semaphore, #tpu.memory_space<semaphore_mem>>)
      %lt3A_401 = arith.constant 124 : i32
      %lt3A_402 = arith.cmpi slt, %add3A_389, %lt3A_401 : i32
      %convert_element_type3A_403 = arith.extui %lt3A_402 : i1 to i32
      %cond3A_404 = arith.constant 0 : i32
      %cond3A_405 = arith.cmpi ne, %convert_element_type3A_403, %cond3A_404 : i32
      scf.if %cond3A_405 {
        %add3A_413 = arith.constant 800 : i32
        %add3A_414 = arith.addi %add3A_392, %add3A_413 : i32
        %dma_start3A_415 = tpu.memref_slice %arg3[%add3A_414] : memref<3200000xi32, #tpu.memory_space<hbm>> -> memref<800xi32, #tpu.memory_space<hbm>>
        %dma_start3A_416 = tpu.memref_slice %arg3[%add3A_414] : memref<3200000xi32, #tpu.memory_space<hbm>> -> memref<800xi32, #tpu.memory_space<hbm>>
        tpu.enqueue_dma source(%dma_start3A_416 : memref<800xi32, #tpu.memory_space<hbm>>) target(%arg5 : memref<800xi32, #tpu.memory_space<vmem>>) target_semaphore(%arg14 : memref<!tpu.dma_semaphore, #tpu.memory_space<semaphore_mem>>)
        %add3A_417 = arith.constant 1600000 : i32
        %add3A_418 = arith.addi %add3A_417, %add3A_414 : i32
        %dma_start3A_419 = tpu.memref_slice %arg3[%add3A_418] : memref<3200000xi32, #tpu.memory_space<hbm>> -> memref<800xi32, #tpu.memory_space<hbm>>
        %dma_start3A_420 = tpu.memref_slice %arg3[%add3A_418] : memref<3200000xi32, #tpu.memory_space<hbm>> -> memref<800xi32, #tpu.memory_space<hbm>>
        tpu.enqueue_dma source(%dma_start3A_420 : memref<800xi32, #tpu.memory_space<hbm>>) target(%arg7 : memref<800xi32, #tpu.memory_space<vmem>>) target_semaphore(%arg14 : memref<!tpu.dma_semaphore, #tpu.memory_space<semaphore_mem>>)
        %dma_wait3A_421 = tpu.memref_slice %arg3[%add3A_414] : memref<3200000xi32, #tpu.memory_space<hbm>> -> memref<800xi32, #tpu.memory_space<hbm>>
        %dma_wait3A_422 = tpu.memref_slice %arg3[%add3A_414] : memref<3200000xi32, #tpu.memory_space<hbm>> -> memref<800xi32, #tpu.memory_space<hbm>>
        tpu.wait_dma2 semaphore(%arg14 : memref<!tpu.dma_semaphore, #tpu.memory_space<semaphore_mem>>) src(%dma_wait3A_422 : memref<800xi32, #tpu.memory_space<hbm>>) dst(%arg5 : memref<800xi32, #tpu.memory_space<vmem>>)
        %add3A_423 = arith.constant 1600000 : i32
        %add3A_424 = arith.addi %add3A_423, %add3A_414 : i32
        %dma_wait3A_425 = tpu.memref_slice %arg3[%add3A_424] : memref<3200000xi32, #tpu.memory_space<hbm>> -> memref<800xi32, #tpu.memory_space<hbm>>
        %dma_wait3A_426 = tpu.memref_slice %arg3[%add3A_424] : memref<3200000xi32, #tpu.memory_space<hbm>> -> memref<800xi32, #tpu.memory_space<hbm>>
        tpu.wait_dma2 semaphore(%arg14 : memref<!tpu.dma_semaphore, #tpu.memory_space<semaphore_mem>>) src(%dma_wait3A_426 : memref<800xi32, #tpu.memory_space<hbm>>) dst(%arg7 : memref<800xi32, #tpu.memory_space<vmem>>)
        %scan3A_427 = arith.constant 0 : i32
        %scan3A_428 = arith.constant 0 : i32
        %scan3A_429 = arith.constant 50 : i32
        %scan3A_430 = arith.addi %scan3A_428, %scan3A_429 : i32
        %scan3A_431 = arith.constant 1 : i32
        %scan3A_432 = scf.for %scan3A_434 = %scan3A_428 to %scan3A_430 step %scan3A_431 iter_args(%scan3A_435 = %scan3A_427) -> (i32)  : i32 {
          %mul3A_436 = arith.constant 16 : i32
          %mul3A_437 = arith.muli %scan3A_434, %mul3A_436 : i32
          %get3A = arith.index_cast %mul3A_437 : i32 to index
          %get3A_438 = tpu.vector_load %arg5[%get3A] {strides = array<i32>} : memref<800xi32, #tpu.memory_space<vmem>>, vector<16xi32>,
          %get3A_439 = vector.shape_cast %get3A_438 : vector<16xi32> to vector<16xi32>
          %mul3A_440 = arith.constant 8 : i32
          %mul3A_441 = vector.broadcast %mul3A_440 : i32 to vector<16xi32>
          %mul3A_442 = arith.muli %get3A_439, %mul3A_441 : vector<16xi32>
          %add3A_443 = vector.broadcast %add3A_157 : i32 to vector<16xi32>
          %add3A_444 = arith.addi %mul3A_442, %add3A_443 : vector<16xi32>
          %mul3A_445 = arith.constant 16 : i32
          %mul3A_446 = arith.muli %scan3A_434, %mul3A_445 : i32
          %swap3A = arith.index_cast %mul3A_446 : i32 to index
          %swap3A_447 = tpu.vector_load %arg5[%swap3A] {strides = array<i32>} : memref<800xi32, #tpu.memory_space<vmem>>, vector<16xi32>,
          %swap3A_448 = vector.shape_cast %swap3A_447 : vector<16xi32> to vector<16xi32>
          %swap3A_449 = vector.shape_cast %add3A_444 : vector<16xi32> to vector<16xi32>
          tpu.vector_store %arg5[%swap3A], %swap3A_449 {strides = array<i32>} : memref<800xi32, #tpu.memory_space<vmem>>, vector<16xi32>,
          %scan3A_450 = arith.constant 0 : i32
          scf.yield %scan3A_450 : i32
        }
        %scan3A_433 = arith.constant 50 : i32
      } else {
      }
      %dma_wait3A_406 = arith.constant 0 : i32
      %dma_wait3A_407 = arith.constant 0 : i32
      %dma_wait3A_408 = tpu.memref_slice %arg2[%dma_wait3A_406, %dma_wait3A_407] : memref<800000x16xf32, #tpu.memory_space<hbm>> -> memref<800000x16xf32, #tpu.memory_space<hbm>>
      tpu.wait_indirect_dma semaphore(%arg15 : memref<!tpu.dma_semaphore, #tpu.memory_space<semaphore_mem>>) src(%dma_wait3A_408 : memref<800000x16xf32, #tpu.memory_space<hbm>>) dst(%arg12 : memref<800x16xf32, #tpu.memory_space<vmem>>)
      %dma_start3A_409 = arith.constant 0 : i32
      %dma_start3A_410 = arith.constant 0 : i32
      %dma_start3A_411 = tpu.memref_slice %arg13[%dma_start3A_409, %dma_start3A_410] : memref<100000x16xf32, #tpu.memory_space<vmem_shared>> -> memref<100000x16xf32, #tpu.memory_space<vmem_shared>>
      tpu.enqueue_indirect_dma source(%arg12 : memref<800x16xf32, #tpu.memory_space<vmem>>) target(%dma_start3A_411 : memref<100000x16xf32, #tpu.memory_space<vmem_shared>>) offsets(%arg10 : memref<800xi32, #tpu.memory_space<vmem>>) semaphore(%arg17 : memref<!tpu.dma_semaphore, #tpu.memory_space<semaphore_mem>>) {add = true}
      %scan3A_412 = arith.constant 0 : i32
      scf.yield %scan3A_412 : i32
    }
    %scan3A_207 = arith.constant 31 : i32
    %add3A_208 = arith.constant 99200 : i32
    %add3A_209 = arith.addi %mul3A_2, %add3A_208 : i32
    %dma_wait3A_210 = arith.constant 0 : i32
    %dma_wait3A_211 = arith.constant 0 : i32
    %dma_wait3A_212 = tpu.memref_slice %arg13[%dma_wait3A_210, %dma_wait3A_211] : memref<100000x16xf32, #tpu.memory_space<vmem_shared>> -> memref<100000x16xf32, #tpu.memory_space<vmem_shared>>
    tpu.wait_indirect_dma semaphore(%arg16 : memref<!tpu.dma_semaphore, #tpu.memory_space<semaphore_mem>>) src(%arg11 : memref<800x16xf32, #tpu.memory_space<vmem>>) dst(%dma_wait3A_212 : memref<100000x16xf32, #tpu.memory_space<vmem_shared>>)
    %dma_start3A_213 = arith.constant 0 : i32
    %dma_start3A_214 = arith.constant 0 : i32
    %dma_start3A_215 = tpu.memref_slice %arg2[%dma_start3A_213, %dma_start3A_214] : memref<800000x16xf32, #tpu.memory_space<hbm>> -> memref<800000x16xf32, #tpu.memory_space<hbm>>
    tpu.enqueue_indirect_dma source(%dma_start3A_215 : memref<800000x16xf32, #tpu.memory_space<hbm>>) target(%arg11 : memref<800x16xf32, #tpu.memory_space<vmem>>) offsets(%arg5 : memref<800xi32, #tpu.memory_space<vmem>>) semaphore(%arg15 : memref<!tpu.dma_semaphore, #tpu.memory_space<semaphore_mem>>)
    %dma_wait3A_216 = arith.constant 0 : i32
    %dma_wait3A_217 = arith.constant 0 : i32
    %dma_wait3A_218 = tpu.memref_slice %arg2[%dma_wait3A_216, %dma_wait3A_217] : memref<800000x16xf32, #tpu.memory_space<hbm>> -> memref<800000x16xf32, #tpu.memory_space<hbm>>
    tpu.wait_indirect_dma semaphore(%arg15 : memref<!tpu.dma_semaphore, #tpu.memory_space<semaphore_mem>>) src(%dma_wait3A_218 : memref<800000x16xf32, #tpu.memory_space<hbm>>) dst(%arg11 : memref<800x16xf32, #tpu.memory_space<vmem>>)
    %dma_start3A_219 = arith.constant 0 : i32
    %dma_start3A_220 = arith.constant 0 : i32
    %dma_start3A_221 = tpu.memref_slice %arg13[%dma_start3A_219, %dma_start3A_220] : memref<100000x16xf32, #tpu.memory_space<vmem_shared>> -> memref<100000x16xf32, #tpu.memory_space<vmem_shared>>
    tpu.enqueue_indirect_dma source(%arg11 : memref<800x16xf32, #tpu.memory_space<vmem>>) target(%dma_start3A_221 : memref<100000x16xf32, #tpu.memory_space<vmem_shared>>) offsets(%arg7 : memref<800xi32, #tpu.memory_space<vmem>>) semaphore(%arg16 : memref<!tpu.dma_semaphore, #tpu.memory_space<semaphore_mem>>) {add = true}
    %dma_wait3A_222 = arith.constant 0 : i32
    %dma_wait3A_223 = arith.constant 0 : i32
    %dma_wait3A_224 = tpu.memref_slice %arg13[%dma_wait3A_222, %dma_wait3A_223] : memref<100000x16xf32, #tpu.memory_space<vmem_shared>> -> memref<100000x16xf32, #tpu.memory_space<vmem_shared>>
    tpu.wait_indirect_dma semaphore(%arg17 : memref<!tpu.dma_semaphore, #tpu.memory_space<semaphore_mem>>) src(%arg12 : memref<800x16xf32, #tpu.memory_space<vmem>>) dst(%dma_wait3A_224 : memref<100000x16xf32, #tpu.memory_space<vmem_shared>>)
    %dma_wait3A_225 = arith.constant 0 : i32
    %dma_wait3A_226 = arith.constant 0 : i32
    %dma_wait3A_227 = tpu.memref_slice %arg13[%dma_wait3A_225, %dma_wait3A_226] : memref<100000x16xf32, #tpu.memory_space<vmem_shared>> -> memref<100000x16xf32, #tpu.memory_space<vmem_shared>>
    tpu.wait_indirect_dma semaphore(%arg16 : memref<!tpu.dma_semaphore, #tpu.memory_space<semaphore_mem>>) src(%arg11 : memref<800x16xf32, #tpu.memory_space<vmem>>) dst(%dma_wait3A_227 : memref<100000x16xf32, #tpu.memory_space<vmem_shared>>)
    %barrier3A_228 = arith.constant 0 : index
    tpu.barrier barrier_id(%barrier3A_228)
    %mul3A_229 = arith.constant 16 : i32
    %mul3A_230 = arith.muli %add3A_157, %mul3A_229 : i32
    "tpu.region"() ({
      %run_scoped3A = tpu.sem_alloc : memref<!tpu.dma_semaphore, #tpu.memory_space<semaphore_mem>>
      %dma_start3A_310 = tpu.memref_slice %arg4[%mul3A_0, %mul3A_230] : memref<100000x128xf32, #tpu.memory_space<hbm>> -> memref<6250x16xf32, #tpu.memory_space<hbm>>
      %dma_start3A_311 = arith.constant 0 : i32
      %dma_start3A_312 = tpu.memref_slice %arg13[%mul3A_0, %dma_start3A_311] : memref<100000x16xf32, #tpu.memory_space<vmem_shared>> -> memref<6250x16xf32, #tpu.memory_space<vmem_shared>>
      tpu.enqueue_dma source(%dma_start3A_312 : memref<6250x16xf32, #tpu.memory_space<vmem_shared>>) target(%dma_start3A_310 : memref<6250x16xf32, #tpu.memory_space<hbm>>) target_semaphore(%run_scoped3A : memref<!tpu.dma_semaphore, #tpu.memory_space<semaphore_mem>>)
      %dma_wait3A_313 = tpu.memref_slice %arg4[%mul3A_0, %mul3A_230] : memref<100000x128xf32, #tpu.memory_space<hbm>> -> memref<6250x16xf32, #tpu.memory_space<hbm>>
      %dma_wait3A_314 = arith.constant 0 : i32
      %dma_wait3A_315 = tpu.memref_slice %arg13[%mul3A_0, %dma_wait3A_314] : memref<100000x16xf32, #tpu.memory_space<vmem_shared>> -> memref<6250x16xf32, #tpu.memory_space<vmem_shared>>
      tpu.wait_dma2 semaphore(%run_scoped3A : memref<!tpu.dma_semaphore, #tpu.memory_space<semaphore_mem>>) src(%dma_wait3A_315 : memref<6250x16xf32, #tpu.memory_space<vmem_shared>>) dst(%dma_wait3A_313 : memref<6250x16xf32, #tpu.memory_space<hbm>>)
      tpu.yield
    }) : () -> ()
    %barrier3A_231 = arith.constant 0 : index
    tpu.barrier barrier_id(%barrier3A_231)
    %mul3A_232 = arith.constant 4 : i32
    %mul3A_233 = arith.muli %arg0, %mul3A_232 : i32
    %add3A_234 = arith.constant 3 : i32
    %add3A_235 = arith.addi %mul3A_233, %add3A_234 : i32
    %scan3A_236 = arith.constant 0 : i32
    %scan3A_237 = arith.constant 0 : i32
    %scan3A_238 = arith.constant 800 : i32
    %scan3A_239 = arith.addi %scan3A_237, %scan3A_238 : i32
    %scan3A_240 = arith.constant 1 : i32
    %scan3A_241 = scf.for %scan3A_310 = %scan3A_237 to %scan3A_239 step %scan3A_240 iter_args(%scan3A_311 = %scan3A_236) -> (i32)  : i32 {
      %broadcast_in_dim3A = arith.constant 0.000000e+00 : f32
      %broadcast_in_dim3A_312 = vector.broadcast %broadcast_in_dim3A : f32 to vector<16xf32>
      %swap3A = arith.index_cast %scan3A_310 : i32 to index
      %swap3A_313 = arith.constant 0 : index
      %swap3A_314 = tpu.vector_load %arg11[%swap3A, %swap3A_313] {strides = array<i32>} : memref<800x16xf32, #tpu.memory_space<vmem>>, vector<1x16xf32>,
      %swap3A_315 = vector.shape_cast %swap3A_314 : vector<1x16xf32> to vector<16xf32>
      %swap3A_316 = vector.shape_cast %broadcast_in_dim3A_312 : vector<16xf32> to vector<1x16xf32>
      tpu.vector_store %arg11[%swap3A, %swap3A_313], %swap3A_316 {strides = array<i32>} : memref<800x16xf32, #tpu.memory_space<vmem>>, vector<1x16xf32>,
      %scan3A_317 = arith.constant 0 : i32
      scf.yield %scan3A_317 : i32
    }
    %scan3A_242 = arith.constant 800 : i32
    %add3A_243 = arith.constant 0 : i32
    %add3A_244 = arith.addi %mul3A_0, %add3A_243 : i32
    "tpu.region"() ({
      %run_scoped3A = tpu.sem_alloc : memref<!tpu.dma_semaphore, #tpu.memory_space<semaphore_mem>>
      %dma_start3A_310 = arith.constant 0 : i32
      %dma_start3A_311 = tpu.memref_slice %arg13[%add3A_244, %dma_start3A_310] : memref<100000x16xf32, #tpu.memory_space<vmem_shared>> -> memref<800x16xf32, #tpu.memory_space<vmem_shared>>
      %dma_start3A_312 = arith.constant 0 : i32
      %dma_start3A_313 = tpu.memref_slice %arg13[%add3A_244, %dma_start3A_312] : memref<100000x16xf32, #tpu.memory_space<vmem_shared>> -> memref<800x16xf32, #tpu.memory_space<vmem_shared>>
      tpu.enqueue_dma source(%arg11 : memref<800x16xf32, #tpu.memory_space<vmem>>) target(%dma_start3A_313 : memref<800x16xf32, #tpu.memory_space<vmem_shared>>) target_semaphore(%run_scoped3A : memref<!tpu.dma_semaphore, #tpu.memory_space<semaphore_mem>>)
      %dma_wait3A_314 = arith.constant 0 : i32
      %dma_wait3A_315 = tpu.memref_slice %arg13[%add3A_244, %dma_wait3A_314] : memref<100000x16xf32, #tpu.memory_space<vmem_shared>> -> memref<800x16xf32, #tpu.memory_space<vmem_shared>>
      %dma_wait3A_316 = arith.constant 0 : i32
      %dma_wait3A_317 = tpu.memref_slice %arg13[%add3A_244, %dma_wait3A_316] : memref<100000x16xf32, #tpu.memory_space<vmem_shared>> -> memref<800x16xf32, #tpu.memory_space<vmem_shared>>
      tpu.wait_dma2 semaphore(%run_scoped3A : memref<!tpu.dma_semaphore, #tpu.memory_space<semaphore_mem>>) src(%arg11 : memref<800x16xf32, #tpu.memory_space<vmem>>) dst(%dma_wait3A_317 : memref<800x16xf32, #tpu.memory_space<vmem_shared>>)
      tpu.yield
    }) : () -> ()
    %add3A_245 = arith.constant 800 : i32
    %add3A_246 = arith.addi %mul3A_0, %add3A_245 : i32
    "tpu.region"() ({
      %run_scoped3A = tpu.sem_alloc : memref<!tpu.dma_semaphore, #tpu.memory_space<semaphore_mem>>
      %dma_start3A_310 = arith.constant 0 : i32
      %dma_start3A_311 = tpu.memref_slice %arg13[%add3A_246, %dma_start3A_310] : memref<100000x16xf32, #tpu.memory_space<vmem_shared>> -> memref<800x16xf32, #tpu.memory_space<vmem_shared>>
      %dma_start3A_312 = arith.constant 0 : i32
      %dma_start3A_313 = tpu.memref_slice %arg13[%add3A_246, %dma_start3A_312] : memref<100000x16xf32, #tpu.memory_space<vmem_shared>> -> memref<800x16xf32, #tpu.memory_space<vmem_shared>>
      tpu.enqueue_dma source(%arg11 : memref<800x16xf32, #tpu.memory_space<vmem>>) target(%dma_start3A_313 : memref<800x16xf32, #tpu.memory_space<vmem_shared>>) target_semaphore(%run_scoped3A : memref<!tpu.dma_semaphore, #tpu.memory_space<semaphore_mem>>)
      %dma_wait3A_314 = arith.constant 0 : i32
      %dma_wait3A_315 = tpu.memref_slice %arg13[%add3A_246, %dma_wait3A_314] : memref<100000x16xf32, #tpu.memory_space<vmem_shared>> -> memref<800x16xf32, #tpu.memory_space<vmem_shared>>
      %dma_wait3A_316 = arith.constant 0 : i32
      %dma_wait3A_317 = tpu.memref_slice %arg13[%add3A_246, %dma_wait3A_316] : memref<100000x16xf32, #tpu.memory_space<vmem_shared>> -> memref<800x16xf32, #tpu.memory_space<vmem_shared>>
      tpu.wait_dma2 semaphore(%run_scoped3A : memref<!tpu.dma_semaphore, #tpu.memory_space<semaphore_mem>>) src(%arg11 : memref<800x16xf32, #tpu.memory_space<vmem>>) dst(%dma_wait3A_317 : memref<800x16xf32, #tpu.memory_space<vmem_shared>>)
      tpu.yield
    }) : () -> ()
    %add3A_247 = arith.constant 1600 : i32
    %add3A_248 = arith.addi %mul3A_0, %add3A_247 : i32
    "tpu.region"() ({
      %run_scoped3A = tpu.sem_alloc : memref<!tpu.dma_semaphore, #tpu.memory_space<semaphore_mem>>
      %dma_start3A_310 = arith.constant 0 : i32
      %dma_start3A_311 = tpu.memref_slice %arg13[%add3A_248, %dma_start3A_310] : memref<100000x16xf32, #tpu.memory_space<vmem_shared>> -> memref<800x16xf32, #tpu.memory_space<vmem_shared>>
      %dma_start3A_312 = arith.constant 0 : i32
      %dma_start3A_313 = tpu.memref_slice %arg13[%add3A_248, %dma_start3A_312] : memref<100000x16xf32, #tpu.memory_space<vmem_shared>> -> memref<800x16xf32, #tpu.memory_space<vmem_shared>>
      tpu.enqueue_dma source(%arg11 : memref<800x16xf32, #tpu.memory_space<vmem>>) target(%dma_start3A_313 : memref<800x16xf32, #tpu.memory_space<vmem_shared>>) target_semaphore(%run_scoped3A : memref<!tpu.dma_semaphore, #tpu.memory_space<semaphore_mem>>)
      %dma_wait3A_314 = arith.constant 0 : i32
      %dma_wait3A_315 = tpu.memref_slice %arg13[%add3A_248, %dma_wait3A_314] : memref<100000x16xf32, #tpu.memory_space<vmem_shared>> -> memref<800x16xf32, #tpu.memory_space<vmem_shared>>
      %dma_wait3A_316 = arith.constant 0 : i32
      %dma_wait3A_317 = tpu.memref_slice %arg13[%add3A_248, %dma_wait3A_316] : memref<100000x16xf32, #tpu.memory_space<vmem_shared>> -> memref<800x16xf32, #tpu.memory_space<vmem_shared>>
      tpu.wait_dma2 semaphore(%run_scoped3A : memref<!tpu.dma_semaphore, #tpu.memory_space<semaphore_mem>>) src(%arg11 : memref<800x16xf32, #tpu.memory_space<vmem>>) dst(%dma_wait3A_317 : memref<800x16xf32, #tpu.memory_space<vmem_shared>>)
      tpu.yield
    }) : () -> ()
    %add3A_249 = arith.constant 2400 : i32
    %add3A_250 = arith.addi %mul3A_0, %add3A_249 : i32
    "tpu.region"() ({
      %run_scoped3A = tpu.sem_alloc : memref<!tpu.dma_semaphore, #tpu.memory_space<semaphore_mem>>
      %dma_start3A_310 = arith.constant 0 : i32
      %dma_start3A_311 = tpu.memref_slice %arg13[%add3A_250, %dma_start3A_310] : memref<100000x16xf32, #tpu.memory_space<vmem_shared>> -> memref<800x16xf32, #tpu.memory_space<vmem_shared>>
      %dma_start3A_312 = arith.constant 0 : i32
      %dma_start3A_313 = tpu.memref_slice %arg13[%add3A_250, %dma_start3A_312] : memref<100000x16xf32, #tpu.memory_space<vmem_shared>> -> memref<800x16xf32, #tpu.memory_space<vmem_shared>>
      tpu.enqueue_dma source(%arg11 : memref<800x16xf32, #tpu.memory_space<vmem>>) target(%dma_start3A_313 : memref<800x16xf32, #tpu.memory_space<vmem_shared>>) target_semaphore(%run_scoped3A : memref<!tpu.dma_semaphore, #tpu.memory_space<semaphore_mem>>)
      %dma_wait3A_314 = arith.constant 0 : i32
      %dma_wait3A_315 = tpu.memref_slice %arg13[%add3A_250, %dma_wait3A_314] : memref<100000x16xf32, #tpu.memory_space<vmem_shared>> -> memref<800x16xf32, #tpu.memory_space<vmem_shared>>
      %dma_wait3A_316 = arith.constant 0 : i32
      %dma_wait3A_317 = tpu.memref_slice %arg13[%add3A_250, %dma_wait3A_316] : memref<100000x16xf32, #tpu.memory_space<vmem_shared>> -> memref<800x16xf32, #tpu.memory_space<vmem_shared>>
      tpu.wait_dma2 semaphore(%run_scoped3A : memref<!tpu.dma_semaphore, #tpu.memory_space<semaphore_mem>>) src(%arg11 : memref<800x16xf32, #tpu.memory_space<vmem>>) dst(%dma_wait3A_317 : memref<800x16xf32, #tpu.memory_space<vmem_shared>>)
      tpu.yield
    }) : () -> ()
    %add3A_251 = arith.constant 3200 : i32
    %add3A_252 = arith.addi %mul3A_0, %add3A_251 : i32
    "tpu.region"() ({
      %run_scoped3A = tpu.sem_alloc : memref<!tpu.dma_semaphore, #tpu.memory_space<semaphore_mem>>
      %dma_start3A_310 = arith.constant 0 : i32
      %dma_start3A_311 = tpu.memref_slice %arg13[%add3A_252, %dma_start3A_310] : memref<100000x16xf32, #tpu.memory_space<vmem_shared>> -> memref<800x16xf32, #tpu.memory_space<vmem_shared>>
      %dma_start3A_312 = arith.constant 0 : i32
      %dma_start3A_313 = tpu.memref_slice %arg13[%add3A_252, %dma_start3A_312] : memref<100000x16xf32, #tpu.memory_space<vmem_shared>> -> memref<800x16xf32, #tpu.memory_space<vmem_shared>>
      tpu.enqueue_dma source(%arg11 : memref<800x16xf32, #tpu.memory_space<vmem>>) target(%dma_start3A_313 : memref<800x16xf32, #tpu.memory_space<vmem_shared>>) target_semaphore(%run_scoped3A : memref<!tpu.dma_semaphore, #tpu.memory_space<semaphore_mem>>)
      %dma_wait3A_314 = arith.constant 0 : i32
      %dma_wait3A_315 = tpu.memref_slice %arg13[%add3A_252, %dma_wait3A_314] : memref<100000x16xf32, #tpu.memory_space<vmem_shared>> -> memref<800x16xf32, #tpu.memory_space<vmem_shared>>
      %dma_wait3A_316 = arith.constant 0 : i32
      %dma_wait3A_317 = tpu.memref_slice %arg13[%add3A_252, %dma_wait3A_316] : memref<100000x16xf32, #tpu.memory_space<vmem_shared>> -> memref<800x16xf32, #tpu.memory_space<vmem_shared>>
      tpu.wait_dma2 semaphore(%run_scoped3A : memref<!tpu.dma_semaphore, #tpu.memory_space<semaphore_mem>>) src(%arg11 : memref<800x16xf32, #tpu.memory_space<vmem>>) dst(%dma_wait3A_317 : memref<800x16xf32, #tpu.memory_space<vmem_shared>>)
      tpu.yield
    }) : () -> ()
    %add3A_253 = arith.constant 4000 : i32
    %add3A_254 = arith.addi %mul3A_0, %add3A_253 : i32
    "tpu.region"() ({
      %run_scoped3A = tpu.sem_alloc : memref<!tpu.dma_semaphore, #tpu.memory_space<semaphore_mem>>
      %dma_start3A_310 = arith.constant 0 : i32
      %dma_start3A_311 = tpu.memref_slice %arg13[%add3A_254, %dma_start3A_310] : memref<100000x16xf32, #tpu.memory_space<vmem_shared>> -> memref<800x16xf32, #tpu.memory_space<vmem_shared>>
      %dma_start3A_312 = arith.constant 0 : i32
      %dma_start3A_313 = tpu.memref_slice %arg13[%add3A_254, %dma_start3A_312] : memref<100000x16xf32, #tpu.memory_space<vmem_shared>> -> memref<800x16xf32, #tpu.memory_space<vmem_shared>>
      tpu.enqueue_dma source(%arg11 : memref<800x16xf32, #tpu.memory_space<vmem>>) target(%dma_start3A_313 : memref<800x16xf32, #tpu.memory_space<vmem_shared>>) target_semaphore(%run_scoped3A : memref<!tpu.dma_semaphore, #tpu.memory_space<semaphore_mem>>)
      %dma_wait3A_314 = arith.constant 0 : i32
      %dma_wait3A_315 = tpu.memref_slice %arg13[%add3A_254, %dma_wait3A_314] : memref<100000x16xf32, #tpu.memory_space<vmem_shared>> -> memref<800x16xf32, #tpu.memory_space<vmem_shared>>
      %dma_wait3A_316 = arith.constant 0 : i32
      %dma_wait3A_317 = tpu.memref_slice %arg13[%add3A_254, %dma_wait3A_316] : memref<100000x16xf32, #tpu.memory_space<vmem_shared>> -> memref<800x16xf32, #tpu.memory_space<vmem_shared>>
      tpu.wait_dma2 semaphore(%run_scoped3A : memref<!tpu.dma_semaphore, #tpu.memory_space<semaphore_mem>>) src(%arg11 : memref<800x16xf32, #tpu.memory_space<vmem>>) dst(%dma_wait3A_317 : memref<800x16xf32, #tpu.memory_space<vmem_shared>>)
      tpu.yield
    }) : () -> ()
    %add3A_255 = arith.constant 4800 : i32
    %add3A_256 = arith.addi %mul3A_0, %add3A_255 : i32
    "tpu.region"() ({
      %run_scoped3A = tpu.sem_alloc : memref<!tpu.dma_semaphore, #tpu.memory_space<semaphore_mem>>
      %dma_start3A_310 = arith.constant 0 : i32
      %dma_start3A_311 = tpu.memref_slice %arg13[%add3A_256, %dma_start3A_310] : memref<100000x16xf32, #tpu.memory_space<vmem_shared>> -> memref<800x16xf32, #tpu.memory_space<vmem_shared>>
      %dma_start3A_312 = arith.constant 0 : i32
      %dma_start3A_313 = tpu.memref_slice %arg13[%add3A_256, %dma_start3A_312] : memref<100000x16xf32, #tpu.memory_space<vmem_shared>> -> memref<800x16xf32, #tpu.memory_space<vmem_shared>>
      tpu.enqueue_dma source(%arg11 : memref<800x16xf32, #tpu.memory_space<vmem>>) target(%dma_start3A_313 : memref<800x16xf32, #tpu.memory_space<vmem_shared>>) target_semaphore(%run_scoped3A : memref<!tpu.dma_semaphore, #tpu.memory_space<semaphore_mem>>)
      %dma_wait3A_314 = arith.constant 0 : i32
      %dma_wait3A_315 = tpu.memref_slice %arg13[%add3A_256, %dma_wait3A_314] : memref<100000x16xf32, #tpu.memory_space<vmem_shared>> -> memref<800x16xf32, #tpu.memory_space<vmem_shared>>
      %dma_wait3A_316 = arith.constant 0 : i32
      %dma_wait3A_317 = tpu.memref_slice %arg13[%add3A_256, %dma_wait3A_316] : memref<100000x16xf32, #tpu.memory_space<vmem_shared>> -> memref<800x16xf32, #tpu.memory_space<vmem_shared>>
      tpu.wait_dma2 semaphore(%run_scoped3A : memref<!tpu.dma_semaphore, #tpu.memory_space<semaphore_mem>>) src(%arg11 : memref<800x16xf32, #tpu.memory_space<vmem>>) dst(%dma_wait3A_317 : memref<800x16xf32, #tpu.memory_space<vmem_shared>>)
      tpu.yield
    }) : () -> ()
    %add3A_257 = arith.constant 5600 : i32
    %add3A_258 = arith.addi %mul3A_0, %add3A_257 : i32
    "tpu.region"() ({
      %run_scoped3A = tpu.sem_alloc : memref<!tpu.dma_semaphore, #tpu.memory_space<semaphore_mem>>
      %dma_start3A_310 = arith.constant 0 : i32
      %dma_start3A_311 = arith.constant 0 : i32
      %dma_start3A_312 = tpu.memref_slice %arg11[%dma_start3A_310, %dma_start3A_311] : memref<800x16xf32, #tpu.memory_space<vmem>> -> memref<650x16xf32, #tpu.memory_space<vmem>>
      %dma_start3A_313 = arith.constant 0 : i32
      %dma_start3A_314 = tpu.memref_slice %arg13[%add3A_258, %dma_start3A_313] : memref<100000x16xf32, #tpu.memory_space<vmem_shared>> -> memref<650x16xf32, #tpu.memory_space<vmem_shared>>
      %dma_start3A_315 = arith.constant 0 : i32
      %dma_start3A_316 = tpu.memref_slice %arg13[%add3A_258, %dma_start3A_315] : memref<100000x16xf32, #tpu.memory_space<vmem_shared>> -> memref<650x16xf32, #tpu.memory_space<vmem_shared>>
      %dma_start3A_317 = arith.constant 0 : i32
      %dma_start3A_318 = arith.constant 0 : i32
      %dma_start3A_319 = tpu.memref_slice %arg11[%dma_start3A_317, %dma_start3A_318] : memref<800x16xf32, #tpu.memory_space<vmem>> -> memref<650x16xf32, #tpu.memory_space<vmem>>
      tpu.enqueue_dma source(%dma_start3A_319 : memref<650x16xf32, #tpu.memory_space<vmem>>) target(%dma_start3A_316 : memref<650x16xf32, #tpu.memory_space<vmem_shared>>) target_semaphore(%run_scoped3A : memref<!tpu.dma_semaphore, #tpu.memory_space<semaphore_mem>>)
      %dma_wait3A_320 = arith.constant 0 : i32
      %dma_wait3A_321 = arith.constant 0 : i32
      %dma_wait3A_322 = tpu.memref_slice %arg11[%dma_wait3A_320, %dma_wait3A_321] : memref<800x16xf32, #tpu.memory_space<vmem>> -> memref<650x16xf32, #tpu.memory_space<vmem>>
      %dma_wait3A_323 = arith.constant 0 : i32
      %dma_wait3A_324 = tpu.memref_slice %arg13[%add3A_258, %dma_wait3A_323] : memref<100000x16xf32, #tpu.memory_space<vmem_shared>> -> memref<650x16xf32, #tpu.memory_space<vmem_shared>>
      %dma_wait3A_325 = arith.constant 0 : i32
      %dma_wait3A_326 = tpu.memref_slice %arg13[%add3A_258, %dma_wait3A_325] : memref<100000x16xf32, #tpu.memory_space<vmem_shared>> -> memref<650x16xf32, #tpu.memory_space<vmem_shared>>
      %dma_wait3A_327 = arith.constant 0 : i32
      %dma_wait3A_328 = arith.constant 0 : i32
      %dma_wait3A_329 = tpu.memref_slice %arg11[%dma_wait3A_327, %dma_wait3A_328] : memref<800x16xf32, #tpu.memory_space<vmem>> -> memref<650x16xf32, #tpu.memory_space<vmem>>
      tpu.wait_dma2 semaphore(%run_scoped3A : memref<!tpu.dma_semaphore, #tpu.memory_space<semaphore_mem>>) src(%dma_wait3A_329 : memref<650x16xf32, #tpu.memory_space<vmem>>) dst(%dma_wait3A_326 : memref<650x16xf32, #tpu.memory_space<vmem_shared>>)
      tpu.yield
    }) : () -> ()
    %barrier3A_259 = arith.constant 0 : index
    tpu.barrier barrier_id(%barrier3A_259)
    %dma_start3A_260 = tpu.memref_slice %arg3[%mul3A_2] : memref<3200000xi32, #tpu.memory_space<hbm>> -> memref<800xi32, #tpu.memory_space<hbm>>
    %dma_start3A_261 = tpu.memref_slice %arg3[%mul3A_2] : memref<3200000xi32, #tpu.memory_space<hbm>> -> memref<800xi32, #tpu.memory_space<hbm>>
    tpu.enqueue_dma source(%dma_start3A_261 : memref<800xi32, #tpu.memory_space<hbm>>) target(%arg5 : memref<800xi32, #tpu.memory_space<vmem>>) target_semaphore(%arg14 : memref<!tpu.dma_semaphore, #tpu.memory_space<semaphore_mem>>)
    %add3A_262 = arith.constant 1600000 : i32
    %add3A_263 = arith.addi %add3A_262, %mul3A_2 : i32
    %dma_start3A_264 = tpu.memref_slice %arg3[%add3A_263] : memref<3200000xi32, #tpu.memory_space<hbm>> -> memref<800xi32, #tpu.memory_space<hbm>>
    %dma_start3A_265 = tpu.memref_slice %arg3[%add3A_263] : memref<3200000xi32, #tpu.memory_space<hbm>> -> memref<800xi32, #tpu.memory_space<hbm>>
    tpu.enqueue_dma source(%dma_start3A_265 : memref<800xi32, #tpu.memory_space<hbm>>) target(%arg7 : memref<800xi32, #tpu.memory_space<vmem>>) target_semaphore(%arg14 : memref<!tpu.dma_semaphore, #tpu.memory_space<semaphore_mem>>)
    %dma_wait3A_266 = tpu.memref_slice %arg3[%mul3A_2] : memref<3200000xi32, #tpu.memory_space<hbm>> -> memref<800xi32, #tpu.memory_space<hbm>>
    %dma_wait3A_267 = tpu.memref_slice %arg3[%mul3A_2] : memref<3200000xi32, #tpu.memory_space<hbm>> -> memref<800xi32, #tpu.memory_space<hbm>>
    tpu.wait_dma2 semaphore(%arg14 : memref<!tpu.dma_semaphore, #tpu.memory_space<semaphore_mem>>) src(%dma_wait3A_267 : memref<800xi32, #tpu.memory_space<hbm>>) dst(%arg5 : memref<800xi32, #tpu.memory_space<vmem>>)
    %add3A_268 = arith.constant 1600000 : i32
    %add3A_269 = arith.addi %add3A_268, %mul3A_2 : i32
    %dma_wait3A_270 = tpu.memref_slice %arg3[%add3A_269] : memref<3200000xi32, #tpu.memory_space<hbm>> -> memref<800xi32, #tpu.memory_space<hbm>>
    %dma_wait3A_271 = tpu.memref_slice %arg3[%add3A_269] : memref<3200000xi32, #tpu.memory_space<hbm>> -> memref<800xi32, #tpu.memory_space<hbm>>
    tpu.wait_dma2 semaphore(%arg14 : memref<!tpu.dma_semaphore, #tpu.memory_space<semaphore_mem>>) src(%dma_wait3A_271 : memref<800xi32, #tpu.memory_space<hbm>>) dst(%arg7 : memref<800xi32, #tpu.memory_space<vmem>>)
    %scan3A_272 = arith.constant 0 : i32
    %scan3A_273 = arith.constant 0 : i32
    %scan3A_274 = arith.constant 50 : i32
    %scan3A_275 = arith.addi %scan3A_273, %scan3A_274 : i32
    %scan3A_276 = arith.constant 1 : i32
    %scan3A_277 = scf.for %scan3A_310 = %scan3A_273 to %scan3A_275 step %scan3A_276 iter_args(%scan3A_311 = %scan3A_272) -> (i32)  : i32 {
      %mul3A_312 = arith.constant 16 : i32
      %mul3A_313 = arith.muli %scan3A_310, %mul3A_312 : i32
      %get3A = arith.index_cast %mul3A_313 : i32 to index
      %get3A_314 = tpu.vector_load %arg5[%get3A] {strides = array<i32>} : memref<800xi32, #tpu.memory_space<vmem>>, vector<16xi32>,
      %get3A_315 = vector.shape_cast %get3A_314 : vector<16xi32> to vector<16xi32>
      %mul3A_316 = arith.constant 8 : i32
      %mul3A_317 = vector.broadcast %mul3A_316 : i32 to vector<16xi32>
      %mul3A_318 = arith.muli %get3A_315, %mul3A_317 : vector<16xi32>
      %add3A_319 = vector.broadcast %add3A_235 : i32 to vector<16xi32>
      %add3A_320 = arith.addi %mul3A_318, %add3A_319 : vector<16xi32>
      %mul3A_321 = arith.constant 16 : i32
      %mul3A_322 = arith.muli %scan3A_310, %mul3A_321 : i32
      %swap3A = arith.index_cast %mul3A_322 : i32 to index
      %swap3A_323 = tpu.vector_load %arg5[%swap3A] {strides = array<i32>} : memref<800xi32, #tpu.memory_space<vmem>>, vector<16xi32>,
      %swap3A_324 = vector.shape_cast %swap3A_323 : vector<16xi32> to vector<16xi32>
      %swap3A_325 = vector.shape_cast %add3A_320 : vector<16xi32> to vector<16xi32>
      tpu.vector_store %arg5[%swap3A], %swap3A_325 {strides = array<i32>} : memref<800xi32, #tpu.memory_space<vmem>>, vector<16xi32>,
      %scan3A_326 = arith.constant 0 : i32
      scf.yield %scan3A_326 : i32
    }
    %scan3A_278 = arith.constant 50 : i32
    %scan3A_279 = arith.constant 0 : i32
    %scan3A_280 = arith.constant 0 : i32
    %scan3A_281 = arith.constant 31 : i32
    %scan3A_282 = arith.addi %scan3A_280, %scan3A_281 : i32
    %scan3A_283 = arith.constant 1 : i32
    %scan3A_284 = scf.for %scan3A_310 = %scan3A_280 to %scan3A_282 step %scan3A_283 iter_args(%scan3A_311 = %scan3A_279) -> (i32)  : i32 {
      %mul3A_312 = arith.constant 4 : i32
      %mul3A_313 = arith.muli %mul3A_312, %scan3A_310 : i32
      %add3A_314 = arith.constant 0 : i32
      %add3A_315 = arith.addi %mul3A_313, %add3A_314 : i32
      %mul3A_316 = arith.constant 800 : i32
      %mul3A_317 = arith.muli %add3A_315, %mul3A_316 : i32
      %add3A_318 = arith.addi %mul3A_2, %mul3A_317 : i32
      %ge3A = arith.constant 2 : i32
      %ge3A_319 = arith.cmpi sge, %add3A_315, %ge3A : i32
      %convert_element_type3A = arith.extui %ge3A_319 : i1 to i32
      %cond3A = arith.constant 0 : i32
      %cond3A_320 = arith.cmpi ne, %convert_element_type3A, %cond3A : i32
      scf.if %cond3A_320 {
        %dma_wait3A_413 = arith.constant 0 : i32
        %dma_wait3A_414 = arith.constant 0 : i32
        %dma_wait3A_415 = tpu.memref_slice %arg13[%dma_wait3A_413, %dma_wait3A_414] : memref<100000x16xf32, #tpu.memory_space<vmem_shared>> -> memref<100000x16xf32, #tpu.memory_space<vmem_shared>>
        tpu.wait_indirect_dma semaphore(%arg16 : memref<!tpu.dma_semaphore, #tpu.memory_space<semaphore_mem>>) src(%arg11 : memref<800x16xf32, #tpu.memory_space<vmem>>) dst(%dma_wait3A_415 : memref<100000x16xf32, #tpu.memory_space<vmem_shared>>)
      } else {
      }
      %dma_start3A_321 = arith.constant 0 : i32
      %dma_start3A_322 = arith.constant 0 : i32
      %dma_start3A_323 = tpu.memref_slice %arg2[%dma_start3A_321, %dma_start3A_322] : memref<800000x16xf32, #tpu.memory_space<hbm>> -> memref<800000x16xf32, #tpu.memory_space<hbm>>
      tpu.enqueue_indirect_dma source(%dma_start3A_323 : memref<800000x16xf32, #tpu.memory_space<hbm>>) target(%arg11 : memref<800x16xf32, #tpu.memory_space<vmem>>) offsets(%arg5 : memref<800xi32, #tpu.memory_space<vmem>>) semaphore(%arg15 : memref<!tpu.dma_semaphore, #tpu.memory_space<semaphore_mem>>)
      %lt3A = arith.constant 124 : i32
      %lt3A_324 = arith.cmpi slt, %add3A_315, %lt3A : i32
      %convert_element_type3A_325 = arith.extui %lt3A_324 : i1 to i32
      %cond3A_326 = arith.constant 0 : i32
      %cond3A_327 = arith.cmpi ne, %convert_element_type3A_325, %cond3A_326 : i32
      scf.if %cond3A_327 {
        %add3A_413 = arith.constant 800 : i32
        %add3A_414 = arith.addi %add3A_318, %add3A_413 : i32
        %dma_start3A_415 = tpu.memref_slice %arg3[%add3A_414] : memref<3200000xi32, #tpu.memory_space<hbm>> -> memref<800xi32, #tpu.memory_space<hbm>>
        %dma_start3A_416 = tpu.memref_slice %arg3[%add3A_414] : memref<3200000xi32, #tpu.memory_space<hbm>> -> memref<800xi32, #tpu.memory_space<hbm>>
        tpu.enqueue_dma source(%dma_start3A_416 : memref<800xi32, #tpu.memory_space<hbm>>) target(%arg6 : memref<800xi32, #tpu.memory_space<vmem>>) target_semaphore(%arg14 : memref<!tpu.dma_semaphore, #tpu.memory_space<semaphore_mem>>)
        %add3A_417 = arith.constant 1600000 : i32
        %add3A_418 = arith.addi %add3A_417, %add3A_414 : i32
        %dma_start3A_419 = tpu.memref_slice %arg3[%add3A_418] : memref<3200000xi32, #tpu.memory_space<hbm>> -> memref<800xi32, #tpu.memory_space<hbm>>
        %dma_start3A_420 = tpu.memref_slice %arg3[%add3A_418] : memref<3200000xi32, #tpu.memory_space<hbm>> -> memref<800xi32, #tpu.memory_space<hbm>>
        tpu.enqueue_dma source(%dma_start3A_420 : memref<800xi32, #tpu.memory_space<hbm>>) target(%arg8 : memref<800xi32, #tpu.memory_space<vmem>>) target_semaphore(%arg14 : memref<!tpu.dma_semaphore, #tpu.memory_space<semaphore_mem>>)
        %dma_wait3A_421 = tpu.memref_slice %arg3[%add3A_414] : memref<3200000xi32, #tpu.memory_space<hbm>> -> memref<800xi32, #tpu.memory_space<hbm>>
        %dma_wait3A_422 = tpu.memref_slice %arg3[%add3A_414] : memref<3200000xi32, #tpu.memory_space<hbm>> -> memref<800xi32, #tpu.memory_space<hbm>>
        tpu.wait_dma2 semaphore(%arg14 : memref<!tpu.dma_semaphore, #tpu.memory_space<semaphore_mem>>) src(%dma_wait3A_422 : memref<800xi32, #tpu.memory_space<hbm>>) dst(%arg6 : memref<800xi32, #tpu.memory_space<vmem>>)
        %add3A_423 = arith.constant 1600000 : i32
        %add3A_424 = arith.addi %add3A_423, %add3A_414 : i32
        %dma_wait3A_425 = tpu.memref_slice %arg3[%add3A_424] : memref<3200000xi32, #tpu.memory_space<hbm>> -> memref<800xi32, #tpu.memory_space<hbm>>
        %dma_wait3A_426 = tpu.memref_slice %arg3[%add3A_424] : memref<3200000xi32, #tpu.memory_space<hbm>> -> memref<800xi32, #tpu.memory_space<hbm>>
        tpu.wait_dma2 semaphore(%arg14 : memref<!tpu.dma_semaphore, #tpu.memory_space<semaphore_mem>>) src(%dma_wait3A_426 : memref<800xi32, #tpu.memory_space<hbm>>) dst(%arg8 : memref<800xi32, #tpu.memory_space<vmem>>)
        %scan3A_427 = arith.constant 0 : i32
        %scan3A_428 = arith.constant 0 : i32
        %scan3A_429 = arith.constant 50 : i32
        %scan3A_430 = arith.addi %scan3A_428, %scan3A_429 : i32
        %scan3A_431 = arith.constant 1 : i32
        %scan3A_432 = scf.for %scan3A_434 = %scan3A_428 to %scan3A_430 step %scan3A_431 iter_args(%scan3A_435 = %scan3A_427) -> (i32)  : i32 {
          %mul3A_436 = arith.constant 16 : i32
          %mul3A_437 = arith.muli %scan3A_434, %mul3A_436 : i32
          %get3A = arith.index_cast %mul3A_437 : i32 to index
          %get3A_438 = tpu.vector_load %arg6[%get3A] {strides = array<i32>} : memref<800xi32, #tpu.memory_space<vmem>>, vector<16xi32>,
          %get3A_439 = vector.shape_cast %get3A_438 : vector<16xi32> to vector<16xi32>
          %mul3A_440 = arith.constant 8 : i32
          %mul3A_441 = vector.broadcast %mul3A_440 : i32 to vector<16xi32>
          %mul3A_442 = arith.muli %get3A_439, %mul3A_441 : vector<16xi32>
          %add3A_443 = vector.broadcast %add3A_235 : i32 to vector<16xi32>
          %add3A_444 = arith.addi %mul3A_442, %add3A_443 : vector<16xi32>
          %mul3A_445 = arith.constant 16 : i32
          %mul3A_446 = arith.muli %scan3A_434, %mul3A_445 : i32
          %swap3A = arith.index_cast %mul3A_446 : i32 to index
          %swap3A_447 = tpu.vector_load %arg6[%swap3A] {strides = array<i32>} : memref<800xi32, #tpu.memory_space<vmem>>, vector<16xi32>,
          %swap3A_448 = vector.shape_cast %swap3A_447 : vector<16xi32> to vector<16xi32>
          %swap3A_449 = vector.shape_cast %add3A_444 : vector<16xi32> to vector<16xi32>
          tpu.vector_store %arg6[%swap3A], %swap3A_449 {strides = array<i32>} : memref<800xi32, #tpu.memory_space<vmem>>, vector<16xi32>,
          %scan3A_450 = arith.constant 0 : i32
          scf.yield %scan3A_450 : i32
        }
        %scan3A_433 = arith.constant 50 : i32
      } else {
      }
      %dma_wait3A_328 = arith.constant 0 : i32
      %dma_wait3A_329 = arith.constant 0 : i32
      %dma_wait3A_330 = tpu.memref_slice %arg2[%dma_wait3A_328, %dma_wait3A_329] : memref<800000x16xf32, #tpu.memory_space<hbm>> -> memref<800000x16xf32, #tpu.memory_space<hbm>>
      tpu.wait_indirect_dma semaphore(%arg15 : memref<!tpu.dma_semaphore, #tpu.memory_space<semaphore_mem>>) src(%dma_wait3A_330 : memref<800000x16xf32, #tpu.memory_space<hbm>>) dst(%arg11 : memref<800x16xf32, #tpu.memory_space<vmem>>)
      %dma_start3A_331 = arith.constant 0 : i32
      %dma_start3A_332 = arith.constant 0 : i32
      %dma_start3A_333 = tpu.memref_slice %arg13[%dma_start3A_331, %dma_start3A_332] : memref<100000x16xf32, #tpu.memory_space<vmem_shared>> -> memref<100000x16xf32, #tpu.memory_space<vmem_shared>>
      tpu.enqueue_indirect_dma source(%arg11 : memref<800x16xf32, #tpu.memory_space<vmem>>) target(%dma_start3A_333 : memref<100000x16xf32, #tpu.memory_space<vmem_shared>>) offsets(%arg7 : memref<800xi32, #tpu.memory_space<vmem>>) semaphore(%arg16 : memref<!tpu.dma_semaphore, #tpu.memory_space<semaphore_mem>>) {add = true}
      %mul3A_334 = arith.constant 4 : i32
      %mul3A_335 = arith.muli %mul3A_334, %scan3A_310 : i32
      %add3A_336 = arith.constant 1 : i32
      %add3A_337 = arith.addi %mul3A_335, %add3A_336 : i32
      %mul3A_338 = arith.constant 800 : i32
      %mul3A_339 = arith.muli %add3A_337, %mul3A_338 : i32
      %add3A_340 = arith.addi %mul3A_2, %mul3A_339 : i32
      %ge3A_341 = arith.constant 2 : i32
      %ge3A_342 = arith.cmpi sge, %add3A_337, %ge3A_341 : i32
      %convert_element_type3A_343 = arith.extui %ge3A_342 : i1 to i32
      %cond3A_344 = arith.constant 0 : i32
      %cond3A_345 = arith.cmpi ne, %convert_element_type3A_343, %cond3A_344 : i32
      scf.if %cond3A_345 {
        %dma_wait3A_413 = arith.constant 0 : i32
        %dma_wait3A_414 = arith.constant 0 : i32
        %dma_wait3A_415 = tpu.memref_slice %arg13[%dma_wait3A_413, %dma_wait3A_414] : memref<100000x16xf32, #tpu.memory_space<vmem_shared>> -> memref<100000x16xf32, #tpu.memory_space<vmem_shared>>
        tpu.wait_indirect_dma semaphore(%arg17 : memref<!tpu.dma_semaphore, #tpu.memory_space<semaphore_mem>>) src(%arg12 : memref<800x16xf32, #tpu.memory_space<vmem>>) dst(%dma_wait3A_415 : memref<100000x16xf32, #tpu.memory_space<vmem_shared>>)
      } else {
      }
      %dma_start3A_346 = arith.constant 0 : i32
      %dma_start3A_347 = arith.constant 0 : i32
      %dma_start3A_348 = tpu.memref_slice %arg2[%dma_start3A_346, %dma_start3A_347] : memref<800000x16xf32, #tpu.memory_space<hbm>> -> memref<800000x16xf32, #tpu.memory_space<hbm>>
      tpu.enqueue_indirect_dma source(%dma_start3A_348 : memref<800000x16xf32, #tpu.memory_space<hbm>>) target(%arg12 : memref<800x16xf32, #tpu.memory_space<vmem>>) offsets(%arg6 : memref<800xi32, #tpu.memory_space<vmem>>) semaphore(%arg15 : memref<!tpu.dma_semaphore, #tpu.memory_space<semaphore_mem>>)
      %lt3A_349 = arith.constant 124 : i32
      %lt3A_350 = arith.cmpi slt, %add3A_337, %lt3A_349 : i32
      %convert_element_type3A_351 = arith.extui %lt3A_350 : i1 to i32
      %cond3A_352 = arith.constant 0 : i32
      %cond3A_353 = arith.cmpi ne, %convert_element_type3A_351, %cond3A_352 : i32
      scf.if %cond3A_353 {
        %add3A_413 = arith.constant 800 : i32
        %add3A_414 = arith.addi %add3A_340, %add3A_413 : i32
        %dma_start3A_415 = tpu.memref_slice %arg3[%add3A_414] : memref<3200000xi32, #tpu.memory_space<hbm>> -> memref<800xi32, #tpu.memory_space<hbm>>
        %dma_start3A_416 = tpu.memref_slice %arg3[%add3A_414] : memref<3200000xi32, #tpu.memory_space<hbm>> -> memref<800xi32, #tpu.memory_space<hbm>>
        tpu.enqueue_dma source(%dma_start3A_416 : memref<800xi32, #tpu.memory_space<hbm>>) target(%arg5 : memref<800xi32, #tpu.memory_space<vmem>>) target_semaphore(%arg14 : memref<!tpu.dma_semaphore, #tpu.memory_space<semaphore_mem>>)
        %add3A_417 = arith.constant 1600000 : i32
        %add3A_418 = arith.addi %add3A_417, %add3A_414 : i32
        %dma_start3A_419 = tpu.memref_slice %arg3[%add3A_418] : memref<3200000xi32, #tpu.memory_space<hbm>> -> memref<800xi32, #tpu.memory_space<hbm>>
        %dma_start3A_420 = tpu.memref_slice %arg3[%add3A_418] : memref<3200000xi32, #tpu.memory_space<hbm>> -> memref<800xi32, #tpu.memory_space<hbm>>
        tpu.enqueue_dma source(%dma_start3A_420 : memref<800xi32, #tpu.memory_space<hbm>>) target(%arg9 : memref<800xi32, #tpu.memory_space<vmem>>) target_semaphore(%arg14 : memref<!tpu.dma_semaphore, #tpu.memory_space<semaphore_mem>>)
        %dma_wait3A_421 = tpu.memref_slice %arg3[%add3A_414] : memref<3200000xi32, #tpu.memory_space<hbm>> -> memref<800xi32, #tpu.memory_space<hbm>>
        %dma_wait3A_422 = tpu.memref_slice %arg3[%add3A_414] : memref<3200000xi32, #tpu.memory_space<hbm>> -> memref<800xi32, #tpu.memory_space<hbm>>
        tpu.wait_dma2 semaphore(%arg14 : memref<!tpu.dma_semaphore, #tpu.memory_space<semaphore_mem>>) src(%dma_wait3A_422 : memref<800xi32, #tpu.memory_space<hbm>>) dst(%arg5 : memref<800xi32, #tpu.memory_space<vmem>>)
        %add3A_423 = arith.constant 1600000 : i32
        %add3A_424 = arith.addi %add3A_423, %add3A_414 : i32
        %dma_wait3A_425 = tpu.memref_slice %arg3[%add3A_424] : memref<3200000xi32, #tpu.memory_space<hbm>> -> memref<800xi32, #tpu.memory_space<hbm>>
        %dma_wait3A_426 = tpu.memref_slice %arg3[%add3A_424] : memref<3200000xi32, #tpu.memory_space<hbm>> -> memref<800xi32, #tpu.memory_space<hbm>>
        tpu.wait_dma2 semaphore(%arg14 : memref<!tpu.dma_semaphore, #tpu.memory_space<semaphore_mem>>) src(%dma_wait3A_426 : memref<800xi32, #tpu.memory_space<hbm>>) dst(%arg9 : memref<800xi32, #tpu.memory_space<vmem>>)
        %scan3A_427 = arith.constant 0 : i32
        %scan3A_428 = arith.constant 0 : i32
        %scan3A_429 = arith.constant 50 : i32
        %scan3A_430 = arith.addi %scan3A_428, %scan3A_429 : i32
        %scan3A_431 = arith.constant 1 : i32
        %scan3A_432 = scf.for %scan3A_434 = %scan3A_428 to %scan3A_430 step %scan3A_431 iter_args(%scan3A_435 = %scan3A_427) -> (i32)  : i32 {
          %mul3A_436 = arith.constant 16 : i32
          %mul3A_437 = arith.muli %scan3A_434, %mul3A_436 : i32
          %get3A = arith.index_cast %mul3A_437 : i32 to index
          %get3A_438 = tpu.vector_load %arg5[%get3A] {strides = array<i32>} : memref<800xi32, #tpu.memory_space<vmem>>, vector<16xi32>,
          %get3A_439 = vector.shape_cast %get3A_438 : vector<16xi32> to vector<16xi32>
          %mul3A_440 = arith.constant 8 : i32
          %mul3A_441 = vector.broadcast %mul3A_440 : i32 to vector<16xi32>
          %mul3A_442 = arith.muli %get3A_439, %mul3A_441 : vector<16xi32>
          %add3A_443 = vector.broadcast %add3A_235 : i32 to vector<16xi32>
          %add3A_444 = arith.addi %mul3A_442, %add3A_443 : vector<16xi32>
          %mul3A_445 = arith.constant 16 : i32
          %mul3A_446 = arith.muli %scan3A_434, %mul3A_445 : i32
          %swap3A = arith.index_cast %mul3A_446 : i32 to index
          %swap3A_447 = tpu.vector_load %arg5[%swap3A] {strides = array<i32>} : memref<800xi32, #tpu.memory_space<vmem>>, vector<16xi32>,
          %swap3A_448 = vector.shape_cast %swap3A_447 : vector<16xi32> to vector<16xi32>
          %swap3A_449 = vector.shape_cast %add3A_444 : vector<16xi32> to vector<16xi32>
          tpu.vector_store %arg5[%swap3A], %swap3A_449 {strides = array<i32>} : memref<800xi32, #tpu.memory_space<vmem>>, vector<16xi32>,
          %scan3A_450 = arith.constant 0 : i32
          scf.yield %scan3A_450 : i32
        }
        %scan3A_433 = arith.constant 50 : i32
      } else {
      }
      %dma_wait3A_354 = arith.constant 0 : i32
      %dma_wait3A_355 = arith.constant 0 : i32
      %dma_wait3A_356 = tpu.memref_slice %arg2[%dma_wait3A_354, %dma_wait3A_355] : memref<800000x16xf32, #tpu.memory_space<hbm>> -> memref<800000x16xf32, #tpu.memory_space<hbm>>
      tpu.wait_indirect_dma semaphore(%arg15 : memref<!tpu.dma_semaphore, #tpu.memory_space<semaphore_mem>>) src(%dma_wait3A_356 : memref<800000x16xf32, #tpu.memory_space<hbm>>) dst(%arg12 : memref<800x16xf32, #tpu.memory_space<vmem>>)
      %dma_start3A_357 = arith.constant 0 : i32
      %dma_start3A_358 = arith.constant 0 : i32
      %dma_start3A_359 = tpu.memref_slice %arg13[%dma_start3A_357, %dma_start3A_358] : memref<100000x16xf32, #tpu.memory_space<vmem_shared>> -> memref<100000x16xf32, #tpu.memory_space<vmem_shared>>
      tpu.enqueue_indirect_dma source(%arg12 : memref<800x16xf32, #tpu.memory_space<vmem>>) target(%dma_start3A_359 : memref<100000x16xf32, #tpu.memory_space<vmem_shared>>) offsets(%arg8 : memref<800xi32, #tpu.memory_space<vmem>>) semaphore(%arg17 : memref<!tpu.dma_semaphore, #tpu.memory_space<semaphore_mem>>) {add = true}
      %mul3A_360 = arith.constant 4 : i32
      %mul3A_361 = arith.muli %mul3A_360, %scan3A_310 : i32
      %add3A_362 = arith.constant 2 : i32
      %add3A_363 = arith.addi %mul3A_361, %add3A_362 : i32
      %mul3A_364 = arith.constant 800 : i32
      %mul3A_365 = arith.muli %add3A_363, %mul3A_364 : i32
      %add3A_366 = arith.addi %mul3A_2, %mul3A_365 : i32
      %ge3A_367 = arith.constant 2 : i32
      %ge3A_368 = arith.cmpi sge, %add3A_363, %ge3A_367 : i32
      %convert_element_type3A_369 = arith.extui %ge3A_368 : i1 to i32
      %cond3A_370 = arith.constant 0 : i32
      %cond3A_371 = arith.cmpi ne, %convert_element_type3A_369, %cond3A_370 : i32
      scf.if %cond3A_371 {
        %dma_wait3A_413 = arith.constant 0 : i32
        %dma_wait3A_414 = arith.constant 0 : i32
        %dma_wait3A_415 = tpu.memref_slice %arg13[%dma_wait3A_413, %dma_wait3A_414] : memref<100000x16xf32, #tpu.memory_space<vmem_shared>> -> memref<100000x16xf32, #tpu.memory_space<vmem_shared>>
        tpu.wait_indirect_dma semaphore(%arg16 : memref<!tpu.dma_semaphore, #tpu.memory_space<semaphore_mem>>) src(%arg11 : memref<800x16xf32, #tpu.memory_space<vmem>>) dst(%dma_wait3A_415 : memref<100000x16xf32, #tpu.memory_space<vmem_shared>>)
      } else {
      }
      %dma_start3A_372 = arith.constant 0 : i32
      %dma_start3A_373 = arith.constant 0 : i32
      %dma_start3A_374 = tpu.memref_slice %arg2[%dma_start3A_372, %dma_start3A_373] : memref<800000x16xf32, #tpu.memory_space<hbm>> -> memref<800000x16xf32, #tpu.memory_space<hbm>>
      tpu.enqueue_indirect_dma source(%dma_start3A_374 : memref<800000x16xf32, #tpu.memory_space<hbm>>) target(%arg11 : memref<800x16xf32, #tpu.memory_space<vmem>>) offsets(%arg5 : memref<800xi32, #tpu.memory_space<vmem>>) semaphore(%arg15 : memref<!tpu.dma_semaphore, #tpu.memory_space<semaphore_mem>>)
      %lt3A_375 = arith.constant 124 : i32
      %lt3A_376 = arith.cmpi slt, %add3A_363, %lt3A_375 : i32
      %convert_element_type3A_377 = arith.extui %lt3A_376 : i1 to i32
      %cond3A_378 = arith.constant 0 : i32
      %cond3A_379 = arith.cmpi ne, %convert_element_type3A_377, %cond3A_378 : i32
      scf.if %cond3A_379 {
        %add3A_413 = arith.constant 800 : i32
        %add3A_414 = arith.addi %add3A_366, %add3A_413 : i32
        %dma_start3A_415 = tpu.memref_slice %arg3[%add3A_414] : memref<3200000xi32, #tpu.memory_space<hbm>> -> memref<800xi32, #tpu.memory_space<hbm>>
        %dma_start3A_416 = tpu.memref_slice %arg3[%add3A_414] : memref<3200000xi32, #tpu.memory_space<hbm>> -> memref<800xi32, #tpu.memory_space<hbm>>
        tpu.enqueue_dma source(%dma_start3A_416 : memref<800xi32, #tpu.memory_space<hbm>>) target(%arg6 : memref<800xi32, #tpu.memory_space<vmem>>) target_semaphore(%arg14 : memref<!tpu.dma_semaphore, #tpu.memory_space<semaphore_mem>>)
        %add3A_417 = arith.constant 1600000 : i32
        %add3A_418 = arith.addi %add3A_417, %add3A_414 : i32
        %dma_start3A_419 = tpu.memref_slice %arg3[%add3A_418] : memref<3200000xi32, #tpu.memory_space<hbm>> -> memref<800xi32, #tpu.memory_space<hbm>>
        %dma_start3A_420 = tpu.memref_slice %arg3[%add3A_418] : memref<3200000xi32, #tpu.memory_space<hbm>> -> memref<800xi32, #tpu.memory_space<hbm>>
        tpu.enqueue_dma source(%dma_start3A_420 : memref<800xi32, #tpu.memory_space<hbm>>) target(%arg10 : memref<800xi32, #tpu.memory_space<vmem>>) target_semaphore(%arg14 : memref<!tpu.dma_semaphore, #tpu.memory_space<semaphore_mem>>)
        %dma_wait3A_421 = tpu.memref_slice %arg3[%add3A_414] : memref<3200000xi32, #tpu.memory_space<hbm>> -> memref<800xi32, #tpu.memory_space<hbm>>
        %dma_wait3A_422 = tpu.memref_slice %arg3[%add3A_414] : memref<3200000xi32, #tpu.memory_space<hbm>> -> memref<800xi32, #tpu.memory_space<hbm>>
        tpu.wait_dma2 semaphore(%arg14 : memref<!tpu.dma_semaphore, #tpu.memory_space<semaphore_mem>>) src(%dma_wait3A_422 : memref<800xi32, #tpu.memory_space<hbm>>) dst(%arg6 : memref<800xi32, #tpu.memory_space<vmem>>)
        %add3A_423 = arith.constant 1600000 : i32
        %add3A_424 = arith.addi %add3A_423, %add3A_414 : i32
        %dma_wait3A_425 = tpu.memref_slice %arg3[%add3A_424] : memref<3200000xi32, #tpu.memory_space<hbm>> -> memref<800xi32, #tpu.memory_space<hbm>>
        %dma_wait3A_426 = tpu.memref_slice %arg3[%add3A_424] : memref<3200000xi32, #tpu.memory_space<hbm>> -> memref<800xi32, #tpu.memory_space<hbm>>
        tpu.wait_dma2 semaphore(%arg14 : memref<!tpu.dma_semaphore, #tpu.memory_space<semaphore_mem>>) src(%dma_wait3A_426 : memref<800xi32, #tpu.memory_space<hbm>>) dst(%arg10 : memref<800xi32, #tpu.memory_space<vmem>>)
        %scan3A_427 = arith.constant 0 : i32
        %scan3A_428 = arith.constant 0 : i32
        %scan3A_429 = arith.constant 50 : i32
        %scan3A_430 = arith.addi %scan3A_428, %scan3A_429 : i32
        %scan3A_431 = arith.constant 1 : i32
        %scan3A_432 = scf.for %scan3A_434 = %scan3A_428 to %scan3A_430 step %scan3A_431 iter_args(%scan3A_435 = %scan3A_427) -> (i32)  : i32 {
          %mul3A_436 = arith.constant 16 : i32
          %mul3A_437 = arith.muli %scan3A_434, %mul3A_436 : i32
          %get3A = arith.index_cast %mul3A_437 : i32 to index
          %get3A_438 = tpu.vector_load %arg6[%get3A] {strides = array<i32>} : memref<800xi32, #tpu.memory_space<vmem>>, vector<16xi32>,
          %get3A_439 = vector.shape_cast %get3A_438 : vector<16xi32> to vector<16xi32>
          %mul3A_440 = arith.constant 8 : i32
          %mul3A_441 = vector.broadcast %mul3A_440 : i32 to vector<16xi32>
          %mul3A_442 = arith.muli %get3A_439, %mul3A_441 : vector<16xi32>
          %add3A_443 = vector.broadcast %add3A_235 : i32 to vector<16xi32>
          %add3A_444 = arith.addi %mul3A_442, %add3A_443 : vector<16xi32>
          %mul3A_445 = arith.constant 16 : i32
          %mul3A_446 = arith.muli %scan3A_434, %mul3A_445 : i32
          %swap3A = arith.index_cast %mul3A_446 : i32 to index
          %swap3A_447 = tpu.vector_load %arg6[%swap3A] {strides = array<i32>} : memref<800xi32, #tpu.memory_space<vmem>>, vector<16xi32>,
          %swap3A_448 = vector.shape_cast %swap3A_447 : vector<16xi32> to vector<16xi32>
          %swap3A_449 = vector.shape_cast %add3A_444 : vector<16xi32> to vector<16xi32>
          tpu.vector_store %arg6[%swap3A], %swap3A_449 {strides = array<i32>} : memref<800xi32, #tpu.memory_space<vmem>>, vector<16xi32>,
          %scan3A_450 = arith.constant 0 : i32
          scf.yield %scan3A_450 : i32
        }
        %scan3A_433 = arith.constant 50 : i32
      } else {
      }
      %dma_wait3A_380 = arith.constant 0 : i32
      %dma_wait3A_381 = arith.constant 0 : i32
      %dma_wait3A_382 = tpu.memref_slice %arg2[%dma_wait3A_380, %dma_wait3A_381] : memref<800000x16xf32, #tpu.memory_space<hbm>> -> memref<800000x16xf32, #tpu.memory_space<hbm>>
      tpu.wait_indirect_dma semaphore(%arg15 : memref<!tpu.dma_semaphore, #tpu.memory_space<semaphore_mem>>) src(%dma_wait3A_382 : memref<800000x16xf32, #tpu.memory_space<hbm>>) dst(%arg11 : memref<800x16xf32, #tpu.memory_space<vmem>>)
      %dma_start3A_383 = arith.constant 0 : i32
      %dma_start3A_384 = arith.constant 0 : i32
      %dma_start3A_385 = tpu.memref_slice %arg13[%dma_start3A_383, %dma_start3A_384] : memref<100000x16xf32, #tpu.memory_space<vmem_shared>> -> memref<100000x16xf32, #tpu.memory_space<vmem_shared>>
      tpu.enqueue_indirect_dma source(%arg11 : memref<800x16xf32, #tpu.memory_space<vmem>>) target(%dma_start3A_385 : memref<100000x16xf32, #tpu.memory_space<vmem_shared>>) offsets(%arg9 : memref<800xi32, #tpu.memory_space<vmem>>) semaphore(%arg16 : memref<!tpu.dma_semaphore, #tpu.memory_space<semaphore_mem>>) {add = true}
      %mul3A_386 = arith.constant 4 : i32
      %mul3A_387 = arith.muli %mul3A_386, %scan3A_310 : i32
      %add3A_388 = arith.constant 3 : i32
      %add3A_389 = arith.addi %mul3A_387, %add3A_388 : i32
      %mul3A_390 = arith.constant 800 : i32
      %mul3A_391 = arith.muli %add3A_389, %mul3A_390 : i32
      %add3A_392 = arith.addi %mul3A_2, %mul3A_391 : i32
      %ge3A_393 = arith.constant 2 : i32
      %ge3A_394 = arith.cmpi sge, %add3A_389, %ge3A_393 : i32
      %convert_element_type3A_395 = arith.extui %ge3A_394 : i1 to i32
      %cond3A_396 = arith.constant 0 : i32
      %cond3A_397 = arith.cmpi ne, %convert_element_type3A_395, %cond3A_396 : i32
      scf.if %cond3A_397 {
        %dma_wait3A_413 = arith.constant 0 : i32
        %dma_wait3A_414 = arith.constant 0 : i32
        %dma_wait3A_415 = tpu.memref_slice %arg13[%dma_wait3A_413, %dma_wait3A_414] : memref<100000x16xf32, #tpu.memory_space<vmem_shared>> -> memref<100000x16xf32, #tpu.memory_space<vmem_shared>>
        tpu.wait_indirect_dma semaphore(%arg17 : memref<!tpu.dma_semaphore, #tpu.memory_space<semaphore_mem>>) src(%arg12 : memref<800x16xf32, #tpu.memory_space<vmem>>) dst(%dma_wait3A_415 : memref<100000x16xf32, #tpu.memory_space<vmem_shared>>)
      } else {
      }
      %dma_start3A_398 = arith.constant 0 : i32
      %dma_start3A_399 = arith.constant 0 : i32
      %dma_start3A_400 = tpu.memref_slice %arg2[%dma_start3A_398, %dma_start3A_399] : memref<800000x16xf32, #tpu.memory_space<hbm>> -> memref<800000x16xf32, #tpu.memory_space<hbm>>
      tpu.enqueue_indirect_dma source(%dma_start3A_400 : memref<800000x16xf32, #tpu.memory_space<hbm>>) target(%arg12 : memref<800x16xf32, #tpu.memory_space<vmem>>) offsets(%arg6 : memref<800xi32, #tpu.memory_space<vmem>>) semaphore(%arg15 : memref<!tpu.dma_semaphore, #tpu.memory_space<semaphore_mem>>)
      %lt3A_401 = arith.constant 124 : i32
      %lt3A_402 = arith.cmpi slt, %add3A_389, %lt3A_401 : i32
      %convert_element_type3A_403 = arith.extui %lt3A_402 : i1 to i32
      %cond3A_404 = arith.constant 0 : i32
      %cond3A_405 = arith.cmpi ne, %convert_element_type3A_403, %cond3A_404 : i32
      scf.if %cond3A_405 {
        %add3A_413 = arith.constant 800 : i32
        %add3A_414 = arith.addi %add3A_392, %add3A_413 : i32
        %dma_start3A_415 = tpu.memref_slice %arg3[%add3A_414] : memref<3200000xi32, #tpu.memory_space<hbm>> -> memref<800xi32, #tpu.memory_space<hbm>>
        %dma_start3A_416 = tpu.memref_slice %arg3[%add3A_414] : memref<3200000xi32, #tpu.memory_space<hbm>> -> memref<800xi32, #tpu.memory_space<hbm>>
        tpu.enqueue_dma source(%dma_start3A_416 : memref<800xi32, #tpu.memory_space<hbm>>) target(%arg5 : memref<800xi32, #tpu.memory_space<vmem>>) target_semaphore(%arg14 : memref<!tpu.dma_semaphore, #tpu.memory_space<semaphore_mem>>)
        %add3A_417 = arith.constant 1600000 : i32
        %add3A_418 = arith.addi %add3A_417, %add3A_414 : i32
        %dma_start3A_419 = tpu.memref_slice %arg3[%add3A_418] : memref<3200000xi32, #tpu.memory_space<hbm>> -> memref<800xi32, #tpu.memory_space<hbm>>
        %dma_start3A_420 = tpu.memref_slice %arg3[%add3A_418] : memref<3200000xi32, #tpu.memory_space<hbm>> -> memref<800xi32, #tpu.memory_space<hbm>>
        tpu.enqueue_dma source(%dma_start3A_420 : memref<800xi32, #tpu.memory_space<hbm>>) target(%arg7 : memref<800xi32, #tpu.memory_space<vmem>>) target_semaphore(%arg14 : memref<!tpu.dma_semaphore, #tpu.memory_space<semaphore_mem>>)
        %dma_wait3A_421 = tpu.memref_slice %arg3[%add3A_414] : memref<3200000xi32, #tpu.memory_space<hbm>> -> memref<800xi32, #tpu.memory_space<hbm>>
        %dma_wait3A_422 = tpu.memref_slice %arg3[%add3A_414] : memref<3200000xi32, #tpu.memory_space<hbm>> -> memref<800xi32, #tpu.memory_space<hbm>>
        tpu.wait_dma2 semaphore(%arg14 : memref<!tpu.dma_semaphore, #tpu.memory_space<semaphore_mem>>) src(%dma_wait3A_422 : memref<800xi32, #tpu.memory_space<hbm>>) dst(%arg5 : memref<800xi32, #tpu.memory_space<vmem>>)
        %add3A_423 = arith.constant 1600000 : i32
        %add3A_424 = arith.addi %add3A_423, %add3A_414 : i32
        %dma_wait3A_425 = tpu.memref_slice %arg3[%add3A_424] : memref<3200000xi32, #tpu.memory_space<hbm>> -> memref<800xi32, #tpu.memory_space<hbm>>
        %dma_wait3A_426 = tpu.memref_slice %arg3[%add3A_424] : memref<3200000xi32, #tpu.memory_space<hbm>> -> memref<800xi32, #tpu.memory_space<hbm>>
        tpu.wait_dma2 semaphore(%arg14 : memref<!tpu.dma_semaphore, #tpu.memory_space<semaphore_mem>>) src(%dma_wait3A_426 : memref<800xi32, #tpu.memory_space<hbm>>) dst(%arg7 : memref<800xi32, #tpu.memory_space<vmem>>)
        %scan3A_427 = arith.constant 0 : i32
        %scan3A_428 = arith.constant 0 : i32
        %scan3A_429 = arith.constant 50 : i32
        %scan3A_430 = arith.addi %scan3A_428, %scan3A_429 : i32
        %scan3A_431 = arith.constant 1 : i32
        %scan3A_432 = scf.for %scan3A_434 = %scan3A_428 to %scan3A_430 step %scan3A_431 iter_args(%scan3A_435 = %scan3A_427) -> (i32)  : i32 {
          %mul3A_436 = arith.constant 16 : i32
          %mul3A_437 = arith.muli %scan3A_434, %mul3A_436 : i32
          %get3A = arith.index_cast %mul3A_437 : i32 to index
          %get3A_438 = tpu.vector_load %arg5[%get3A] {strides = array<i32>} : memref<800xi32, #tpu.memory_space<vmem>>, vector<16xi32>,
          %get3A_439 = vector.shape_cast %get3A_438 : vector<16xi32> to vector<16xi32>
          %mul3A_440 = arith.constant 8 : i32
          %mul3A_441 = vector.broadcast %mul3A_440 : i32 to vector<16xi32>
          %mul3A_442 = arith.muli %get3A_439, %mul3A_441 : vector<16xi32>
          %add3A_443 = vector.broadcast %add3A_235 : i32 to vector<16xi32>
          %add3A_444 = arith.addi %mul3A_442, %add3A_443 : vector<16xi32>
          %mul3A_445 = arith.constant 16 : i32
          %mul3A_446 = arith.muli %scan3A_434, %mul3A_445 : i32
          %swap3A = arith.index_cast %mul3A_446 : i32 to index
          %swap3A_447 = tpu.vector_load %arg5[%swap3A] {strides = array<i32>} : memref<800xi32, #tpu.memory_space<vmem>>, vector<16xi32>,
          %swap3A_448 = vector.shape_cast %swap3A_447 : vector<16xi32> to vector<16xi32>
          %swap3A_449 = vector.shape_cast %add3A_444 : vector<16xi32> to vector<16xi32>
          tpu.vector_store %arg5[%swap3A], %swap3A_449 {strides = array<i32>} : memref<800xi32, #tpu.memory_space<vmem>>, vector<16xi32>,
          %scan3A_450 = arith.constant 0 : i32
          scf.yield %scan3A_450 : i32
        }
        %scan3A_433 = arith.constant 50 : i32
      } else {
      }
      %dma_wait3A_406 = arith.constant 0 : i32
      %dma_wait3A_407 = arith.constant 0 : i32
      %dma_wait3A_408 = tpu.memref_slice %arg2[%dma_wait3A_406, %dma_wait3A_407] : memref<800000x16xf32, #tpu.memory_space<hbm>> -> memref<800000x16xf32, #tpu.memory_space<hbm>>
      tpu.wait_indirect_dma semaphore(%arg15 : memref<!tpu.dma_semaphore, #tpu.memory_space<semaphore_mem>>) src(%dma_wait3A_408 : memref<800000x16xf32, #tpu.memory_space<hbm>>) dst(%arg12 : memref<800x16xf32, #tpu.memory_space<vmem>>)
      %dma_start3A_409 = arith.constant 0 : i32
      %dma_start3A_410 = arith.constant 0 : i32
      %dma_start3A_411 = tpu.memref_slice %arg13[%dma_start3A_409, %dma_start3A_410] : memref<100000x16xf32, #tpu.memory_space<vmem_shared>> -> memref<100000x16xf32, #tpu.memory_space<vmem_shared>>
      tpu.enqueue_indirect_dma source(%arg12 : memref<800x16xf32, #tpu.memory_space<vmem>>) target(%dma_start3A_411 : memref<100000x16xf32, #tpu.memory_space<vmem_shared>>) offsets(%arg10 : memref<800xi32, #tpu.memory_space<vmem>>) semaphore(%arg17 : memref<!tpu.dma_semaphore, #tpu.memory_space<semaphore_mem>>) {add = true}
      %scan3A_412 = arith.constant 0 : i32
      scf.yield %scan3A_412 : i32
    }
    %scan3A_285 = arith.constant 31 : i32
    %add3A_286 = arith.constant 99200 : i32
    %add3A_287 = arith.addi %mul3A_2, %add3A_286 : i32
    %dma_wait3A_288 = arith.constant 0 : i32
    %dma_wait3A_289 = arith.constant 0 : i32
    %dma_wait3A_290 = tpu.memref_slice %arg13[%dma_wait3A_288, %dma_wait3A_289] : memref<100000x16xf32, #tpu.memory_space<vmem_shared>> -> memref<100000x16xf32, #tpu.memory_space<vmem_shared>>
    tpu.wait_indirect_dma semaphore(%arg16 : memref<!tpu.dma_semaphore, #tpu.memory_space<semaphore_mem>>) src(%arg11 : memref<800x16xf32, #tpu.memory_space<vmem>>) dst(%dma_wait3A_290 : memref<100000x16xf32, #tpu.memory_space<vmem_shared>>)
    %dma_start3A_291 = arith.constant 0 : i32
    %dma_start3A_292 = arith.constant 0 : i32
    %dma_start3A_293 = tpu.memref_slice %arg2[%dma_start3A_291, %dma_start3A_292] : memref<800000x16xf32, #tpu.memory_space<hbm>> -> memref<800000x16xf32, #tpu.memory_space<hbm>>
    tpu.enqueue_indirect_dma source(%dma_start3A_293 : memref<800000x16xf32, #tpu.memory_space<hbm>>) target(%arg11 : memref<800x16xf32, #tpu.memory_space<vmem>>) offsets(%arg5 : memref<800xi32, #tpu.memory_space<vmem>>) semaphore(%arg15 : memref<!tpu.dma_semaphore, #tpu.memory_space<semaphore_mem>>)
    %dma_wait3A_294 = arith.constant 0 : i32
    %dma_wait3A_295 = arith.constant 0 : i32
    %dma_wait3A_296 = tpu.memref_slice %arg2[%dma_wait3A_294, %dma_wait3A_295] : memref<800000x16xf32, #tpu.memory_space<hbm>> -> memref<800000x16xf32, #tpu.memory_space<hbm>>
    tpu.wait_indirect_dma semaphore(%arg15 : memref<!tpu.dma_semaphore, #tpu.memory_space<semaphore_mem>>) src(%dma_wait3A_296 : memref<800000x16xf32, #tpu.memory_space<hbm>>) dst(%arg11 : memref<800x16xf32, #tpu.memory_space<vmem>>)
    %dma_start3A_297 = arith.constant 0 : i32
    %dma_start3A_298 = arith.constant 0 : i32
    %dma_start3A_299 = tpu.memref_slice %arg13[%dma_start3A_297, %dma_start3A_298] : memref<100000x16xf32, #tpu.memory_space<vmem_shared>> -> memref<100000x16xf32, #tpu.memory_space<vmem_shared>>
    tpu.enqueue_indirect_dma source(%arg11 : memref<800x16xf32, #tpu.memory_space<vmem>>) target(%dma_start3A_299 : memref<100000x16xf32, #tpu.memory_space<vmem_shared>>) offsets(%arg7 : memref<800xi32, #tpu.memory_space<vmem>>) semaphore(%arg16 : memref<!tpu.dma_semaphore, #tpu.memory_space<semaphore_mem>>) {add = true}
    %dma_wait3A_300 = arith.constant 0 : i32
    %dma_wait3A_301 = arith.constant 0 : i32
    %dma_wait3A_302 = tpu.memref_slice %arg13[%dma_wait3A_300, %dma_wait3A_301] : memref<100000x16xf32, #tpu.memory_space<vmem_shared>> -> memref<100000x16xf32, #tpu.memory_space<vmem_shared>>
    tpu.wait_indirect_dma semaphore(%arg17 : memref<!tpu.dma_semaphore, #tpu.memory_space<semaphore_mem>>) src(%arg12 : memref<800x16xf32, #tpu.memory_space<vmem>>) dst(%dma_wait3A_302 : memref<100000x16xf32, #tpu.memory_space<vmem_shared>>)
    %dma_wait3A_303 = arith.constant 0 : i32
    %dma_wait3A_304 = arith.constant 0 : i32
    %dma_wait3A_305 = tpu.memref_slice %arg13[%dma_wait3A_303, %dma_wait3A_304] : memref<100000x16xf32, #tpu.memory_space<vmem_shared>> -> memref<100000x16xf32, #tpu.memory_space<vmem_shared>>
    tpu.wait_indirect_dma semaphore(%arg16 : memref<!tpu.dma_semaphore, #tpu.memory_space<semaphore_mem>>) src(%arg11 : memref<800x16xf32, #tpu.memory_space<vmem>>) dst(%dma_wait3A_305 : memref<100000x16xf32, #tpu.memory_space<vmem_shared>>)
    %barrier3A_306 = arith.constant 0 : index
    tpu.barrier barrier_id(%barrier3A_306)
    %mul3A_307 = arith.constant 16 : i32
    %mul3A_308 = arith.muli %add3A_235, %mul3A_307 : i32
    "tpu.region"() ({
      %run_scoped3A = tpu.sem_alloc : memref<!tpu.dma_semaphore, #tpu.memory_space<semaphore_mem>>
      %dma_start3A_310 = tpu.memref_slice %arg4[%mul3A_0, %mul3A_308] : memref<100000x128xf32, #tpu.memory_space<hbm>> -> memref<6250x16xf32, #tpu.memory_space<hbm>>
      %dma_start3A_311 = arith.constant 0 : i32
      %dma_start3A_312 = tpu.memref_slice %arg13[%mul3A_0, %dma_start3A_311] : memref<100000x16xf32, #tpu.memory_space<vmem_shared>> -> memref<6250x16xf32, #tpu.memory_space<vmem_shared>>
      tpu.enqueue_dma source(%dma_start3A_312 : memref<6250x16xf32, #tpu.memory_space<vmem_shared>>) target(%dma_start3A_310 : memref<6250x16xf32, #tpu.memory_space<hbm>>) target_semaphore(%run_scoped3A : memref<!tpu.dma_semaphore, #tpu.memory_space<semaphore_mem>>)
      %dma_wait3A_313 = tpu.memref_slice %arg4[%mul3A_0, %mul3A_308] : memref<100000x128xf32, #tpu.memory_space<hbm>> -> memref<6250x16xf32, #tpu.memory_space<hbm>>
      %dma_wait3A_314 = arith.constant 0 : i32
      %dma_wait3A_315 = tpu.memref_slice %arg13[%mul3A_0, %dma_wait3A_314] : memref<100000x16xf32, #tpu.memory_space<vmem_shared>> -> memref<6250x16xf32, #tpu.memory_space<vmem_shared>>
      tpu.wait_dma2 semaphore(%run_scoped3A : memref<!tpu.dma_semaphore, #tpu.memory_space<semaphore_mem>>) src(%dma_wait3A_315 : memref<6250x16xf32, #tpu.memory_space<vmem_shared>>) dst(%dma_wait3A_313 : memref<6250x16xf32, #tpu.memory_space<hbm>>)
      tpu.yield
    }) : () -> ()
    %barrier3A_309 = arith.constant 0 : index
    tpu.barrier barrier_id(%barrier3A_309)
    return
  }
}

#map = affine_map<(d0, d1) -> (0, 0)>
#map1 = affine_map<(d0, d1) -> (0)>
#map2 = affine_map<(d0, d1) -> (0, 0, 0)>
module attributes {stable_mosaic.version = 14 : i64} {
  func.func @_stage_a_body(%arg0: i32, %arg1: i32, %arg2: memref<100000x16xf32, #tpu.memory_space<hbm>>, %arg3: memref<3200000xi32, #tpu.memory_space<hbm>>, %arg4: memref<2x100000x16xf32, #tpu.memory_space<hbm>>, %arg5: memref<800xi32, #tpu.memory_space<vmem>>, %arg6: memref<800xi32, #tpu.memory_space<vmem>>, %arg7: memref<800xi32, #tpu.memory_space<vmem>>, %arg8: memref<800xi32, #tpu.memory_space<vmem>>, %arg9: memref<800xi32, #tpu.memory_space<vmem>>, %arg10: memref<800xi32, #tpu.memory_space<vmem>>, %arg11: memref<800x16xf32, #tpu.memory_space<vmem>>, %arg12: memref<800x16xf32, #tpu.memory_space<vmem>>, %arg13: memref<100000x16xf32, #tpu.memory_space<vmem_shared>>, %arg14: memref<!tpu.dma_semaphore, #tpu.memory_space<semaphore_mem>>, %arg15: memref<!tpu.dma_semaphore, #tpu.memory_space<semaphore_mem>>, %arg16: memref<!tpu.dma_semaphore, #tpu.memory_space<semaphore_mem>>, %arg17: memref<!tpu.dma_semaphore, #tpu.memory_space<semaphore_mem>>) attributes {dimension_semantics = [#tpu.dimension_semantics<core_parallel>, #tpu.dimension_semantics<subcore_parallel>], iteration_bounds = array<i64: 2, 16>, scalar_prefetch = 0 : i64, scratch_operands = 13 : i64, tpu.core_type = #tpu.core_type<sc_vector_subcore>, window_params = [{transform_indices = #map}, {transform_indices = #map1}, {transform_indices = #map2}]} {
    %mul3A = arith.constant 6250 : i32
    %mul3A_0 = arith.muli %arg1, %mul3A : i32
    %sub3A = arith.constant 63 : i32
    %sub3A_1 = arith.subi %sub3A, %arg0 : i32
    %mul3A_2 = arith.constant 806400 : i32
    %mul3A_3 = arith.muli %arg0, %mul3A_2 : i32
    %scan3A = arith.constant 0 : i32
    %scan3A_4 = arith.constant 0 : i32
    %scan3A_5 = arith.constant 800 : i32
    %scan3A_6 = arith.addi %scan3A_4, %scan3A_5 : i32
    %scan3A_7 = arith.constant 1 : i32
    %scan3A_8 = scf.for %scan3A_107 = %scan3A_4 to %scan3A_6 step %scan3A_7 iter_args(%scan3A_108 = %scan3A) -> (i32)  : i32 {
      %broadcast_in_dim3A = arith.constant 0.000000e+00 : f32
      %broadcast_in_dim3A_109 = vector.broadcast %broadcast_in_dim3A : f32 to vector<16xf32>
      %swap3A = arith.index_cast %scan3A_107 : i32 to index
      %swap3A_110 = arith.constant 0 : index
      %swap3A_111 = tpu.vector_load %arg11[%swap3A, %swap3A_110] {strides = array<i32>} : memref<800x16xf32, #tpu.memory_space<vmem>>, vector<1x16xf32>,
      %swap3A_112 = vector.shape_cast %swap3A_111 : vector<1x16xf32> to vector<16xf32>
      %swap3A_113 = vector.shape_cast %broadcast_in_dim3A_109 : vector<16xf32> to vector<1x16xf32>
      tpu.vector_store %arg11[%swap3A, %swap3A_110], %swap3A_113 {strides = array<i32>} : memref<800x16xf32, #tpu.memory_space<vmem>>, vector<1x16xf32>,
      %scan3A_114 = arith.constant 0 : i32
      scf.yield %scan3A_114 : i32
    }
    %scan3A_9 = arith.constant 800 : i32
    %add3A = arith.constant 0 : i32
    %add3A_10 = arith.addi %mul3A_0, %add3A : i32
    "tpu.region"() ({
      %run_scoped3A = tpu.sem_alloc : memref<!tpu.dma_semaphore, #tpu.memory_space<semaphore_mem>>
      %dma_start3A_107 = arith.constant 0 : i32
      %dma_start3A_108 = tpu.memref_slice %arg13[%add3A_10, %dma_start3A_107] : memref<100000x16xf32, #tpu.memory_space<vmem_shared>> -> memref<800x16xf32, #tpu.memory_space<vmem_shared>>
      %dma_start3A_109 = arith.constant 0 : i32
      %dma_start3A_110 = tpu.memref_slice %arg13[%add3A_10, %dma_start3A_109] : memref<100000x16xf32, #tpu.memory_space<vmem_shared>> -> memref<800x16xf32, #tpu.memory_space<vmem_shared>>
      tpu.enqueue_dma source(%arg11 : memref<800x16xf32, #tpu.memory_space<vmem>>) target(%dma_start3A_110 : memref<800x16xf32, #tpu.memory_space<vmem_shared>>) target_semaphore(%run_scoped3A : memref<!tpu.dma_semaphore, #tpu.memory_space<semaphore_mem>>)
      %dma_wait3A_111 = arith.constant 0 : i32
      %dma_wait3A_112 = tpu.memref_slice %arg13[%add3A_10, %dma_wait3A_111] : memref<100000x16xf32, #tpu.memory_space<vmem_shared>> -> memref<800x16xf32, #tpu.memory_space<vmem_shared>>
      %dma_wait3A_113 = arith.constant 0 : i32
      %dma_wait3A_114 = tpu.memref_slice %arg13[%add3A_10, %dma_wait3A_113] : memref<100000x16xf32, #tpu.memory_space<vmem_shared>> -> memref<800x16xf32, #tpu.memory_space<vmem_shared>>
      tpu.wait_dma2 semaphore(%run_scoped3A : memref<!tpu.dma_semaphore, #tpu.memory_space<semaphore_mem>>) src(%arg11 : memref<800x16xf32, #tpu.memory_space<vmem>>) dst(%dma_wait3A_114 : memref<800x16xf32, #tpu.memory_space<vmem_shared>>)
      tpu.yield
    }) : () -> ()
    %add3A_11 = arith.constant 800 : i32
    %add3A_12 = arith.addi %mul3A_0, %add3A_11 : i32
    "tpu.region"() ({
      %run_scoped3A = tpu.sem_alloc : memref<!tpu.dma_semaphore, #tpu.memory_space<semaphore_mem>>
      %dma_start3A_107 = arith.constant 0 : i32
      %dma_start3A_108 = tpu.memref_slice %arg13[%add3A_12, %dma_start3A_107] : memref<100000x16xf32, #tpu.memory_space<vmem_shared>> -> memref<800x16xf32, #tpu.memory_space<vmem_shared>>
      %dma_start3A_109 = arith.constant 0 : i32
      %dma_start3A_110 = tpu.memref_slice %arg13[%add3A_12, %dma_start3A_109] : memref<100000x16xf32, #tpu.memory_space<vmem_shared>> -> memref<800x16xf32, #tpu.memory_space<vmem_shared>>
      tpu.enqueue_dma source(%arg11 : memref<800x16xf32, #tpu.memory_space<vmem>>) target(%dma_start3A_110 : memref<800x16xf32, #tpu.memory_space<vmem_shared>>) target_semaphore(%run_scoped3A : memref<!tpu.dma_semaphore, #tpu.memory_space<semaphore_mem>>)
      %dma_wait3A_111 = arith.constant 0 : i32
      %dma_wait3A_112 = tpu.memref_slice %arg13[%add3A_12, %dma_wait3A_111] : memref<100000x16xf32, #tpu.memory_space<vmem_shared>> -> memref<800x16xf32, #tpu.memory_space<vmem_shared>>
      %dma_wait3A_113 = arith.constant 0 : i32
      %dma_wait3A_114 = tpu.memref_slice %arg13[%add3A_12, %dma_wait3A_113] : memref<100000x16xf32, #tpu.memory_space<vmem_shared>> -> memref<800x16xf32, #tpu.memory_space<vmem_shared>>
      tpu.wait_dma2 semaphore(%run_scoped3A : memref<!tpu.dma_semaphore, #tpu.memory_space<semaphore_mem>>) src(%arg11 : memref<800x16xf32, #tpu.memory_space<vmem>>) dst(%dma_wait3A_114 : memref<800x16xf32, #tpu.memory_space<vmem_shared>>)
      tpu.yield
    }) : () -> ()
    %add3A_13 = arith.constant 1600 : i32
    %add3A_14 = arith.addi %mul3A_0, %add3A_13 : i32
    "tpu.region"() ({
      %run_scoped3A = tpu.sem_alloc : memref<!tpu.dma_semaphore, #tpu.memory_space<semaphore_mem>>
      %dma_start3A_107 = arith.constant 0 : i32
      %dma_start3A_108 = tpu.memref_slice %arg13[%add3A_14, %dma_start3A_107] : memref<100000x16xf32, #tpu.memory_space<vmem_shared>> -> memref<800x16xf32, #tpu.memory_space<vmem_shared>>
      %dma_start3A_109 = arith.constant 0 : i32
      %dma_start3A_110 = tpu.memref_slice %arg13[%add3A_14, %dma_start3A_109] : memref<100000x16xf32, #tpu.memory_space<vmem_shared>> -> memref<800x16xf32, #tpu.memory_space<vmem_shared>>
      tpu.enqueue_dma source(%arg11 : memref<800x16xf32, #tpu.memory_space<vmem>>) target(%dma_start3A_110 : memref<800x16xf32, #tpu.memory_space<vmem_shared>>) target_semaphore(%run_scoped3A : memref<!tpu.dma_semaphore, #tpu.memory_space<semaphore_mem>>)
      %dma_wait3A_111 = arith.constant 0 : i32
      %dma_wait3A_112 = tpu.memref_slice %arg13[%add3A_14, %dma_wait3A_111] : memref<100000x16xf32, #tpu.memory_space<vmem_shared>> -> memref<800x16xf32, #tpu.memory_space<vmem_shared>>
      %dma_wait3A_113 = arith.constant 0 : i32
      %dma_wait3A_114 = tpu.memref_slice %arg13[%add3A_14, %dma_wait3A_113] : memref<100000x16xf32, #tpu.memory_space<vmem_shared>> -> memref<800x16xf32, #tpu.memory_space<vmem_shared>>
      tpu.wait_dma2 semaphore(%run_scoped3A : memref<!tpu.dma_semaphore, #tpu.memory_space<semaphore_mem>>) src(%arg11 : memref<800x16xf32, #tpu.memory_space<vmem>>) dst(%dma_wait3A_114 : memref<800x16xf32, #tpu.memory_space<vmem_shared>>)
      tpu.yield
    }) : () -> ()
    %add3A_15 = arith.constant 2400 : i32
    %add3A_16 = arith.addi %mul3A_0, %add3A_15 : i32
    "tpu.region"() ({
      %run_scoped3A = tpu.sem_alloc : memref<!tpu.dma_semaphore, #tpu.memory_space<semaphore_mem>>
      %dma_start3A_107 = arith.constant 0 : i32
      %dma_start3A_108 = tpu.memref_slice %arg13[%add3A_16, %dma_start3A_107] : memref<100000x16xf32, #tpu.memory_space<vmem_shared>> -> memref<800x16xf32, #tpu.memory_space<vmem_shared>>
      %dma_start3A_109 = arith.constant 0 : i32
      %dma_start3A_110 = tpu.memref_slice %arg13[%add3A_16, %dma_start3A_109] : memref<100000x16xf32, #tpu.memory_space<vmem_shared>> -> memref<800x16xf32, #tpu.memory_space<vmem_shared>>
      tpu.enqueue_dma source(%arg11 : memref<800x16xf32, #tpu.memory_space<vmem>>) target(%dma_start3A_110 : memref<800x16xf32, #tpu.memory_space<vmem_shared>>) target_semaphore(%run_scoped3A : memref<!tpu.dma_semaphore, #tpu.memory_space<semaphore_mem>>)
      %dma_wait3A_111 = arith.constant 0 : i32
      %dma_wait3A_112 = tpu.memref_slice %arg13[%add3A_16, %dma_wait3A_111] : memref<100000x16xf32, #tpu.memory_space<vmem_shared>> -> memref<800x16xf32, #tpu.memory_space<vmem_shared>>
      %dma_wait3A_113 = arith.constant 0 : i32
      %dma_wait3A_114 = tpu.memref_slice %arg13[%add3A_16, %dma_wait3A_113] : memref<100000x16xf32, #tpu.memory_space<vmem_shared>> -> memref<800x16xf32, #tpu.memory_space<vmem_shared>>
      tpu.wait_dma2 semaphore(%run_scoped3A : memref<!tpu.dma_semaphore, #tpu.memory_space<semaphore_mem>>) src(%arg11 : memref<800x16xf32, #tpu.memory_space<vmem>>) dst(%dma_wait3A_114 : memref<800x16xf32, #tpu.memory_space<vmem_shared>>)
      tpu.yield
    }) : () -> ()
    %add3A_17 = arith.constant 3200 : i32
    %add3A_18 = arith.addi %mul3A_0, %add3A_17 : i32
    "tpu.region"() ({
      %run_scoped3A = tpu.sem_alloc : memref<!tpu.dma_semaphore, #tpu.memory_space<semaphore_mem>>
      %dma_start3A_107 = arith.constant 0 : i32
      %dma_start3A_108 = tpu.memref_slice %arg13[%add3A_18, %dma_start3A_107] : memref<100000x16xf32, #tpu.memory_space<vmem_shared>> -> memref<800x16xf32, #tpu.memory_space<vmem_shared>>
      %dma_start3A_109 = arith.constant 0 : i32
      %dma_start3A_110 = tpu.memref_slice %arg13[%add3A_18, %dma_start3A_109] : memref<100000x16xf32, #tpu.memory_space<vmem_shared>> -> memref<800x16xf32, #tpu.memory_space<vmem_shared>>
      tpu.enqueue_dma source(%arg11 : memref<800x16xf32, #tpu.memory_space<vmem>>) target(%dma_start3A_110 : memref<800x16xf32, #tpu.memory_space<vmem_shared>>) target_semaphore(%run_scoped3A : memref<!tpu.dma_semaphore, #tpu.memory_space<semaphore_mem>>)
      %dma_wait3A_111 = arith.constant 0 : i32
      %dma_wait3A_112 = tpu.memref_slice %arg13[%add3A_18, %dma_wait3A_111] : memref<100000x16xf32, #tpu.memory_space<vmem_shared>> -> memref<800x16xf32, #tpu.memory_space<vmem_shared>>
      %dma_wait3A_113 = arith.constant 0 : i32
      %dma_wait3A_114 = tpu.memref_slice %arg13[%add3A_18, %dma_wait3A_113] : memref<100000x16xf32, #tpu.memory_space<vmem_shared>> -> memref<800x16xf32, #tpu.memory_space<vmem_shared>>
      tpu.wait_dma2 semaphore(%run_scoped3A : memref<!tpu.dma_semaphore, #tpu.memory_space<semaphore_mem>>) src(%arg11 : memref<800x16xf32, #tpu.memory_space<vmem>>) dst(%dma_wait3A_114 : memref<800x16xf32, #tpu.memory_space<vmem_shared>>)
      tpu.yield
    }) : () -> ()
    %add3A_19 = arith.constant 4000 : i32
    %add3A_20 = arith.addi %mul3A_0, %add3A_19 : i32
    "tpu.region"() ({
      %run_scoped3A = tpu.sem_alloc : memref<!tpu.dma_semaphore, #tpu.memory_space<semaphore_mem>>
      %dma_start3A_107 = arith.constant 0 : i32
      %dma_start3A_108 = tpu.memref_slice %arg13[%add3A_20, %dma_start3A_107] : memref<100000x16xf32, #tpu.memory_space<vmem_shared>> -> memref<800x16xf32, #tpu.memory_space<vmem_shared>>
      %dma_start3A_109 = arith.constant 0 : i32
      %dma_start3A_110 = tpu.memref_slice %arg13[%add3A_20, %dma_start3A_109] : memref<100000x16xf32, #tpu.memory_space<vmem_shared>> -> memref<800x16xf32, #tpu.memory_space<vmem_shared>>
      tpu.enqueue_dma source(%arg11 : memref<800x16xf32, #tpu.memory_space<vmem>>) target(%dma_start3A_110 : memref<800x16xf32, #tpu.memory_space<vmem_shared>>) target_semaphore(%run_scoped3A : memref<!tpu.dma_semaphore, #tpu.memory_space<semaphore_mem>>)
      %dma_wait3A_111 = arith.constant 0 : i32
      %dma_wait3A_112 = tpu.memref_slice %arg13[%add3A_20, %dma_wait3A_111] : memref<100000x16xf32, #tpu.memory_space<vmem_shared>> -> memref<800x16xf32, #tpu.memory_space<vmem_shared>>
      %dma_wait3A_113 = arith.constant 0 : i32
      %dma_wait3A_114 = tpu.memref_slice %arg13[%add3A_20, %dma_wait3A_113] : memref<100000x16xf32, #tpu.memory_space<vmem_shared>> -> memref<800x16xf32, #tpu.memory_space<vmem_shared>>
      tpu.wait_dma2 semaphore(%run_scoped3A : memref<!tpu.dma_semaphore, #tpu.memory_space<semaphore_mem>>) src(%arg11 : memref<800x16xf32, #tpu.memory_space<vmem>>) dst(%dma_wait3A_114 : memref<800x16xf32, #tpu.memory_space<vmem_shared>>)
      tpu.yield
    }) : () -> ()
    %add3A_21 = arith.constant 4800 : i32
    %add3A_22 = arith.addi %mul3A_0, %add3A_21 : i32
    "tpu.region"() ({
      %run_scoped3A = tpu.sem_alloc : memref<!tpu.dma_semaphore, #tpu.memory_space<semaphore_mem>>
      %dma_start3A_107 = arith.constant 0 : i32
      %dma_start3A_108 = tpu.memref_slice %arg13[%add3A_22, %dma_start3A_107] : memref<100000x16xf32, #tpu.memory_space<vmem_shared>> -> memref<800x16xf32, #tpu.memory_space<vmem_shared>>
      %dma_start3A_109 = arith.constant 0 : i32
      %dma_start3A_110 = tpu.memref_slice %arg13[%add3A_22, %dma_start3A_109] : memref<100000x16xf32, #tpu.memory_space<vmem_shared>> -> memref<800x16xf32, #tpu.memory_space<vmem_shared>>
      tpu.enqueue_dma source(%arg11 : memref<800x16xf32, #tpu.memory_space<vmem>>) target(%dma_start3A_110 : memref<800x16xf32, #tpu.memory_space<vmem_shared>>) target_semaphore(%run_scoped3A : memref<!tpu.dma_semaphore, #tpu.memory_space<semaphore_mem>>)
      %dma_wait3A_111 = arith.constant 0 : i32
      %dma_wait3A_112 = tpu.memref_slice %arg13[%add3A_22, %dma_wait3A_111] : memref<100000x16xf32, #tpu.memory_space<vmem_shared>> -> memref<800x16xf32, #tpu.memory_space<vmem_shared>>
      %dma_wait3A_113 = arith.constant 0 : i32
      %dma_wait3A_114 = tpu.memref_slice %arg13[%add3A_22, %dma_wait3A_113] : memref<100000x16xf32, #tpu.memory_space<vmem_shared>> -> memref<800x16xf32, #tpu.memory_space<vmem_shared>>
      tpu.wait_dma2 semaphore(%run_scoped3A : memref<!tpu.dma_semaphore, #tpu.memory_space<semaphore_mem>>) src(%arg11 : memref<800x16xf32, #tpu.memory_space<vmem>>) dst(%dma_wait3A_114 : memref<800x16xf32, #tpu.memory_space<vmem_shared>>)
      tpu.yield
    }) : () -> ()
    %add3A_23 = arith.constant 5600 : i32
    %add3A_24 = arith.addi %mul3A_0, %add3A_23 : i32
    "tpu.region"() ({
      %run_scoped3A = tpu.sem_alloc : memref<!tpu.dma_semaphore, #tpu.memory_space<semaphore_mem>>
      %dma_start3A_107 = arith.constant 0 : i32
      %dma_start3A_108 = arith.constant 0 : i32
      %dma_start3A_109 = tpu.memref_slice %arg11[%dma_start3A_107, %dma_start3A_108] : memref<800x16xf32, #tpu.memory_space<vmem>> -> memref<650x16xf32, #tpu.memory_space<vmem>>
      %dma_start3A_110 = arith.constant 0 : i32
      %dma_start3A_111 = tpu.memref_slice %arg13[%add3A_24, %dma_start3A_110] : memref<100000x16xf32, #tpu.memory_space<vmem_shared>> -> memref<650x16xf32, #tpu.memory_space<vmem_shared>>
      %dma_start3A_112 = arith.constant 0 : i32
      %dma_start3A_113 = tpu.memref_slice %arg13[%add3A_24, %dma_start3A_112] : memref<100000x16xf32, #tpu.memory_space<vmem_shared>> -> memref<650x16xf32, #tpu.memory_space<vmem_shared>>
      %dma_start3A_114 = arith.constant 0 : i32
      %dma_start3A_115 = arith.constant 0 : i32
      %dma_start3A_116 = tpu.memref_slice %arg11[%dma_start3A_114, %dma_start3A_115] : memref<800x16xf32, #tpu.memory_space<vmem>> -> memref<650x16xf32, #tpu.memory_space<vmem>>
      tpu.enqueue_dma source(%dma_start3A_116 : memref<650x16xf32, #tpu.memory_space<vmem>>) target(%dma_start3A_113 : memref<650x16xf32, #tpu.memory_space<vmem_shared>>) target_semaphore(%run_scoped3A : memref<!tpu.dma_semaphore, #tpu.memory_space<semaphore_mem>>)
      %dma_wait3A_117 = arith.constant 0 : i32
      %dma_wait3A_118 = arith.constant 0 : i32
      %dma_wait3A_119 = tpu.memref_slice %arg11[%dma_wait3A_117, %dma_wait3A_118] : memref<800x16xf32, #tpu.memory_space<vmem>> -> memref<650x16xf32, #tpu.memory_space<vmem>>
      %dma_wait3A_120 = arith.constant 0 : i32
      %dma_wait3A_121 = tpu.memref_slice %arg13[%add3A_24, %dma_wait3A_120] : memref<100000x16xf32, #tpu.memory_space<vmem_shared>> -> memref<650x16xf32, #tpu.memory_space<vmem_shared>>
      %dma_wait3A_122 = arith.constant 0 : i32
      %dma_wait3A_123 = tpu.memref_slice %arg13[%add3A_24, %dma_wait3A_122] : memref<100000x16xf32, #tpu.memory_space<vmem_shared>> -> memref<650x16xf32, #tpu.memory_space<vmem_shared>>
      %dma_wait3A_124 = arith.constant 0 : i32
      %dma_wait3A_125 = arith.constant 0 : i32
      %dma_wait3A_126 = tpu.memref_slice %arg11[%dma_wait3A_124, %dma_wait3A_125] : memref<800x16xf32, #tpu.memory_space<vmem>> -> memref<650x16xf32, #tpu.memory_space<vmem>>
      tpu.wait_dma2 semaphore(%run_scoped3A : memref<!tpu.dma_semaphore, #tpu.memory_space<semaphore_mem>>) src(%dma_wait3A_126 : memref<650x16xf32, #tpu.memory_space<vmem>>) dst(%dma_wait3A_123 : memref<650x16xf32, #tpu.memory_space<vmem_shared>>)
      tpu.yield
    }) : () -> ()
    %barrier3A = arith.constant 0 : index
    tpu.barrier barrier_id(%barrier3A)
    %mul3A_25 = arith.constant 800 : i32
    %mul3A_26 = arith.muli %arg1, %mul3A_25 : i32
    %add3A_27 = arith.addi %mul3A_3, %mul3A_26 : i32
    %dma_start3A = tpu.memref_slice %arg3[%add3A_27] : memref<3200000xi32, #tpu.memory_space<hbm>> -> memref<800xi32, #tpu.memory_space<hbm>>
    %dma_start3A_28 = tpu.memref_slice %arg3[%add3A_27] : memref<3200000xi32, #tpu.memory_space<hbm>> -> memref<800xi32, #tpu.memory_space<hbm>>
    tpu.enqueue_dma source(%dma_start3A_28 : memref<800xi32, #tpu.memory_space<hbm>>) target(%arg5 : memref<800xi32, #tpu.memory_space<vmem>>) target_semaphore(%arg14 : memref<!tpu.dma_semaphore, #tpu.memory_space<semaphore_mem>>)
    %add3A_29 = arith.constant 1600000 : i32
    %add3A_30 = arith.addi %add3A_29, %add3A_27 : i32
    %dma_start3A_31 = tpu.memref_slice %arg3[%add3A_30] : memref<3200000xi32, #tpu.memory_space<hbm>> -> memref<800xi32, #tpu.memory_space<hbm>>
    %dma_start3A_32 = tpu.memref_slice %arg3[%add3A_30] : memref<3200000xi32, #tpu.memory_space<hbm>> -> memref<800xi32, #tpu.memory_space<hbm>>
    tpu.enqueue_dma source(%dma_start3A_32 : memref<800xi32, #tpu.memory_space<hbm>>) target(%arg7 : memref<800xi32, #tpu.memory_space<vmem>>) target_semaphore(%arg14 : memref<!tpu.dma_semaphore, #tpu.memory_space<semaphore_mem>>)
    %scan3A_33 = arith.constant 0 : i32
    %scan3A_34 = arith.constant 0 : i32
    %scan3A_35 = arith.constant 15 : i32
    %scan3A_36 = arith.addi %scan3A_34, %scan3A_35 : i32
    %scan3A_37 = arith.constant 1 : i32
    %scan3A_38 = scf.for %scan3A_107 = %scan3A_34 to %scan3A_36 step %scan3A_37 iter_args(%scan3A_108 = %scan3A_33) -> (i32)  : i32 {
      %mul3A_109 = arith.constant 4 : i32
      %mul3A_110 = arith.muli %mul3A_109, %scan3A_107 : i32
      %add3A_111 = arith.constant 0 : i32
      %add3A_112 = arith.addi %mul3A_110, %add3A_111 : i32
      %mul3A_113 = arith.constant 12800 : i32
      %mul3A_114 = arith.muli %add3A_112, %mul3A_113 : i32
      %add3A_115 = arith.addi %mul3A_3, %mul3A_114 : i32
      %mul3A_116 = arith.constant 800 : i32
      %mul3A_117 = arith.muli %arg1, %mul3A_116 : i32
      %add3A_118 = arith.addi %add3A_115, %mul3A_117 : i32
      %dma_wait3A_119 = tpu.memref_slice %arg3[%add3A_118] : memref<3200000xi32, #tpu.memory_space<hbm>> -> memref<800xi32, #tpu.memory_space<hbm>>
      %dma_wait3A_120 = tpu.memref_slice %arg3[%add3A_118] : memref<3200000xi32, #tpu.memory_space<hbm>> -> memref<800xi32, #tpu.memory_space<hbm>>
      tpu.wait_dma2 semaphore(%arg14 : memref<!tpu.dma_semaphore, #tpu.memory_space<semaphore_mem>>) src(%dma_wait3A_120 : memref<800xi32, #tpu.memory_space<hbm>>) dst(%arg5 : memref<800xi32, #tpu.memory_space<vmem>>)
      %add3A_121 = arith.constant 1600000 : i32
      %add3A_122 = arith.addi %add3A_121, %add3A_118 : i32
      %dma_wait3A_123 = tpu.memref_slice %arg3[%add3A_122] : memref<3200000xi32, #tpu.memory_space<hbm>> -> memref<800xi32, #tpu.memory_space<hbm>>
      %dma_wait3A_124 = tpu.memref_slice %arg3[%add3A_122] : memref<3200000xi32, #tpu.memory_space<hbm>> -> memref<800xi32, #tpu.memory_space<hbm>>
      tpu.wait_dma2 semaphore(%arg14 : memref<!tpu.dma_semaphore, #tpu.memory_space<semaphore_mem>>) src(%dma_wait3A_124 : memref<800xi32, #tpu.memory_space<hbm>>) dst(%arg7 : memref<800xi32, #tpu.memory_space<vmem>>)
      %ge3A = arith.constant 2 : i32
      %ge3A_125 = arith.cmpi sge, %add3A_112, %ge3A : i32
      %convert_element_type3A_126 = arith.extui %ge3A_125 : i1 to i32
      %cond3A_127 = arith.constant 0 : i32
      %cond3A_128 = arith.cmpi ne, %convert_element_type3A_126, %cond3A_127 : i32
      scf.if %cond3A_128 {
        %dma_wait3A_252 = arith.constant 0 : i32
        %dma_wait3A_253 = arith.constant 0 : i32
        %dma_wait3A_254 = tpu.memref_slice %arg13[%dma_wait3A_252, %dma_wait3A_253] : memref<100000x16xf32, #tpu.memory_space<vmem_shared>> -> memref<100000x16xf32, #tpu.memory_space<vmem_shared>>
        tpu.wait_indirect_dma semaphore(%arg16 : memref<!tpu.dma_semaphore, #tpu.memory_space<semaphore_mem>>) src(%arg11 : memref<800x16xf32, #tpu.memory_space<vmem>>) dst(%dma_wait3A_254 : memref<100000x16xf32, #tpu.memory_space<vmem_shared>>)
      } else {
      }
      %dma_start3A_129 = arith.constant 0 : i32
      %dma_start3A_130 = arith.constant 0 : i32
      %dma_start3A_131 = tpu.memref_slice %arg2[%dma_start3A_129, %dma_start3A_130] : memref<100000x16xf32, #tpu.memory_space<hbm>> -> memref<100000x16xf32, #tpu.memory_space<hbm>>
      tpu.enqueue_indirect_dma source(%dma_start3A_131 : memref<100000x16xf32, #tpu.memory_space<hbm>>) target(%arg11 : memref<800x16xf32, #tpu.memory_space<vmem>>) offsets(%arg5 : memref<800xi32, #tpu.memory_space<vmem>>) semaphore(%arg15 : memref<!tpu.dma_semaphore, #tpu.memory_space<semaphore_mem>>)
      %sub3A_132 = arith.constant 1 : i32
      %sub3A_133 = arith.subi %sub3A_1, %sub3A_132 : i32
      %lt3A = arith.cmpi slt, %add3A_112, %sub3A_133 : i32
      %convert_element_type3A_134 = arith.extui %lt3A : i1 to i32
      %cond3A_135 = arith.constant 0 : i32
      %cond3A_136 = arith.cmpi ne, %convert_element_type3A_134, %cond3A_135 : i32
      scf.if %cond3A_136 {
        %add3A_252 = arith.constant 12800 : i32
        %add3A_253 = arith.addi %add3A_118, %add3A_252 : i32
        %dma_start3A_254 = tpu.memref_slice %arg3[%add3A_253] : memref<3200000xi32, #tpu.memory_space<hbm>> -> memref<800xi32, #tpu.memory_space<hbm>>
        %dma_start3A_255 = tpu.memref_slice %arg3[%add3A_253] : memref<3200000xi32, #tpu.memory_space<hbm>> -> memref<800xi32, #tpu.memory_space<hbm>>
        tpu.enqueue_dma source(%dma_start3A_255 : memref<800xi32, #tpu.memory_space<hbm>>) target(%arg6 : memref<800xi32, #tpu.memory_space<vmem>>) target_semaphore(%arg14 : memref<!tpu.dma_semaphore, #tpu.memory_space<semaphore_mem>>)
        %add3A_256 = arith.constant 1600000 : i32
        %add3A_257 = arith.addi %add3A_256, %add3A_253 : i32
        %dma_start3A_258 = tpu.memref_slice %arg3[%add3A_257] : memref<3200000xi32, #tpu.memory_space<hbm>> -> memref<800xi32, #tpu.memory_space<hbm>>
        %dma_start3A_259 = tpu.memref_slice %arg3[%add3A_257] : memref<3200000xi32, #tpu.memory_space<hbm>> -> memref<800xi32, #tpu.memory_space<hbm>>
        tpu.enqueue_dma source(%dma_start3A_259 : memref<800xi32, #tpu.memory_space<hbm>>) target(%arg8 : memref<800xi32, #tpu.memory_space<vmem>>) target_semaphore(%arg14 : memref<!tpu.dma_semaphore, #tpu.memory_space<semaphore_mem>>)
      } else {
      }
      %dma_wait3A_137 = arith.constant 0 : i32
      %dma_wait3A_138 = arith.constant 0 : i32
      %dma_wait3A_139 = tpu.memref_slice %arg2[%dma_wait3A_137, %dma_wait3A_138] : memref<100000x16xf32, #tpu.memory_space<hbm>> -> memref<100000x16xf32, #tpu.memory_space<hbm>>
      tpu.wait_indirect_dma semaphore(%arg15 : memref<!tpu.dma_semaphore, #tpu.memory_space<semaphore_mem>>) src(%dma_wait3A_139 : memref<100000x16xf32, #tpu.memory_space<hbm>>) dst(%arg11 : memref<800x16xf32, #tpu.memory_space<vmem>>)
      %dma_start3A_140 = arith.constant 0 : i32
      %dma_start3A_141 = arith.constant 0 : i32
      %dma_start3A_142 = tpu.memref_slice %arg13[%dma_start3A_140, %dma_start3A_141] : memref<100000x16xf32, #tpu.memory_space<vmem_shared>> -> memref<100000x16xf32, #tpu.memory_space<vmem_shared>>
      tpu.enqueue_indirect_dma source(%arg11 : memref<800x16xf32, #tpu.memory_space<vmem>>) target(%dma_start3A_142 : memref<100000x16xf32, #tpu.memory_space<vmem_shared>>) offsets(%arg7 : memref<800xi32, #tpu.memory_space<vmem>>) semaphore(%arg16 : memref<!tpu.dma_semaphore, #tpu.memory_space<semaphore_mem>>) {add = true}
      %mul3A_143 = arith.constant 4 : i32
      %mul3A_144 = arith.muli %mul3A_143, %scan3A_107 : i32
      %add3A_145 = arith.constant 1 : i32
      %add3A_146 = arith.addi %mul3A_144, %add3A_145 : i32
      %mul3A_147 = arith.constant 12800 : i32
      %mul3A_148 = arith.muli %add3A_146, %mul3A_147 : i32
      %add3A_149 = arith.addi %mul3A_3, %mul3A_148 : i32
      %mul3A_150 = arith.constant 800 : i32
      %mul3A_151 = arith.muli %arg1, %mul3A_150 : i32
      %add3A_152 = arith.addi %add3A_149, %mul3A_151 : i32
      %dma_wait3A_153 = tpu.memref_slice %arg3[%add3A_152] : memref<3200000xi32, #tpu.memory_space<hbm>> -> memref<800xi32, #tpu.memory_space<hbm>>
      %dma_wait3A_154 = tpu.memref_slice %arg3[%add3A_152] : memref<3200000xi32, #tpu.memory_space<hbm>> -> memref<800xi32, #tpu.memory_space<hbm>>
      tpu.wait_dma2 semaphore(%arg14 : memref<!tpu.dma_semaphore, #tpu.memory_space<semaphore_mem>>) src(%dma_wait3A_154 : memref<800xi32, #tpu.memory_space<hbm>>) dst(%arg6 : memref<800xi32, #tpu.memory_space<vmem>>)
      %add3A_155 = arith.constant 1600000 : i32
      %add3A_156 = arith.addi %add3A_155, %add3A_152 : i32
      %dma_wait3A_157 = tpu.memref_slice %arg3[%add3A_156] : memref<3200000xi32, #tpu.memory_space<hbm>> -> memref<800xi32, #tpu.memory_space<hbm>>
      %dma_wait3A_158 = tpu.memref_slice %arg3[%add3A_156] : memref<3200000xi32, #tpu.memory_space<hbm>> -> memref<800xi32, #tpu.memory_space<hbm>>
      tpu.wait_dma2 semaphore(%arg14 : memref<!tpu.dma_semaphore, #tpu.memory_space<semaphore_mem>>) src(%dma_wait3A_158 : memref<800xi32, #tpu.memory_space<hbm>>) dst(%arg8 : memref<800xi32, #tpu.memory_space<vmem>>)
      %ge3A_159 = arith.constant 2 : i32
      %ge3A_160 = arith.cmpi sge, %add3A_146, %ge3A_159 : i32
      %convert_element_type3A_161 = arith.extui %ge3A_160 : i1 to i32
      %cond3A_162 = arith.constant 0 : i32
      %cond3A_163 = arith.cmpi ne, %convert_element_type3A_161, %cond3A_162 : i32
      scf.if %cond3A_163 {
        %dma_wait3A_252 = arith.constant 0 : i32
        %dma_wait3A_253 = arith.constant 0 : i32
        %dma_wait3A_254 = tpu.memref_slice %arg13[%dma_wait3A_252, %dma_wait3A_253] : memref<100000x16xf32, #tpu.memory_space<vmem_shared>> -> memref<100000x16xf32, #tpu.memory_space<vmem_shared>>
        tpu.wait_indirect_dma semaphore(%arg17 : memref<!tpu.dma_semaphore, #tpu.memory_space<semaphore_mem>>) src(%arg12 : memref<800x16xf32, #tpu.memory_space<vmem>>) dst(%dma_wait3A_254 : memref<100000x16xf32, #tpu.memory_space<vmem_shared>>)
      } else {
      }
      %dma_start3A_164 = arith.constant 0 : i32
      %dma_start3A_165 = arith.constant 0 : i32
      %dma_start3A_166 = tpu.memref_slice %arg2[%dma_start3A_164, %dma_start3A_165] : memref<100000x16xf32, #tpu.memory_space<hbm>> -> memref<100000x16xf32, #tpu.memory_space<hbm>>
      tpu.enqueue_indirect_dma source(%dma_start3A_166 : memref<100000x16xf32, #tpu.memory_space<hbm>>) target(%arg12 : memref<800x16xf32, #tpu.memory_space<vmem>>) offsets(%arg6 : memref<800xi32, #tpu.memory_space<vmem>>) semaphore(%arg15 : memref<!tpu.dma_semaphore, #tpu.memory_space<semaphore_mem>>)
      %sub3A_167 = arith.constant 1 : i32
      %sub3A_168 = arith.subi %sub3A_1, %sub3A_167 : i32
      %lt3A_169 = arith.cmpi slt, %add3A_146, %sub3A_168 : i32
      %convert_element_type3A_170 = arith.extui %lt3A_169 : i1 to i32
      %cond3A_171 = arith.constant 0 : i32
      %cond3A_172 = arith.cmpi ne, %convert_element_type3A_170, %cond3A_171 : i32
      scf.if %cond3A_172 {
        %add3A_252 = arith.constant 12800 : i32
        %add3A_253 = arith.addi %add3A_152, %add3A_252 : i32
        %dma_start3A_254 = tpu.memref_slice %arg3[%add3A_253] : memref<3200000xi32, #tpu.memory_space<hbm>> -> memref<800xi32, #tpu.memory_space<hbm>>
        %dma_start3A_255 = tpu.memref_slice %arg3[%add3A_253] : memref<3200000xi32, #tpu.memory_space<hbm>> -> memref<800xi32, #tpu.memory_space<hbm>>
        tpu.enqueue_dma source(%dma_start3A_255 : memref<800xi32, #tpu.memory_space<hbm>>) target(%arg5 : memref<800xi32, #tpu.memory_space<vmem>>) target_semaphore(%arg14 : memref<!tpu.dma_semaphore, #tpu.memory_space<semaphore_mem>>)
        %add3A_256 = arith.constant 1600000 : i32
        %add3A_257 = arith.addi %add3A_256, %add3A_253 : i32
        %dma_start3A_258 = tpu.memref_slice %arg3[%add3A_257] : memref<3200000xi32, #tpu.memory_space<hbm>> -> memref<800xi32, #tpu.memory_space<hbm>>
        %dma_start3A_259 = tpu.memref_slice %arg3[%add3A_257] : memref<3200000xi32, #tpu.memory_space<hbm>> -> memref<800xi32, #tpu.memory_space<hbm>>
        tpu.enqueue_dma source(%dma_start3A_259 : memref<800xi32, #tpu.memory_space<hbm>>) target(%arg9 : memref<800xi32, #tpu.memory_space<vmem>>) target_semaphore(%arg14 : memref<!tpu.dma_semaphore, #tpu.memory_space<semaphore_mem>>)
      } else {
      }
      %dma_wait3A_173 = arith.constant 0 : i32
      %dma_wait3A_174 = arith.constant 0 : i32
      %dma_wait3A_175 = tpu.memref_slice %arg2[%dma_wait3A_173, %dma_wait3A_174] : memref<100000x16xf32, #tpu.memory_space<hbm>> -> memref<100000x16xf32, #tpu.memory_space<hbm>>
      tpu.wait_indirect_dma semaphore(%arg15 : memref<!tpu.dma_semaphore, #tpu.memory_space<semaphore_mem>>) src(%dma_wait3A_175 : memref<100000x16xf32, #tpu.memory_space<hbm>>) dst(%arg12 : memref<800x16xf32, #tpu.memory_space<vmem>>)
      %dma_start3A_176 = arith.constant 0 : i32
      %dma_start3A_177 = arith.constant 0 : i32
      %dma_start3A_178 = tpu.memref_slice %arg13[%dma_start3A_176, %dma_start3A_177] : memref<100000x16xf32, #tpu.memory_space<vmem_shared>> -> memref<100000x16xf32, #tpu.memory_space<vmem_shared>>
      tpu.enqueue_indirect_dma source(%arg12 : memref<800x16xf32, #tpu.memory_space<vmem>>) target(%dma_start3A_178 : memref<100000x16xf32, #tpu.memory_space<vmem_shared>>) offsets(%arg8 : memref<800xi32, #tpu.memory_space<vmem>>) semaphore(%arg17 : memref<!tpu.dma_semaphore, #tpu.memory_space<semaphore_mem>>) {add = true}
      %mul3A_179 = arith.constant 4 : i32
      %mul3A_180 = arith.muli %mul3A_179, %scan3A_107 : i32
      %add3A_181 = arith.constant 2 : i32
      %add3A_182 = arith.addi %mul3A_180, %add3A_181 : i32
      %mul3A_183 = arith.constant 12800 : i32
      %mul3A_184 = arith.muli %add3A_182, %mul3A_183 : i32
      %add3A_185 = arith.addi %mul3A_3, %mul3A_184 : i32
      %mul3A_186 = arith.constant 800 : i32
      %mul3A_187 = arith.muli %arg1, %mul3A_186 : i32
      %add3A_188 = arith.addi %add3A_185, %mul3A_187 : i32
      %dma_wait3A_189 = tpu.memref_slice %arg3[%add3A_188] : memref<3200000xi32, #tpu.memory_space<hbm>> -> memref<800xi32, #tpu.memory_space<hbm>>
      %dma_wait3A_190 = tpu.memref_slice %arg3[%add3A_188] : memref<3200000xi32, #tpu.memory_space<hbm>> -> memref<800xi32, #tpu.memory_space<hbm>>
      tpu.wait_dma2 semaphore(%arg14 : memref<!tpu.dma_semaphore, #tpu.memory_space<semaphore_mem>>) src(%dma_wait3A_190 : memref<800xi32, #tpu.memory_space<hbm>>) dst(%arg5 : memref<800xi32, #tpu.memory_space<vmem>>)
      %add3A_191 = arith.constant 1600000 : i32
      %add3A_192 = arith.addi %add3A_191, %add3A_188 : i32
      %dma_wait3A_193 = tpu.memref_slice %arg3[%add3A_192] : memref<3200000xi32, #tpu.memory_space<hbm>> -> memref<800xi32, #tpu.memory_space<hbm>>
      %dma_wait3A_194 = tpu.memref_slice %arg3[%add3A_192] : memref<3200000xi32, #tpu.memory_space<hbm>> -> memref<800xi32, #tpu.memory_space<hbm>>
      tpu.wait_dma2 semaphore(%arg14 : memref<!tpu.dma_semaphore, #tpu.memory_space<semaphore_mem>>) src(%dma_wait3A_194 : memref<800xi32, #tpu.memory_space<hbm>>) dst(%arg9 : memref<800xi32, #tpu.memory_space<vmem>>)
      %ge3A_195 = arith.constant 2 : i32
      %ge3A_196 = arith.cmpi sge, %add3A_182, %ge3A_195 : i32
      %convert_element_type3A_197 = arith.extui %ge3A_196 : i1 to i32
      %cond3A_198 = arith.constant 0 : i32
      %cond3A_199 = arith.cmpi ne, %convert_element_type3A_197, %cond3A_198 : i32
      scf.if %cond3A_199 {
        %dma_wait3A_252 = arith.constant 0 : i32
        %dma_wait3A_253 = arith.constant 0 : i32
        %dma_wait3A_254 = tpu.memref_slice %arg13[%dma_wait3A_252, %dma_wait3A_253] : memref<100000x16xf32, #tpu.memory_space<vmem_shared>> -> memref<100000x16xf32, #tpu.memory_space<vmem_shared>>
        tpu.wait_indirect_dma semaphore(%arg16 : memref<!tpu.dma_semaphore, #tpu.memory_space<semaphore_mem>>) src(%arg11 : memref<800x16xf32, #tpu.memory_space<vmem>>) dst(%dma_wait3A_254 : memref<100000x16xf32, #tpu.memory_space<vmem_shared>>)
      } else {
      }
      %dma_start3A_200 = arith.constant 0 : i32
      %dma_start3A_201 = arith.constant 0 : i32
      %dma_start3A_202 = tpu.memref_slice %arg2[%dma_start3A_200, %dma_start3A_201] : memref<100000x16xf32, #tpu.memory_space<hbm>> -> memref<100000x16xf32, #tpu.memory_space<hbm>>
      tpu.enqueue_indirect_dma source(%dma_start3A_202 : memref<100000x16xf32, #tpu.memory_space<hbm>>) target(%arg11 : memref<800x16xf32, #tpu.memory_space<vmem>>) offsets(%arg5 : memref<800xi32, #tpu.memory_space<vmem>>) semaphore(%arg15 : memref<!tpu.dma_semaphore, #tpu.memory_space<semaphore_mem>>)
      %sub3A_203 = arith.constant 1 : i32
      %sub3A_204 = arith.subi %sub3A_1, %sub3A_203 : i32
      %lt3A_205 = arith.cmpi slt, %add3A_182, %sub3A_204 : i32
      %convert_element_type3A_206 = arith.extui %lt3A_205 : i1 to i32
      %cond3A_207 = arith.constant 0 : i32
      %cond3A_208 = arith.cmpi ne, %convert_element_type3A_206, %cond3A_207 : i32
      scf.if %cond3A_208 {
        %add3A_252 = arith.constant 12800 : i32
        %add3A_253 = arith.addi %add3A_188, %add3A_252 : i32
        %dma_start3A_254 = tpu.memref_slice %arg3[%add3A_253] : memref<3200000xi32, #tpu.memory_space<hbm>> -> memref<800xi32, #tpu.memory_space<hbm>>
        %dma_start3A_255 = tpu.memref_slice %arg3[%add3A_253] : memref<3200000xi32, #tpu.memory_space<hbm>> -> memref<800xi32, #tpu.memory_space<hbm>>
        tpu.enqueue_dma source(%dma_start3A_255 : memref<800xi32, #tpu.memory_space<hbm>>) target(%arg6 : memref<800xi32, #tpu.memory_space<vmem>>) target_semaphore(%arg14 : memref<!tpu.dma_semaphore, #tpu.memory_space<semaphore_mem>>)
        %add3A_256 = arith.constant 1600000 : i32
        %add3A_257 = arith.addi %add3A_256, %add3A_253 : i32
        %dma_start3A_258 = tpu.memref_slice %arg3[%add3A_257] : memref<3200000xi32, #tpu.memory_space<hbm>> -> memref<800xi32, #tpu.memory_space<hbm>>
        %dma_start3A_259 = tpu.memref_slice %arg3[%add3A_257] : memref<3200000xi32, #tpu.memory_space<hbm>> -> memref<800xi32, #tpu.memory_space<hbm>>
        tpu.enqueue_dma source(%dma_start3A_259 : memref<800xi32, #tpu.memory_space<hbm>>) target(%arg10 : memref<800xi32, #tpu.memory_space<vmem>>) target_semaphore(%arg14 : memref<!tpu.dma_semaphore, #tpu.memory_space<semaphore_mem>>)
      } else {
      }
      %dma_wait3A_209 = arith.constant 0 : i32
      %dma_wait3A_210 = arith.constant 0 : i32
      %dma_wait3A_211 = tpu.memref_slice %arg2[%dma_wait3A_209, %dma_wait3A_210] : memref<100000x16xf32, #tpu.memory_space<hbm>> -> memref<100000x16xf32, #tpu.memory_space<hbm>>
      tpu.wait_indirect_dma semaphore(%arg15 : memref<!tpu.dma_semaphore, #tpu.memory_space<semaphore_mem>>) src(%dma_wait3A_211 : memref<100000x16xf32, #tpu.memory_space<hbm>>) dst(%arg11 : memref<800x16xf32, #tpu.memory_space<vmem>>)
      %dma_start3A_212 = arith.constant 0 : i32
      %dma_start3A_213 = arith.constant 0 : i32
      %dma_start3A_214 = tpu.memref_slice %arg13[%dma_start3A_212, %dma_start3A_213] : memref<100000x16xf32, #tpu.memory_space<vmem_shared>> -> memref<100000x16xf32, #tpu.memory_space<vmem_shared>>
      tpu.enqueue_indirect_dma source(%arg11 : memref<800x16xf32, #tpu.memory_space<vmem>>) target(%dma_start3A_214 : memref<100000x16xf32, #tpu.memory_space<vmem_shared>>) offsets(%arg9 : memref<800xi32, #tpu.memory_space<vmem>>) semaphore(%arg16 : memref<!tpu.dma_semaphore, #tpu.memory_space<semaphore_mem>>) {add = true}
      %mul3A_215 = arith.constant 4 : i32
      %mul3A_216 = arith.muli %mul3A_215, %scan3A_107 : i32
      %add3A_217 = arith.constant 3 : i32
      %add3A_218 = arith.addi %mul3A_216, %add3A_217 : i32
      %mul3A_219 = arith.constant 12800 : i32
      %mul3A_220 = arith.muli %add3A_218, %mul3A_219 : i32
      %add3A_221 = arith.addi %mul3A_3, %mul3A_220 : i32
      %mul3A_222 = arith.constant 800 : i32
      %mul3A_223 = arith.muli %arg1, %mul3A_222 : i32
      %add3A_224 = arith.addi %add3A_221, %mul3A_223 : i32
      %dma_wait3A_225 = tpu.memref_slice %arg3[%add3A_224] : memref<3200000xi32, #tpu.memory_space<hbm>> -> memref<800xi32, #tpu.memory_space<hbm>>
      %dma_wait3A_226 = tpu.memref_slice %arg3[%add3A_224] : memref<3200000xi32, #tpu.memory_space<hbm>> -> memref<800xi32, #tpu.memory_space<hbm>>
      tpu.wait_dma2 semaphore(%arg14 : memref<!tpu.dma_semaphore, #tpu.memory_space<semaphore_mem>>) src(%dma_wait3A_226 : memref<800xi32, #tpu.memory_space<hbm>>) dst(%arg6 : memref<800xi32, #tpu.memory_space<vmem>>)
      %add3A_227 = arith.constant 1600000 : i32
      %add3A_228 = arith.addi %add3A_227, %add3A_224 : i32
      %dma_wait3A_229 = tpu.memref_slice %arg3[%add3A_228] : memref<3200000xi32, #tpu.memory_space<hbm>> -> memref<800xi32, #tpu.memory_space<hbm>>
      %dma_wait3A_230 = tpu.memref_slice %arg3[%add3A_228] : memref<3200000xi32, #tpu.memory_space<hbm>> -> memref<800xi32, #tpu.memory_space<hbm>>
      tpu.wait_dma2 semaphore(%arg14 : memref<!tpu.dma_semaphore, #tpu.memory_space<semaphore_mem>>) src(%dma_wait3A_230 : memref<800xi32, #tpu.memory_space<hbm>>) dst(%arg10 : memref<800xi32, #tpu.memory_space<vmem>>)
      %ge3A_231 = arith.constant 2 : i32
      %ge3A_232 = arith.cmpi sge, %add3A_218, %ge3A_231 : i32
      %convert_element_type3A_233 = arith.extui %ge3A_232 : i1 to i32
      %cond3A_234 = arith.constant 0 : i32
      %cond3A_235 = arith.cmpi ne, %convert_element_type3A_233, %cond3A_234 : i32
      scf.if %cond3A_235 {
        %dma_wait3A_252 = arith.constant 0 : i32
        %dma_wait3A_253 = arith.constant 0 : i32
        %dma_wait3A_254 = tpu.memref_slice %arg13[%dma_wait3A_252, %dma_wait3A_253] : memref<100000x16xf32, #tpu.memory_space<vmem_shared>> -> memref<100000x16xf32, #tpu.memory_space<vmem_shared>>
        tpu.wait_indirect_dma semaphore(%arg17 : memref<!tpu.dma_semaphore, #tpu.memory_space<semaphore_mem>>) src(%arg12 : memref<800x16xf32, #tpu.memory_space<vmem>>) dst(%dma_wait3A_254 : memref<100000x16xf32, #tpu.memory_space<vmem_shared>>)
      } else {
      }
      %dma_start3A_236 = arith.constant 0 : i32
      %dma_start3A_237 = arith.constant 0 : i32
      %dma_start3A_238 = tpu.memref_slice %arg2[%dma_start3A_236, %dma_start3A_237] : memref<100000x16xf32, #tpu.memory_space<hbm>> -> memref<100000x16xf32, #tpu.memory_space<hbm>>
      tpu.enqueue_indirect_dma source(%dma_start3A_238 : memref<100000x16xf32, #tpu.memory_space<hbm>>) target(%arg12 : memref<800x16xf32, #tpu.memory_space<vmem>>) offsets(%arg6 : memref<800xi32, #tpu.memory_space<vmem>>) semaphore(%arg15 : memref<!tpu.dma_semaphore, #tpu.memory_space<semaphore_mem>>)
      %sub3A_239 = arith.constant 1 : i32
      %sub3A_240 = arith.subi %sub3A_1, %sub3A_239 : i32
      %lt3A_241 = arith.cmpi slt, %add3A_218, %sub3A_240 : i32
      %convert_element_type3A_242 = arith.extui %lt3A_241 : i1 to i32
      %cond3A_243 = arith.constant 0 : i32
      %cond3A_244 = arith.cmpi ne, %convert_element_type3A_242, %cond3A_243 : i32
      scf.if %cond3A_244 {
        %add3A_252 = arith.constant 12800 : i32
        %add3A_253 = arith.addi %add3A_224, %add3A_252 : i32
        %dma_start3A_254 = tpu.memref_slice %arg3[%add3A_253] : memref<3200000xi32, #tpu.memory_space<hbm>> -> memref<800xi32, #tpu.memory_space<hbm>>
        %dma_start3A_255 = tpu.memref_slice %arg3[%add3A_253] : memref<3200000xi32, #tpu.memory_space<hbm>> -> memref<800xi32, #tpu.memory_space<hbm>>
        tpu.enqueue_dma source(%dma_start3A_255 : memref<800xi32, #tpu.memory_space<hbm>>) target(%arg5 : memref<800xi32, #tpu.memory_space<vmem>>) target_semaphore(%arg14 : memref<!tpu.dma_semaphore, #tpu.memory_space<semaphore_mem>>)
        %add3A_256 = arith.constant 1600000 : i32
        %add3A_257 = arith.addi %add3A_256, %add3A_253 : i32
        %dma_start3A_258 = tpu.memref_slice %arg3[%add3A_257] : memref<3200000xi32, #tpu.memory_space<hbm>> -> memref<800xi32, #tpu.memory_space<hbm>>
        %dma_start3A_259 = tpu.memref_slice %arg3[%add3A_257] : memref<3200000xi32, #tpu.memory_space<hbm>> -> memref<800xi32, #tpu.memory_space<hbm>>
        tpu.enqueue_dma source(%dma_start3A_259 : memref<800xi32, #tpu.memory_space<hbm>>) target(%arg7 : memref<800xi32, #tpu.memory_space<vmem>>) target_semaphore(%arg14 : memref<!tpu.dma_semaphore, #tpu.memory_space<semaphore_mem>>)
      } else {
      }
      %dma_wait3A_245 = arith.constant 0 : i32
      %dma_wait3A_246 = arith.constant 0 : i32
      %dma_wait3A_247 = tpu.memref_slice %arg2[%dma_wait3A_245, %dma_wait3A_246] : memref<100000x16xf32, #tpu.memory_space<hbm>> -> memref<100000x16xf32, #tpu.memory_space<hbm>>
      tpu.wait_indirect_dma semaphore(%arg15 : memref<!tpu.dma_semaphore, #tpu.memory_space<semaphore_mem>>) src(%dma_wait3A_247 : memref<100000x16xf32, #tpu.memory_space<hbm>>) dst(%arg12 : memref<800x16xf32, #tpu.memory_space<vmem>>)
      %dma_start3A_248 = arith.constant 0 : i32
      %dma_start3A_249 = arith.constant 0 : i32
      %dma_start3A_250 = tpu.memref_slice %arg13[%dma_start3A_248, %dma_start3A_249] : memref<100000x16xf32, #tpu.memory_space<vmem_shared>> -> memref<100000x16xf32, #tpu.memory_space<vmem_shared>>
      tpu.enqueue_indirect_dma source(%arg12 : memref<800x16xf32, #tpu.memory_space<vmem>>) target(%dma_start3A_250 : memref<100000x16xf32, #tpu.memory_space<vmem_shared>>) offsets(%arg10 : memref<800xi32, #tpu.memory_space<vmem>>) semaphore(%arg17 : memref<!tpu.dma_semaphore, #tpu.memory_space<semaphore_mem>>) {add = true}
      %scan3A_251 = arith.constant 0 : i32
      scf.yield %scan3A_251 : i32
    }
    %scan3A_39 = arith.constant 15 : i32
    %add3A_40 = arith.constant 768000 : i32
    %add3A_41 = arith.addi %mul3A_3, %add3A_40 : i32
    %mul3A_42 = arith.constant 800 : i32
    %mul3A_43 = arith.muli %arg1, %mul3A_42 : i32
    %add3A_44 = arith.addi %add3A_41, %mul3A_43 : i32
    %dma_wait3A = tpu.memref_slice %arg3[%add3A_44] : memref<3200000xi32, #tpu.memory_space<hbm>> -> memref<800xi32, #tpu.memory_space<hbm>>
    %dma_wait3A_45 = tpu.memref_slice %arg3[%add3A_44] : memref<3200000xi32, #tpu.memory_space<hbm>> -> memref<800xi32, #tpu.memory_space<hbm>>
    tpu.wait_dma2 semaphore(%arg14 : memref<!tpu.dma_semaphore, #tpu.memory_space<semaphore_mem>>) src(%dma_wait3A_45 : memref<800xi32, #tpu.memory_space<hbm>>) dst(%arg5 : memref<800xi32, #tpu.memory_space<vmem>>)
    %add3A_46 = arith.constant 1600000 : i32
    %add3A_47 = arith.addi %add3A_46, %add3A_44 : i32
    %dma_wait3A_48 = tpu.memref_slice %arg3[%add3A_47] : memref<3200000xi32, #tpu.memory_space<hbm>> -> memref<800xi32, #tpu.memory_space<hbm>>
    %dma_wait3A_49 = tpu.memref_slice %arg3[%add3A_47] : memref<3200000xi32, #tpu.memory_space<hbm>> -> memref<800xi32, #tpu.memory_space<hbm>>
    tpu.wait_dma2 semaphore(%arg14 : memref<!tpu.dma_semaphore, #tpu.memory_space<semaphore_mem>>) src(%dma_wait3A_49 : memref<800xi32, #tpu.memory_space<hbm>>) dst(%arg7 : memref<800xi32, #tpu.memory_space<vmem>>)
    %dma_wait3A_50 = arith.constant 0 : i32
    %dma_wait3A_51 = arith.constant 0 : i32
    %dma_wait3A_52 = tpu.memref_slice %arg13[%dma_wait3A_50, %dma_wait3A_51] : memref<100000x16xf32, #tpu.memory_space<vmem_shared>> -> memref<100000x16xf32, #tpu.memory_space<vmem_shared>>
    tpu.wait_indirect_dma semaphore(%arg16 : memref<!tpu.dma_semaphore, #tpu.memory_space<semaphore_mem>>) src(%arg11 : memref<800x16xf32, #tpu.memory_space<vmem>>) dst(%dma_wait3A_52 : memref<100000x16xf32, #tpu.memory_space<vmem_shared>>)
    %dma_start3A_53 = arith.constant 0 : i32
    %dma_start3A_54 = arith.constant 0 : i32
    %dma_start3A_55 = tpu.memref_slice %arg2[%dma_start3A_53, %dma_start3A_54] : memref<100000x16xf32, #tpu.memory_space<hbm>> -> memref<100000x16xf32, #tpu.memory_space<hbm>>
    tpu.enqueue_indirect_dma source(%dma_start3A_55 : memref<100000x16xf32, #tpu.memory_space<hbm>>) target(%arg11 : memref<800x16xf32, #tpu.memory_space<vmem>>) offsets(%arg5 : memref<800xi32, #tpu.memory_space<vmem>>) semaphore(%arg15 : memref<!tpu.dma_semaphore, #tpu.memory_space<semaphore_mem>>)
    %sub3A_56 = arith.constant 1 : i32
    %sub3A_57 = arith.subi %sub3A_1, %sub3A_56 : i32
    %gt3A = arith.constant 60 : i32
    %gt3A_58 = arith.cmpi sgt, %sub3A_57, %gt3A : i32
    %convert_element_type3A = arith.extui %gt3A_58 : i1 to i32
    %cond3A = arith.constant 0 : i32
    %cond3A_59 = arith.cmpi ne, %convert_element_type3A, %cond3A : i32
    scf.if %cond3A_59 {
      %add3A_107 = arith.constant 12800 : i32
      %add3A_108 = arith.addi %add3A_44, %add3A_107 : i32
      %dma_start3A_109 = tpu.memref_slice %arg3[%add3A_108] : memref<3200000xi32, #tpu.memory_space<hbm>> -> memref<800xi32, #tpu.memory_space<hbm>>
      %dma_start3A_110 = tpu.memref_slice %arg3[%add3A_108] : memref<3200000xi32, #tpu.memory_space<hbm>> -> memref<800xi32, #tpu.memory_space<hbm>>
      tpu.enqueue_dma source(%dma_start3A_110 : memref<800xi32, #tpu.memory_space<hbm>>) target(%arg6 : memref<800xi32, #tpu.memory_space<vmem>>) target_semaphore(%arg14 : memref<!tpu.dma_semaphore, #tpu.memory_space<semaphore_mem>>)
      %add3A_111 = arith.constant 1600000 : i32
      %add3A_112 = arith.addi %add3A_111, %add3A_108 : i32
      %dma_start3A_113 = tpu.memref_slice %arg3[%add3A_112] : memref<3200000xi32, #tpu.memory_space<hbm>> -> memref<800xi32, #tpu.memory_space<hbm>>
      %dma_start3A_114 = tpu.memref_slice %arg3[%add3A_112] : memref<3200000xi32, #tpu.memory_space<hbm>> -> memref<800xi32, #tpu.memory_space<hbm>>
      tpu.enqueue_dma source(%dma_start3A_114 : memref<800xi32, #tpu.memory_space<hbm>>) target(%arg8 : memref<800xi32, #tpu.memory_space<vmem>>) target_semaphore(%arg14 : memref<!tpu.dma_semaphore, #tpu.memory_space<semaphore_mem>>)
    } else {
    }
    %dma_wait3A_60 = arith.constant 0 : i32
    %dma_wait3A_61 = arith.constant 0 : i32
    %dma_wait3A_62 = tpu.memref_slice %arg2[%dma_wait3A_60, %dma_wait3A_61] : memref<100000x16xf32, #tpu.memory_space<hbm>> -> memref<100000x16xf32, #tpu.memory_space<hbm>>
    tpu.wait_indirect_dma semaphore(%arg15 : memref<!tpu.dma_semaphore, #tpu.memory_space<semaphore_mem>>) src(%dma_wait3A_62 : memref<100000x16xf32, #tpu.memory_space<hbm>>) dst(%arg11 : memref<800x16xf32, #tpu.memory_space<vmem>>)
    %dma_start3A_63 = arith.constant 0 : i32
    %dma_start3A_64 = arith.constant 0 : i32
    %dma_start3A_65 = tpu.memref_slice %arg13[%dma_start3A_63, %dma_start3A_64] : memref<100000x16xf32, #tpu.memory_space<vmem_shared>> -> memref<100000x16xf32, #tpu.memory_space<vmem_shared>>
    tpu.enqueue_indirect_dma source(%arg11 : memref<800x16xf32, #tpu.memory_space<vmem>>) target(%dma_start3A_65 : memref<100000x16xf32, #tpu.memory_space<vmem_shared>>) offsets(%arg7 : memref<800xi32, #tpu.memory_space<vmem>>) semaphore(%arg16 : memref<!tpu.dma_semaphore, #tpu.memory_space<semaphore_mem>>) {add = true}
    %add3A_66 = arith.constant 780800 : i32
    %add3A_67 = arith.addi %mul3A_3, %add3A_66 : i32
    %mul3A_68 = arith.constant 800 : i32
    %mul3A_69 = arith.muli %arg1, %mul3A_68 : i32
    %add3A_70 = arith.addi %add3A_67, %mul3A_69 : i32
    %dma_wait3A_71 = tpu.memref_slice %arg3[%add3A_70] : memref<3200000xi32, #tpu.memory_space<hbm>> -> memref<800xi32, #tpu.memory_space<hbm>>
    %dma_wait3A_72 = tpu.memref_slice %arg3[%add3A_70] : memref<3200000xi32, #tpu.memory_space<hbm>> -> memref<800xi32, #tpu.memory_space<hbm>>
    tpu.wait_dma2 semaphore(%arg14 : memref<!tpu.dma_semaphore, #tpu.memory_space<semaphore_mem>>) src(%dma_wait3A_72 : memref<800xi32, #tpu.memory_space<hbm>>) dst(%arg6 : memref<800xi32, #tpu.memory_space<vmem>>)
    %add3A_73 = arith.constant 1600000 : i32
    %add3A_74 = arith.addi %add3A_73, %add3A_70 : i32
    %dma_wait3A_75 = tpu.memref_slice %arg3[%add3A_74] : memref<3200000xi32, #tpu.memory_space<hbm>> -> memref<800xi32, #tpu.memory_space<hbm>>
    %dma_wait3A_76 = tpu.memref_slice %arg3[%add3A_74] : memref<3200000xi32, #tpu.memory_space<hbm>> -> memref<800xi32, #tpu.memory_space<hbm>>
    tpu.wait_dma2 semaphore(%arg14 : memref<!tpu.dma_semaphore, #tpu.memory_space<semaphore_mem>>) src(%dma_wait3A_76 : memref<800xi32, #tpu.memory_space<hbm>>) dst(%arg8 : memref<800xi32, #tpu.memory_space<vmem>>)
    %dma_wait3A_77 = arith.constant 0 : i32
    %dma_wait3A_78 = arith.constant 0 : i32
    %dma_wait3A_79 = tpu.memref_slice %arg13[%dma_wait3A_77, %dma_wait3A_78] : memref<100000x16xf32, #tpu.memory_space<vmem_shared>> -> memref<100000x16xf32, #tpu.memory_space<vmem_shared>>
    tpu.wait_indirect_dma semaphore(%arg17 : memref<!tpu.dma_semaphore, #tpu.memory_space<semaphore_mem>>) src(%arg12 : memref<800x16xf32, #tpu.memory_space<vmem>>) dst(%dma_wait3A_79 : memref<100000x16xf32, #tpu.memory_space<vmem_shared>>)
    %dma_start3A_80 = arith.constant 0 : i32
    %dma_start3A_81 = arith.constant 0 : i32
    %dma_start3A_82 = tpu.memref_slice %arg2[%dma_start3A_80, %dma_start3A_81] : memref<100000x16xf32, #tpu.memory_space<hbm>> -> memref<100000x16xf32, #tpu.memory_space<hbm>>
    tpu.enqueue_indirect_dma source(%dma_start3A_82 : memref<100000x16xf32, #tpu.memory_space<hbm>>) target(%arg12 : memref<800x16xf32, #tpu.memory_space<vmem>>) offsets(%arg6 : memref<800xi32, #tpu.memory_space<vmem>>) semaphore(%arg15 : memref<!tpu.dma_semaphore, #tpu.memory_space<semaphore_mem>>)
    %sub3A_83 = arith.constant 1 : i32
    %sub3A_84 = arith.subi %sub3A_1, %sub3A_83 : i32
    %gt3A_85 = arith.constant 61 : i32
    %gt3A_86 = arith.cmpi sgt, %sub3A_84, %gt3A_85 : i32
    %convert_element_type3A_87 = arith.extui %gt3A_86 : i1 to i32
    %cond3A_88 = arith.constant 0 : i32
    %cond3A_89 = arith.cmpi ne, %convert_element_type3A_87, %cond3A_88 : i32
    scf.if %cond3A_89 {
      %add3A_107 = arith.constant 12800 : i32
      %add3A_108 = arith.addi %add3A_70, %add3A_107 : i32
      %dma_start3A_109 = tpu.memref_slice %arg3[%add3A_108] : memref<3200000xi32, #tpu.memory_space<hbm>> -> memref<800xi32, #tpu.memory_space<hbm>>
      %dma_start3A_110 = tpu.memref_slice %arg3[%add3A_108] : memref<3200000xi32, #tpu.memory_space<hbm>> -> memref<800xi32, #tpu.memory_space<hbm>>
      tpu.enqueue_dma source(%dma_start3A_110 : memref<800xi32, #tpu.memory_space<hbm>>) target(%arg5 : memref<800xi32, #tpu.memory_space<vmem>>) target_semaphore(%arg14 : memref<!tpu.dma_semaphore, #tpu.memory_space<semaphore_mem>>)
      %add3A_111 = arith.constant 1600000 : i32
      %add3A_112 = arith.addi %add3A_111, %add3A_108 : i32
      %dma_start3A_113 = tpu.memref_slice %arg3[%add3A_112] : memref<3200000xi32, #tpu.memory_space<hbm>> -> memref<800xi32, #tpu.memory_space<hbm>>
      %dma_start3A_114 = tpu.memref_slice %arg3[%add3A_112] : memref<3200000xi32, #tpu.memory_space<hbm>> -> memref<800xi32, #tpu.memory_space<hbm>>
      tpu.enqueue_dma source(%dma_start3A_114 : memref<800xi32, #tpu.memory_space<hbm>>) target(%arg9 : memref<800xi32, #tpu.memory_space<vmem>>) target_semaphore(%arg14 : memref<!tpu.dma_semaphore, #tpu.memory_space<semaphore_mem>>)
    } else {
    }
    %dma_wait3A_90 = arith.constant 0 : i32
    %dma_wait3A_91 = arith.constant 0 : i32
    %dma_wait3A_92 = tpu.memref_slice %arg2[%dma_wait3A_90, %dma_wait3A_91] : memref<100000x16xf32, #tpu.memory_space<hbm>> -> memref<100000x16xf32, #tpu.memory_space<hbm>>
    tpu.wait_indirect_dma semaphore(%arg15 : memref<!tpu.dma_semaphore, #tpu.memory_space<semaphore_mem>>) src(%dma_wait3A_92 : memref<100000x16xf32, #tpu.memory_space<hbm>>) dst(%arg12 : memref<800x16xf32, #tpu.memory_space<vmem>>)
    %dma_start3A_93 = arith.constant 0 : i32
    %dma_start3A_94 = arith.constant 0 : i32
    %dma_start3A_95 = tpu.memref_slice %arg13[%dma_start3A_93, %dma_start3A_94] : memref<100000x16xf32, #tpu.memory_space<vmem_shared>> -> memref<100000x16xf32, #tpu.memory_space<vmem_shared>>
    tpu.enqueue_indirect_dma source(%arg12 : memref<800x16xf32, #tpu.memory_space<vmem>>) target(%dma_start3A_95 : memref<100000x16xf32, #tpu.memory_space<vmem_shared>>) offsets(%arg8 : memref<800xi32, #tpu.memory_space<vmem>>) semaphore(%arg17 : memref<!tpu.dma_semaphore, #tpu.memory_space<semaphore_mem>>) {add = true}
    %eq3A = arith.constant 0 : i32
    %eq3A_96 = arith.cmpi eq, %arg0, %eq3A : i32
    %convert_element_type3A_97 = arith.extui %eq3A_96 : i1 to i32
    %cond3A_98 = arith.constant 0 : i32
    %cond3A_99 = arith.cmpi ne, %convert_element_type3A_97, %cond3A_98 : i32
    scf.if %cond3A_99 {
      %add3A_107 = arith.constant 793600 : i32
      %add3A_108 = arith.addi %mul3A_3, %add3A_107 : i32
      %mul3A_109 = arith.constant 800 : i32
      %mul3A_110 = arith.muli %arg1, %mul3A_109 : i32
      %add3A_111 = arith.addi %add3A_108, %mul3A_110 : i32
      %dma_wait3A_112 = tpu.memref_slice %arg3[%add3A_111] : memref<3200000xi32, #tpu.memory_space<hbm>> -> memref<800xi32, #tpu.memory_space<hbm>>
      %dma_wait3A_113 = tpu.memref_slice %arg3[%add3A_111] : memref<3200000xi32, #tpu.memory_space<hbm>> -> memref<800xi32, #tpu.memory_space<hbm>>
      tpu.wait_dma2 semaphore(%arg14 : memref<!tpu.dma_semaphore, #tpu.memory_space<semaphore_mem>>) src(%dma_wait3A_113 : memref<800xi32, #tpu.memory_space<hbm>>) dst(%arg5 : memref<800xi32, #tpu.memory_space<vmem>>)
      %add3A_114 = arith.constant 1600000 : i32
      %add3A_115 = arith.addi %add3A_114, %add3A_111 : i32
      %dma_wait3A_116 = tpu.memref_slice %arg3[%add3A_115] : memref<3200000xi32, #tpu.memory_space<hbm>> -> memref<800xi32, #tpu.memory_space<hbm>>
      %dma_wait3A_117 = tpu.memref_slice %arg3[%add3A_115] : memref<3200000xi32, #tpu.memory_space<hbm>> -> memref<800xi32, #tpu.memory_space<hbm>>
      tpu.wait_dma2 semaphore(%arg14 : memref<!tpu.dma_semaphore, #tpu.memory_space<semaphore_mem>>) src(%dma_wait3A_117 : memref<800xi32, #tpu.memory_space<hbm>>) dst(%arg9 : memref<800xi32, #tpu.memory_space<vmem>>)
      %dma_wait3A_118 = arith.constant 0 : i32
      %dma_wait3A_119 = arith.constant 0 : i32
      %dma_wait3A_120 = tpu.memref_slice %arg13[%dma_wait3A_118, %dma_wait3A_119] : memref<100000x16xf32, #tpu.memory_space<vmem_shared>> -> memref<100000x16xf32, #tpu.memory_space<vmem_shared>>
      tpu.wait_indirect_dma semaphore(%arg16 : memref<!tpu.dma_semaphore, #tpu.memory_space<semaphore_mem>>) src(%arg11 : memref<800x16xf32, #tpu.memory_space<vmem>>) dst(%dma_wait3A_120 : memref<100000x16xf32, #tpu.memory_space<vmem_shared>>)
      %dma_start3A_121 = arith.constant 0 : i32
      %dma_start3A_122 = arith.constant 0 : i32
      %dma_start3A_123 = tpu.memref_slice %arg2[%dma_start3A_121, %dma_start3A_122] : memref<100000x16xf32, #tpu.memory_space<hbm>> -> memref<100000x16xf32, #tpu.memory_space<hbm>>
      tpu.enqueue_indirect_dma source(%dma_start3A_123 : memref<100000x16xf32, #tpu.memory_space<hbm>>) target(%arg11 : memref<800x16xf32, #tpu.memory_space<vmem>>) offsets(%arg5 : memref<800xi32, #tpu.memory_space<vmem>>) semaphore(%arg15 : memref<!tpu.dma_semaphore, #tpu.memory_space<semaphore_mem>>)
      %sub3A_124 = arith.constant 1 : i32
      %sub3A_125 = arith.subi %sub3A_1, %sub3A_124 : i32
      %gt3A_126 = arith.constant 62 : i32
      %gt3A_127 = arith.cmpi sgt, %sub3A_125, %gt3A_126 : i32
      %convert_element_type3A_128 = arith.extui %gt3A_127 : i1 to i32
      %cond3A_129 = arith.constant 0 : i32
      %cond3A_130 = arith.cmpi ne, %convert_element_type3A_128, %cond3A_129 : i32
      scf.if %cond3A_130 {
        %add3A_137 = arith.constant 12800 : i32
        %add3A_138 = arith.addi %add3A_111, %add3A_137 : i32
        %dma_start3A_139 = tpu.memref_slice %arg3[%add3A_138] : memref<3200000xi32, #tpu.memory_space<hbm>> -> memref<800xi32, #tpu.memory_space<hbm>>
        %dma_start3A_140 = tpu.memref_slice %arg3[%add3A_138] : memref<3200000xi32, #tpu.memory_space<hbm>> -> memref<800xi32, #tpu.memory_space<hbm>>
        tpu.enqueue_dma source(%dma_start3A_140 : memref<800xi32, #tpu.memory_space<hbm>>) target(%arg6 : memref<800xi32, #tpu.memory_space<vmem>>) target_semaphore(%arg14 : memref<!tpu.dma_semaphore, #tpu.memory_space<semaphore_mem>>)
        %add3A_141 = arith.constant 1600000 : i32
        %add3A_142 = arith.addi %add3A_141, %add3A_138 : i32
        %dma_start3A_143 = tpu.memref_slice %arg3[%add3A_142] : memref<3200000xi32, #tpu.memory_space<hbm>> -> memref<800xi32, #tpu.memory_space<hbm>>
        %dma_start3A_144 = tpu.memref_slice %arg3[%add3A_142] : memref<3200000xi32, #tpu.memory_space<hbm>> -> memref<800xi32, #tpu.memory_space<hbm>>
        tpu.enqueue_dma source(%dma_start3A_144 : memref<800xi32, #tpu.memory_space<hbm>>) target(%arg10 : memref<800xi32, #tpu.memory_space<vmem>>) target_semaphore(%arg14 : memref<!tpu.dma_semaphore, #tpu.memory_space<semaphore_mem>>)
      } else {
      }
      %dma_wait3A_131 = arith.constant 0 : i32
      %dma_wait3A_132 = arith.constant 0 : i32
      %dma_wait3A_133 = tpu.memref_slice %arg2[%dma_wait3A_131, %dma_wait3A_132] : memref<100000x16xf32, #tpu.memory_space<hbm>> -> memref<100000x16xf32, #tpu.memory_space<hbm>>
      tpu.wait_indirect_dma semaphore(%arg15 : memref<!tpu.dma_semaphore, #tpu.memory_space<semaphore_mem>>) src(%dma_wait3A_133 : memref<100000x16xf32, #tpu.memory_space<hbm>>) dst(%arg11 : memref<800x16xf32, #tpu.memory_space<vmem>>)
      %dma_start3A_134 = arith.constant 0 : i32
      %dma_start3A_135 = arith.constant 0 : i32
      %dma_start3A_136 = tpu.memref_slice %arg13[%dma_start3A_134, %dma_start3A_135] : memref<100000x16xf32, #tpu.memory_space<vmem_shared>> -> memref<100000x16xf32, #tpu.memory_space<vmem_shared>>
      tpu.enqueue_indirect_dma source(%arg11 : memref<800x16xf32, #tpu.memory_space<vmem>>) target(%dma_start3A_136 : memref<100000x16xf32, #tpu.memory_space<vmem_shared>>) offsets(%arg9 : memref<800xi32, #tpu.memory_space<vmem>>) semaphore(%arg16 : memref<!tpu.dma_semaphore, #tpu.memory_space<semaphore_mem>>) {add = true}
    } else {
    }
    %dma_wait3A_100 = arith.constant 0 : i32
    %dma_wait3A_101 = arith.constant 0 : i32
    %dma_wait3A_102 = tpu.memref_slice %arg13[%dma_wait3A_100, %dma_wait3A_101] : memref<100000x16xf32, #tpu.memory_space<vmem_shared>> -> memref<100000x16xf32, #tpu.memory_space<vmem_shared>>
    tpu.wait_indirect_dma semaphore(%arg16 : memref<!tpu.dma_semaphore, #tpu.memory_space<semaphore_mem>>) src(%arg11 : memref<800x16xf32, #tpu.memory_space<vmem>>) dst(%dma_wait3A_102 : memref<100000x16xf32, #tpu.memory_space<vmem_shared>>)
    %dma_wait3A_103 = arith.constant 0 : i32
    %dma_wait3A_104 = arith.constant 0 : i32
    %dma_wait3A_105 = tpu.memref_slice %arg13[%dma_wait3A_103, %dma_wait3A_104] : memref<100000x16xf32, #tpu.memory_space<vmem_shared>> -> memref<100000x16xf32, #tpu.memory_space<vmem_shared>>
    tpu.wait_indirect_dma semaphore(%arg17 : memref<!tpu.dma_semaphore, #tpu.memory_space<semaphore_mem>>) src(%arg12 : memref<800x16xf32, #tpu.memory_space<vmem>>) dst(%dma_wait3A_105 : memref<100000x16xf32, #tpu.memory_space<vmem_shared>>)
    %barrier3A_106 = arith.constant 0 : index
    tpu.barrier barrier_id(%barrier3A_106)
    "tpu.region"() ({
      %run_scoped3A = tpu.sem_alloc : memref<!tpu.dma_semaphore, #tpu.memory_space<semaphore_mem>>
      %dma_start3A_107 = arith.constant 0 : i32
      %dma_start3A_108 = tpu.memref_slice %arg4[%arg0, %mul3A_0, %dma_start3A_107] : memref<2x100000x16xf32, #tpu.memory_space<hbm>> -> memref<1x6250x16xf32, #tpu.memory_space<hbm>>
      %dma_start3A_109 = tpu.memref_squeeze %dma_start3A_108 : memref<1x6250x16xf32, #tpu.memory_space<hbm>> -> memref<6250x16xf32, #tpu.memory_space<hbm>>
      %dma_start3A_110 = arith.constant 0 : i32
      %dma_start3A_111 = tpu.memref_slice %arg13[%mul3A_0, %dma_start3A_110] : memref<100000x16xf32, #tpu.memory_space<vmem_shared>> -> memref<6250x16xf32, #tpu.memory_space<vmem_shared>>
      tpu.enqueue_dma source(%dma_start3A_111 : memref<6250x16xf32, #tpu.memory_space<vmem_shared>>) target(%dma_start3A_109 : memref<6250x16xf32, #tpu.memory_space<hbm>>) target_semaphore(%run_scoped3A : memref<!tpu.dma_semaphore, #tpu.memory_space<semaphore_mem>>)
      %dma_wait3A_112 = arith.constant 0 : i32
      %dma_wait3A_113 = tpu.memref_slice %arg4[%arg0, %mul3A_0, %dma_wait3A_112] : memref<2x100000x16xf32, #tpu.memory_space<hbm>> -> memref<1x6250x16xf32, #tpu.memory_space<hbm>>
      %dma_wait3A_114 = tpu.memref_squeeze %dma_wait3A_113 : memref<1x6250x16xf32, #tpu.memory_space<hbm>> -> memref<6250x16xf32, #tpu.memory_space<hbm>>
      %dma_wait3A_115 = arith.constant 0 : i32
      %dma_wait3A_116 = tpu.memref_slice %arg13[%mul3A_0, %dma_wait3A_115] : memref<100000x16xf32, #tpu.memory_space<vmem_shared>> -> memref<6250x16xf32, #tpu.memory_space<vmem_shared>>
      tpu.wait_dma2 semaphore(%run_scoped3A : memref<!tpu.dma_semaphore, #tpu.memory_space<semaphore_mem>>) src(%dma_wait3A_116 : memref<6250x16xf32, #tpu.memory_space<vmem_shared>>) dst(%dma_wait3A_114 : memref<6250x16xf32, #tpu.memory_space<hbm>>)
      tpu.yield
    }) : () -> ()
    return
  }
}

module attributes {stable_mosaic.version = 14 : i64} {
  func.func @_x16_body(%arg0: i32, %arg1: memref<4000x2xf32, #tpu.memory_space<vmem>>, %arg2: memref<4000x16xf32, #tpu.memory_space<vmem>>) attributes {dimension_semantics = [#tpu.dimension_semantics<arbitrary>], iteration_bounds = array<i64: 25>, scalar_prefetch = 0 : i64, scratch_operands = 0 : i64, tpu.core_type = #tpu.core_type<tc>, window_params = [{transform_indices = @transform_0, window_bounds = array<i64: 4000, 2>}, {transform_indices = @transform_1, window_bounds = array<i64: 4000, 16>}]} {
    %get3A = arith.constant 0 : index
    %get3A_0 = arith.constant 0 : index
    %get3A_1 = vector.load %arg1[%get3A, %get3A_0] : memref<4000x2xf32, #tpu.memory_space<vmem>>, vector<4000x2xf32>
    %broadcast_in_dim3A = arith.constant 1.000000e+00 : f32
    %broadcast_in_dim3A_2 = vector.broadcast %broadcast_in_dim3A : f32 to vector<4000x1xf32>
    %broadcast_in_dim3A_3 = arith.constant 0.000000e+00 : f32
    %broadcast_in_dim3A_4 = vector.broadcast %broadcast_in_dim3A_3 : f32 to vector<4000x13xf32>
    %concatenate3A = tpu.concatenate %get3A_1, %broadcast_in_dim3A_2, %broadcast_in_dim3A_4 in 1 : vector<4000x2xf32>, vector<4000x1xf32>, vector<4000x13xf32> -> vector<4000x16xf32>
    %swap3A = arith.constant 0 : index
    %swap3A_5 = arith.constant 0 : index
    %swap3A_6 = vector.load %arg2[%swap3A, %swap3A_5] : memref<4000x16xf32, #tpu.memory_space<vmem>>, vector<4000x16xf32>
    tpu.vector_store %arg2[%swap3A, %swap3A_5], %concatenate3A {strides = array<i32>} : memref<4000x16xf32, #tpu.memory_space<vmem>>, vector<4000x16xf32>,
    return
  }
  func.func @transform_0(%arg0: i32) -> (i32, i32) {
    %c0_i32 = arith.constant 0 : i32
    %c0_i32_0 = arith.constant 0 : i32
    return %arg0, %c0_i32 : i32, i32
  }
  func.func @transform_1(%arg0: i32) -> (i32, i32) {
    %c0_i32 = arith.constant 0 : i32
    %c0_i32_0 = arith.constant 0 : i32
    return %arg0, %c0_i32 : i32, i32
  }
}

module attributes {stable_mosaic.version = 14 : i64} {
  func.func @_h1_body(%arg0: i32, %arg1: memref<2000x2xf32, #tpu.memory_space<vmem>>, %arg2: memref<2x2000x16xf32, #tpu.memory_space<vmem>>, %arg3: memref<2x128xf32, #tpu.memory_space<vmem>>, %arg4: memref<2x128xf32, #tpu.memory_space<vmem>>, %arg5: memref<1x128xf32, #tpu.memory_space<vmem>>, %arg6: memref<2000x128xf32, #tpu.memory_space<vmem>>) attributes {dimension_semantics = [#tpu.dimension_semantics<arbitrary>], iteration_bounds = array<i64: 50>, scalar_prefetch = 0 : i64, scratch_operands = 0 : i64, tpu.core_type = #tpu.core_type<tc>, window_params = [{transform_indices = @transform_0, window_bounds = array<i64: 2000, 2>}, {transform_indices = @transform_1, window_bounds = array<i64: 2, 2000, 16>}, {pipeline_mode = #tpu.pipeline_mode<synchronous>, transform_indices = @transform_2, window_bounds = array<i64: 2, 128>}, {pipeline_mode = #tpu.pipeline_mode<synchronous>, transform_indices = @transform_3, window_bounds = array<i64: 2, 128>}, {pipeline_mode = #tpu.pipeline_mode<synchronous>, transform_indices = @transform_4, window_bounds = array<i64: 1, 128>}, {transform_indices = @transform_5, window_bounds = array<i64: 2000, 128>}]} {
    %get3A = arith.constant 0 : index
    %get3A_0 = arith.constant 0 : index
    %get3A_1 = arith.constant 0 : index
    %get3A_2 = vector.load %arg2[%get3A, %get3A_0, %get3A_1] : memref<2x2000x16xf32, #tpu.memory_space<vmem>>, vector<1x2000x16xf32>
    %get3A_3 = vector.shape_cast %get3A_2 : vector<1x2000x16xf32> to vector<2000x16xf32>
    %get3A_4 = arith.constant 1 : index
    %get3A_5 = arith.constant 0 : index
    %get3A_6 = arith.constant 0 : index
    %get3A_7 = vector.load %arg2[%get3A_4, %get3A_5, %get3A_6] : memref<2x2000x16xf32, #tpu.memory_space<vmem>>, vector<1x2000x16xf32>
    %get3A_8 = vector.shape_cast %get3A_7 : vector<1x2000x16xf32> to vector<2000x16xf32>
    %add3A = arith.addf %get3A_3, %get3A_8 : vector<2000x16xf32>
    %slice3A = vector.extract_strided_slice %add3A {offsets = [0, 2], sizes = [2000, 1], strides = [1, 1]} : vector<2000x16xf32> to vector<2000x1xf32>
    %max3A = arith.constant 1.000000e+00 : f32
    %max3A_9 = vector.broadcast %max3A : f32 to vector<2000x1xf32>
    %max3A_10 = arith.maximumf %slice3A, %max3A_9 : vector<2000x1xf32>
    %slice3A_11 = vector.extract_strided_slice %add3A {offsets = [0, 0], sizes = [2000, 2], strides = [1, 1]} : vector<2000x16xf32> to vector<2000x2xf32>
    %div3A = vector.broadcast %max3A_10 : vector<2000x1xf32> to vector<2000x2xf32>
    %div3A_12 = arith.divf %slice3A_11, %div3A : vector<2000x2xf32>
    %get3A_13 = arith.constant 0 : index
    %get3A_14 = arith.constant 0 : index
    %get3A_15 = vector.load %arg1[%get3A_13, %get3A_14] : memref<2000x2xf32, #tpu.memory_space<vmem>>, vector<2000x2xf32>
    %get3A_16 = arith.constant 0 : index
    %get3A_17 = arith.constant 0 : index
    %get3A_18 = vector.load %arg3[%get3A_16, %get3A_17] : memref<2x128xf32, #tpu.memory_space<vmem>>, vector<2x128xf32>
    %dot_general3A = arith.constant dense<0.000000e+00> : vector<2000x128xf32>
    %dot_general3A_19 = tpu.matmul %get3A_15, %get3A_18, %dot_general3A {dimension_numbers = #tpu.dot_dimension_numbers<[1], [0], [0], [1], [0, 0, 1, 1], [], []>, transpose_lhs_hint = false} : vector<2000x2xf32>, vector<2x128xf32>, vector<2000x128xf32> -> vector<2000x128xf32>
    %get3A_20 = arith.constant 0 : index
    %get3A_21 = arith.constant 0 : index
    %get3A_22 = vector.load %arg4[%get3A_20, %get3A_21] : memref<2x128xf32, #tpu.memory_space<vmem>>, vector<2x128xf32>
    %dot_general3A_23 = arith.constant dense<0.000000e+00> : vector<2000x128xf32>
    %dot_general3A_24 = tpu.matmul %div3A_12, %get3A_22, %dot_general3A_23 {dimension_numbers = #tpu.dot_dimension_numbers<[1], [0], [0], [1], [0, 0, 1, 1], [], []>, transpose_lhs_hint = false} : vector<2000x2xf32>, vector<2x128xf32>, vector<2000x128xf32> -> vector<2000x128xf32>
    %add3A_25 = arith.addf %dot_general3A_19, %dot_general3A_24 : vector<2000x128xf32>
    %get3A_26 = arith.constant 0 : index
    %get3A_27 = arith.constant 0 : index
    %get3A_28 = vector.load %arg5[%get3A_26, %get3A_27] : memref<1x128xf32, #tpu.memory_space<vmem>>, vector<1x128xf32>
    %add3A_29 = vector.broadcast %get3A_28 : vector<1x128xf32> to vector<2000x128xf32>
    %add3A_30 = arith.addf %add3A_25, %add3A_29 : vector<2000x128xf32>
    %max3A_31 = arith.constant 0.000000e+00 : f32
    %max3A_32 = vector.broadcast %max3A_31 : f32 to vector<2000x128xf32>
    %max3A_33 = arith.maximumf %add3A_30, %max3A_32 : vector<2000x128xf32>
    %swap3A = arith.constant 0 : index
    %swap3A_34 = arith.constant 0 : index
    %swap3A_35 = vector.load %arg6[%swap3A, %swap3A_34] : memref<2000x128xf32, #tpu.memory_space<vmem>>, vector<2000x128xf32>
    tpu.vector_store %arg6[%swap3A, %swap3A_34], %max3A_33 {strides = array<i32>} : memref<2000x128xf32, #tpu.memory_space<vmem>>, vector<2000x128xf32>,
    return
  }
  func.func @transform_0(%arg0: i32) -> (i32, i32) {
    %c0_i32 = arith.constant 0 : i32
    %c0_i32_0 = arith.constant 0 : i32
    return %arg0, %c0_i32 : i32, i32
  }
  func.func @transform_1(%arg0: i32) -> (i32, i32, i32) {
    %c0_i32 = arith.constant 0 : i32
    %c0_i32_0 = arith.constant 0 : i32
    %c0_i32_1 = arith.constant 0 : i32
    return %c0_i32, %arg0, %c0_i32_0 : i32, i32, i32
  }
  func.func @transform_2(%arg0: i32) -> (i32, i32) {
    %c0_i32 = arith.constant 0 : i32
    %c0_i32_0 = arith.constant 0 : i32
    %c0_i32_1 = arith.constant 0 : i32
    return %c0_i32, %c0_i32_0 : i32, i32
  }
  func.func @transform_3(%arg0: i32) -> (i32, i32) {
    %c0_i32 = arith.constant 0 : i32
    %c0_i32_0 = arith.constant 0 : i32
    %c0_i32_1 = arith.constant 0 : i32
    return %c0_i32, %c0_i32_0 : i32, i32
  }
  func.func @transform_4(%arg0: i32) -> (i32, i32) {
    %c0_i32 = arith.constant 0 : i32
    %c0_i32_0 = arith.constant 0 : i32
    %c0_i32_1 = arith.constant 0 : i32
    return %c0_i32, %c0_i32_0 : i32, i32
  }
  func.func @transform_5(%arg0: i32) -> (i32, i32) {
    %c0_i32 = arith.constant 0 : i32
    %c0_i32_0 = arith.constant 0 : i32
    return %arg0, %c0_i32 : i32, i32
  }
}

module attributes {stable_mosaic.version = 14 : i64} {
  func.func @_dec_body(%arg0: i32, %arg1: memref<2000x128xf32, #tpu.memory_space<vmem>>, %arg2: memref<2000x128xf32, #tpu.memory_space<vmem>>, %arg3: memref<2x2000x16xf32, #tpu.memory_space<vmem>>, %arg4: memref<128x128xf32, #tpu.memory_space<vmem>>, %arg5: memref<128x128xf32, #tpu.memory_space<vmem>>, %arg6: memref<1x128xf32, #tpu.memory_space<vmem>>, %arg7: memref<128x128xf32, #tpu.memory_space<vmem>>, %arg8: memref<1x128xf32, #tpu.memory_space<vmem>>, %arg9: memref<128x64xf32, #tpu.memory_space<vmem>>, %arg10: memref<1x64xf32, #tpu.memory_space<vmem>>, %arg11: memref<64x1xf32, #tpu.memory_space<vmem>>, %arg12: memref<1x1xf32, #tpu.memory_space<vmem>>, %arg13: memref<2000x1xf32, #tpu.memory_space<vmem>>) attributes {dimension_semantics = [#tpu.dimension_semantics<arbitrary>], iteration_bounds = array<i64: 50>, scalar_prefetch = 0 : i64, scratch_operands = 0 : i64, tpu.core_type = #tpu.core_type<tc>, window_params = [{transform_indices = @transform_0, window_bounds = array<i64: 2000, 128>}, {transform_indices = @transform_1, window_bounds = array<i64: 2000, 128>}, {transform_indices = @transform_2, window_bounds = array<i64: 2, 2000, 16>}, {pipeline_mode = #tpu.pipeline_mode<synchronous>, transform_indices = @transform_3, window_bounds = array<i64: 128, 128>}, {pipeline_mode = #tpu.pipeline_mode<synchronous>, transform_indices = @transform_4, window_bounds = array<i64: 128, 128>}, {pipeline_mode = #tpu.pipeline_mode<synchronous>, transform_indices = @transform_5, window_bounds = array<i64: 1, 128>}, {pipeline_mode = #tpu.pipeline_mode<synchronous>, transform_indices = @transform_6, window_bounds = array<i64: 128, 128>}, {pipeline_mode = #tpu.pipeline_mode<synchronous>, transform_indices = @transform_7, window_bounds = array<i64: 1, 128>}, {pipeline_mode = #tpu.pipeline_mode<synchronous>, transform_indices = @transform_8, window_bounds = array<i64: 128, 64>}, {pipeline_mode = #tpu.pipeline_mode<synchronous>, transform_indices = @transform_9, window_bounds = array<i64: 1, 64>}, {pipeline_mode = #tpu.pipeline_mode<synchronous>, transform_indices = @transform_10, window_bounds = array<i64: 64, 1>}, {pipeline_mode = #tpu.pipeline_mode<synchronous>, transform_indices = @transform_11, window_bounds = array<i64: 1, 1>}, {transform_indices = @transform_12, window_bounds = array<i64: 2000, 1>}]} {
    %get3A = arith.constant 0 : index
    %get3A_0 = arith.constant 0 : index
    %get3A_1 = arith.constant 0 : index
    %get3A_2 = vector.load %arg3[%get3A, %get3A_0, %get3A_1] : memref<2x2000x16xf32, #tpu.memory_space<vmem>>, vector<1x2000x16xf32>
    %get3A_3 = vector.shape_cast %get3A_2 : vector<1x2000x16xf32> to vector<2000x16xf32>
    %get3A_4 = arith.constant 1 : index
    %get3A_5 = arith.constant 0 : index
    %get3A_6 = arith.constant 0 : index
    %get3A_7 = vector.load %arg3[%get3A_4, %get3A_5, %get3A_6] : memref<2x2000x16xf32, #tpu.memory_space<vmem>>, vector<1x2000x16xf32>
    %get3A_8 = vector.shape_cast %get3A_7 : vector<1x2000x16xf32> to vector<2000x16xf32>
    %add3A = arith.addf %get3A_3, %get3A_8 : vector<2000x16xf32>
    %slice3A = vector.extract_strided_slice %add3A {offsets = [0, 2], sizes = [2000, 1], strides = [1, 1]} : vector<2000x16xf32> to vector<2000x1xf32>
    %max3A = arith.constant 1.000000e+00 : f32
    %max3A_9 = vector.broadcast %max3A : f32 to vector<2000x1xf32>
    %max3A_10 = arith.maximumf %slice3A, %max3A_9 : vector<2000x1xf32>
    %get3A_11 = arith.constant 0 : index
    %get3A_12 = arith.constant 0 : index
    %get3A_13 = vector.load %arg2[%get3A_11, %get3A_12] : memref<2000x128xf32, #tpu.memory_space<vmem>>, vector<2000x128xf32>
    %div3A = vector.broadcast %max3A_10 : vector<2000x1xf32> to vector<2000x128xf32>
    %div3A_14 = arith.divf %get3A_13, %div3A : vector<2000x128xf32>
    %get3A_15 = arith.constant 0 : index
    %get3A_16 = arith.constant 0 : index
    %get3A_17 = vector.load %arg1[%get3A_15, %get3A_16] : memref<2000x128xf32, #tpu.memory_space<vmem>>, vector<2000x128xf32>
    %get3A_18 = arith.constant 0 : index
    %get3A_19 = arith.constant 0 : index
    %get3A_20 = vector.load %arg4[%get3A_18, %get3A_19] : memref<128x128xf32, #tpu.memory_space<vmem>>, vector<128x128xf32>
    %dot_general3A = arith.constant dense<0.000000e+00> : vector<2000x128xf32>
    %dot_general3A_21 = tpu.matmul %get3A_17, %get3A_20, %dot_general3A {dimension_numbers = #tpu.dot_dimension_numbers<[1], [0], [0], [1], [0, 0, 1, 1], [], []>, transpose_lhs_hint = false} : vector<2000x128xf32>, vector<128x128xf32>, vector<2000x128xf32> -> vector<2000x128xf32>
    %get3A_22 = arith.constant 0 : index
    %get3A_23 = arith.constant 0 : index
    %get3A_24 = vector.load %arg5[%get3A_22, %get3A_23] : memref<128x128xf32, #tpu.memory_space<vmem>>, vector<128x128xf32>
    %dot_general3A_25 = arith.constant dense<0.000000e+00> : vector<2000x128xf32>
    %dot_general3A_26 = tpu.matmul %div3A_14, %get3A_24, %dot_general3A_25 {dimension_numbers = #tpu.dot_dimension_numbers<[1], [0], [0], [1], [0, 0, 1, 1], [], []>, transpose_lhs_hint = false} : vector<2000x128xf32>, vector<128x128xf32>, vector<2000x128xf32> -> vector<2000x128xf32>
    %add3A_27 = arith.addf %dot_general3A_21, %dot_general3A_26 : vector<2000x128xf32>
    %get3A_28 = arith.constant 0 : index
    %get3A_29 = arith.constant 0 : index
    %get3A_30 = vector.load %arg6[%get3A_28, %get3A_29] : memref<1x128xf32, #tpu.memory_space<vmem>>, vector<1x128xf32>
    %add3A_31 = vector.broadcast %get3A_30 : vector<1x128xf32> to vector<2000x128xf32>
    %add3A_32 = arith.addf %add3A_27, %add3A_31 : vector<2000x128xf32>
    %get3A_33 = arith.constant 0 : index
    %get3A_34 = arith.constant 0 : index
    %get3A_35 = vector.load %arg7[%get3A_33, %get3A_34] : memref<128x128xf32, #tpu.memory_space<vmem>>, vector<128x128xf32>
    %dot_general3A_36 = arith.constant dense<0.000000e+00> : vector<2000x128xf32>
    %dot_general3A_37 = tpu.matmul %add3A_32, %get3A_35, %dot_general3A_36 {dimension_numbers = #tpu.dot_dimension_numbers<[1], [0], [0], [1], [0, 0, 1, 1], [], []>, transpose_lhs_hint = false} : vector<2000x128xf32>, vector<128x128xf32>, vector<2000x128xf32> -> vector<2000x128xf32>
    %get3A_38 = arith.constant 0 : index
    %get3A_39 = arith.constant 0 : index
    %get3A_40 = vector.load %arg8[%get3A_38, %get3A_39] : memref<1x128xf32, #tpu.memory_space<vmem>>, vector<1x128xf32>
    %add3A_41 = vector.broadcast %get3A_40 : vector<1x128xf32> to vector<2000x128xf32>
    %add3A_42 = arith.addf %dot_general3A_37, %add3A_41 : vector<2000x128xf32>
    %max3A_43 = arith.constant 0.000000e+00 : f32
    %max3A_44 = vector.broadcast %max3A_43 : f32 to vector<2000x128xf32>
    %max3A_45 = arith.maximumf %add3A_42, %max3A_44 : vector<2000x128xf32>
    %get3A_46 = arith.constant 0 : index
    %get3A_47 = arith.constant 0 : index
    %get3A_48 = vector.load %arg9[%get3A_46, %get3A_47] : memref<128x64xf32, #tpu.memory_space<vmem>>, vector<128x64xf32>
    %dot_general3A_49 = arith.constant dense<0.000000e+00> : vector<2000x64xf32>
    %dot_general3A_50 = tpu.matmul %max3A_45, %get3A_48, %dot_general3A_49 {dimension_numbers = #tpu.dot_dimension_numbers<[1], [0], [0], [1], [0, 0, 1, 1], [], []>, transpose_lhs_hint = false} : vector<2000x128xf32>, vector<128x64xf32>, vector<2000x64xf32> -> vector<2000x64xf32>
    %get3A_51 = arith.constant 0 : index
    %get3A_52 = arith.constant 0 : index
    %get3A_53 = vector.load %arg10[%get3A_51, %get3A_52] : memref<1x64xf32, #tpu.memory_space<vmem>>, vector<1x64xf32>
    %add3A_54 = vector.broadcast %get3A_53 : vector<1x64xf32> to vector<2000x64xf32>
    %add3A_55 = arith.addf %dot_general3A_50, %add3A_54 : vector<2000x64xf32>
    %max3A_56 = arith.constant 0.000000e+00 : f32
    %max3A_57 = vector.broadcast %max3A_56 : f32 to vector<2000x64xf32>
    %max3A_58 = arith.maximumf %add3A_55, %max3A_57 : vector<2000x64xf32>
    %get3A_59 = arith.constant 0 : index
    %get3A_60 = arith.constant 0 : index
    %get3A_61 = vector.load %arg11[%get3A_59, %get3A_60] : memref<64x1xf32, #tpu.memory_space<vmem>>, vector<64x1xf32>
    %dot_general3A_62 = arith.constant dense<0.000000e+00> : vector<2000x1xf32>
    %dot_general3A_63 = tpu.matmul %max3A_58, %get3A_61, %dot_general3A_62 {dimension_numbers = #tpu.dot_dimension_numbers<[1], [0], [0], [1], [0, 0, 1, 1], [], []>, transpose_lhs_hint = false} : vector<2000x64xf32>, vector<64x1xf32>, vector<2000x1xf32> -> vector<2000x1xf32>
    %get3A_64 = arith.constant 0 : index
    %get3A_65 = arith.constant 0 : index
    %get3A_66 = vector.load %arg12[%get3A_64, %get3A_65] : memref<1x1xf32, #tpu.memory_space<vmem>>, vector<1x1xf32>
    %add3A_67 = vector.broadcast %get3A_66 : vector<1x1xf32> to vector<2000x1xf32>
    %add3A_68 = arith.addf %dot_general3A_63, %add3A_67 : vector<2000x1xf32>
    %swap3A = arith.constant 0 : index
    %swap3A_69 = arith.constant 0 : index
    %swap3A_70 = vector.load %arg13[%swap3A, %swap3A_69] : memref<2000x1xf32, #tpu.memory_space<vmem>>, vector<2000x1xf32>
    tpu.vector_store %arg13[%swap3A, %swap3A_69], %add3A_68 {strides = array<i32>} : memref<2000x1xf32, #tpu.memory_space<vmem>>, vector<2000x1xf32>,
    return
  }
  func.func @transform_0(%arg0: i32) -> (i32, i32) {
    %c0_i32 = arith.constant 0 : i32
    %c0_i32_0 = arith.constant 0 : i32
    return %arg0, %c0_i32 : i32, i32
  }
  func.func @transform_1(%arg0: i32) -> (i32, i32) {
    %c0_i32 = arith.constant 0 : i32
    %c0_i32_0 = arith.constant 0 : i32
    return %arg0, %c0_i32 : i32, i32
  }
  func.func @transform_2(%arg0: i32) -> (i32, i32, i32) {
    %c0_i32 = arith.constant 0 : i32
    %c0_i32_0 = arith.constant 0 : i32
    %c0_i32_1 = arith.constant 0 : i32
    return %c0_i32, %arg0, %c0_i32_0 : i32, i32, i32
  }
  func.func @transform_3(%arg0: i32) -> (i32, i32) {
    %c0_i32 = arith.constant 0 : i32
    %c0_i32_0 = arith.constant 0 : i32
    %c0_i32_1 = arith.constant 0 : i32
    return %c0_i32, %c0_i32_0 : i32, i32
  }
  func.func @transform_4(%arg0: i32) -> (i32, i32) {
    %c0_i32 = arith.constant 0 : i32
    %c0_i32_0 = arith.constant 0 : i32
    %c0_i32_1 = arith.constant 0 : i32
    return %c0_i32, %c0_i32_0 : i32, i32
  }
  func.func @transform_5(%arg0: i32) -> (i32, i32) {
    %c0_i32 = arith.constant 0 : i32
    %c0_i32_0 = arith.constant 0 : i32
    %c0_i32_1 = arith.constant 0 : i32
    return %c0_i32, %c0_i32_0 : i32, i32
  }
  func.func @transform_6(%arg0: i32) -> (i32, i32) {
    %c0_i32 = arith.constant 0 : i32
    %c0_i32_0 = arith.constant 0 : i32
    %c0_i32_1 = arith.constant 0 : i32
    return %c0_i32, %c0_i32_0 : i32, i32
  }
  func.func @transform_7(%arg0: i32) -> (i32, i32) {
    %c0_i32 = arith.constant 0 : i32
    %c0_i32_0 = arith.constant 0 : i32
    %c0_i32_1 = arith.constant 0 : i32
    return %c0_i32, %c0_i32_0 : i32, i32
  }
  func.func @transform_8(%arg0: i32) -> (i32, i32) {
    %c0_i32 = arith.constant 0 : i32
    %c0_i32_0 = arith.constant 0 : i32
    %c0_i32_1 = arith.constant 0 : i32
    return %c0_i32, %c0_i32_0 : i32, i32
  }
  func.func @transform_9(%arg0: i32) -> (i32, i32) {
    %c0_i32 = arith.constant 0 : i32
    %c0_i32_0 = arith.constant 0 : i32
    %c0_i32_1 = arith.constant 0 : i32
    return %c0_i32, %c0_i32_0 : i32, i32
  }
  func.func @transform_10(%arg0: i32) -> (i32, i32) {
    %c0_i32 = arith.constant 0 : i32
    %c0_i32_0 = arith.constant 0 : i32
    %c0_i32_1 = arith.constant 0 : i32
    return %c0_i32, %c0_i32_0 : i32, i32
  }
  func.func @transform_11(%arg0: i32) -> (i32, i32) {
    %c0_i32 = arith.constant 0 : i32
    %c0_i32_0 = arith.constant 0 : i32
    %c0_i32_1 = arith.constant 0 : i32
    return %c0_i32, %c0_i32_0 : i32, i32
  }
  func.func @transform_12(%arg0: i32) -> (i32, i32) {
    %c0_i32 = arith.constant 0 : i32
    %c0_i32_0 = arith.constant 0 : i32
    return %arg0, %c0_i32 : i32, i32
  }
}

</mosaic_0001>

<sc_bundles>
// kernel: kernel.10.cloned.1.call-start
scs
__scs_entry_jumppad:
0x0: {  	(pc) =	sbr.rel $0x88, $3  }
0x1: {  	(tag) =	ssettag $0x0;
	lr =	simm.s32 $0x1  }
0x2: {  	[smem:$0x3F93] =	sst lr;
	_ =	strace $0xD0000000  }
0x3: {  	_ = 	snop  }
0x4: {  	_ = 	snop  }
0x5: {  	_ = 	snop  }
0x6: {  	_ = 	snop  }
0x7: {  	_ = 	snop  }
__scs_overlays_trampoline_lowered:
0x8: {  	[smem:$0x3FA2] =	sst s0  }
0x9: {  	[smem:$0x3FA3] =	sst s1  }
0xa: {  	[smem:$0x3FA4] =	sst s2  }
0xb: {  	[smem:$0x3FA5] =	sst s3  }
0xc: {  	[smem:$0x3FA6] =	sst s4  }
0xd: {  	[smem:$0x3FA7] =	sst s5  }
0xe: {  	[smem:$0x3FA8] =	sst s6  }
0xf: {  	[smem:$0x3FA9] =	sst s7  }
0x10: {  	[smem:$0x3FAA] =	sst s8  }
0x11: {  	[smem:$0x3FAB] =	sst s9;
	s0 =	simm.s32 @!p0 $0x0  }
0x12: {  	s1 =	sld [smem:$0x3F91];
	s0 =	simm.s32 @p0 $0x1  }
0x13: {  	[smem:$0x3FAC] =	sst s0;
	s0 =	simm.s32 @!p1 $0x0  }
0x14: {  	s2 =	sld [smem:$0x3F90];
	s0 =	simm.s32 @p1 $0x1  }
0x15: {  	[smem:$0x3FAD] =	sst s0;
	s0 =	simm.s32 @!p2 $0x0  }
0x16: {  	s3 =	sld [smem:$0x3FDB];
	s0 =	simm.s32 @p2 $0x1  }
0x17: {  	s4 =	simm.s32 $0x1BF5;
	[smem:$0x3FAF] =	sst s0  }
0x18: {  	s0 =	sld [smem:$0x3F92];
	_ =	swait.ge [sflag:s4], $0x0  }
0x19: {  	s7 =	sld [smem:$0x3F93]  }
0x1a: {  	s8 =	sadd.s32 $0xFFFFE003, lr  }
0x1b: {  	s9 =	sadd.s32 $0xFFFFFEF7, lr;
	s5 =	simm.s32 $0xFFFFFFFF;
	p2 =	slt.u32 s8, $0xFFFFF086  }
0x1c: {  	p1 =	slt.u32 s9, $0xF7A;
	s5 =	simm.s32 @!p2 $0x0  }
0x1d: {  	s5 =	simm.s32 @p1 $0x1;
	p0 =	seq.s32 s7, s2  }
0x1e: {  	s7 =	smul.u32 @!p0 $0xF7A, s2;
	p2 =	seq.s32 @!p0 s5, $0x0  }
0x1f: {  	s9 =	smul.u32 $0xF7A, s1;
	s8 =	simm.s32 @!p0 $0x1BF5;
	p2 =	por !p2, p0  }
0x20: {  	[sflag:s8] =	ssyncset.s32 @!p0 $0xFFFFF086;
	s6 =	sadd.s32 @!p0 s3, s7;
	s7 =	simm.s32 @!p0 $0x108  }
0x21: {  	s3 =	sadd.s32 s3, s9;
	s6 =	sadd.s32 @!p0 $0x88, s6;
	s7 =	simm.s32 @p2 $0x1082  }
0x22: {  	[simem:s7], [sflag:s8] =	dma.local @!p0 [hbm:s6], $0xF7A  }
0x23: {  	s9 =	sor.u32 $0xD0000000, s2;
	s6 =	simm.s32 $0x108;
	_ =	swait.ge @!p0 [sflag:s8], $0x0  }
0x24: {  	s3 =	sadd.s32 $0x88, s3;
	s6 =	simm.s32 @!p1 $0x1082;
	[sflag:s4] =	ssyncset.s32 $0xFFFFF086  }
0x25: {  	[simem:s6], [sflag:s4] =	dma.local [hbm:s3], $0xF7A  }
0x26: {  	[smem:$0x3F93] =	sst s1;
	(tag) =	ssettag s2;
	_ =	strace s9  }
0x27: {  	s1 =	sld [smem:$0x3FA3]  }
0x28: {  	s2 =	sld [smem:$0x3FA4]  }
0x29: {  	s4 =	sld [smem:$0x3FA6]  }
0x2a: {  	p0 =	seq.s32 s5, $0x0;
	s5 =	sld [smem:$0x3FA7]  }
0x2b: {  	s6 =	sld [smem:$0x3FA8]  }
0x2c: {  	s7 =	sld [smem:$0x3FA9]  }
0x2d: {  	s3 =	simm.s32 $0x108;
	s8 =	sld [smem:$0x3FAA]  }
0x2e: {  	s3 =	simm.s32 @!p0 $0x1082;
	s9 =	sld [smem:$0x3FAB]  }
0x2f: {  	lr =	sadd.s32 s0, s3;
	s0 =	sld [smem:$0x3FA2]  }
0x30: {  	s3 =	sld [smem:$0x3FA5]  }
0x31: {  	[smem:$0x3FAE] =	sst s10  }
0x32: {  	s10 =	sld [smem:$0x3FAC];
	_ =	sdelay $0x3  }
0x33: {  	p0 =	seq.s32 s10, $0x1;
	s10 =	sld [smem:$0x3FAE];
	_ =	sdelay $0x3  }
0x34: {  	[smem:$0x3FAE] =	sst s10  }
0x35: {  	s10 =	sld [smem:$0x3FAD];
	_ =	sdelay $0x3  }
0x36: {  	p1 =	seq.s32 s10, $0x1;
	s10 =	sld [smem:$0x3FAE];
	_ =	sdelay $0x3  }
0x37: {  	[smem:$0x3FAE] =	sst s10  }
0x38: {  	s10 =	sld [smem:$0x3FAF]  }
0x39: {  	_ = 	snop;
	(pc) =	sbr.ind lr, $3  }
0x3a: {  	_ = 	snop  }
0x3b: {  	_ = 	snop  }
0x3c: {  	p2 =	seq.s32 s10, $0x1;
	s10 =	sld [smem:$0x3FAE]  }
0x3d: {  	_ =	shalt  }
0x3e: {  	_ =	shalt  }
0x3f: {  	_ =	shalt  }
0x40: {  	_ =	shalt  }
0x41: {  	_ =	shalt  }
0x42: {  	_ =	shalt  }
0x43: {  	_ =	shalt  }
0x44: {  	_ =	shalt  }
0x45: {  	_ =	shalt  }
0x46: {  	_ =	shalt  }
0x47: {  	_ =	shalt  }
0x48: {  	_ =	shalt  }
0x49: {  	_ =	shalt  }
0x4a: {  	_ =	shalt  }
0x4b: {  	_ =	shalt  }
0x4c: {  	_ =	shalt  }
0x4d: {  	_ =	shalt  }
0x4e: {  	_ =	shalt  }
0x4f: {  	_ =	shalt  }
0x50: {  	_ =	shalt  }
0x51: {  	_ =	shalt  }
0x52: {  	_ =	shalt  }
0x53: {  	_ =	shalt  }
0x54: {  	_ =	shalt  }
0x55: {  	_ =	shalt  }
0x56: {  	_ =	shalt  }
0x57: {  	_ =	shalt  }
0x58: {  	_ =	shalt  }
0x59: {  	_ =	shalt  }
0x5a: {  	_ =	shalt  }
0x5b: {  	_ =	shalt  }
0x5c: {  	_ =	shalt  }
0x5d: {  	_ =	shalt  }
0x5e: {  	_ =	shalt  }
0x5f: {  	_ =	shalt  }
0x60: {  	_ =	shalt  }
0x61: {  	_ =	shalt  }
0x62: {  	_ =	shalt  }
0x63: {  	_ =	shalt  }
0x64: {  	_ =	shalt  }
0x65: {  	_ =	shalt  }
0x66: {  	_ =	shalt  }
0x67: {  	_ =	shalt  }
0x68: {  	_ =	shalt  }
0x69: {  	_ =	shalt  }
0x6a: {  	_ =	shalt  }
0x6b: {  	_ =	shalt  }
0x6c: {  	_ =	shalt  }
0x6d: {  	_ =	shalt  }
0x6e: {  	_ =	shalt  }
0x6f: {  	_ =	shalt  }
0x70: {  	_ =	shalt  }
0x71: {  	_ =	shalt  }
0x72: {  	_ =	shalt  }
0x73: {  	_ =	shalt  }
0x74: {  	_ =	shalt  }
0x75: {  	_ =	shalt  }
0x76: {  	_ =	shalt  }
0x77: {  	_ =	shalt  }
0x78: {  	_ =	shalt  }
0x79: {  	_ =	shalt  }
0x7a: {  	_ =	shalt  }
0x7b: {  	_ =	shalt  }
0x7c: {  	_ =	shalt  }
0x7d: {  	_ =	shalt  }
0x7e: {  	_ =	shalt  }
0x7f: {  	_ =	shalt  }
0x80: {  	_ =	shalt  }
0x81: {  	_ =	shalt  }
0x82: {  	_ =	shalt  }
0x83: {  	_ =	shalt  }
0x84: {  	_ =	shalt  }
0x85: {  	_ =	shalt  }
0x86: {  	_ =	shalt  }
0x87: {  	_ =	shalt  }
.Lfunc_end0:
.L_simem_size_0:
called_computation.1_lowered:
.L_overlay_start_0:
0x88: {  	s2 =	sld [smem:$0x3FD9]  }
0x89: {  	s3 =	sld [smem:$0x3FFE];
	_ =	sdelay $0x1  }
0x8a: {  	s1 =	srdreg.scid  }
0x8b: {  	s0 =	sand.u32 $0x1, s1  }
0x8c: {  	s16 =	sshll.u32 s0, $0xA;
	s2 =	sadd.s32 s3, s2  }
0x8d: {  	s2 =	sadd.s32 s2, s16  }
0x8e: {  	[smem:$0x3FBA] =	sst s2  }
0x8f: {  	_ = 	snop  }
0x90: {  	(tm) =	ssettm $0x1  }
0x91: {  	s17 =	sld [smem:$0x3FFB];
	_ =	sdelay $0x3  }
0x92: {  	_ =	strace s17  }
0x93: {  	s2 =	sld [smem:$0x3FFC];
	_ =	sdelay $0x3  }
0x94: {  	_ =	strace s2  }
0x95: {  	s2 =	sld [smem:$0x3FFD];
	_ =	sdelay $0x3  }
0x96: {  	_ =	strace s2  }
0x97: {  	_ =	strace $0x8FFFFFFF  }
0x98: {  	s18 =	sld [smem:$0x3FDB];
	_ =	sdelay $0x1  }
0x99: {  	s19 =	simm.s32 $_scs_section_size  }
0x9a: {  	s4 =	simm.s32 $_size__tile_overlayer_lowered;
	s5 =	simm.s32 $_tile_overlayer_lowered  }
0x9b: {  	s22 =	simm.s32 $0x1BFF;
	s21 =	sshll.u32 s5, $0x1;
	s2 =	sadd.s32 s19, s18  }
0x9c: {  	s6 =	simm.s32 $0x0;
	s20 =	sshll.u32 s4, $0x1;
	s4 =	sadd.s32 s21, s2  }
0x9d: {  	[timem:s6], [sflag:s22] =	dma.local [hbm:s4], s20  }
0x9e: {  	_ =	swait.ge [sflag:s22], s20  }
0x9f: {  	s3 =	ssub.s32 $0x0, s20;
	[sflag:s22] =	ssyncset.done $0x0  }
0xa0: {  	[sflag:s22] =	ssyncadd.s32 s3;
	_ =	sdelay $0x1  }
0xa1: {  	s23 =	simm.s32 $0x1B8B  }
0xa2: {  	_ =	swait.ge [sflag:s23], $0x1  }
0xa3: {  	[sflag:s23] =	ssyncset.done $0x0  }
0xa4: {  	s25 =	simm.s32 $0x1B8E;
	s24 =	sld [smem:$0x3FFE];
	[sflag:s23] =	ssyncadd.s32 $0xFFFFFFFF  }
0xa5: {  	s26 =	simm.s32 $execute0_lowered;
	[smem:$0x3FD2] =	sst s25  }
0xa6: {  	s4 =	sshll.u32 s26, $0x1;
	_ =	strace $0x80000049;
	[dreg:$0x1] =	wrdreg $0xFFFFFFFF  }
0xa7: {  	s28 =	simm.s32 $_size_execute0_lowered;
	s2 =	sadd.s32 s2, s4;
	[dreg:$0x0] =	wrdreg $0x0  }
0xa8: {  	s4 =	sshll.u32 s28, $0x1;
	[dreg:$0x2] =	wrdreg s2  }
0xa9: {  	[dreg:$0x3] =	wrdreg s4  }
0xaa: {  	[dreg:$0x4] =	wrdreg $0xC0  }
0xab: {  	_ =	task [dreg:s6], $0x5FFFF  }
0xac: {  	[dreg:$0x1] =	wrdreg $0xFFFFFFFF  }
0xad: {  	[dreg:$0x0] =	wrdreg $0x60  }
0xae: {  	[dreg:$0x2] =	wrdreg s24  }
0xaf: {  	[dreg:$0x3] =	wrdreg $0x76C00  }
0xb0: {  	[dreg:$0x4] =	wrdreg $0x9  }
0xb1: {  	_ =	task.clear_ibuf [dreg:s6], $0x5FFFF;
	_ =	strace $0x90000049  }
0xb2: {  	s29 =	simm.s32 $0x9;
	_ =	strace $0x8000004B  }
0xb3: {  	_ =	swait.ge [sflag:s29], $0x1  }
0xb4: {  	[sflag:s29] =	ssyncadd.s32 $0xFFFFFFFF  }
0xb5: {  	_ =	strace $0x9000004B  }
0xb6: {  	_ =	sfence  }
0xb7: {  	s30 =	sld [smem:$0x0];
	_ =	sdelay $0x2  }
0xb8: {  	s31 =	sshll.u32 s1, $0xD;
	s1 =	sshrl.u32 s1, $0x2  }
0xb9: {  	s3 =	sand.u32 $0x4000, s31;
	s1 =	sadd.s32 s1, s30  }
0xba: {  	s0 =	sor.u32 s3, s0;
	s1 =	sshll.u32 s1, $0x11  }
0xbb: {  	s0 =	sor.u32 s1, s0  }
0xbc: {  	s0 =	sadd.s32 $0x8F2B, s0  }
0xbd: {  	[sflag:s0] =	ssyncadd.remote.s32 $0x1  }
0xbe: {  	_ =	sfence.sel $0xFFFF  }
0xbf: {  	[dreg:$0x0] =	wrdreg $0xFFFFFFFF;
	(pc) =	sbr.abs _section_cstart, $3  }
0xc0: {  	[dreg:$0x1] =	wrdreg $0xFFFFFFFF  }
0xc1: {  	_ =	task.clear_ibuf [dreg:s6], $0x2FFFF;
	_ =	strace $0x9FFFFFFF  }
0xc2: {  	(tm) =	ssettm $0x7FFFFFFF  }
0xc3: {  	_ =	shalt  }
tec
execute0_lowered:
.L_overlay_start_1:
0x0: {  	(tag) =	ssettag $0x1  }
0x1: {  	s0 =	rddreg [dreg:$0x0]  }
0x2: {  	s1 =	rddreg [dreg:$0x1]  }
0x3: {  	s3 =	simm.s32 $0x0;
	s2 =	srdreg.scid;
	s9 =	stileid.u32  }
0x4: {  	s28 =	simm.s32 $0x640;
	s29 =	simm.s32 $0x1;
	s30 =	simm.s32 $0x320  }
0x5: {  	s31 =	simm.s32 $0x960;
	[smem:$0x7FF] =	sst s3;
	s2 =	sand.u32 $0x1, s2  }
0x6: {  	s6 =	smul.u32 $0x61A80, s9;
	s4 =	sadd.s32 $0x559000, s0;
	s5 =	sadd.s32 $0x1A00, s0  }
0x7: {  	s0 =	sadd.s32 $0x63600, s0;
	_ =	strace $0x8000004A;
	s14 =	ssub.s32 $0x2, s2  }
0x8: {  	s8 =	sshll.u32 s2, $0x2;
	s15 =	sshrl.u32 s6, $0x2;
	s6 =	smul.u32 $0x186A0, s9  }
0x9: {  	s21 =	sshll.u32 s2, $0x6;
	s7 =	sshrl.u32 s14, $0x1;
	s9 =	smul.u32 $0xC3500, s9  }
0xa: {  	s11 =	sor.u32 $0x1, s8;
	s3 =	ssub.s32 s14, s7;
	s7 =	sadd.s32 s15, s1  }
0xb: {  	s12 =	sor.u32 $0x2, s8;
	s15 =	sshll.u32 s11, $0x4;
	s10 =	sadd.s32 $0x3200, s7  }
0xc: {  	s16 =	sadd.s32 $0x6400, s7;
	s17 =	sadd.s32 $0x9600, s7;
	[dreg:$0x3] =	wrdreg s10  }
0xd: {  	s18 =	sadd.s32 $0xC800, s7;
	s19 =	sadd.s32 $0xFA00, s7;
	[dreg:$0x4] =	wrdreg s16  }
0xe: {  	s20 =	sadd.s32 $0x12C00, s7;
	s14 =	sadd.s32 $0x15E00, s7;
	[dreg:$0x5] =	wrdreg s17  }
0xf: {  	s22 =	sor.u32 s9, s15;
	s24 =	sshrl.u32 s6, $0x3;
	[dreg:$0x6] =	wrdreg s18  }
0x10: {  	s26 =	smax.u32 s3, $0x1;
	s3 =	simm.s32 $0x44C0;
	[dreg:$0x7] =	wrdreg s19  }
0x11: {  	[dreg:$0x8] =	wrdreg s20;
	s10 =	sor.u32 s21, s9;
	s16 =	sshll.u32 s12, $0x4  }
0x12: {  	s18 =	sshllo.u32 s2, $0x2;
	s15 =	sadd.s32 s5, s24;
	s2 =	sshrl.u32 s22, $0x3  }
0x13: {  	[dreg:$0xd] =	wrdreg s26;
	s22 =	sadd.s32 $0x320, s6;
	s24 =	sadd.s32 $0x960, s6  }
0x14: {  	s26 =	simm.s32 $0x5;
	s17 =	simm.s32 $0xFA0;
	s21 =	simm.s32 $0x0  }
0x15: {  	s16 =	sor.u32 s9, s16;
	s23 =	sshll.u32 s18, $0x4;
	s10 =	sshrl.u32 s10, $0x3  }
0x16: {  	s2 =	sadd.s32 s0, s2;
	s20 =	sadd.s32 $0x30D40, s15;
	v3 =	vmov s18;
	s18 =	simm.s32 $0x4  }
0x17: {  	s9 =	sor.u32 s9, s23;
	s10 =	sadd.s32 s0, s10;
	[dreg:$0xa] =	wrdreg s2  }
0x18: {  	s25 =	sshrl.u32 s16, $0x3;
	s23 =	sadd.s32 $0x640, s6;
	s16 =	simm.s32 $0x3  }
0x19: {  	[dreg:$0x9] =	wrdreg s10;
	s9 =	sshrl.u32 s9, $0x3;
	s2 =	sadd.s32 s0, s25  }
0x1a: {  	v4 =	vimm.f32 $0.0e+00;
	s25 =	simm.s32 $0x12C0;
	[dreg:$0xb] =	wrdreg s2;
	s0 =	sadd.s32 s0, s9  }
0x1b: {  	v0 =	vmov s8;
	v1 =	vmov s11;
	v2 =	vmov s12;
	s2 =	simm.s32 $0xC80;
	[dreg:$0xc] =	wrdreg s0;
	s0 =	simm.s32 $0x2  }
.LBB2_1:
0x1c: {  	s8 =	simm.s32 $0x40;
	s9 =	simm.s32 $0x0  }
.LBB2_2:
0x1d: {  	p0 =	sne.s32 s8, $0xC7C0;
	[tilespmem:s9+$0x12C0] =	vst v4;
	s9 =	smov.u32 s8;
	s8 =	sadd.s32 $0x40, s8  }
.Ltmp0:
0x1e: {  	(pc) =	sbr.rel @p0 .LBB2_2-.Ltmp0, $2  }
0x1f: {  	_ =	sdelay $0x2  }
0x20: {  	s9 =	sshra.s32 s9, $0x2  }
0x21: {  	[tilespmem:s9+$0x12C0] =	vst v4  }
0x22: {  	[spmem:s7] =	stream.linear.scatter [tilespmem:s25], [sflag:$0x5], $0x3200, $0x38;
	[tilespmem:$0x1FD60] =	vst v63  }
0x23: {  	_ =	swait.ge [sflag:s26], $0x3200  }
0x24: {  	[sflag:s26] =	ssyncset.done $0x0  }
0x25: {  	s8 =	rddreg [dreg:$0x3];
	[sflag:s26] =	ssyncadd.s32 $0xFFFFCE00  }
0x26: {  	[spmem:s8] =	stream.linear.scatter [tilespmem:s25], [sflag:$0x5], $0x3200, $0x38;
	[tilespmem:$0x1FD60] =	vst v63  }
0x27: {  	_ =	swait.ge [sflag:s26], $0x3200  }
0x28: {  	[sflag:s26] =	ssyncset.done $0x0  }
0x29: {  	s10 =	rddreg [dreg:$0x4];
	[sflag:s26] =	ssyncadd.s32 $0xFFFFCE00  }
0x2a: {  	[spmem:s10] =	stream.linear.scatter [tilespmem:s25], [sflag:$0x5], $0x3200, $0x38;
	[tilespmem:$0x1FD60] =	vst v63  }
0x2b: {  	_ =	swait.ge [sflag:s26], $0x3200  }
0x2c: {  	[sflag:s26] =	ssyncset.done $0x0  }
0x2d: {  	s11 =	rddreg [dreg:$0x5];
	[sflag:s26] =	ssyncadd.s32 $0xFFFFCE00  }
0x2e: {  	[spmem:s11] =	stream.linear.scatter [tilespmem:s25], [sflag:$0x5], $0x3200, $0x38;
	[tilespmem:$0x1FD60] =	vst v63  }
0x2f: {  	_ =	swait.ge [sflag:s26], $0x3200  }
0x30: {  	[sflag:s26] =	ssyncset.done $0x0  }
0x31: {  	s12 =	rddreg [dreg:$0x6];
	[sflag:s26] =	ssyncadd.s32 $0xFFFFCE00  }
0x32: {  	[spmem:s12] =	stream.linear.scatter [tilespmem:s25], [sflag:$0x5], $0x3200, $0x38;
	[tilespmem:$0x1FD60] =	vst v63  }
0x33: {  	_ =	swait.ge [sflag:s26], $0x3200  }
0x34: {  	[sflag:s26] =	ssyncset.done $0x0  }
0x35: {  	s13 =	rddreg [dreg:$0x7];
	[sflag:s26] =	ssyncadd.s32 $0xFFFFCE00  }
0x36: {  	[spmem:s13] =	stream.linear.scatter [tilespmem:s25], [sflag:$0x5], $0x3200, $0x38;
	[tilespmem:$0x1FD60] =	vst v63  }
0x37: {  	_ =	swait.ge [sflag:s26], $0x3200  }
0x38: {  	[sflag:s26] =	ssyncset.done $0x0  }
0x39: {  	s19 =	rddreg [dreg:$0x8];
	[sflag:s26] =	ssyncadd.s32 $0xFFFFCE00  }
0x3a: {  	[spmem:s19] =	stream.linear.scatter [tilespmem:s25], [sflag:$0x5], $0x3200, $0x38;
	[tilespmem:$0x1FD60] =	vst v63  }
0x3b: {  	_ =	swait.ge [sflag:s26], $0x3200  }
0x3c: {  	[sflag:s26] =	ssyncset.done $0x0  }
0x3d: {  	[sflag:s26] =	ssyncadd.s32 $0xFFFFCE00  }
0x3e: {  	[spmem:s14] =	stream.linear.scatter [tilespmem:s25], [sflag:$0x5], $0x28A0, $0x38;
	[tilespmem:$0x1FD60] =	vst v63  }
0x3f: {  	_ =	swait.ge [sflag:s26], $0x28A0  }
0x40: {  	[sflag:s26] =	ssyncset.done $0x0  }
0x41: {  	[sflag:s26] =	ssyncadd.s32 $0xFFFFD760  }
0x42: {  	s8 =	simm.s32 $0x0;
	[bflag:$0x0] =	sbarrier.arrive $0xFFFF  }
0x43: {  	[tilespmem:s8], [sflag:$0x1] =	stream.linear.gather [hbm4b:s15+s8], $0x320, $0x38;
	[tilespmem:$0x1FD60] =	vst v63  }
0x44: {  	_ = 	snop  }
0x45: {  	[tilespmem:s28], [sflag:$0x1] =	stream.linear.gather [hbm4b:s20+s8], $0x320, $0x38;
	[tilespmem:$0x1FD60] =	vst v63  }
0x46: {  	_ =	swait.ge [sflag:s29], $0x320  }
0x47: {  	[sflag:s29] =	ssyncset.done $0x0  }
0x48: {  	[sflag:s29] =	ssyncadd.s32 $0xFFFFFCE0  }
0x49: {  	_ =	swait.ge [sflag:s29], $0x320  }
0x4a: {  	[sflag:s29] =	ssyncset.done $0x0  }
0x4b: {  	s9 =	simm.s32 $0x0;
	s10 =	simm.s32 $0x40;
	[sflag:s29] =	ssyncadd.s32 $0xFFFFFCE0  }
.LBB2_4:
0x4c: {  	p0 =	sne.s32 s10, $0xC40;
	v5 =	vld [tilespmem:s9+$0x0];
	_ =	sdelay $0x2  }
.Ltmp1:
0x4d: {  	(pc) =	sbr.rel @p0 .LBB2_4-.Ltmp1, $4  }
0x4e: {  	_ = 	snop  }
0x4f: {  	v5 =	vshll.u32 v5, $0x3  }
0x50: {  	v5 =	vor.u32 v0, v5  }
0x51: {  	[tilespmem:s9+$0x0] =	vst v5;
	s9 =	sshra.s32 s10, $0x2;
	s10 =	sadd.s32 $0x40, s10  }
0x52: {  	v5 =	vld [tilespmem:s9+$0x0];
	_ =	sdelay $0x4  }
0x53: {  	v5 =	vshll.u32 v5, $0x3  }
0x54: {  	v5 =	vor.u32 v0, v5  }
0x55: {  	[tilespmem:s9+$0x0] =	vst v5  }
.LBB2_6:
0x56: {  	p0 =	seq.s32 s8, $0x0;
	s9 =	smul.u32 $0xC80, s8  }
0x57: {  	s10 =	simm.s32 @!p0 $0x3  }
0x58: {  	_ =	swait.ge @!p0 [sflag:s10], $0x3200;
	s11 =	sadd.s32 s6, s9  }
0x59: {  	[sflag:s10] =	ssyncset.done @!p0 $0x0;
	s11 =	sshrl.u32 s11, $0x3  }
0x5a: {  	s19 =	simm.s32 $0x0;
	[sflag:s10] =	ssyncadd.s32 @!p0 $0xFFFFCE00;
	s11 =	sadd.s32 s5, s11  }
0x5b: {  	[tilespmem:s25], [sflag:$0x2] =	stream.indirect.gather [hbm4b:s4+s30], $0x10, s19, s30, $0xb8;
	[tilespmem:$0x1FD60] =	vst v63  }
0x5c: {  	s12 =	sadd.s32 $0x64, s11  }
0x5d: {  	[tilespmem:s30], [sflag:$0x1] =	stream.linear.gather [hbm4b:s12+s19], $0x320, $0x38;
	[tilespmem:$0x1FD60] =	vst v63  }
0x5e: {  	s11 =	sadd.s32 $0x30DA4, s11  }
0x5f: {  	[tilespmem:s31], [sflag:$0x1] =	stream.linear.gather [hbm4b:s11+s19], $0x320, $0x38;
	[tilespmem:$0x1FD60] =	vst v63  }
0x60: {  	_ =	swait.ge [sflag:s29], $0x320  }
0x61: {  	[sflag:s29] =	ssyncset.done $0x0  }
0x62: {  	[sflag:s29] =	ssyncadd.s32 $0xFFFFFCE0  }
0x63: {  	_ =	swait.ge [sflag:s29], $0x320  }
0x64: {  	[sflag:s29] =	ssyncset.done $0x0  }
0x65: {  	s10 =	simm.s32 $0x0;
	s11 =	simm.s32 $0x40;
	[sflag:s29] =	ssyncadd.s32 $0xFFFFFCE0  }
.LBB2_7:
0x66: {  	p1 =	sne.s32 s11, $0xC40;
	v5 =	vld [tilespmem:s10+$0x320];
	_ =	sdelay $0x2  }
.Ltmp2:
0x67: {  	(pc) =	sbr.rel @p1 .LBB2_7-.Ltmp2, $4  }
0x68: {  	_ = 	snop  }
0x69: {  	v5 =	vshll.u32 v5, $0x3  }
0x6a: {  	v5 =	vor.u32 v0, v5  }
0x6b: {  	[tilespmem:s10+$0x320] =	vst v5;
	s10 =	sshra.s32 s11, $0x2;
	s11 =	sadd.s32 $0x40, s11  }
0x6c: {  	v5 =	vld [tilespmem:s10+$0x320];
	_ =	sdelay $0x4  }
0x6d: {  	v5 =	vshll.u32 v5, $0x3  }
0x6e: {  	v5 =	vor.u32 v0, v5  }
0x6f: {  	[tilespmem:s10+$0x320] =	vst v5  }
0x70: {  	_ =	swait.ge [sflag:s0], $0x3200  }
0x71: {  	[sflag:s0] =	ssyncset.done $0x0  }
0x72: {  	s10 =	simm.s32 @!p0 $0x4;
	[sflag:s0] =	ssyncadd.s32 $0xFFFFCE00  }
0x73: {  	[spmem:s1] =	stream.indirect.scatter.add.f32 [tilespmem:s25], [sflag:$0x3], $0x10, s28, s30, $0xb8;
	[tilespmem:$0x1FD60] =	vst v63  }
0x74: {  	s11 =	sadd.s32 s9, s22;
	_ =	swait.ge @!p0 [sflag:s10], $0x3200  }
0x75: {  	s13 =	sshrl.u32 s11, $0x3;
	[sflag:s10] =	ssyncset.done @!p0 $0x0  }
0x76: {  	[sflag:s10] =	ssyncadd.s32 @!p0 $0xFFFFCE00;
	s10 =	sadd.s32 s5, s13  }
0x77: {  	[tilespmem:s3], [sflag:$0x2] =	stream.indirect.gather [hbm4b:s4+s30], $0x10, s30, s30, $0xb8;
	[tilespmem:$0x1FD60] =	vst v63  }
0x78: {  	s12 =	simm.s32 $0x0;
	s19 =	sadd.s32 $0x64, s10  }
0x79: {  	[tilespmem:s12], [sflag:$0x1] =	stream.linear.gather [hbm4b:s19+s12], $0x320, $0x38;
	[tilespmem:$0x1FD60] =	vst v63  }
0x7a: {  	s10 =	sadd.s32 $0x30DA4, s10  }
0x7b: {  	[tilespmem:s2], [sflag:$0x1] =	stream.linear.gather [hbm4b:s10+s12], $0x320, $0x38;
	[tilespmem:$0x1FD60] =	vst v63  }
0x7c: {  	_ =	swait.ge [sflag:s29], $0x320  }
0x7d: {  	[sflag:s29] =	ssyncset.done $0x0  }
0x7e: {  	[sflag:s29] =	ssyncadd.s32 $0xFFFFFCE0  }
0x7f: {  	_ =	swait.ge [sflag:s29], $0x320  }
0x80: {  	[sflag:s29] =	ssyncset.done $0x0  }
0x81: {  	s11 =	simm.s32 $0x40;
	s10 =	simm.s32 $0x0;
	[sflag:s29] =	ssyncadd.s32 $0xFFFFFCE0  }
.LBB2_9:
0x82: {  	p0 =	sne.s32 s11, $0xC40;
	v5 =	vld [tilespmem:s10+$0x0];
	_ =	sdelay $0x2  }
.Ltmp3:
0x83: {  	(pc) =	sbr.rel @p0 .LBB2_9-.Ltmp3, $4  }
0x84: {  	_ = 	snop  }
0x85: {  	v5 =	vshll.u32 v5, $0x3  }
0x86: {  	v5 =	vor.u32 v0, v5  }
0x87: {  	[tilespmem:s10+$0x0] =	vst v5;
	s10 =	sshra.s32 s11, $0x2;
	s11 =	sadd.s32 $0x40, s11  }
0x88: {  	v5 =	vld [tilespmem:s10+$0x0];
	_ =	sdelay $0x4  }
0x89: {  	v5 =	vshll.u32 v5, $0x3  }
0x8a: {  	v5 =	vor.u32 v0, v5  }
0x8b: {  	[tilespmem:s10+$0x0] =	vst v5  }
0x8c: {  	_ =	swait.ge [sflag:s0], $0x3200  }
0x8d: {  	[sflag:s0] =	ssyncset.done $0x0  }
0x8e: {  	[sflag:s0] =	ssyncadd.s32 $0xFFFFCE00  }
0x8f: {  	[spmem:s1] =	stream.indirect.scatter.add.f32 [tilespmem:s3], [sflag:$0x4], $0x10, s31, s30, $0xb8;
	[tilespmem:$0x1FD60] =	vst v63  }
0x90: {  	s19 =	sadd.s32 s9, s23;
	_ =	swait.ge [sflag:s16], $0x3200  }
0x91: {  	s10 =	sshrl.u32 s19, $0x3;
	[sflag:s16] =	ssyncset.done $0x0  }
0x92: {  	s11 =	simm.s32 $0x0;
	s10 =	sadd.s32 s5, s10;
	[sflag:s16] =	ssyncadd.s32 $0xFFFFCE00  }
0x93: {  	[tilespmem:s25], [sflag:$0x2] =	stream.indirect.gather [hbm4b:s4+s30], $0x10, s11, s30, $0xb8;
	[tilespmem:$0x1FD60] =	vst v63  }
0x94: {  	s12 =	sadd.s32 $0x64, s10  }
0x95: {  	[tilespmem:s30], [sflag:$0x1] =	stream.linear.gather [hbm4b:s12+s11], $0x320, $0x38;
	[tilespmem:$0x1FD60] =	vst v63  }
0x96: {  	s10 =	sadd.s32 $0x30DA4, s10  }
0x97: {  	[tilespmem:s17], [sflag:$0x1] =	stream.linear.gather [hbm4b:s10+s11], $0x320, $0x38;
	[tilespmem:$0x1FD60] =	vst v63  }
0x98: {  	_ =	swait.ge [sflag:s29], $0x320  }
0x99: {  	[sflag:s29] =	ssyncset.done $0x0  }
0x9a: {  	[sflag:s29] =	ssyncadd.s32 $0xFFFFFCE0  }
0x9b: {  	_ =	swait.ge [sflag:s29], $0x320  }
0x9c: {  	[sflag:s29] =	ssyncset.done $0x0  }
0x9d: {  	s10 =	simm.s32 $0x0;
	s11 =	simm.s32 $0x40;
	[sflag:s29] =	ssyncadd.s32 $0xFFFFFCE0  }
.LBB2_11:
0x9e: {  	p0 =	sne.s32 s11, $0xC40;
	v5 =	vld [tilespmem:s10+$0x320];
	_ =	sdelay $0x2  }
.Ltmp4:
0x9f: {  	(pc) =	sbr.rel @p0 .LBB2_11-.Ltmp4, $4  }
0xa0: {  	_ = 	snop  }
0xa1: {  	v5 =	vshll.u32 v5, $0x3  }
0xa2: {  	v5 =	vor.u32 v0, v5  }
0xa3: {  	[tilespmem:s10+$0x320] =	vst v5;
	s10 =	sshra.s32 s11, $0x2;
	s11 =	sadd.s32 $0x40, s11  }
0xa4: {  	v5 =	vld [tilespmem:s10+$0x320];
	_ =	sdelay $0x4  }
0xa5: {  	v5 =	vshll.u32 v5, $0x3  }
0xa6: {  	v5 =	vor.u32 v0, v5  }
0xa7: {  	[tilespmem:s10+$0x320] =	vst v5  }
0xa8: {  	_ =	swait.ge [sflag:s0], $0x3200  }
0xa9: {  	[sflag:s0] =	ssyncset.done $0x0  }
0xaa: {  	[sflag:s0] =	ssyncadd.s32 $0xFFFFCE00  }
0xab: {  	[spmem:s1] =	stream.indirect.scatter.add.f32 [tilespmem:s25], [sflag:$0x3], $0x10, s2, s30, $0xb8;
	[tilespmem:$0x1FD60] =	vst v63  }
0xac: {  	s9 =	sadd.s32 s9, s24;
	_ =	swait.ge [sflag:s18], $0x3200  }
0xad: {  	s9 =	sshrl.u32 s9, $0x3;
	[sflag:s18] =	ssyncset.done $0x0  }
0xae: {  	s9 =	sadd.s32 s5, s9;
	[sflag:s18] =	ssyncadd.s32 $0xFFFFCE00  }
0xaf: {  	[tilespmem:s3], [sflag:$0x2] =	stream.indirect.gather [hbm4b:s4+s30], $0x10, s30, s30, $0xb8;
	[tilespmem:$0x1FD60] =	vst v63  }
0xb0: {  	s11 =	simm.s32 $0x0;
	s19 =	sadd.s32 $0x64, s9  }
0xb1: {  	[tilespmem:s11], [sflag:$0x1] =	stream.linear.gather [hbm4b:s19+s11], $0x320, $0x38;
	[tilespmem:$0x1FD60] =	vst v63  }
0xb2: {  	s9 =	sadd.s32 $0x30DA4, s9  }
0xb3: {  	[tilespmem:s28], [sflag:$0x1] =	stream.linear.gather [hbm4b:s9+s11], $0x320, $0x38;
	[tilespmem:$0x1FD60] =	vst v63  }
0xb4: {  	_ =	swait.ge [sflag:s29], $0x320  }
0xb5: {  	[sflag:s29] =	ssyncset.done $0x0  }
0xb6: {  	[sflag:s29] =	ssyncadd.s32 $0xFFFFFCE0  }
0xb7: {  	_ =	swait.ge [sflag:s29], $0x320  }
0xb8: {  	[sflag:s29] =	ssyncset.done $0x0  }
0xb9: {  	s10 =	simm.s32 $0x40;
	s9 =	simm.s32 $0x0;
	[sflag:s29] =	ssyncadd.s32 $0xFFFFFCE0  }
.LBB2_13:
0xba: {  	p0 =	sne.s32 s10, $0xC40;
	v5 =	vld [tilespmem:s9+$0x0];
	_ =	sdelay $0x2  }
.Ltmp5:
0xbb: {  	(pc) =	sbr.rel @p0 .LBB2_13-.Ltmp5, $4  }
0xbc: {  	_ = 	snop  }
0xbd: {  	v5 =	vshll.u32 v5, $0x3  }
0xbe: {  	v5 =	vor.u32 v0, v5  }
0xbf: {  	[tilespmem:s9+$0x0] =	vst v5;
	s9 =	sshra.s32 s10, $0x2;
	s10 =	sadd.s32 $0x40, s10  }
0xc0: {  	v5 =	vld [tilespmem:s9+$0x0];
	_ =	sdelay $0x4  }
0xc1: {  	s8 =	sadd.s32 $0x1, s8;
	v5 =	vshll.u32 v5, $0x3  }
0xc2: {  	p0 =	sne.s32 s8, $0x1F;
	v5 =	vor.u32 v0, v5  }
.Ltmp6:
0xc3: {  	[tilespmem:s9+$0x0] =	vst v5;
	(pc) =	sbr.rel @p0 .LBB2_6-.Ltmp6, $4  }
0xc4: {  	_ =	swait.ge [sflag:s0], $0x3200  }
0xc5: {  	[sflag:s0] =	ssyncset.done $0x0  }
0xc6: {  	[sflag:s0] =	ssyncadd.s32 $0xFFFFCE00  }
0xc7: {  	[spmem:s1] =	stream.indirect.scatter.add.f32 [tilespmem:s3], [sflag:$0x4], $0x10, s17, s30, $0xb8;
	[tilespmem:$0x1FD60] =	vst v63  }
0xc8: {  	_ =	swait.ge [sflag:s16], $0x3200  }
0xc9: {  	[sflag:s16] =	ssyncset.done $0x0  }
0xca: {  	s8 =	simm.s32 $0x0;
	[sflag:s16] =	ssyncadd.s32 $0xFFFFCE00  }
0xcb: {  	[tilespmem:s25], [sflag:$0x2] =	stream.indirect.gather [hbm4b:s4+s30], $0x10, s8, s30, $0xb8;
	[tilespmem:$0x1FD60] =	vst v63  }
0xcc: {  	_ =	swait.ge [sflag:s0], $0x3200  }
0xcd: {  	[sflag:s0] =	ssyncset.done $0x0  }
0xce: {  	[sflag:s0] =	ssyncadd.s32 $0xFFFFCE00  }
0xcf: {  	[spmem:s1] =	stream.indirect.scatter.add.f32 [tilespmem:s25], [sflag:$0x3], $0x10, s28, s30, $0xb8;
	[tilespmem:$0x1FD60] =	vst v63  }
0xd0: {  	_ =	swait.ge [sflag:s18], $0x3200  }
0xd1: {  	[sflag:s18] =	ssyncset.done $0x0  }
0xd2: {  	[sflag:s18] =	ssyncadd.s32 $0xFFFFCE00  }
0xd3: {  	_ =	swait.ge [sflag:s16], $0x3200  }
0xd4: {  	[sflag:s16] =	ssyncset.done $0x0  }
0xd5: {  	s19 =	stileid.u32;
	[sflag:s16] =	ssyncadd.s32 $0xFFFFCE00  }
0xd6: {  	s10 =	simm.s32 $0x10;
	s8 =	sshll.u32 s19, $0x6;
	[bflag:$0x0] =	sbarrier.arrive $0xFFFF  }
0xd7: {  	s19 =	sor.u32 $0x1C05, s8;
	s8 =	sshrl.u32 s7, $0x3;
	s9 =	rddreg [dreg:$0x9]  }
0xd8: {  	[hbm:s9@s10], [sflag:s19] =	dma.strided [spmem:s8@s0], $0x30D4, s29, $0x2   }
0xd9: {  	_ =	swait.ge [sflag:s26], $0x30D4  }
0xda: {  	[sflag:s26] =	ssyncset.done $0x0  }
0xdb: {  	[sflag:s26] =	ssyncadd.s32 $0xFFFFCF2C  }
0xdc: {  	s9 =	simm.s32 $0x40;
	s10 =	simm.s32 $0x0;
	[bflag:$0x0] =	sbarrier.arrive $0xFFFF  }
.LBB2_16:
0xdd: {  	p0 =	sne.s32 s9, $0xC7C0;
	[tilespmem:s10+$0x12C0] =	vst v4;
	s10 =	smov.u32 s9;
	s9 =	sadd.s32 $0x40, s9  }
.Ltmp7:
0xde: {  	(pc) =	sbr.rel @p0 .LBB2_16-.Ltmp7, $2  }
0xdf: {  	_ =	sdelay $0x2  }
0xe0: {  	s10 =	sshra.s32 s10, $0x2  }
0xe1: {  	[tilespmem:s10+$0x12C0] =	vst v4  }
0xe2: {  	[spmem:s7] =	stream.linear.scatter [tilespmem:s25], [sflag:$0x5], $0x3200, $0x38;
	[tilespmem:$0x1FD60] =	vst v63  }
0xe3: {  	_ =	swait.ge [sflag:s26], $0x3200  }
0xe4: {  	[sflag:s26] =	ssyncset.done $0x0  }
0xe5: {  	s9 =	rddreg [dreg:$0x3];
	[sflag:s26] =	ssyncadd.s32 $0xFFFFCE00  }
0xe6: {  	[spmem:s9] =	stream.linear.scatter [tilespmem:s25], [sflag:$0x5], $0x3200, $0x38;
	[tilespmem:$0x1FD60] =	vst v63  }
0xe7: {  	_ =	swait.ge [sflag:s26], $0x3200  }
0xe8: {  	[sflag:s26] =	ssyncset.done $0x0  }
0xe9: {  	s13 =	rddreg [dreg:$0x4];
	[sflag:s26] =	ssyncadd.s32 $0xFFFFCE00  }
0xea: {  	[spmem:s13] =	stream.linear.scatter [tilespmem:s25], [sflag:$0x5], $0x3200, $0x38;
	[tilespmem:$0x1FD60] =	vst v63  }
0xeb: {  	_ =	swait.ge [sflag:s26], $0x3200  }
0xec: {  	[sflag:s26] =	ssyncset.done $0x0  }
0xed: {  	s10 =	rddreg [dreg:$0x5];
	[sflag:s26] =	ssyncadd.s32 $0xFFFFCE00  }
0xee: {  	[spmem:s10] =	stream.linear.scatter [tilespmem:s25], [sflag:$0x5], $0x3200, $0x38;
	[tilespmem:$0x1FD60] =	vst v63  }
0xef: {  	_ =	swait.ge [sflag:s26], $0x3200  }
0xf0: {  	[sflag:s26] =	ssyncset.done $0x0  }
0xf1: {  	s11 =	rddreg [dreg:$0x6];
	[sflag:s26] =	ssyncadd.s32 $0xFFFFCE00  }
0xf2: {  	[spmem:s11] =	stream.linear.scatter [tilespmem:s25], [sflag:$0x5], $0x3200, $0x38;
	[tilespmem:$0x1FD60] =	vst v63  }
0xf3: {  	_ =	swait.ge [sflag:s26], $0x3200  }
0xf4: {  	[sflag:s26] =	ssyncset.done $0x0  }
0xf5: {  	s12 =	rddreg [dreg:$0x7];
	[sflag:s26] =	ssyncadd.s32 $0xFFFFCE00  }
0xf6: {  	[spmem:s12] =	stream.linear.scatter [tilespmem:s25], [sflag:$0x5], $0x3200, $0x38;
	[tilespmem:$0x1FD60] =	vst v63  }
0xf7: {  	_ =	swait.ge [sflag:s26], $0x3200  }
0xf8: {  	[sflag:s26] =	ssyncset.done $0x0  }
0xf9: {  	s13 =	rddreg [dreg:$0x8];
	[sflag:s26] =	ssyncadd.s32 $0xFFFFCE00  }
0xfa: {  	[spmem:s13] =	stream.linear.scatter [tilespmem:s25], [sflag:$0x5], $0x3200, $0x38;
	[tilespmem:$0x1FD60] =	vst v63  }
0xfb: {  	_ =	swait.ge [sflag:s26], $0x3200  }
0xfc: {  	[sflag:s26] =	ssyncset.done $0x0  }
0xfd: {  	[sflag:s26] =	ssyncadd.s32 $0xFFFFCE00  }
0xfe: {  	[spmem:s14] =	stream.linear.scatter [tilespmem:s25], [sflag:$0x5], $0x28A0, $0x38;
	[tilespmem:$0x1FD60] =	vst v63  }
0xff: {  	_ =	swait.ge [sflag:s26], $0x28A0  }
0x100: {  	[sflag:s26] =	ssyncset.done $0x0  }
0x101: {  	[sflag:s26] =	ssyncadd.s32 $0xFFFFD760  }
0x102: {  	s9 =	simm.s32 $0x0;
	[bflag:$0x0] =	sbarrier.arrive $0xFFFF  }
0x103: {  	[tilespmem:s9], [sflag:$0x1] =	stream.linear.gather [hbm4b:s15+s9], $0x320, $0x38;
	[tilespmem:$0x1FD60] =	vst v63  }
0x104: {  	_ = 	snop  }
0x105: {  	[tilespmem:s28], [sflag:$0x1] =	stream.linear.gather [hbm4b:s20+s9], $0x320, $0x38;
	[tilespmem:$0x1FD60] =	vst v63  }
0x106: {  	_ =	swait.ge [sflag:s29], $0x320  }
0x107: {  	[sflag:s29] =	ssyncset.done $0x0  }
0x108: {  	[sflag:s29] =	ssyncadd.s32 $0xFFFFFCE0  }
0x109: {  	_ =	swait.ge [sflag:s29], $0x320  }
0x10a: {  	[sflag:s29] =	ssyncset.done $0x0  }
0x10b: {  	s10 =	simm.s32 $0x0;
	s11 =	simm.s32 $0x40;
	[sflag:s29] =	ssyncadd.s32 $0xFFFFFCE0  }
.LBB2_18:
0x10c: {  	p0 =	sne.s32 s11, $0xC40;
	v5 =	vld [tilespmem:s10+$0x0];
	_ =	sdelay $0x2  }
.Ltmp8:
0x10d: {  	(pc) =	sbr.rel @p0 .LBB2_18-.Ltmp8, $4  }
0x10e: {  	_ = 	snop  }
0x10f: {  	v5 =	vshll.u32 v5, $0x3  }
0x110: {  	v5 =	vor.u32 v1, v5  }
0x111: {  	[tilespmem:s10+$0x0] =	vst v5;
	s10 =	sshra.s32 s11, $0x2;
	s11 =	sadd.s32 $0x40, s11  }
0x112: {  	v5 =	vld [tilespmem:s10+$0x0];
	_ =	sdelay $0x4  }
0x113: {  	v5 =	vshll.u32 v5, $0x3  }
0x114: {  	v5 =	vor.u32 v1, v5  }
0x115: {  	[tilespmem:s10+$0x0] =	vst v5  }
.LBB2_20:
0x116: {  	p0 =	seq.s32 s9, $0x0;
	s10 =	smul.u32 $0xC80, s9  }
0x117: {  	s11 =	simm.s32 @!p0 $0x3  }
0x118: {  	_ =	swait.ge @!p0 [sflag:s11], $0x3200;
	s12 =	sadd.s32 s6, s10  }
0x119: {  	[sflag:s11] =	ssyncset.done @!p0 $0x0;
	s12 =	sshrl.u32 s12, $0x3  }
0x11a: {  	[sflag:s11] =	ssyncadd.s32 @!p0 $0xFFFFCE00;
	s11 =	simm.s32 $0x0;
	s12 =	sadd.s32 s5, s12  }
0x11b: {  	[tilespmem:s25], [sflag:$0x2] =	stream.indirect.gather [hbm4b:s4+s30], $0x10, s11, s30, $0xb8;
	[tilespmem:$0x1FD60] =	vst v63  }
0x11c: {  	s13 =	sadd.s32 $0x64, s12  }
0x11d: {  	[tilespmem:s30], [sflag:$0x1] =	stream.linear.gather [hbm4b:s13+s11], $0x320, $0x38;
	[tilespmem:$0x1FD60] =	vst v63  }
0x11e: {  	s12 =	sadd.s32 $0x30DA4, s12  }
0x11f: {  	[tilespmem:s31], [sflag:$0x1] =	stream.linear.gather [hbm4b:s12+s11], $0x320, $0x38;
	[tilespmem:$0x1FD60] =	vst v63  }
0x120: {  	_ =	swait.ge [sflag:s29], $0x320  }
0x121: {  	[sflag:s29] =	ssyncset.done $0x0  }
0x122: {  	[sflag:s29] =	ssyncadd.s32 $0xFFFFFCE0  }
0x123: {  	_ =	swait.ge [sflag:s29], $0x320  }
0x124: {  	[sflag:s29] =	ssyncset.done $0x0  }
0x125: {  	s11 =	simm.s32 $0x0;
	s12 =	simm.s32 $0x40;
	[sflag:s29] =	ssyncadd.s32 $0xFFFFFCE0  }
.LBB2_21:
0x126: {  	p1 =	sne.s32 s12, $0xC40;
	v5 =	vld [tilespmem:s11+$0x320];
	_ =	sdelay $0x2  }
.Ltmp9:
0x127: {  	(pc) =	sbr.rel @p1 .LBB2_21-.Ltmp9, $4  }
0x128: {  	_ = 	snop  }
0x129: {  	v5 =	vshll.u32 v5, $0x3  }
0x12a: {  	v5 =	vor.u32 v1, v5  }
0x12b: {  	[tilespmem:s11+$0x320] =	vst v5;
	s11 =	sshra.s32 s12, $0x2;
	s12 =	sadd.s32 $0x40, s12  }
0x12c: {  	v5 =	vld [tilespmem:s11+$0x320];
	_ =	sdelay $0x4  }
0x12d: {  	v5 =	vshll.u32 v5, $0x3  }
0x12e: {  	v5 =	vor.u32 v1, v5  }
0x12f: {  	[tilespmem:s11+$0x320] =	vst v5  }
0x130: {  	_ =	swait.ge [sflag:s0], $0x3200  }
0x131: {  	[sflag:s0] =	ssyncset.done $0x0  }
0x132: {  	s11 =	simm.s32 @!p0 $0x4;
	[sflag:s0] =	ssyncadd.s32 $0xFFFFCE00  }
0x133: {  	[spmem:s1] =	stream.indirect.scatter.add.f32 [tilespmem:s25], [sflag:$0x3], $0x10, s28, s30, $0xb8;
	[tilespmem:$0x1FD60] =	vst v63  }
0x134: {  	s12 =	sadd.s32 s10, s22;
	_ =	swait.ge @!p0 [sflag:s11], $0x3200  }
0x135: {  	s13 =	sshrl.u32 s12, $0x3;
	[sflag:s11] =	ssyncset.done @!p0 $0x0  }
0x136: {  	[sflag:s11] =	ssyncadd.s32 @!p0 $0xFFFFCE00;
	s11 =	sadd.s32 s5, s13  }
0x137: {  	[tilespmem:s3], [sflag:$0x2] =	stream.indirect.gather [hbm4b:s4+s30], $0x10, s30, s30, $0xb8;
	[tilespmem:$0x1FD60] =	vst v63  }
0x138: {  	s13 =	simm.s32 $0x0;
	s12 =	sadd.s32 $0x64, s11  }
0x139: {  	[tilespmem:s13], [sflag:$0x1] =	stream.linear.gather [hbm4b:s12+s13], $0x320, $0x38;
	[tilespmem:$0x1FD60] =	vst v63  }
0x13a: {  	s11 =	sadd.s32 $0x30DA4, s11  }
0x13b: {  	[tilespmem:s2], [sflag:$0x1] =	stream.linear.gather [hbm4b:s11+s13], $0x320, $0x38;
	[tilespmem:$0x1FD60] =	vst v63  }
0x13c: {  	_ =	swait.ge [sflag:s29], $0x320  }
0x13d: {  	[sflag:s29] =	ssyncset.done $0x0  }
0x13e: {  	[sflag:s29] =	ssyncadd.s32 $0xFFFFFCE0  }
0x13f: {  	_ =	swait.ge [sflag:s29], $0x320  }
0x140: {  	[sflag:s29] =	ssyncset.done $0x0  }
0x141: {  	s12 =	simm.s32 $0x40;
	s11 =	simm.s32 $0x0;
	[sflag:s29] =	ssyncadd.s32 $0xFFFFFCE0  }
.LBB2_23:
0x142: {  	p0 =	sne.s32 s12, $0xC40;
	v5 =	vld [tilespmem:s11+$0x0];
	_ =	sdelay $0x2  }
.Ltmp10:
0x143: {  	(pc) =	sbr.rel @p0 .LBB2_23-.Ltmp10, $4  }
0x144: {  	_ = 	snop  }
0x145: {  	v5 =	vshll.u32 v5, $0x3  }
0x146: {  	v5 =	vor.u32 v1, v5  }
0x147: {  	[tilespmem:s11+$0x0] =	vst v5;
	s11 =	sshra.s32 s12, $0x2;
	s12 =	sadd.s32 $0x40, s12  }
0x148: {  	v5 =	vld [tilespmem:s11+$0x0];
	_ =	sdelay $0x4  }
0x149: {  	v5 =	vshll.u32 v5, $0x3  }
0x14a: {  	v5 =	vor.u32 v1, v5  }
0x14b: {  	[tilespmem:s11+$0x0] =	vst v5  }
0x14c: {  	_ =	swait.ge [sflag:s0], $0x3200  }
0x14d: {  	[sflag:s0] =	ssyncset.done $0x0  }
0x14e: {  	[sflag:s0] =	ssyncadd.s32 $0xFFFFCE00  }
0x14f: {  	[spmem:s1] =	stream.indirect.scatter.add.f32 [tilespmem:s3], [sflag:$0x4], $0x10, s31, s30, $0xb8;
	[tilespmem:$0x1FD60] =	vst v63  }
0x150: {  	s13 =	sadd.s32 s10, s23;
	_ =	swait.ge [sflag:s16], $0x3200  }
0x151: {  	s11 =	sshrl.u32 s13, $0x3;
	[sflag:s16] =	ssyncset.done $0x0  }
0x152: {  	s12 =	simm.s32 $0x0;
	s11 =	sadd.s32 s5, s11;
	[sflag:s16] =	ssyncadd.s32 $0xFFFFCE00  }
0x153: {  	[tilespmem:s25], [sflag:$0x2] =	stream.indirect.gather [hbm4b:s4+s30], $0x10, s12, s30, $0xb8;
	[tilespmem:$0x1FD60] =	vst v63  }
0x154: {  	s13 =	sadd.s32 $0x64, s11  }
0x155: {  	[tilespmem:s30], [sflag:$0x1] =	stream.linear.gather [hbm4b:s13+s12], $0x320, $0x38;
	[tilespmem:$0x1FD60] =	vst v63  }
0x156: {  	s11 =	sadd.s32 $0x30DA4, s11  }
0x157: {  	[tilespmem:s17], [sflag:$0x1] =	stream.linear.gather [hbm4b:s11+s12], $0x320, $0x38;
	[tilespmem:$0x1FD60] =	vst v63  }
0x158: {  	_ =	swait.ge [sflag:s29], $0x320  }
0x159: {  	[sflag:s29] =	ssyncset.done $0x0  }
0x15a: {  	[sflag:s29] =	ssyncadd.s32 $0xFFFFFCE0  }
0x15b: {  	_ =	swait.ge [sflag:s29], $0x320  }
0x15c: {  	[sflag:s29] =	ssyncset.done $0x0  }
0x15d: {  	s11 =	simm.s32 $0x0;
	s12 =	simm.s32 $0x40;
	[sflag:s29] =	ssyncadd.s32 $0xFFFFFCE0  }
.LBB2_25:
0x15e: {  	p0 =	sne.s32 s12, $0xC40;
	v5 =	vld [tilespmem:s11+$0x320];
	_ =	sdelay $0x2  }
.Ltmp11:
0x15f: {  	(pc) =	sbr.rel @p0 .LBB2_25-.Ltmp11, $4  }
0x160: {  	_ = 	snop  }
0x161: {  	v5 =	vshll.u32 v5, $0x3  }
0x162: {  	v5 =	vor.u32 v1, v5  }
0x163: {  	[tilespmem:s11+$0x320] =	vst v5;
	s11 =	sshra.s32 s12, $0x2;
	s12 =	sadd.s32 $0x40, s12  }
0x164: {  	v5 =	vld [tilespmem:s11+$0x320];
	_ =	sdelay $0x4  }
0x165: {  	v5 =	vshll.u32 v5, $0x3  }
0x166: {  	v5 =	vor.u32 v1, v5  }
0x167: {  	[tilespmem:s11+$0x320] =	vst v5  }
0x168: {  	_ =	swait.ge [sflag:s0], $0x3200  }
0x169: {  	[sflag:s0] =	ssyncset.done $0x0  }
0x16a: {  	[sflag:s0] =	ssyncadd.s32 $0xFFFFCE00  }
0x16b: {  	[spmem:s1] =	stream.indirect.scatter.add.f32 [tilespmem:s25], [sflag:$0x3], $0x10, s2, s30, $0xb8;
	[tilespmem:$0x1FD60] =	vst v63  }
0x16c: {  	s10 =	sadd.s32 s10, s24;
	_ =	swait.ge [sflag:s18], $0x3200  }
0x16d: {  	s10 =	sshrl.u32 s10, $0x3;
	[sflag:s18] =	ssyncset.done $0x0  }
0x16e: {  	s10 =	sadd.s32 s5, s10;
	[sflag:s18] =	ssyncadd.s32 $0xFFFFCE00  }
0x16f: {  	[tilespmem:s3], [sflag:$0x2] =	stream.indirect.gather [hbm4b:s4+s30], $0x10, s30, s30, $0xb8;
	[tilespmem:$0x1FD60] =	vst v63  }
0x170: {  	s12 =	simm.s32 $0x0;
	s13 =	sadd.s32 $0x64, s10  }
0x171: {  	[tilespmem:s12], [sflag:$0x1] =	stream.linear.gather [hbm4b:s13+s12], $0x320, $0x38;
	[tilespmem:$0x1FD60] =	vst v63  }
0x172: {  	s10 =	sadd.s32 $0x30DA4, s10  }
0x173: {  	[tilespmem:s28], [sflag:$0x1] =	stream.linear.gather [hbm4b:s10+s12], $0x320, $0x38;
	[tilespmem:$0x1FD60] =	vst v63  }
0x174: {  	_ =	swait.ge [sflag:s29], $0x320  }
0x175: {  	[sflag:s29] =	ssyncset.done $0x0  }
0x176: {  	[sflag:s29] =	ssyncadd.s32 $0xFFFFFCE0  }
0x177: {  	_ =	swait.ge [sflag:s29], $0x320  }
0x178: {  	[sflag:s29] =	ssyncset.done $0x0  }
0x179: {  	s11 =	simm.s32 $0x40;
	s10 =	simm.s32 $0x0;
	[sflag:s29] =	ssyncadd.s32 $0xFFFFFCE0  }
.LBB2_27:
0x17a: {  	p0 =	sne.s32 s11, $0xC40;
	v5 =	vld [tilespmem:s10+$0x0];
	_ =	sdelay $0x2  }
.Ltmp12:
0x17b: {  	(pc) =	sbr.rel @p0 .LBB2_27-.Ltmp12, $4  }
0x17c: {  	_ = 	snop  }
0x17d: {  	v5 =	vshll.u32 v5, $0x3  }
0x17e: {  	v5 =	vor.u32 v1, v5  }
0x17f: {  	[tilespmem:s10+$0x0] =	vst v5;
	s10 =	sshra.s32 s11, $0x2;
	s11 =	sadd.s32 $0x40, s11  }
0x180: {  	v5 =	vld [tilespmem:s10+$0x0];
	_ =	sdelay $0x4  }
0x181: {  	s9 =	sadd.s32 $0x1, s9;
	v5 =	vshll.u32 v5, $0x3  }
0x182: {  	p0 =	sne.s32 s9, $0x1F;
	v5 =	vor.u32 v1, v5  }
.Ltmp13:
0x183: {  	[tilespmem:s10+$0x0] =	vst v5;
	(pc) =	sbr.rel @p0 .LBB2_20-.Ltmp13, $4  }
0x184: {  	_ =	swait.ge [sflag:s0], $0x3200  }
0x185: {  	[sflag:s0] =	ssyncset.done $0x0  }
0x186: {  	[sflag:s0] =	ssyncadd.s32 $0xFFFFCE00  }
0x187: {  	[spmem:s1] =	stream.indirect.scatter.add.f32 [tilespmem:s3], [sflag:$0x4], $0x10, s17, s30, $0xb8;
	[tilespmem:$0x1FD60] =	vst v63  }
0x188: {  	_ =	swait.ge [sflag:s16], $0x3200  }
0x189: {  	[sflag:s16] =	ssyncset.done $0x0  }
0x18a: {  	s9 =	simm.s32 $0x0;
	[sflag:s16] =	ssyncadd.s32 $0xFFFFCE00  }
0x18b: {  	[tilespmem:s25], [sflag:$0x2] =	stream.indirect.gather [hbm4b:s4+s30], $0x10, s9, s30, $0xb8;
	[tilespmem:$0x1FD60] =	vst v63  }
0x18c: {  	_ =	swait.ge [sflag:s0], $0x3200  }
0x18d: {  	[sflag:s0] =	ssyncset.done $0x0  }
0x18e: {  	[sflag:s0] =	ssyncadd.s32 $0xFFFFCE00  }
0x18f: {  	[spmem:s1] =	stream.indirect.scatter.add.f32 [tilespmem:s25], [sflag:$0x3], $0x10, s28, s30, $0xb8;
	[tilespmem:$0x1FD60] =	vst v63  }
0x190: {  	_ =	swait.ge [sflag:s18], $0x3200  }
0x191: {  	[sflag:s18] =	ssyncset.done $0x0  }
0x192: {  	[sflag:s18] =	ssyncadd.s32 $0xFFFFCE00  }
0x193: {  	_ =	swait.ge [sflag:s16], $0x3200  }
0x194: {  	[sflag:s16] =	ssyncset.done $0x0  }
0x195: {  	[sflag:s16] =	ssyncadd.s32 $0xFFFFCE00  }
0x196: {  	[bflag:$0x0] =	sbarrier.arrive $0xFFFF  }
0x197: {  	s10 =	simm.s32 $0x10;
	s13 =	rddreg [dreg:$0xa]  }
0x198: {  	[hbm:s13@s10], [sflag:s19] =	dma.strided [spmem:s8@s0], $0x30D4, s29, $0x2   }
0x199: {  	_ =	swait.ge [sflag:s26], $0x30D4  }
0x19a: {  	[sflag:s26] =	ssyncset.done $0x0  }
0x19b: {  	[sflag:s26] =	ssyncadd.s32 $0xFFFFCF2C  }
0x19c: {  	s9 =	simm.s32 $0x40;
	s10 =	simm.s32 $0x0;
	[bflag:$0x0] =	sbarrier.arrive $0xFFFF  }
.LBB2_30:
0x19d: {  	p0 =	sne.s32 s9, $0xC7C0;
	[tilespmem:s10+$0x12C0] =	vst v4;
	s10 =	smov.u32 s9;
	s9 =	sadd.s32 $0x40, s9  }
.Ltmp14:
0x19e: {  	(pc) =	sbr.rel @p0 .LBB2_30-.Ltmp14, $2  }
0x19f: {  	_ =	sdelay $0x2  }
0x1a0: {  	s10 =	sshra.s32 s10, $0x2  }
0x1a1: {  	[tilespmem:s10+$0x12C0] =	vst v4  }
0x1a2: {  	[spmem:s7] =	stream.linear.scatter [tilespmem:s25], [sflag:$0x5], $0x3200, $0x38;
	[tilespmem:$0x1FD60] =	vst v63  }
0x1a3: {  	_ =	swait.ge [sflag:s26], $0x3200  }
0x1a4: {  	[sflag:s26] =	ssyncset.done $0x0  }
0x1a5: {  	s9 =	rddreg [dreg:$0x3];
	[sflag:s26] =	ssyncadd.s32 $0xFFFFCE00  }
0x1a6: {  	[spmem:s9] =	stream.linear.scatter [tilespmem:s25], [sflag:$0x5], $0x3200, $0x38;
	[tilespmem:$0x1FD60] =	vst v63  }
0x1a7: {  	_ =	swait.ge [sflag:s26], $0x3200  }
0x1a8: {  	[sflag:s26] =	ssyncset.done $0x0  }
0x1a9: {  	s13 =	rddreg [dreg:$0x4];
	[sflag:s26] =	ssyncadd.s32 $0xFFFFCE00  }
0x1aa: {  	[spmem:s13] =	stream.linear.scatter [tilespmem:s25], [sflag:$0x5], $0x3200, $0x38;
	[tilespmem:$0x1FD60] =	vst v63  }
0x1ab: {  	_ =	swait.ge [sflag:s26], $0x3200  }
0x1ac: {  	[sflag:s26] =	ssyncset.done $0x0  }
0x1ad: {  	s10 =	rddreg [dreg:$0x5];
	[sflag:s26] =	ssyncadd.s32 $0xFFFFCE00  }
0x1ae: {  	[spmem:s10] =	stream.linear.scatter [tilespmem:s25], [sflag:$0x5], $0x3200, $0x38;
	[tilespmem:$0x1FD60] =	vst v63  }
0x1af: {  	_ =	swait.ge [sflag:s26], $0x3200  }
0x1b0: {  	[sflag:s26] =	ssyncset.done $0x0  }
0x1b1: {  	s11 =	rddreg [dreg:$0x6];
	[sflag:s26] =	ssyncadd.s32 $0xFFFFCE00  }
0x1b2: {  	[spmem:s11] =	stream.linear.scatter [tilespmem:s25], [sflag:$0x5], $0x3200, $0x38;
	[tilespmem:$0x1FD60] =	vst v63  }
0x1b3: {  	_ =	swait.ge [sflag:s26], $0x3200  }
0x1b4: {  	[sflag:s26] =	ssyncset.done $0x0  }
0x1b5: {  	s12 =	rddreg [dreg:$0x7];
	[sflag:s26] =	ssyncadd.s32 $0xFFFFCE00  }
0x1b6: {  	[spmem:s12] =	stream.linear.scatter [tilespmem:s25], [sflag:$0x5], $0x3200, $0x38;
	[tilespmem:$0x1FD60] =	vst v63  }
0x1b7: {  	_ =	swait.ge [sflag:s26], $0x3200  }
0x1b8: {  	[sflag:s26] =	ssyncset.done $0x0  }
0x1b9: {  	s13 =	rddreg [dreg:$0x8];
	[sflag:s26] =	ssyncadd.s32 $0xFFFFCE00  }
0x1ba: {  	[spmem:s13] =	stream.linear.scatter [tilespmem:s25], [sflag:$0x5], $0x3200, $0x38;
	[tilespmem:$0x1FD60] =	vst v63  }
0x1bb: {  	_ =	swait.ge [sflag:s26], $0x3200  }
0x1bc: {  	[sflag:s26] =	ssyncset.done $0x0  }
0x1bd: {  	[sflag:s26] =	ssyncadd.s32 $0xFFFFCE00  }
0x1be: {  	[spmem:s14] =	stream.linear.scatter [tilespmem:s25], [sflag:$0x5], $0x28A0, $0x38;
	[tilespmem:$0x1FD60] =	vst v63  }
0x1bf: {  	_ =	swait.ge [sflag:s26], $0x28A0  }
0x1c0: {  	[sflag:s26] =	ssyncset.done $0x0  }
0x1c1: {  	[sflag:s26] =	ssyncadd.s32 $0xFFFFD760  }
0x1c2: {  	s9 =	simm.s32 $0x0;
	[bflag:$0x0] =	sbarrier.arrive $0xFFFF  }
0x1c3: {  	[tilespmem:s9], [sflag:$0x1] =	stream.linear.gather [hbm4b:s15+s9], $0x320, $0x38;
	[tilespmem:$0x1FD60] =	vst v63  }
0x1c4: {  	_ = 	snop  }
0x1c5: {  	[tilespmem:s28], [sflag:$0x1] =	stream.linear.gather [hbm4b:s20+s9], $0x320, $0x38;
	[tilespmem:$0x1FD60] =	vst v63  }
0x1c6: {  	_ =	swait.ge [sflag:s29], $0x320  }
0x1c7: {  	[sflag:s29] =	ssyncset.done $0x0  }
0x1c8: {  	[sflag:s29] =	ssyncadd.s32 $0xFFFFFCE0  }
0x1c9: {  	_ =	swait.ge [sflag:s29], $0x320  }
0x1ca: {  	[sflag:s29] =	ssyncset.done $0x0  }
0x1cb: {  	s10 =	simm.s32 $0x0;
	s11 =	simm.s32 $0x40;
	[sflag:s29] =	ssyncadd.s32 $0xFFFFFCE0  }
.LBB2_32:
0x1cc: {  	p0 =	sne.s32 s11, $0xC40;
	v5 =	vld [tilespmem:s10+$0x0];
	_ =	sdelay $0x2  }
.Ltmp15:
0x1cd: {  	(pc) =	sbr.rel @p0 .LBB2_32-.Ltmp15, $4  }
0x1ce: {  	_ = 	snop  }
0x1cf: {  	v5 =	vshll.u32 v5, $0x3  }
0x1d0: {  	v5 =	vor.u32 v2, v5  }
0x1d1: {  	[tilespmem:s10+$0x0] =	vst v5;
	s10 =	sshra.s32 s11, $0x2;
	s11 =	sadd.s32 $0x40, s11  }
0x1d2: {  	v5 =	vld [tilespmem:s10+$0x0];
	_ =	sdelay $0x4  }
0x1d3: {  	v5 =	vshll.u32 v5, $0x3  }
0x1d4: {  	v5 =	vor.u32 v2, v5  }
0x1d5: {  	[tilespmem:s10+$0x0] =	vst v5  }
.LBB2_34:
0x1d6: {  	p0 =	seq.s32 s9, $0x0;
	s10 =	smul.u32 $0xC80, s9  }
0x1d7: {  	s11 =	simm.s32 @!p0 $0x3  }
0x1d8: {  	_ =	swait.ge @!p0 [sflag:s11], $0x3200;
	s12 =	sadd.s32 s6, s10  }
0x1d9: {  	[sflag:s11] =	ssyncset.done @!p0 $0x0;
	s12 =	sshrl.u32 s12, $0x3  }
0x1da: {  	[sflag:s11] =	ssyncadd.s32 @!p0 $0xFFFFCE00;
	s11 =	simm.s32 $0x0;
	s12 =	sadd.s32 s5, s12  }
0x1db: {  	[tilespmem:s25], [sflag:$0x2] =	stream.indirect.gather [hbm4b:s4+s30], $0x10, s11, s30, $0xb8;
	[tilespmem:$0x1FD60] =	vst v63  }
0x1dc: {  	s13 =	sadd.s32 $0x64, s12  }
0x1dd: {  	[tilespmem:s30], [sflag:$0x1] =	stream.linear.gather [hbm4b:s13+s11], $0x320, $0x38;
	[tilespmem:$0x1FD60] =	vst v63  }
0x1de: {  	s12 =	sadd.s32 $0x30DA4, s12  }
0x1df: {  	[tilespmem:s31], [sflag:$0x1] =	stream.linear.gather [hbm4b:s12+s11], $0x320, $0x38;
	[tilespmem:$0x1FD60] =	vst v63  }
0x1e0: {  	_ =	swait.ge [sflag:s29], $0x320  }
0x1e1: {  	[sflag:s29] =	ssyncset.done $0x0  }
0x1e2: {  	[sflag:s29] =	ssyncadd.s32 $0xFFFFFCE0  }
0x1e3: {  	_ =	swait.ge [sflag:s29], $0x320  }
0x1e4: {  	[sflag:s29] =	ssyncset.done $0x0  }
0x1e5: {  	s11 =	simm.s32 $0x0;
	s12 =	simm.s32 $0x40;
	[sflag:s29] =	ssyncadd.s32 $0xFFFFFCE0  }
.LBB2_35:
0x1e6: {  	p1 =	sne.s32 s12, $0xC40;
	v5 =	vld [tilespmem:s11+$0x320];
	_ =	sdelay $0x2  }
.Ltmp16:
0x1e7: {  	(pc) =	sbr.rel @p1 .LBB2_35-.Ltmp16, $4  }
0x1e8: {  	_ = 	snop  }
0x1e9: {  	v5 =	vshll.u32 v5, $0x3  }
0x1ea: {  	v5 =	vor.u32 v2, v5  }
0x1eb: {  	[tilespmem:s11+$0x320] =	vst v5;
	s11 =	sshra.s32 s12, $0x2;
	s12 =	sadd.s32 $0x40, s12  }
0x1ec: {  	v5 =	vld [tilespmem:s11+$0x320];
	_ =	sdelay $0x4  }
0x1ed: {  	v5 =	vshll.u32 v5, $0x3  }
0x1ee: {  	v5 =	vor.u32 v2, v5  }
0x1ef: {  	[tilespmem:s11+$0x320] =	vst v5  }
0x1f0: {  	_ =	swait.ge [sflag:s0], $0x3200  }
0x1f1: {  	[sflag:s0] =	ssyncset.done $0x0  }
0x1f2: {  	s11 =	simm.s32 @!p0 $0x4;
	[sflag:s0] =	ssyncadd.s32 $0xFFFFCE00  }
0x1f3: {  	[spmem:s1] =	stream.indirect.scatter.add.f32 [tilespmem:s25], [sflag:$0x3], $0x10, s28, s30, $0xb8;
	[tilespmem:$0x1FD60] =	vst v63  }
0x1f4: {  	s12 =	sadd.s32 s10, s22;
	_ =	swait.ge @!p0 [sflag:s11], $0x3200  }
0x1f5: {  	s13 =	sshrl.u32 s12, $0x3;
	[sflag:s11] =	ssyncset.done @!p0 $0x0  }
0x1f6: {  	[sflag:s11] =	ssyncadd.s32 @!p0 $0xFFFFCE00;
	s11 =	sadd.s32 s5, s13  }
0x1f7: {  	[tilespmem:s3], [sflag:$0x2] =	stream.indirect.gather [hbm4b:s4+s30], $0x10, s30, s30, $0xb8;
	[tilespmem:$0x1FD60] =	vst v63  }
0x1f8: {  	s13 =	simm.s32 $0x0;
	s12 =	sadd.s32 $0x64, s11  }
0x1f9: {  	[tilespmem:s13], [sflag:$0x1] =	stream.linear.gather [hbm4b:s12+s13], $0x320, $0x38;
	[tilespmem:$0x1FD60] =	vst v63  }
0x1fa: {  	s11 =	sadd.s32 $0x30DA4, s11  }
0x1fb: {  	[tilespmem:s2], [sflag:$0x1] =	stream.linear.gather [hbm4b:s11+s13], $0x320, $0x38;
	[tilespmem:$0x1FD60] =	vst v63  }
0x1fc: {  	_ =	swait.ge [sflag:s29], $0x320  }
0x1fd: {  	[sflag:s29] =	ssyncset.done $0x0  }
0x1fe: {  	[sflag:s29] =	ssyncadd.s32 $0xFFFFFCE0  }
0x1ff: {  	_ =	swait.ge [sflag:s29], $0x320  }
0x200: {  	[sflag:s29] =	ssyncset.done $0x0  }
0x201: {  	s12 =	simm.s32 $0x40;
	s11 =	simm.s32 $0x0;
	[sflag:s29] =	ssyncadd.s32 $0xFFFFFCE0  }
.LBB2_37:
0x202: {  	p0 =	sne.s32 s12, $0xC40;
	v5 =	vld [tilespmem:s11+$0x0];
	_ =	sdelay $0x2  }
.Ltmp17:
0x203: {  	(pc) =	sbr.rel @p0 .LBB2_37-.Ltmp17, $4  }
0x204: {  	_ = 	snop  }
0x205: {  	v5 =	vshll.u32 v5, $0x3  }
0x206: {  	v5 =	vor.u32 v2, v5  }
0x207: {  	[tilespmem:s11+$0x0] =	vst v5;
	s11 =	sshra.s32 s12, $0x2;
	s12 =	sadd.s32 $0x40, s12  }
0x208: {  	v5 =	vld [tilespmem:s11+$0x0];
	_ =	sdelay $0x4  }
0x209: {  	v5 =	vshll.u32 v5, $0x3  }
0x20a: {  	v5 =	vor.u32 v2, v5  }
0x20b: {  	[tilespmem:s11+$0x0] =	vst v5  }
0x20c: {  	_ =	swait.ge [sflag:s0], $0x3200  }
0x20d: {  	[sflag:s0] =	ssyncset.done $0x0  }
0x20e: {  	[sflag:s0] =	ssyncadd.s32 $0xFFFFCE00  }
0x20f: {  	[spmem:s1] =	stream.indirect.scatter.add.f32 [tilespmem:s3], [sflag:$0x4], $0x10, s31, s30, $0xb8;
	[tilespmem:$0x1FD60] =	vst v63  }
0x210: {  	s13 =	sadd.s32 s10, s23;
	_ =	swait.ge [sflag:s16], $0x3200  }
0x211: {  	s11 =	sshrl.u32 s13, $0x3;
	[sflag:s16] =	ssyncset.done $0x0  }
0x212: {  	s12 =	simm.s32 $0x0;
	s11 =	sadd.s32 s5, s11;
	[sflag:s16] =	ssyncadd.s32 $0xFFFFCE00  }
0x213: {  	[tilespmem:s25], [sflag:$0x2] =	stream.indirect.gather [hbm4b:s4+s30], $0x10, s12, s30, $0xb8;
	[tilespmem:$0x1FD60] =	vst v63  }
0x214: {  	s13 =	sadd.s32 $0x64, s11  }
0x215: {  	[tilespmem:s30], [sflag:$0x1] =	stream.linear.gather [hbm4b:s13+s12], $0x320, $0x38;
	[tilespmem:$0x1FD60] =	vst v63  }
0x216: {  	s11 =	sadd.s32 $0x30DA4, s11  }
0x217: {  	[tilespmem:s17], [sflag:$0x1] =	stream.linear.gather [hbm4b:s11+s12], $0x320, $0x38;
	[tilespmem:$0x1FD60] =	vst v63  }
0x218: {  	_ =	swait.ge [sflag:s29], $0x320  }
0x219: {  	[sflag:s29] =	ssyncset.done $0x0  }
0x21a: {  	[sflag:s29] =	ssyncadd.s32 $0xFFFFFCE0  }
0x21b: {  	_ =	swait.ge [sflag:s29], $0x320  }
0x21c: {  	[sflag:s29] =	ssyncset.done $0x0  }
0x21d: {  	s11 =	simm.s32 $0x0;
	s12 =	simm.s32 $0x40;
	[sflag:s29] =	ssyncadd.s32 $0xFFFFFCE0  }
.LBB2_39:
0x21e: {  	p0 =	sne.s32 s12, $0xC40;
	v5 =	vld [tilespmem:s11+$0x320];
	_ =	sdelay $0x2  }
.Ltmp18:
0x21f: {  	(pc) =	sbr.rel @p0 .LBB2_39-.Ltmp18, $4  }
0x220: {  	_ = 	snop  }
0x221: {  	v5 =	vshll.u32 v5, $0x3  }
0x222: {  	v5 =	vor.u32 v2, v5  }
0x223: {  	[tilespmem:s11+$0x320] =	vst v5;
	s11 =	sshra.s32 s12, $0x2;
	s12 =	sadd.s32 $0x40, s12  }
0x224: {  	v5 =	vld [tilespmem:s11+$0x320];
	_ =	sdelay $0x4  }
0x225: {  	v5 =	vshll.u32 v5, $0x3  }
0x226: {  	v5 =	vor.u32 v2, v5  }
0x227: {  	[tilespmem:s11+$0x320] =	vst v5  }
0x228: {  	_ =	swait.ge [sflag:s0], $0x3200  }
0x229: {  	[sflag:s0] =	ssyncset.done $0x0  }
0x22a: {  	[sflag:s0] =	ssyncadd.s32 $0xFFFFCE00  }
0x22b: {  	[spmem:s1] =	stream.indirect.scatter.add.f32 [tilespmem:s25], [sflag:$0x3], $0x10, s2, s30, $0xb8;
	[tilespmem:$0x1FD60] =	vst v63  }
0x22c: {  	s10 =	sadd.s32 s10, s24;
	_ =	swait.ge [sflag:s18], $0x3200  }
0x22d: {  	s10 =	sshrl.u32 s10, $0x3;
	[sflag:s18] =	ssyncset.done $0x0  }
0x22e: {  	s10 =	sadd.s32 s5, s10;
	[sflag:s18] =	ssyncadd.s32 $0xFFFFCE00  }
0x22f: {  	[tilespmem:s3], [sflag:$0x2] =	stream.indirect.gather [hbm4b:s4+s30], $0x10, s30, s30, $0xb8;
	[tilespmem:$0x1FD60] =	vst v63  }
0x230: {  	s12 =	simm.s32 $0x0;
	s13 =	sadd.s32 $0x64, s10  }
0x231: {  	[tilespmem:s12], [sflag:$0x1] =	stream.linear.gather [hbm4b:s13+s12], $0x320, $0x38;
	[tilespmem:$0x1FD60] =	vst v63  }
0x232: {  	s10 =	sadd.s32 $0x30DA4, s10  }
0x233: {  	[tilespmem:s28], [sflag:$0x1] =	stream.linear.gather [hbm4b:s10+s12], $0x320, $0x38;
	[tilespmem:$0x1FD60] =	vst v63  }
0x234: {  	_ =	swait.ge [sflag:s29], $0x320  }
0x235: {  	[sflag:s29] =	ssyncset.done $0x0  }
0x236: {  	[sflag:s29] =	ssyncadd.s32 $0xFFFFFCE0  }
0x237: {  	_ =	swait.ge [sflag:s29], $0x320  }
0x238: {  	[sflag:s29] =	ssyncset.done $0x0  }
0x239: {  	s11 =	simm.s32 $0x40;
	s10 =	simm.s32 $0x0;
	[sflag:s29] =	ssyncadd.s32 $0xFFFFFCE0  }
.LBB2_41:
0x23a: {  	p0 =	sne.s32 s11, $0xC40;
	v5 =	vld [tilespmem:s10+$0x0];
	_ =	sdelay $0x2  }
.Ltmp19:
0x23b: {  	(pc) =	sbr.rel @p0 .LBB2_41-.Ltmp19, $4  }
0x23c: {  	_ = 	snop  }
0x23d: {  	v5 =	vshll.u32 v5, $0x3  }
0x23e: {  	v5 =	vor.u32 v2, v5  }
0x23f: {  	[tilespmem:s10+$0x0] =	vst v5;
	s10 =	sshra.s32 s11, $0x2;
	s11 =	sadd.s32 $0x40, s11  }
0x240: {  	v5 =	vld [tilespmem:s10+$0x0];
	_ =	sdelay $0x4  }
0x241: {  	s9 =	sadd.s32 $0x1, s9;
	v5 =	vshll.u32 v5, $0x3  }
0x242: {  	p0 =	sne.s32 s9, $0x1F;
	v5 =	vor.u32 v2, v5  }
.Ltmp20:
0x243: {  	[tilespmem:s10+$0x0] =	vst v5;
	(pc) =	sbr.rel @p0 .LBB2_34-.Ltmp20, $4  }
0x244: {  	_ =	swait.ge [sflag:s0], $0x3200  }
0x245: {  	[sflag:s0] =	ssyncset.done $0x0  }
0x246: {  	[sflag:s0] =	ssyncadd.s32 $0xFFFFCE00  }
0x247: {  	[spmem:s1] =	stream.indirect.scatter.add.f32 [tilespmem:s3], [sflag:$0x4], $0x10, s17, s30, $0xb8;
	[tilespmem:$0x1FD60] =	vst v63  }
0x248: {  	_ =	swait.ge [sflag:s16], $0x3200  }
0x249: {  	[sflag:s16] =	ssyncset.done $0x0  }
0x24a: {  	s9 =	simm.s32 $0x0;
	[sflag:s16] =	ssyncadd.s32 $0xFFFFCE00  }
0x24b: {  	[tilespmem:s25], [sflag:$0x2] =	stream.indirect.gather [hbm4b:s4+s30], $0x10, s9, s30, $0xb8;
	[tilespmem:$0x1FD60] =	vst v63  }
0x24c: {  	_ =	swait.ge [sflag:s0], $0x3200  }
0x24d: {  	[sflag:s0] =	ssyncset.done $0x0  }
0x24e: {  	[sflag:s0] =	ssyncadd.s32 $0xFFFFCE00  }
0x24f: {  	[spmem:s1] =	stream.indirect.scatter.add.f32 [tilespmem:s25], [sflag:$0x3], $0x10, s28, s30, $0xb8;
	[tilespmem:$0x1FD60] =	vst v63  }
0x250: {  	_ =	swait.ge [sflag:s18], $0x3200  }
0x251: {  	[sflag:s18] =	ssyncset.done $0x0  }
0x252: {  	[sflag:s18] =	ssyncadd.s32 $0xFFFFCE00  }
0x253: {  	_ =	swait.ge [sflag:s16], $0x3200  }
0x254: {  	[sflag:s16] =	ssyncset.done $0x0  }
0x255: {  	[sflag:s16] =	ssyncadd.s32 $0xFFFFCE00  }
0x256: {  	[bflag:$0x0] =	sbarrier.arrive $0xFFFF  }
0x257: {  	s10 =	simm.s32 $0x10;
	s13 =	rddreg [dreg:$0xb]  }
0x258: {  	[hbm:s13@s10], [sflag:s19] =	dma.strided [spmem:s8@s0], $0x30D4, s29, $0x2   }
0x259: {  	_ =	swait.ge [sflag:s26], $0x30D4  }
0x25a: {  	[sflag:s26] =	ssyncset.done $0x0  }
0x25b: {  	[sflag:s26] =	ssyncadd.s32 $0xFFFFCF2C  }
0x25c: {  	s9 =	simm.s32 $0x40;
	s10 =	simm.s32 $0x0;
	[bflag:$0x0] =	sbarrier.arrive $0xFFFF  }
.LBB2_44:
0x25d: {  	p0 =	sne.s32 s9, $0xC7C0;
	[tilespmem:s10+$0x12C0] =	vst v4;
	s10 =	smov.u32 s9;
	s9 =	sadd.s32 $0x40, s9  }
.Ltmp21:
0x25e: {  	(pc) =	sbr.rel @p0 .LBB2_44-.Ltmp21, $2  }
0x25f: {  	_ =	sdelay $0x2  }
0x260: {  	s10 =	sshra.s32 s10, $0x2  }
0x261: {  	[tilespmem:s10+$0x12C0] =	vst v4  }
0x262: {  	[spmem:s7] =	stream.linear.scatter [tilespmem:s25], [sflag:$0x5], $0x3200, $0x38;
	[tilespmem:$0x1FD60] =	vst v63  }
0x263: {  	_ =	swait.ge [sflag:s26], $0x3200  }
0x264: {  	[sflag:s26] =	ssyncset.done $0x0  }
0x265: {  	s9 =	rddreg [dreg:$0x3];
	[sflag:s26] =	ssyncadd.s32 $0xFFFFCE00  }
0x266: {  	[spmem:s9] =	stream.linear.scatter [tilespmem:s25], [sflag:$0x5], $0x3200, $0x38;
	[tilespmem:$0x1FD60] =	vst v63  }
0x267: {  	_ =	swait.ge [sflag:s26], $0x3200  }
0x268: {  	[sflag:s26] =	ssyncset.done $0x0  }
0x269: {  	s13 =	rddreg [dreg:$0x4];
	[sflag:s26] =	ssyncadd.s32 $0xFFFFCE00  }
0x26a: {  	[spmem:s13] =	stream.linear.scatter [tilespmem:s25], [sflag:$0x5], $0x3200, $0x38;
	[tilespmem:$0x1FD60] =	vst v63  }
0x26b: {  	_ =	swait.ge [sflag:s26], $0x3200  }
0x26c: {  	[sflag:s26] =	ssyncset.done $0x0  }
0x26d: {  	s10 =	rddreg [dreg:$0x5];
	[sflag:s26] =	ssyncadd.s32 $0xFFFFCE00  }
0x26e: {  	[spmem:s10] =	stream.linear.scatter [tilespmem:s25], [sflag:$0x5], $0x3200, $0x38;
	[tilespmem:$0x1FD60] =	vst v63  }
0x26f: {  	_ =	swait.ge [sflag:s26], $0x3200  }
0x270: {  	[sflag:s26] =	ssyncset.done $0x0  }
0x271: {  	s11 =	rddreg [dreg:$0x6];
	[sflag:s26] =	ssyncadd.s32 $0xFFFFCE00  }
0x272: {  	[spmem:s11] =	stream.linear.scatter [tilespmem:s25], [sflag:$0x5], $0x3200, $0x38;
	[tilespmem:$0x1FD60] =	vst v63  }
0x273: {  	_ =	swait.ge [sflag:s26], $0x3200  }
0x274: {  	[sflag:s26] =	ssyncset.done $0x0  }
0x275: {  	s12 =	rddreg [dreg:$0x7];
	[sflag:s26] =	ssyncadd.s32 $0xFFFFCE00  }
0x276: {  	[spmem:s12] =	stream.linear.scatter [tilespmem:s25], [sflag:$0x5], $0x3200, $0x38;
	[tilespmem:$0x1FD60] =	vst v63  }
0x277: {  	_ =	swait.ge [sflag:s26], $0x3200  }
0x278: {  	[sflag:s26] =	ssyncset.done $0x0  }
0x279: {  	s13 =	rddreg [dreg:$0x8];
	[sflag:s26] =	ssyncadd.s32 $0xFFFFCE00  }
0x27a: {  	[spmem:s13] =	stream.linear.scatter [tilespmem:s25], [sflag:$0x5], $0x3200, $0x38;
	[tilespmem:$0x1FD60] =	vst v63  }
0x27b: {  	_ =	swait.ge [sflag:s26], $0x3200  }
0x27c: {  	[sflag:s26] =	ssyncset.done $0x0  }
0x27d: {  	[sflag:s26] =	ssyncadd.s32 $0xFFFFCE00  }
0x27e: {  	[spmem:s14] =	stream.linear.scatter [tilespmem:s25], [sflag:$0x5], $0x28A0, $0x38;
	[tilespmem:$0x1FD60] =	vst v63  }
0x27f: {  	_ =	swait.ge [sflag:s26], $0x28A0  }
0x280: {  	[sflag:s26] =	ssyncset.done $0x0  }
0x281: {  	[sflag:s26] =	ssyncadd.s32 $0xFFFFD760  }
0x282: {  	s9 =	simm.s32 $0x0;
	[bflag:$0x0] =	sbarrier.arrive $0xFFFF  }
0x283: {  	[tilespmem:s9], [sflag:$0x1] =	stream.linear.gather [hbm4b:s15+s9], $0x320, $0x38;
	[tilespmem:$0x1FD60] =	vst v63  }
0x284: {  	_ = 	snop  }
0x285: {  	[tilespmem:s28], [sflag:$0x1] =	stream.linear.gather [hbm4b:s20+s9], $0x320, $0x38;
	[tilespmem:$0x1FD60] =	vst v63  }
0x286: {  	_ =	swait.ge [sflag:s29], $0x320  }
0x287: {  	[sflag:s29] =	ssyncset.done $0x0  }
0x288: {  	[sflag:s29] =	ssyncadd.s32 $0xFFFFFCE0  }
0x289: {  	_ =	swait.ge [sflag:s29], $0x320  }
0x28a: {  	[sflag:s29] =	ssyncset.done $0x0  }
0x28b: {  	s10 =	simm.s32 $0x0;
	s11 =	simm.s32 $0x40;
	[sflag:s29] =	ssyncadd.s32 $0xFFFFFCE0  }
.LBB2_46:
0x28c: {  	p0 =	sne.s32 s11, $0xC40;
	v5 =	vld [tilespmem:s10+$0x0];
	_ =	sdelay $0x2  }
.Ltmp22:
0x28d: {  	(pc) =	sbr.rel @p0 .LBB2_46-.Ltmp22, $4  }
0x28e: {  	_ = 	snop  }
0x28f: {  	v5 =	vshll.u32 v5, $0x3  }
0x290: {  	v5 =	vor.u32 v3, v5  }
0x291: {  	[tilespmem:s10+$0x0] =	vst v5;
	s10 =	sshra.s32 s11, $0x2;
	s11 =	sadd.s32 $0x40, s11  }
0x292: {  	v5 =	vld [tilespmem:s10+$0x0];
	_ =	sdelay $0x4  }
0x293: {  	v5 =	vshll.u32 v5, $0x3  }
0x294: {  	v5 =	vor.u32 v3, v5  }
0x295: {  	[tilespmem:s10+$0x0] =	vst v5  }
.LBB2_48:
0x296: {  	p0 =	seq.s32 s9, $0x0;
	s10 =	smul.u32 $0xC80, s9  }
0x297: {  	s11 =	simm.s32 @!p0 $0x3  }
0x298: {  	_ =	swait.ge @!p0 [sflag:s11], $0x3200;
	s12 =	sadd.s32 s6, s10  }
0x299: {  	[sflag:s11] =	ssyncset.done @!p0 $0x0;
	s12 =	sshrl.u32 s12, $0x3  }
0x29a: {  	[sflag:s11] =	ssyncadd.s32 @!p0 $0xFFFFCE00;
	s11 =	simm.s32 $0x0;
	s12 =	sadd.s32 s5, s12  }
0x29b: {  	[tilespmem:s25], [sflag:$0x2] =	stream.indirect.gather [hbm4b:s4+s30], $0x10, s11, s30, $0xb8;
	[tilespmem:$0x1FD60] =	vst v63  }
0x29c: {  	s13 =	sadd.s32 $0x64, s12  }
0x29d: {  	[tilespmem:s30], [sflag:$0x1] =	stream.linear.gather [hbm4b:s13+s11], $0x320, $0x38;
	[tilespmem:$0x1FD60] =	vst v63  }
0x29e: {  	s12 =	sadd.s32 $0x30DA4, s12  }
0x29f: {  	[tilespmem:s31], [sflag:$0x1] =	stream.linear.gather [hbm4b:s12+s11], $0x320, $0x38;
	[tilespmem:$0x1FD60] =	vst v63  }
0x2a0: {  	_ =	swait.ge [sflag:s29], $0x320  }
0x2a1: {  	[sflag:s29] =	ssyncset.done $0x0  }
0x2a2: {  	[sflag:s29] =	ssyncadd.s32 $0xFFFFFCE0  }
0x2a3: {  	_ =	swait.ge [sflag:s29], $0x320  }
0x2a4: {  	[sflag:s29] =	ssyncset.done $0x0  }
0x2a5: {  	s11 =	simm.s32 $0x0;
	s12 =	simm.s32 $0x40;
	[sflag:s29] =	ssyncadd.s32 $0xFFFFFCE0  }
.LBB2_49:
0x2a6: {  	p1 =	sne.s32 s12, $0xC40;
	v5 =	vld [tilespmem:s11+$0x320];
	_ =	sdelay $0x2  }
.Ltmp23:
0x2a7: {  	(pc) =	sbr.rel @p1 .LBB2_49-.Ltmp23, $4  }
0x2a8: {  	_ = 	snop  }
0x2a9: {  	v5 =	vshll.u32 v5, $0x3  }
0x2aa: {  	v5 =	vor.u32 v3, v5  }
0x2ab: {  	[tilespmem:s11+$0x320] =	vst v5;
	s11 =	sshra.s32 s12, $0x2;
	s12 =	sadd.s32 $0x40, s12  }
0x2ac: {  	v5 =	vld [tilespmem:s11+$0x320];
	_ =	sdelay $0x4  }
0x2ad: {  	v5 =	vshll.u32 v5, $0x3  }
0x2ae: {  	v5 =	vor.u32 v3, v5  }
0x2af: {  	[tilespmem:s11+$0x320] =	vst v5  }
0x2b0: {  	_ =	swait.ge [sflag:s0], $0x3200  }
0x2b1: {  	[sflag:s0] =	ssyncset.done $0x0  }
0x2b2: {  	s11 =	simm.s32 @!p0 $0x4;
	[sflag:s0] =	ssyncadd.s32 $0xFFFFCE00  }
0x2b3: {  	[spmem:s1] =	stream.indirect.scatter.add.f32 [tilespmem:s25], [sflag:$0x3], $0x10, s28, s30, $0xb8;
	[tilespmem:$0x1FD60] =	vst v63  }
0x2b4: {  	s12 =	sadd.s32 s10, s22;
	_ =	swait.ge @!p0 [sflag:s11], $0x3200  }
0x2b5: {  	s13 =	sshrl.u32 s12, $0x3;
	[sflag:s11] =	ssyncset.done @!p0 $0x0  }
0x2b6: {  	[sflag:s11] =	ssyncadd.s32 @!p0 $0xFFFFCE00;
	s11 =	sadd.s32 s5, s13  }
0x2b7: {  	[tilespmem:s3], [sflag:$0x2] =	stream.indirect.gather [hbm4b:s4+s30], $0x10, s30, s30, $0xb8;
	[tilespmem:$0x1FD60] =	vst v63  }
0x2b8: {  	s13 =	simm.s32 $0x0;
	s12 =	sadd.s32 $0x64, s11  }
0x2b9: {  	[tilespmem:s13], [sflag:$0x1] =	stream.linear.gather [hbm4b:s12+s13], $0x320, $0x38;
	[tilespmem:$0x1FD60] =	vst v63  }
0x2ba: {  	s11 =	sadd.s32 $0x30DA4, s11  }
0x2bb: {  	[tilespmem:s2], [sflag:$0x1] =	stream.linear.gather [hbm4b:s11+s13], $0x320, $0x38;
	[tilespmem:$0x1FD60] =	vst v63  }
0x2bc: {  	_ =	swait.ge [sflag:s29], $0x320  }
0x2bd: {  	[sflag:s29] =	ssyncset.done $0x0  }
0x2be: {  	[sflag:s29] =	ssyncadd.s32 $0xFFFFFCE0  }
0x2bf: {  	_ =	swait.ge [sflag:s29], $0x320  }
0x2c0: {  	[sflag:s29] =	ssyncset.done $0x0  }
0x2c1: {  	s12 =	simm.s32 $0x40;
	s11 =	simm.s32 $0x0;
	[sflag:s29] =	ssyncadd.s32 $0xFFFFFCE0  }
.LBB2_51:
0x2c2: {  	p0 =	sne.s32 s12, $0xC40;
	v5 =	vld [tilespmem:s11+$0x0];
	_ =	sdelay $0x2  }
.Ltmp24:
0x2c3: {  	(pc) =	sbr.rel @p0 .LBB2_51-.Ltmp24, $4  }
0x2c4: {  	_ = 	snop  }
0x2c5: {  	v5 =	vshll.u32 v5, $0x3  }
0x2c6: {  	v5 =	vor.u32 v3, v5  }
0x2c7: {  	[tilespmem:s11+$0x0] =	vst v5;
	s11 =	sshra.s32 s12, $0x2;
	s12 =	sadd.s32 $0x40, s12  }
0x2c8: {  	v5 =	vld [tilespmem:s11+$0x0];
	_ =	sdelay $0x4  }
0x2c9: {  	v5 =	vshll.u32 v5, $0x3  }
0x2ca: {  	v5 =	vor.u32 v3, v5  }
0x2cb: {  	[tilespmem:s11+$0x0] =	vst v5  }
0x2cc: {  	_ =	swait.ge [sflag:s0], $0x3200  }
0x2cd: {  	[sflag:s0] =	ssyncset.done $0x0  }
0x2ce: {  	[sflag:s0] =	ssyncadd.s32 $0xFFFFCE00  }
0x2cf: {  	[spmem:s1] =	stream.indirect.scatter.add.f32 [tilespmem:s3], [sflag:$0x4], $0x10, s31, s30, $0xb8;
	[tilespmem:$0x1FD60] =	vst v63  }
0x2d0: {  	s13 =	sadd.s32 s10, s23;
	_ =	swait.ge [sflag:s16], $0x3200  }
0x2d1: {  	s11 =	sshrl.u32 s13, $0x3;
	[sflag:s16] =	ssyncset.done $0x0  }
0x2d2: {  	s12 =	simm.s32 $0x0;
	s11 =	sadd.s32 s5, s11;
	[sflag:s16] =	ssyncadd.s32 $0xFFFFCE00  }
0x2d3: {  	[tilespmem:s25], [sflag:$0x2] =	stream.indirect.gather [hbm4b:s4+s30], $0x10, s12, s30, $0xb8;
	[tilespmem:$0x1FD60] =	vst v63  }
0x2d4: {  	s13 =	sadd.s32 $0x64, s11  }
0x2d5: {  	[tilespmem:s30], [sflag:$0x1] =	stream.linear.gather [hbm4b:s13+s12], $0x320, $0x38;
	[tilespmem:$0x1FD60] =	vst v63  }
0x2d6: {  	s11 =	sadd.s32 $0x30DA4, s11  }
0x2d7: {  	[tilespmem:s17], [sflag:$0x1] =	stream.linear.gather [hbm4b:s11+s12], $0x320, $0x38;
	[tilespmem:$0x1FD60] =	vst v63  }
0x2d8: {  	_ =	swait.ge [sflag:s29], $0x320  }
0x2d9: {  	[sflag:s29] =	ssyncset.done $0x0  }
0x2da: {  	[sflag:s29] =	ssyncadd.s32 $0xFFFFFCE0  }
0x2db: {  	_ =	swait.ge [sflag:s29], $0x320  }
0x2dc: {  	[sflag:s29] =	ssyncset.done $0x0  }
0x2dd: {  	s11 =	simm.s32 $0x0;
	s12 =	simm.s32 $0x40;
	[sflag:s29] =	ssyncadd.s32 $0xFFFFFCE0  }
.LBB2_53:
0x2de: {  	p0 =	sne.s32 s12, $0xC40;
	v5 =	vld [tilespmem:s11+$0x320];
	_ =	sdelay $0x2  }
.Ltmp25:
0x2df: {  	(pc) =	sbr.rel @p0 .LBB2_53-.Ltmp25, $4  }
0x2e0: {  	_ = 	snop  }
0x2e1: {  	v5 =	vshll.u32 v5, $0x3  }
0x2e2: {  	v5 =	vor.u32 v3, v5  }
0x2e3: {  	[tilespmem:s11+$0x320] =	vst v5;
	s11 =	sshra.s32 s12, $0x2;
	s12 =	sadd.s32 $0x40, s12  }
0x2e4: {  	v5 =	vld [tilespmem:s11+$0x320];
	_ =	sdelay $0x4  }
0x2e5: {  	v5 =	vshll.u32 v5, $0x3  }
0x2e6: {  	v5 =	vor.u32 v3, v5  }
0x2e7: {  	[tilespmem:s11+$0x320] =	vst v5  }
0x2e8: {  	_ =	swait.ge [sflag:s0], $0x3200  }
0x2e9: {  	[sflag:s0] =	ssyncset.done $0x0  }
0x2ea: {  	[sflag:s0] =	ssyncadd.s32 $0xFFFFCE00  }
0x2eb: {  	[spmem:s1] =	stream.indirect.scatter.add.f32 [tilespmem:s25], [sflag:$0x3], $0x10, s2, s30, $0xb8;
	[tilespmem:$0x1FD60] =	vst v63  }
0x2ec: {  	s10 =	sadd.s32 s10, s24;
	_ =	swait.ge [sflag:s18], $0x3200  }
0x2ed: {  	s10 =	sshrl.u32 s10, $0x3;
	[sflag:s18] =	ssyncset.done $0x0  }
0x2ee: {  	s10 =	sadd.s32 s5, s10;
	[sflag:s18] =	ssyncadd.s32 $0xFFFFCE00  }
0x2ef: {  	[tilespmem:s3], [sflag:$0x2] =	stream.indirect.gather [hbm4b:s4+s30], $0x10, s30, s30, $0xb8;
	[tilespmem:$0x1FD60] =	vst v63  }
0x2f0: {  	s12 =	simm.s32 $0x0;
	s13 =	sadd.s32 $0x64, s10  }
0x2f1: {  	[tilespmem:s12], [sflag:$0x1] =	stream.linear.gather [hbm4b:s13+s12], $0x320, $0x38;
	[tilespmem:$0x1FD60] =	vst v63  }
0x2f2: {  	s10 =	sadd.s32 $0x30DA4, s10  }
0x2f3: {  	[tilespmem:s28], [sflag:$0x1] =	stream.linear.gather [hbm4b:s10+s12], $0x320, $0x38;
	[tilespmem:$0x1FD60] =	vst v63  }
0x2f4: {  	_ =	swait.ge [sflag:s29], $0x320  }
0x2f5: {  	[sflag:s29] =	ssyncset.done $0x0  }
0x2f6: {  	[sflag:s29] =	ssyncadd.s32 $0xFFFFFCE0  }
0x2f7: {  	_ =	swait.ge [sflag:s29], $0x320  }
0x2f8: {  	[sflag:s29] =	ssyncset.done $0x0  }
0x2f9: {  	s11 =	simm.s32 $0x40;
	s10 =	simm.s32 $0x0;
	[sflag:s29] =	ssyncadd.s32 $0xFFFFFCE0  }
.LBB2_55:
0x2fa: {  	p0 =	sne.s32 s11, $0xC40;
	v5 =	vld [tilespmem:s10+$0x0];
	_ =	sdelay $0x2  }
.Ltmp26:
0x2fb: {  	(pc) =	sbr.rel @p0 .LBB2_55-.Ltmp26, $4  }
0x2fc: {  	_ = 	snop  }
0x2fd: {  	v5 =	vshll.u32 v5, $0x3  }
0x2fe: {  	v5 =	vor.u32 v3, v5  }
0x2ff: {  	[tilespmem:s10+$0x0] =	vst v5;
	s10 =	sshra.s32 s11, $0x2;
	s11 =	sadd.s32 $0x40, s11  }
0x300: {  	v5 =	vld [tilespmem:s10+$0x0];
	_ =	sdelay $0x4  }
0x301: {  	s9 =	sadd.s32 $0x1, s9;
	v5 =	vshll.u32 v5, $0x3  }
0x302: {  	p0 =	sne.s32 s9, $0x1F;
	v5 =	vor.u32 v3, v5  }
.Ltmp27:
0x303: {  	[tilespmem:s10+$0x0] =	vst v5;
	(pc) =	sbr.rel @p0 .LBB2_48-.Ltmp27, $4  }
0x304: {  	_ =	swait.ge [sflag:s0], $0x3200  }
0x305: {  	[sflag:s0] =	ssyncset.done $0x0  }
0x306: {  	[sflag:s0] =	ssyncadd.s32 $0xFFFFCE00  }
0x307: {  	[spmem:s1] =	stream.indirect.scatter.add.f32 [tilespmem:s3], [sflag:$0x4], $0x10, s17, s30, $0xb8;
	[tilespmem:$0x1FD60] =	vst v63  }
0x308: {  	_ =	swait.ge [sflag:s16], $0x3200  }
0x309: {  	[sflag:s16] =	ssyncset.done $0x0  }
0x30a: {  	s9 =	simm.s32 $0x0;
	[sflag:s16] =	ssyncadd.s32 $0xFFFFCE00  }
0x30b: {  	[tilespmem:s25], [sflag:$0x2] =	stream.indirect.gather [hbm4b:s4+s30], $0x10, s9, s30, $0xb8;
	[tilespmem:$0x1FD60] =	vst v63  }
0x30c: {  	_ =	swait.ge [sflag:s0], $0x3200  }
0x30d: {  	[sflag:s0] =	ssyncset.done $0x0  }
0x30e: {  	[sflag:s0] =	ssyncadd.s32 $0xFFFFCE00  }
0x30f: {  	[spmem:s1] =	stream.indirect.scatter.add.f32 [tilespmem:s25], [sflag:$0x3], $0x10, s28, s30, $0xb8;
	[tilespmem:$0x1FD60] =	vst v63  }
0x310: {  	_ =	swait.ge [sflag:s18], $0x3200  }
0x311: {  	[sflag:s18] =	ssyncset.done $0x0  }
0x312: {  	[sflag:s18] =	ssyncadd.s32 $0xFFFFCE00  }
0x313: {  	_ =	swait.ge [sflag:s16], $0x3200  }
0x314: {  	[sflag:s16] =	ssyncset.done $0x0  }
0x315: {  	[sflag:s16] =	ssyncadd.s32 $0xFFFFCE00  }
0x316: {  	[bflag:$0x0] =	sbarrier.arrive $0xFFFF  }
0x317: {  	s10 =	simm.s32 $0x10;
	s13 =	rddreg [dreg:$0xc]  }
0x318: {  	[hbm:s13@s10], [sflag:s19] =	dma.strided [spmem:s8@s0], $0x30D4, s29, $0x2   }
0x319: {  	_ =	swait.ge [sflag:s26], $0x30D4  }
0x31a: {  	s21 =	sadd.s32 $0x1, s21;
	s19 =	rddreg [dreg:$0xd]  }
0x31b: {  	p0 =	sne.s32 s21, s19  }
.Ltmp28:
0x31c: {  	_ = 	snop;
	(pc) =	sbr.rel @p0 .LBB2_1-.Ltmp28, $3  }
0x31d: {  	[sflag:s26] =	ssyncset.done $0x0  }
0x31e: {  	[sflag:s26] =	ssyncadd.s32 $0xFFFFCF2C  }
0x31f: {  	[bflag:$0x0] =	sbarrier.arrive $0xFFFF;
	_ =	sdelay $0x1  }
0x320: {  	_ =	sfence.sel $0x180000  }
0x321: {  	[bflag:$0x0] =	sbarrier.arrive $0xFFFF  }
0x322: {  	_ =	strace $0x9000004A  }
0x323: {  	s0 =	stileid.u32;
	[bflag:$0x2] =	sbarrier.arrive $0xFFFF  }
0x324: {  	p0 =	sne.s32 s0, $0x0;
	s0 =	rddreg [dreg:$0x2]  }
0x325: {  	s0 =	sadd.s32 @!p0 $0x100000, s0  }
0x326: {  	[sflag:s0] =	ssyncadd.tile.s32 @!p0 $0x1;
	_ =	shalt  }
.Lfunc_end2:
_tile_overlayer_lowered:
.L_overlay_start_2:
0x327: {  	(tag) =	ssettag $0x2  }
0x328: {  	s0 =	rddreg [dreg:$0x0];
	s2 =	stileid.u32  }
0x329: {  	s1 =	rddreg [dreg:$0x1];
	p0 =	sne.s32 s2, $0x0  }
0x32a: {  	s3 =	rddreg [dreg:$0x2];
	[bflag:$0x3] =	sbarrier.arrive $0xFFFF;
	s2 =	simm.s32 @!p0 $0x1C05  }
0x32b: {  	[timem:s3], [sflag:s2] =	dma.local @!p0 [hbm:s0], s1  }
0x32c: {  	s0 =	simm.s32 @!p0 $0x5  }
0x32d: {  	_ =	swait.ge @!p0 [sflag:s0], s1  }
0x32e: {  	s1 =	ssub.s32 @!p0 $0x0, s1;
	[sflag:s0] =	ssyncset.done @!p0 $0x0  }
0x32f: {  	[sflag:s0] =	ssyncadd.s32 @!p0 s1  }
0x330: {  	[bflag:$0x3] =	sbarrier.arrive $0xFFFF  }
0x331: {  	_ =	shalt  }

// kernel: kernel.7.cloned.1.call-start
scs
__scs_entry_jumppad:
0x0: {  	(pc) =	sbr.rel $0x88, $3  }
0x1: {  	(tag) =	ssettag $0x0;
	lr =	simm.s32 $0x1  }
0x2: {  	[smem:$0x3F93] =	sst lr;
	_ =	strace $0xD0000000  }
0x3: {  	_ = 	snop  }
0x4: {  	_ = 	snop  }
0x5: {  	_ = 	snop  }
0x6: {  	_ = 	snop  }
0x7: {  	_ = 	snop  }
__scs_overlays_trampoline_lowered:
0x8: {  	[smem:$0x3FA2] =	sst s0  }
0x9: {  	[smem:$0x3FA3] =	sst s1  }
0xa: {  	[smem:$0x3FA4] =	sst s2  }
0xb: {  	[smem:$0x3FA5] =	sst s3  }
0xc: {  	[smem:$0x3FA6] =	sst s4  }
0xd: {  	[smem:$0x3FA7] =	sst s5  }
0xe: {  	[smem:$0x3FA8] =	sst s6  }
0xf: {  	[smem:$0x3FA9] =	sst s7  }
0x10: {  	[smem:$0x3FAA] =	sst s8  }
0x11: {  	[smem:$0x3FAB] =	sst s9;
	s0 =	simm.s32 @!p0 $0x0  }
0x12: {  	s1 =	sld [smem:$0x3F91];
	s0 =	simm.s32 @p0 $0x1  }
0x13: {  	[smem:$0x3FAC] =	sst s0;
	s0 =	simm.s32 @!p1 $0x0  }
0x14: {  	s2 =	sld [smem:$0x3F90];
	s0 =	simm.s32 @p1 $0x1  }
0x15: {  	[smem:$0x3FAD] =	sst s0;
	s0 =	simm.s32 @!p2 $0x0  }
0x16: {  	s3 =	sld [smem:$0x3FDB];
	s0 =	simm.s32 @p2 $0x1  }
0x17: {  	s4 =	simm.s32 $0x1BF5;
	[smem:$0x3FAF] =	sst s0  }
0x18: {  	s0 =	sld [smem:$0x3F92];
	_ =	swait.ge [sflag:s4], $0x0  }
0x19: {  	s7 =	sld [smem:$0x3F93]  }
0x1a: {  	s8 =	sadd.s32 $0xFFFFE003, lr  }
0x1b: {  	s9 =	sadd.s32 $0xFFFFFEF7, lr;
	s5 =	simm.s32 $0xFFFFFFFF;
	p2 =	slt.u32 s8, $0xFFFFF086  }
0x1c: {  	p1 =	slt.u32 s9, $0xF7A;
	s5 =	simm.s32 @!p2 $0x0  }
0x1d: {  	s5 =	simm.s32 @p1 $0x1;
	p0 =	seq.s32 s7, s2  }
0x1e: {  	s7 =	smul.u32 @!p0 $0xF7A, s2;
	p2 =	seq.s32 @!p0 s5, $0x0  }
0x1f: {  	s9 =	smul.u32 $0xF7A, s1;
	s8 =	simm.s32 @!p0 $0x1BF5;
	p2 =	por !p2, p0  }
0x20: {  	[sflag:s8] =	ssyncset.s32 @!p0 $0xFFFFF086;
	s6 =	sadd.s32 @!p0 s3, s7;
	s7 =	simm.s32 @!p0 $0x108  }
0x21: {  	s3 =	sadd.s32 s3, s9;
	s6 =	sadd.s32 @!p0 $0x88, s6;
	s7 =	simm.s32 @p2 $0x1082  }
0x22: {  	[simem:s7], [sflag:s8] =	dma.local @!p0 [hbm:s6], $0xF7A  }
0x23: {  	s9 =	sor.u32 $0xD0000000, s2;
	s6 =	simm.s32 $0x108;
	_ =	swait.ge @!p0 [sflag:s8], $0x0  }
0x24: {  	s3 =	sadd.s32 $0x88, s3;
	s6 =	simm.s32 @!p1 $0x1082;
	[sflag:s4] =	ssyncset.s32 $0xFFFFF086  }
0x25: {  	[simem:s6], [sflag:s4] =	dma.local [hbm:s3], $0xF7A  }
0x26: {  	[smem:$0x3F93] =	sst s1;
	(tag) =	ssettag s2;
	_ =	strace s9  }
0x27: {  	s1 =	sld [smem:$0x3FA3]  }
0x28: {  	s2 =	sld [smem:$0x3FA4]  }
0x29: {  	s4 =	sld [smem:$0x3FA6]  }
0x2a: {  	p0 =	seq.s32 s5, $0x0;
	s5 =	sld [smem:$0x3FA7]  }
0x2b: {  	s6 =	sld [smem:$0x3FA8]  }
0x2c: {  	s7 =	sld [smem:$0x3FA9]  }
0x2d: {  	s3 =	simm.s32 $0x108;
	s8 =	sld [smem:$0x3FAA]  }
0x2e: {  	s3 =	simm.s32 @!p0 $0x1082;
	s9 =	sld [smem:$0x3FAB]  }
0x2f: {  	lr =	sadd.s32 s0, s3;
	s0 =	sld [smem:$0x3FA2]  }
0x30: {  	s3 =	sld [smem:$0x3FA5]  }
0x31: {  	[smem:$0x3FAE] =	sst s10  }
0x32: {  	s10 =	sld [smem:$0x3FAC];
	_ =	sdelay $0x3  }
0x33: {  	p0 =	seq.s32 s10, $0x1;
	s10 =	sld [smem:$0x3FAE];
	_ =	sdelay $0x3  }
0x34: {  	[smem:$0x3FAE] =	sst s10  }
0x35: {  	s10 =	sld [smem:$0x3FAD];
	_ =	sdelay $0x3  }
0x36: {  	p1 =	seq.s32 s10, $0x1;
	s10 =	sld [smem:$0x3FAE];
	_ =	sdelay $0x3  }
0x37: {  	[smem:$0x3FAE] =	sst s10  }
0x38: {  	s10 =	sld [smem:$0x3FAF]  }
0x39: {  	_ = 	snop;
	(pc) =	sbr.ind lr, $3  }
0x3a: {  	_ = 	snop  }
0x3b: {  	_ = 	snop  }
0x3c: {  	p2 =	seq.s32 s10, $0x1;
	s10 =	sld [smem:$0x3FAE]  }
0x3d: {  	_ =	shalt  }
0x3e: {  	_ =	shalt  }
0x3f: {  	_ =	shalt  }
0x40: {  	_ =	shalt  }
0x41: {  	_ =	shalt  }
0x42: {  	_ =	shalt  }
0x43: {  	_ =	shalt  }
0x44: {  	_ =	shalt  }
0x45: {  	_ =	shalt  }
0x46: {  	_ =	shalt  }
0x47: {  	_ =	shalt  }
0x48: {  	_ =	shalt  }
0x49: {  	_ =	shalt  }
0x4a: {  	_ =	shalt  }
0x4b: {  	_ =	shalt  }
0x4c: {  	_ =	shalt  }
0x4d: {  	_ =	shalt  }
0x4e: {  	_ =	shalt  }
0x4f: {  	_ =	shalt  }
0x50: {  	_ =	shalt  }
0x51: {  	_ =	shalt  }
0x52: {  	_ =	shalt  }
0x53: {  	_ =	shalt  }
0x54: {  	_ =	shalt  }
0x55: {  	_ =	shalt  }
0x56: {  	_ =	shalt  }
0x57: {  	_ =	shalt  }
0x58: {  	_ =	shalt  }
0x59: {  	_ =	shalt  }
0x5a: {  	_ =	shalt  }
0x5b: {  	_ =	shalt  }
0x5c: {  	_ =	shalt  }
0x5d: {  	_ =	shalt  }
0x5e: {  	_ =	shalt  }
0x5f: {  	_ =	shalt  }
0x60: {  	_ =	shalt  }
0x61: {  	_ =	shalt  }
0x62: {  	_ =	shalt  }
0x63: {  	_ =	shalt  }
0x64: {  	_ =	shalt  }
0x65: {  	_ =	shalt  }
0x66: {  	_ =	shalt  }
0x67: {  	_ =	shalt  }
0x68: {  	_ =	shalt  }
0x69: {  	_ =	shalt  }
0x6a: {  	_ =	shalt  }
0x6b: {  	_ =	shalt  }
0x6c: {  	_ =	shalt  }
0x6d: {  	_ =	shalt  }
0x6e: {  	_ =	shalt  }
0x6f: {  	_ =	shalt  }
0x70: {  	_ =	shalt  }
0x71: {  	_ =	shalt  }
0x72: {  	_ =	shalt  }
0x73: {  	_ =	shalt  }
0x74: {  	_ =	shalt  }
0x75: {  	_ =	shalt  }
0x76: {  	_ =	shalt  }
0x77: {  	_ =	shalt  }
0x78: {  	_ =	shalt  }
0x79: {  	_ =	shalt  }
0x7a: {  	_ =	shalt  }
0x7b: {  	_ =	shalt  }
0x7c: {  	_ =	shalt  }
0x7d: {  	_ =	shalt  }
0x7e: {  	_ =	shalt  }
0x7f: {  	_ =	shalt  }
0x80: {  	_ =	shalt  }
0x81: {  	_ =	shalt  }
0x82: {  	_ =	shalt  }
0x83: {  	_ =	shalt  }
0x84: {  	_ =	shalt  }
0x85: {  	_ =	shalt  }
0x86: {  	_ =	shalt  }
0x87: {  	_ =	shalt  }
.Lfunc_end0:
.L_simem_size_0:
called_computation_lowered:
.L_overlay_start_0:
0x88: {  	s2 =	sld [smem:$0x3FD9]  }
0x89: {  	s3 =	sld [smem:$0x3FFE];
	_ =	sdelay $0x1  }
0x8a: {  	s1 =	srdreg.scid  }
0x8b: {  	s0 =	sand.u32 $0x1, s1  }
0x8c: {  	s16 =	sshll.u32 s0, $0xA;
	s2 =	sadd.s32 s3, s2  }
0x8d: {  	s2 =	sadd.s32 s2, s16  }
0x8e: {  	[smem:$0x3FBA] =	sst s2  }
0x8f: {  	_ = 	snop  }
0x90: {  	(tm) =	ssettm $0x1  }
0x91: {  	s17 =	sld [smem:$0x3FFB];
	_ =	sdelay $0x3  }
0x92: {  	_ =	strace s17  }
0x93: {  	s2 =	sld [smem:$0x3FFC];
	_ =	sdelay $0x3  }
0x94: {  	_ =	strace s2  }
0x95: {  	s2 =	sld [smem:$0x3FFD];
	_ =	sdelay $0x3  }
0x96: {  	_ =	strace s2  }
0x97: {  	_ =	strace $0x8FFFFFFF  }
0x98: {  	s18 =	sld [smem:$0x3FDB];
	_ =	sdelay $0x1  }
0x99: {  	s19 =	simm.s32 $_scs_section_size  }
0x9a: {  	s4 =	simm.s32 $_size__tile_overlayer_lowered;
	s5 =	simm.s32 $_tile_overlayer_lowered  }
0x9b: {  	s22 =	simm.s32 $0x1BFF;
	s21 =	sshll.u32 s5, $0x1;
	s2 =	sadd.s32 s19, s18  }
0x9c: {  	s6 =	simm.s32 $0x0;
	s20 =	sshll.u32 s4, $0x1;
	s4 =	sadd.s32 s21, s2  }
0x9d: {  	[timem:s6], [sflag:s22] =	dma.local [hbm:s4], s20  }
0x9e: {  	_ =	swait.ge [sflag:s22], s20  }
0x9f: {  	s3 =	ssub.s32 $0x0, s20;
	[sflag:s22] =	ssyncset.done $0x0  }
0xa0: {  	[sflag:s22] =	ssyncadd.s32 s3;
	_ =	sdelay $0x1  }
0xa1: {  	s23 =	simm.s32 $0x1B8B  }
0xa2: {  	_ =	swait.ge [sflag:s23], $0x1  }
0xa3: {  	[sflag:s23] =	ssyncset.done $0x0  }
0xa4: {  	s25 =	simm.s32 $0x1B8E;
	s24 =	sld [smem:$0x3FFE];
	[sflag:s23] =	ssyncadd.s32 $0xFFFFFFFF  }
0xa5: {  	s26 =	simm.s32 $execute0_lowered;
	[smem:$0x3FD2] =	sst s25  }
0xa6: {  	s4 =	sshll.u32 s26, $0x1;
	_ =	strace $0x80000046;
	[dreg:$0x1] =	wrdreg $0xFFFFFFFF  }
0xa7: {  	s28 =	simm.s32 $_size_execute0_lowered;
	s2 =	sadd.s32 s2, s4;
	[dreg:$0x0] =	wrdreg $0x0  }
0xa8: {  	s4 =	sshll.u32 s28, $0x1;
	[dreg:$0x2] =	wrdreg s2  }
0xa9: {  	[dreg:$0x3] =	wrdreg s4  }
0xaa: {  	[dreg:$0x4] =	wrdreg $0xC0  }
0xab: {  	_ =	task [dreg:s6], $0x5FFFF  }
0xac: {  	[dreg:$0x1] =	wrdreg $0xFFFFFFFF  }
0xad: {  	[dreg:$0x0] =	wrdreg $0x60  }
0xae: {  	[dreg:$0x2] =	wrdreg s24  }
0xaf: {  	[dreg:$0x3] =	wrdreg $0x76C00  }
0xb0: {  	[dreg:$0x4] =	wrdreg $0x9  }
0xb1: {  	_ =	task.clear_ibuf [dreg:s6], $0x5FFFF;
	_ =	strace $0x90000046  }
0xb2: {  	s29 =	simm.s32 $0x9;
	_ =	strace $0x80000048  }
0xb3: {  	_ =	swait.ge [sflag:s29], $0x1  }
0xb4: {  	[sflag:s29] =	ssyncadd.s32 $0xFFFFFFFF  }
0xb5: {  	_ =	strace $0x90000048  }
0xb6: {  	_ =	sfence  }
0xb7: {  	s30 =	sld [smem:$0x0];
	_ =	sdelay $0x2  }
0xb8: {  	s31 =	sshll.u32 s1, $0xD;
	s1 =	sshrl.u32 s1, $0x2  }
0xb9: {  	s3 =	sand.u32 $0x4000, s31;
	s1 =	sadd.s32 s1, s30  }
0xba: {  	s0 =	sor.u32 s3, s0;
	s1 =	sshll.u32 s1, $0x11  }
0xbb: {  	s0 =	sor.u32 s1, s0  }
0xbc: {  	s0 =	sadd.s32 $0x8F2B, s0  }
0xbd: {  	[sflag:s0] =	ssyncadd.remote.s32 $0x1  }
0xbe: {  	_ =	sfence.sel $0xFFFF  }
0xbf: {  	[dreg:$0x0] =	wrdreg $0xFFFFFFFF;
	(pc) =	sbr.abs _section_cstart, $3  }
0xc0: {  	[dreg:$0x1] =	wrdreg $0xFFFFFFFF  }
0xc1: {  	_ =	task.clear_ibuf [dreg:s6], $0x2FFFF;
	_ =	strace $0x9FFFFFFF  }
0xc2: {  	(tm) =	ssettm $0x7FFFFFFF  }
0xc3: {  	_ =	shalt  }
tec
execute0_lowered:
.L_overlay_start_1:
0x0: {  	(tag) =	ssettag $0x1  }
0x1: {  	s0 =	rddreg [dreg:$0x0]  }
0x2: {  	s1 =	srdreg.scid;
	s11 =	stileid.u32  }
0x3: {  	s2 =	rddreg [dreg:$0x1];
	s3 =	simm.s32 $0x0;
	s28 =	simm.s32 $0x5  }
0x4: {  	s29 =	simm.s32 $0x640;
	s30 =	simm.s32 $0x1;
	s6 =	smul.u32 $0x186A0, s11  }
0x5: {  	s31 =	simm.s32 $0x320;
	s1 =	sand.u32 $0x1, s1;
	s8 =	smul.u32 $0x61A80, s11  }
0x6: {  	[smem:$0x7FF] =	sst s3;
	s4 =	sadd.s32 $0x370A00, s0;
	s11 =	smul.u32 $0x320, s11  }
0x7: {  	s5 =	smul.u32 $0x186A00, s1;
	_ =	strace $0x80000047;
	s23 =	ssub.s32 $0x2, s1  }
0x8: {  	s9 =	smul.u32 $0xC4E00, s1;
	p0 =	sne.s32 s1, $0x0;
	s1 =	simm.s32 $0x960  }
0x9: {  	s10 =	sshrl.u32 s23, $0x1;
	s8 =	sshrl.u32 s8, $0x2;
	s7 =	sadd.s32 s6, s5  }
0xa: {  	s5 =	sadd.s32 $0x1A00, s0;
	s6 =	sadd.s32 s6, s2;
	s8 =	sadd.s32 s8, s2  }
0xb: {  	s9 =	sadd.s32 s11, s9;
	s7 =	sshrl.u32 s7, $0x3;
	s24 =	sadd.s32 $0x3200, s8  }
0xc: {  	s25 =	sadd.s32 $0x6400, s8;
	s26 =	sadd.s32 $0x9600, s8;
	[dreg:$0x7] =	wrdreg s24  }
0xd: {  	s11 =	sadd.s32 $0xC800, s8;
	s12 =	sshrl.u32 s9, $0x3;
	[dreg:$0x8] =	wrdreg s25  }
0xe: {  	s13 =	sadd.s32 $0xFA00, s8;
	s14 =	sadd.s32 $0x12C00, s8;
	[dreg:$0x9] =	wrdreg s26  }
0xf: {  	s8 =	sadd.s32 $0x15E00, s8;
	s16 =	sadd.s32 $0x193200, s9;
	[dreg:$0xa] =	wrdreg s11  }
0x10: {  	s19 =	sadd.s32 $0x190000, s9;
	s0 =	sadd.s32 s7, s0;
	[dreg:$0xb] =	wrdreg s13  }
0x11: {  	s7 =	ssub.s32 s23, s10;
	[dreg:$0xc] =	wrdreg s14;
	s13 =	sadd.s32 s5, s12  }
0x12: {  	[dreg:$0xd] =	wrdreg s8;
	s8 =	sshrl.u32 s16, $0x3;
	s15 =	sadd.s32 $0x30D40, s13  }
0x13: {  	s24 =	sadd.s32 $0x18CE00, s9;
	s10 =	sadd.s32 $0x17D40, s13;
	[dreg:$0xe] =	wrdreg s15  }
0x14: {  	s25 =	sadd.s32 $0x189C00, s9;
	s17 =	sadd.s32 $0x48A80, s13;
	[dreg:$0xf] =	wrdreg s10  }
0x15: {  	s11 =	simm.s32 $0x4;
	s18 =	sadd.s32 $0x18380, s13;
	[dreg:$0x10] =	wrdreg s17  }
0x16: {  	s12 =	simm.s32 $0x0;
	s8 =	sadd.s32 s8, s5;
	[dreg:$0x11] =	wrdreg s18  }
0x17: {  	s20 =	sadd.s32 $0x12C0, s13;
	s21 =	sadd.s32 $0x490C0, s13;
	[dreg:$0x3] =	wrdreg s8  }
0x18: {  	s23 =	sadd.s32 $0xC80, s13;
	s26 =	sshrl.u32 s25, $0x3;
	[dreg:$0x12] =	wrdreg s21  }
0x19: {  	s25 =	sadd.s32 $0x640, s13;
	s10 =	sshrl.u32 s19, $0x3;
	[dreg:$0x4] =	wrdreg s20  }
0x1a: {  	s20 =	sadd.s32 $0x1EA000, s0;
	[dreg:$0x6] =	wrdreg s23;
	s21 =	smax.u32 s7, $0x1  }
0x1b: {  	s0 =	sshrl.u32 s24, $0x3;
	s24 =	sadd.s32 s26, s5;
	s26 =	simm.s32 $0x12C0  }
0x1c: {  	s7 =	simm.s32 $0x44C0;
	s8 =	simm.s32 $0xC80;
	s22 =	sadd.s32 s10, s5  }
0x1d: {  	s23 =	sadd.s32 s0, s5;
	s0 =	simm.s32 $0x2;
	s10 =	simm.s32 $0xFA0  }
0x1e: {  	v0 =	vimm.f32 $0.0e+00;
	[dreg:$0x5] =	wrdreg s22;
	s22 =	sadd.s32 $0xC800, s9;
	s9 =	simm.s32 $0x3  }
.LBB2_1:
0x1f: {  	s14 =	simm.s32 $0x40;
	s15 =	simm.s32 $0x0  }
.LBB2_2:
0x20: {  	p1 =	sne.s32 s14, $0xC7C0;
	[tilespmem:s15+$0x12C0] =	vst v0;
	s15 =	smov.u32 s14;
	s14 =	sadd.s32 $0x40, s14  }
.Ltmp0:
0x21: {  	(pc) =	sbr.rel @p1 .LBB2_2-.Ltmp0, $2  }
0x22: {  	_ =	sdelay $0x2  }
0x23: {  	s15 =	sshra.s32 s15, $0x2  }
0x24: {  	[tilespmem:s15+$0x12C0] =	vst v0  }
0x25: {  	[spmem:s6] =	stream.linear.scatter [tilespmem:s26], [sflag:$0x5], $0x3200, $0x38;
	[tilespmem:$0x1FD60] =	vst v63  }
0x26: {  	_ =	swait.ge [sflag:s28], $0x3200  }
0x27: {  	[sflag:s28] =	ssyncset.done $0x0  }
0x28: {  	s14 =	rddreg [dreg:$0x7];
	[sflag:s28] =	ssyncadd.s32 $0xFFFFCE00  }
0x29: {  	[spmem:s14] =	stream.linear.scatter [tilespmem:s26], [sflag:$0x5], $0x3200, $0x38;
	[tilespmem:$0x1FD60] =	vst v63  }
0x2a: {  	_ =	swait.ge [sflag:s28], $0x3200  }
0x2b: {  	[sflag:s28] =	ssyncset.done $0x0  }
0x2c: {  	s19 =	rddreg [dreg:$0x8];
	[sflag:s28] =	ssyncadd.s32 $0xFFFFCE00  }
0x2d: {  	[spmem:s19] =	stream.linear.scatter [tilespmem:s26], [sflag:$0x5], $0x3200, $0x38;
	[tilespmem:$0x1FD60] =	vst v63  }
0x2e: {  	_ =	swait.ge [sflag:s28], $0x3200  }
0x2f: {  	[sflag:s28] =	ssyncset.done $0x0  }
0x30: {  	s15 =	rddreg [dreg:$0x9];
	[sflag:s28] =	ssyncadd.s32 $0xFFFFCE00  }
0x31: {  	[spmem:s15] =	stream.linear.scatter [tilespmem:s26], [sflag:$0x5], $0x3200, $0x38;
	[tilespmem:$0x1FD60] =	vst v63  }
0x32: {  	_ =	swait.ge [sflag:s28], $0x3200  }
0x33: {  	[sflag:s28] =	ssyncset.done $0x0  }
0x34: {  	s16 =	rddreg [dreg:$0xa];
	[sflag:s28] =	ssyncadd.s32 $0xFFFFCE00  }
0x35: {  	[spmem:s16] =	stream.linear.scatter [tilespmem:s26], [sflag:$0x5], $0x3200, $0x38;
	[tilespmem:$0x1FD60] =	vst v63  }
0x36: {  	_ =	swait.ge [sflag:s28], $0x3200  }
0x37: {  	[sflag:s28] =	ssyncset.done $0x0  }
0x38: {  	s17 =	rddreg [dreg:$0xb];
	[sflag:s28] =	ssyncadd.s32 $0xFFFFCE00  }
0x39: {  	[spmem:s17] =	stream.linear.scatter [tilespmem:s26], [sflag:$0x5], $0x3200, $0x38;
	[tilespmem:$0x1FD60] =	vst v63  }
0x3a: {  	_ =	swait.ge [sflag:s28], $0x3200  }
0x3b: {  	[sflag:s28] =	ssyncset.done $0x0  }
0x3c: {  	s18 =	rddreg [dreg:$0xc];
	[sflag:s28] =	ssyncadd.s32 $0xFFFFCE00  }
0x3d: {  	[spmem:s18] =	stream.linear.scatter [tilespmem:s26], [sflag:$0x5], $0x3200, $0x38;
	[tilespmem:$0x1FD60] =	vst v63  }
0x3e: {  	_ =	swait.ge [sflag:s28], $0x3200  }
0x3f: {  	[sflag:s28] =	ssyncset.done $0x0  }
0x40: {  	s19 =	rddreg [dreg:$0xd];
	[sflag:s28] =	ssyncadd.s32 $0xFFFFCE00  }
0x41: {  	[spmem:s19] =	stream.linear.scatter [tilespmem:s26], [sflag:$0x5], $0x28A0, $0x38;
	[tilespmem:$0x1FD60] =	vst v63  }
0x42: {  	_ =	swait.ge [sflag:s28], $0x28A0  }
0x43: {  	[sflag:s28] =	ssyncset.done $0x0  }
0x44: {  	[sflag:s28] =	ssyncadd.s32 $0xFFFFD760  }
0x45: {  	s15 =	simm.s32 $0x0;
	[bflag:$0x0] =	sbarrier.arrive $0xFFFF  }
0x46: {  	[tilespmem:s15], [sflag:$0x1] =	stream.linear.gather [hbm4b:s13+s15], $0x320, $0x38;
	[tilespmem:$0x1FD60] =	vst v63  }
0x47: {  	s16 =	rddreg [dreg:$0xe]  }
0x48: {  	[tilespmem:s29], [sflag:$0x1] =	stream.linear.gather [hbm4b:s16+s15], $0x320, $0x38;
	[tilespmem:$0x1FD60] =	vst v63  }
0x49: {  	_ =	swait.ge [sflag:s30], $0x320  }
0x4a: {  	[sflag:s30] =	ssyncset.done $0x0  }
0x4b: {  	[sflag:s30] =	ssyncadd.s32 $0xFFFFFCE0  }
0x4c: {  	_ =	swait.ge [sflag:s30], $0x320  }
0x4d: {  	p1 =	por $0x1, $0x1;
	[sflag:s30] =	ssyncset.done $0x0  }
0x4e: {  	s14 =	simm.s32 @!p1 $0x3;
	[sflag:s30] =	ssyncadd.s32 $0xFFFFFCE0  }
0x4f: {  	_ =	swait.ge @!p1 [sflag:s14], $0x3200  }
0x50: {  	[sflag:s14] =	ssyncset.done @!p1 $0x0  }
0x51: {  	[sflag:s14] =	ssyncadd.s32 @!p1 $0xFFFFCE00  }
0x52: {  	[tilespmem:s26], [sflag:$0x2] =	stream.indirect.gather [hbm4b:s4+s31], $0x10, s3, s31, $0xb8;
	[tilespmem:$0x1FD60] =	vst v63  }
0x53: {  	s17 =	sadd.s32 $0x0, s25  }
0x54: {  	[tilespmem:s31], [sflag:$0x1] =	stream.linear.gather [hbm4b:s17+s3], $0x320, $0x38;
	[tilespmem:$0x1FD60] =	vst v63  }
0x55: {  	s18 =	sadd.s32 $0x0, s24  }
0x56: {  	[tilespmem:s1], [sflag:$0x1] =	stream.linear.gather [hbm4b:s18+s3], $0x320, $0x38;
	[tilespmem:$0x1FD60] =	vst v63  }
0x57: {  	_ =	swait.ge [sflag:s0], $0x3200  }
0x58: {  	[sflag:s0] =	ssyncset.done $0x0  }
0x59: {  	[sflag:s0] =	ssyncadd.s32 $0xFFFFCE00  }
0x5a: {  	[spmem:s2] =	stream.indirect.scatter.add.f32 [tilespmem:s26], [sflag:$0x3], $0x10, s29, s31, $0xb8;
	[tilespmem:$0x1FD60] =	vst v63  }
0x5b: {  	_ =	swait.ge [sflag:s30], $0x320  }
0x5c: {  	[sflag:s30] =	ssyncset.done $0x0  }
0x5d: {  	[sflag:s30] =	ssyncadd.s32 $0xFFFFFCE0  }
0x5e: {  	_ =	swait.ge [sflag:s30], $0x320  }
0x5f: {  	[sflag:s30] =	ssyncset.done $0x0  }
0x60: {  	s14 =	simm.s32 @!p1 $0x4;
	[sflag:s30] =	ssyncadd.s32 $0xFFFFFCE0  }
0x61: {  	_ =	swait.ge @!p1 [sflag:s14], $0x3200  }
0x62: {  	[sflag:s14] =	ssyncset.done @!p1 $0x0  }
0x63: {  	s19 =	rddreg [dreg:$0x6];
	[sflag:s14] =	ssyncadd.s32 @!p1 $0xFFFFCE00  }
0x64: {  	[tilespmem:s7], [sflag:$0x2] =	stream.indirect.gather [hbm4b:s4+s31], $0x10, s31, s31, $0xb8;
	[tilespmem:$0x1FD60] =	vst v63  }
0x65: {  	s16 =	sadd.s32 $0x0, s19  }
0x66: {  	[tilespmem:s3], [sflag:$0x1] =	stream.linear.gather [hbm4b:s16+s3], $0x320, $0x38;
	[tilespmem:$0x1FD60] =	vst v63  }
0x67: {  	s17 =	sadd.s32 $0x0, s23  }
0x68: {  	[tilespmem:s8], [sflag:$0x1] =	stream.linear.gather [hbm4b:s17+s3], $0x320, $0x38;
	[tilespmem:$0x1FD60] =	vst v63  }
0x69: {  	_ =	swait.ge [sflag:s0], $0x3200  }
0x6a: {  	[sflag:s0] =	ssyncset.done $0x0  }
0x6b: {  	[sflag:s0] =	ssyncadd.s32 $0xFFFFCE00  }
0x6c: {  	[spmem:s2] =	stream.indirect.scatter.add.f32 [tilespmem:s7], [sflag:$0x4], $0x10, s1, s31, $0xb8;
	[tilespmem:$0x1FD60] =	vst v63  }
0x6d: {  	_ =	swait.ge [sflag:s30], $0x320  }
0x6e: {  	[sflag:s30] =	ssyncset.done $0x0  }
0x6f: {  	[sflag:s30] =	ssyncadd.s32 $0xFFFFFCE0  }
0x70: {  	_ =	swait.ge [sflag:s30], $0x320  }
0x71: {  	[sflag:s30] =	ssyncset.done $0x0  }
0x72: {  	[sflag:s30] =	ssyncadd.s32 $0xFFFFFCE0  }
0x73: {  	_ =	swait.ge [sflag:s9], $0x3200  }
0x74: {  	[sflag:s9] =	ssyncset.done $0x0  }
0x75: {  	s18 =	rddreg [dreg:$0x4];
	[sflag:s9] =	ssyncadd.s32 $0xFFFFCE00  }
0x76: {  	[tilespmem:s26], [sflag:$0x2] =	stream.indirect.gather [hbm4b:s4+s31], $0x10, s3, s31, $0xb8;
	[tilespmem:$0x1FD60] =	vst v63  }
0x77: {  	s19 =	rddreg [dreg:$0x5];
	s14 =	sadd.s32 $0x0, s18  }
0x78: {  	[tilespmem:s31], [sflag:$0x1] =	stream.linear.gather [hbm4b:s14+s3], $0x320, $0x38;
	[tilespmem:$0x1FD60] =	vst v63  }
0x79: {  	s16 =	sadd.s32 $0x0, s19  }
0x7a: {  	[tilespmem:s10], [sflag:$0x1] =	stream.linear.gather [hbm4b:s16+s3], $0x320, $0x38;
	[tilespmem:$0x1FD60] =	vst v63  }
0x7b: {  	_ =	swait.ge [sflag:s0], $0x3200  }
0x7c: {  	[sflag:s0] =	ssyncset.done $0x0  }
0x7d: {  	[sflag:s0] =	ssyncadd.s32 $0xFFFFCE00  }
0x7e: {  	[spmem:s2] =	stream.indirect.scatter.add.f32 [tilespmem:s26], [sflag:$0x3], $0x10, s8, s31, $0xb8;
	[tilespmem:$0x1FD60] =	vst v63  }
0x7f: {  	_ =	swait.ge [sflag:s30], $0x320  }
0x80: {  	[sflag:s30] =	ssyncset.done $0x0  }
0x81: {  	[sflag:s30] =	ssyncadd.s32 $0xFFFFFCE0  }
0x82: {  	_ =	swait.ge [sflag:s30], $0x320  }
0x83: {  	[sflag:s30] =	ssyncset.done $0x0  }
0x84: {  	[sflag:s30] =	ssyncadd.s32 $0xFFFFFCE0  }
0x85: {  	_ =	swait.ge [sflag:s11], $0x3200  }
0x86: {  	[sflag:s11] =	ssyncset.done $0x0  }
0x87: {  	s17 =	sshrl.u32 s22, $0x3;
	[sflag:s11] =	ssyncadd.s32 $0xFFFFCE00  }
0x88: {  	[tilespmem:s7], [sflag:$0x2] =	stream.indirect.gather [hbm4b:s4+s31], $0x10, s31, s31, $0xb8;
	[tilespmem:$0x1FD60] =	vst v63  }
0x89: {  	s14 =	sadd.s32 s5, s17;
	s18 =	rddreg [dreg:$0x3]  }
0x8a: {  	[tilespmem:s3], [sflag:$0x1] =	stream.linear.gather [hbm4b:s14+s3], $0x320, $0x38;
	[tilespmem:$0x1FD60] =	vst v63  }
0x8b: {  	s19 =	sadd.s32 $0x0, s18  }
0x8c: {  	[tilespmem:s29], [sflag:$0x1] =	stream.linear.gather [hbm4b:s19+s3], $0x320, $0x38;
	[tilespmem:$0x1FD60] =	vst v63  }
0x8d: {  	_ =	swait.ge [sflag:s0], $0x3200  }
0x8e: {  	[sflag:s0] =	ssyncset.done $0x0  }
0x8f: {  	s15 =	sadd.s32 $0xC800, s22;
	s14 =	simm.s32 $0x1900;
	[sflag:s0] =	ssyncadd.s32 $0xFFFFCE00  }
.LBB2_4:
0x90: {  	[spmem:s2] =	stream.indirect.scatter.add.f32 [tilespmem:s7], [sflag:$0x4], $0x10, s10, s31, $0xb8;
	[tilespmem:$0x1FD60] =	vst v63  }
0x91: {  	_ =	swait.ge [sflag:s30], $0x320  }
0x92: {  	[sflag:s30] =	ssyncset.done $0x0  }
0x93: {  	[sflag:s30] =	ssyncadd.s32 $0xFFFFFCE0  }
0x94: {  	s16 =	smov.u32 s14;
	_ =	swait.ge [sflag:s30], $0x320  }
0x95: {  	p2 =	seq.s32 s16, $0x0;
	[sflag:s30] =	ssyncset.done $0x0  }
0x96: {  	s17 =	simm.s32 @!p2 $0x3;
	[sflag:s30] =	ssyncadd.s32 $0xFFFFFCE0  }
0x97: {  	_ =	swait.ge @!p2 [sflag:s17], $0x3200  }
0x98: {  	[sflag:s17] =	ssyncset.done @!p2 $0x0  }
0x99: {  	[sflag:s17] =	ssyncadd.s32 @!p2 $0xFFFFCE00  }
0x9a: {  	[tilespmem:s26], [sflag:$0x2] =	stream.indirect.gather [hbm4b:s4+s31], $0x10, s3, s31, $0xb8;
	[tilespmem:$0x1FD60] =	vst v63  }
0x9b: {  	s18 =	sadd.s32 s16, s25  }
0x9c: {  	[tilespmem:s31], [sflag:$0x1] =	stream.linear.gather [hbm4b:s18+s3], $0x320, $0x38;
	[tilespmem:$0x1FD60] =	vst v63  }
0x9d: {  	s19 =	sadd.s32 s16, s24  }
0x9e: {  	[tilespmem:s1], [sflag:$0x1] =	stream.linear.gather [hbm4b:s19+s3], $0x320, $0x38;
	[tilespmem:$0x1FD60] =	vst v63  }
0x9f: {  	_ =	swait.ge [sflag:s0], $0x3200  }
0xa0: {  	[sflag:s0] =	ssyncset.done $0x0  }
0xa1: {  	[sflag:s0] =	ssyncadd.s32 $0xFFFFCE00  }
0xa2: {  	[spmem:s2] =	stream.indirect.scatter.add.f32 [tilespmem:s26], [sflag:$0x3], $0x10, s29, s31, $0xb8;
	[tilespmem:$0x1FD60] =	vst v63  }
0xa3: {  	_ =	swait.ge [sflag:s30], $0x320  }
0xa4: {  	[sflag:s30] =	ssyncset.done $0x0  }
0xa5: {  	[sflag:s30] =	ssyncadd.s32 $0xFFFFFCE0  }
0xa6: {  	_ =	swait.ge [sflag:s30], $0x320  }
0xa7: {  	[sflag:s30] =	ssyncset.done $0x0  }
0xa8: {  	s17 =	simm.s32 @!p2 $0x4;
	[sflag:s30] =	ssyncadd.s32 $0xFFFFFCE0  }
0xa9: {  	_ =	swait.ge @!p2 [sflag:s17], $0x3200  }
0xaa: {  	[sflag:s17] =	ssyncset.done @!p2 $0x0  }
0xab: {  	s18 =	rddreg [dreg:$0x6];
	[sflag:s17] =	ssyncadd.s32 @!p2 $0xFFFFCE00  }
0xac: {  	[tilespmem:s7], [sflag:$0x2] =	stream.indirect.gather [hbm4b:s4+s31], $0x10, s31, s31, $0xb8;
	[tilespmem:$0x1FD60] =	vst v63  }
0xad: {  	s18 =	sadd.s32 s16, s18  }
0xae: {  	[tilespmem:s3], [sflag:$0x1] =	stream.linear.gather [hbm4b:s18+s3], $0x320, $0x38;
	[tilespmem:$0x1FD60] =	vst v63  }
0xaf: {  	s19 =	sadd.s32 s16, s23  }
0xb0: {  	[tilespmem:s8], [sflag:$0x1] =	stream.linear.gather [hbm4b:s19+s3], $0x320, $0x38;
	[tilespmem:$0x1FD60] =	vst v63  }
0xb1: {  	_ =	swait.ge [sflag:s0], $0x3200  }
0xb2: {  	[sflag:s0] =	ssyncset.done $0x0  }
0xb3: {  	[sflag:s0] =	ssyncadd.s32 $0xFFFFCE00  }
0xb4: {  	[spmem:s2] =	stream.indirect.scatter.add.f32 [tilespmem:s7], [sflag:$0x4], $0x10, s1, s31, $0xb8;
	[tilespmem:$0x1FD60] =	vst v63  }
0xb5: {  	_ =	swait.ge [sflag:s30], $0x320  }
0xb6: {  	[sflag:s30] =	ssyncset.done $0x0  }
0xb7: {  	[sflag:s30] =	ssyncadd.s32 $0xFFFFFCE0  }
0xb8: {  	_ =	swait.ge [sflag:s30], $0x320  }
0xb9: {  	[sflag:s30] =	ssyncset.done $0x0  }
0xba: {  	[sflag:s30] =	ssyncadd.s32 $0xFFFFFCE0  }
0xbb: {  	_ =	swait.ge [sflag:s9], $0x3200  }
0xbc: {  	[sflag:s9] =	ssyncset.done $0x0  }
0xbd: {  	s18 =	rddreg [dreg:$0x4];
	[sflag:s9] =	ssyncadd.s32 $0xFFFFCE00  }
0xbe: {  	[tilespmem:s26], [sflag:$0x2] =	stream.indirect.gather [hbm4b:s4+s31], $0x10, s3, s31, $0xb8;
	[tilespmem:$0x1FD60] =	vst v63  }
0xbf: {  	s19 =	rddreg [dreg:$0x5];
	s17 =	sadd.s32 s16, s18  }
0xc0: {  	[tilespmem:s31], [sflag:$0x1] =	stream.linear.gather [hbm4b:s17+s3], $0x320, $0x38;
	[tilespmem:$0x1FD60] =	vst v63  }
0xc1: {  	s19 =	sadd.s32 s16, s19  }
0xc2: {  	[tilespmem:s10], [sflag:$0x1] =	stream.linear.gather [hbm4b:s19+s3], $0x320, $0x38;
	[tilespmem:$0x1FD60] =	vst v63  }
0xc3: {  	_ =	swait.ge [sflag:s0], $0x3200  }
0xc4: {  	[sflag:s0] =	ssyncset.done $0x0  }
0xc5: {  	[sflag:s0] =	ssyncadd.s32 $0xFFFFCE00  }
0xc6: {  	[spmem:s2] =	stream.indirect.scatter.add.f32 [tilespmem:s26], [sflag:$0x3], $0x10, s8, s31, $0xb8;
	[tilespmem:$0x1FD60] =	vst v63  }
0xc7: {  	_ =	swait.ge [sflag:s30], $0x320  }
0xc8: {  	[sflag:s30] =	ssyncset.done $0x0  }
0xc9: {  	[sflag:s30] =	ssyncadd.s32 $0xFFFFFCE0  }
0xca: {  	_ =	swait.ge [sflag:s30], $0x320  }
0xcb: {  	[sflag:s30] =	ssyncset.done $0x0  }
0xcc: {  	[sflag:s30] =	ssyncadd.s32 $0xFFFFFCE0  }
0xcd: {  	_ =	swait.ge [sflag:s11], $0x3200  }
0xce: {  	[sflag:s11] =	ssyncset.done $0x0  }
0xcf: {  	s14 =	sadd.s32 $0x1900, s14;
	s18 =	sshrl.u32 s15, $0x3;
	[sflag:s11] =	ssyncadd.s32 $0xFFFFCE00  }
0xd0: {  	[tilespmem:s7], [sflag:$0x2] =	stream.indirect.gather [hbm4b:s4+s31], $0x10, s31, s31, $0xb8;
	[tilespmem:$0x1FD60] =	vst v63  }
0xd1: {  	p1 =	sne.s32 s14, $0x17700;
	s17 =	sadd.s32 s5, s18;
	s19 =	rddreg [dreg:$0x3]  }
0xd2: {  	[tilespmem:s3], [sflag:$0x1] =	stream.linear.gather [hbm4b:s17+s3], $0x320, $0x38;
	[tilespmem:$0x1FD60] =	vst v63  }
.Ltmp1:
0xd3: {  	s16 =	sadd.s32 s16, s19;
	(pc) =	sbr.rel @p1 .LBB2_4-.Ltmp1, $4  }
0xd4: {  	[tilespmem:s29], [sflag:$0x1] =	stream.linear.gather [hbm4b:s16+s3], $0x320, $0x38;
	[tilespmem:$0x1FD60] =	vst v63  }
0xd5: {  	_ =	swait.ge [sflag:s0], $0x3200  }
0xd6: {  	[sflag:s0] =	ssyncset.done $0x0  }
0xd7: {  	s15 =	sadd.s32 $0xC800, s15;
	[sflag:s0] =	ssyncadd.s32 $0xFFFFCE00  }
0xd8: {  	[spmem:s2] =	stream.indirect.scatter.add.f32 [tilespmem:s7], [sflag:$0x4], $0x10, s10, s31, $0xb8;
	[tilespmem:$0x1FD60] =	vst v63  }
0xd9: {  	_ =	swait.ge [sflag:s30], $0x320  }
0xda: {  	[sflag:s30] =	ssyncset.done $0x0  }
0xdb: {  	[sflag:s30] =	ssyncadd.s32 $0xFFFFFCE0  }
0xdc: {  	_ =	swait.ge [sflag:s30], $0x320  }
0xdd: {  	[sflag:s30] =	ssyncset.done $0x0  }
0xde: {  	[sflag:s30] =	ssyncadd.s32 $0xFFFFFCE0  }
0xdf: {  	_ =	swait.ge [sflag:s9], $0x3200  }
0xe0: {  	[sflag:s9] =	ssyncset.done $0x0  }
0xe1: {  	[sflag:s9] =	ssyncadd.s32 $0xFFFFCE00  }
0xe2: {  	[tilespmem:s26], [sflag:$0x2] =	stream.indirect.gather [hbm4b:s4+s31], $0x10, s3, s31, $0xb8;
	[tilespmem:$0x1FD60] =	vst v63  }
0xe3: {  	s14 =	rddreg [dreg:$0xf]  }
0xe4: {  	[tilespmem:s31], [sflag:$0x1] =	stream.linear.gather [hbm4b:s14+s3], $0x320, $0x38;
	[tilespmem:$0x1FD60] =	vst v63  }
0xe5: {  	s17 =	rddreg [dreg:$0x10]  }
0xe6: {  	[tilespmem:s1], [sflag:$0x1] =	stream.linear.gather [hbm4b:s17+s3], $0x320, $0x38;
	[tilespmem:$0x1FD60] =	vst v63  }
0xe7: {  	_ =	swait.ge [sflag:s0], $0x3200  }
0xe8: {  	[sflag:s0] =	ssyncset.done $0x0  }
0xe9: {  	[sflag:s0] =	ssyncadd.s32 $0xFFFFCE00  }
0xea: {  	[spmem:s2] =	stream.indirect.scatter.add.f32 [tilespmem:s26], [sflag:$0x3], $0x10, s29, s31, $0xb8;
	[tilespmem:$0x1FD60] =	vst v63  }
0xeb: {  	_ =	swait.ge [sflag:s30], $0x320  }
0xec: {  	[sflag:s30] =	ssyncset.done $0x0  }
0xed: {  	[sflag:s30] =	ssyncadd.s32 $0xFFFFFCE0  }
0xee: {  	_ =	swait.ge [sflag:s30], $0x320  }
0xef: {  	[sflag:s30] =	ssyncset.done $0x0  }
0xf0: {  	[sflag:s30] =	ssyncadd.s32 $0xFFFFFCE0  }
0xf1: {  	_ =	swait.ge [sflag:s11], $0x3200  }
0xf2: {  	[sflag:s11] =	ssyncset.done $0x0  }
0xf3: {  	s14 =	simm.s32 @p0 $0x2;
	[sflag:s11] =	ssyncadd.s32 $0xFFFFCE00  }
0xf4: {  	[tilespmem:s7], [sflag:$0x2] =	stream.indirect.gather [hbm4b:s4+s31], $0x10, s31, s31, $0xb8;
	[tilespmem:$0x1FD60] =	vst v63  }
0xf5: {  	_ =	swait.ge @p0 [sflag:s14], $0x3200  }
0xf6: {  	s15 =	simm.s32 @p0 $0x960;
	[sflag:s14] =	ssyncset.done @p0 $0x0  }
0xf7: {  	s16 =	simm.s32 @p0 $0x44C0;
	[sflag:s14] =	ssyncadd.s32 @p0 $0xFFFFCE00;
	s14 =	simm.s32 @p0 $0x320  }
0xf8: {  	[spmem:s2] =	stream.indirect.scatter.add.f32 @p0 [tilespmem:s16], [sflag:$0x4], $0x10, s15, s14, $0xb8;
	[tilespmem:$0x1FD60] =	vst v63  }
0xf9: {  	s14 =	simm.s32 @!p0 $0x0;
	s15 =	rddreg [dreg:$0x11]  }
0xfa: {  	[tilespmem:s14], [sflag:$0x1] =	stream.linear.gather @!p0 [hbm4b:s15+s14], $0x320, $0x38;
	[tilespmem:$0x1FD60] =	vst v63  }
0xfb: {  	s16 =	rddreg [dreg:$0x12];
	s15 =	simm.s32 @!p0 $0xC80  }
0xfc: {  	[tilespmem:s15], [sflag:$0x1] =	stream.linear.gather @!p0 [hbm4b:s16+s14], $0x320, $0x38;
	[tilespmem:$0x1FD60] =	vst v63  }
0xfd: {  	s16 =	simm.s32 @!p0 $0x2  }
0xfe: {  	_ =	swait.ge @!p0 [sflag:s16], $0x3200  }
0xff: {  	s18 =	simm.s32 @!p0 $0x960;
	[sflag:s16] =	ssyncset.done @!p0 $0x0  }
0x100: {  	s19 =	simm.s32 @!p0 $0x44C0;
	s17 =	simm.s32 @!p0 $0x320;
	[sflag:s16] =	ssyncadd.s32 @!p0 $0xFFFFCE00  }
0x101: {  	[spmem:s2] =	stream.indirect.scatter.add.f32 @!p0 [tilespmem:s19], [sflag:$0x4], $0x10, s18, s17, $0xb8;
	[tilespmem:$0x1FD60] =	vst v63  }
0x102: {  	s18 =	simm.s32 @!p0 $0x1  }
0x103: {  	_ =	swait.ge @!p0 [sflag:s18], $0x320  }
0x104: {  	[sflag:s18] =	ssyncset.done @!p0 $0x0  }
0x105: {  	[sflag:s18] =	ssyncadd.s32 @!p0 $0xFFFFFCE0  }
0x106: {  	_ =	swait.ge @!p0 [sflag:s18], $0x320  }
0x107: {  	[sflag:s18] =	ssyncset.done @!p0 $0x0  }
0x108: {  	[sflag:s18] =	ssyncadd.s32 @!p0 $0xFFFFFCE0;
	s18 =	simm.s32 @!p0 $0x3  }
0x109: {  	_ =	swait.ge @!p0 [sflag:s18], $0x3200  }
0x10a: {  	[sflag:s18] =	ssyncset.done @!p0 $0x0  }
0x10b: {  	[sflag:s18] =	ssyncadd.s32 @!p0 $0xFFFFCE00;
	s18 =	simm.s32 @!p0 $0x12C0  }
0x10c: {  	[tilespmem:s18], [sflag:$0x2] =	stream.indirect.gather @!p0 [hbm4b:s4+s17], $0x10, s14, s17, $0xb8;
	[tilespmem:$0x1FD60] =	vst v63  }
0x10d: {  	_ =	swait.ge @!p0 [sflag:s16], $0x3200  }
0x10e: {  	[sflag:s16] =	ssyncset.done @!p0 $0x0  }
0x10f: {  	[sflag:s16] =	ssyncadd.s32 @!p0 $0xFFFFCE00  }
0x110: {  	[spmem:s2] =	stream.indirect.scatter.add.f32 @!p0 [tilespmem:s18], [sflag:$0x3], $0x10, s15, s17, $0xb8;
	[tilespmem:$0x1FD60] =	vst v63  }
0x111: {  	_ =	swait.ge [sflag:s9], $0x3200  }
0x112: {  	[sflag:s9] =	ssyncset.done $0x0  }
0x113: {  	[sflag:s9] =	ssyncadd.s32 $0xFFFFCE00  }
0x114: {  	s12 =	sadd.s32 $0x1, s12;
	_ =	swait.ge [sflag:s11], $0x3200  }
0x115: {  	p1 =	sne.s32 s12, s21;
	s18 =	stileid.u32;
	[sflag:s11] =	ssyncset.done $0x0  }
0x116: {  	s19 =	sshrl.u32 s6, $0x3;
	s14 =	sshll.u32 s18, $0x6;
	[sflag:s11] =	ssyncadd.s32 $0xFFFFCE00  }
.Ltmp2:
0x117: {  	s14 =	sor.u32 $0x1C05, s14;
	[bflag:$0x0] =	sbarrier.arrive $0xFFFF;
	(pc) =	sbr.rel @p1 .LBB2_1-.Ltmp2, $4  }
0x118: {  	[hbm:s20], [sflag:s14] =	dma.local [spmem:s19], $0x30D4  }
0x119: {  	_ =	swait.ge [sflag:s28], $0x30D4  }
0x11a: {  	[sflag:s28] =	ssyncset.done $0x0  }
0x11b: {  	[sflag:s28] =	ssyncadd.s32 $0xFFFFCF2C  }
0x11c: {  	_ =	sfence.sel $0x180000  }
0x11d: {  	[bflag:$0x0] =	sbarrier.arrive $0xFFFF  }
0x11e: {  	_ =	strace $0x90000047  }
0x11f: {  	s0 =	stileid.u32;
	[bflag:$0x2] =	sbarrier.arrive $0xFFFF  }
0x120: {  	p0 =	sne.s32 s0, $0x0;
	s0 =	rddreg [dreg:$0x2]  }
0x121: {  	s0 =	sadd.s32 @!p0 $0x100000, s0  }
0x122: {  	[sflag:s0] =	ssyncadd.tile.s32 @!p0 $0x1;
	_ =	shalt  }
.Lfunc_end2:
_tile_overlayer_lowered:
.L_overlay_start_2:
0x123: {  	(tag) =	ssettag $0x2  }
0x124: {  	s0 =	rddreg [dreg:$0x0];
	s2 =	stileid.u32  }
0x125: {  	s1 =	rddreg [dreg:$0x1];
	p0 =	sne.s32 s2, $0x0  }
0x126: {  	s3 =	rddreg [dreg:$0x2];
	[bflag:$0x3] =	sbarrier.arrive $0xFFFF;
	s2 =	simm.s32 @!p0 $0x1C05  }
0x127: {  	[timem:s3], [sflag:s2] =	dma.local @!p0 [hbm:s0], s1  }
0x128: {  	s0 =	simm.s32 @!p0 $0x5  }
0x129: {  	_ =	swait.ge @!p0 [sflag:s0], s1  }
0x12a: {  	s1 =	ssub.s32 @!p0 $0x0, s1;
	[sflag:s0] =	ssyncset.done @!p0 $0x0  }
0x12b: {  	[sflag:s0] =	ssyncadd.s32 @!p0 s1  }
0x12c: {  	[bflag:$0x3] =	sbarrier.arrive $0xFFFF  }
0x12d: {  	_ =	shalt  }

</sc_bundles>
